<compile_context>
chip_gen: v7x
topology: tpu7x:2x2x1
jax: 0.10.2.dev20260603
libtpu: 0.0.44.dev20260713+nightly
codegen_flags: <defaults>
</compile_context>

<pallas_src>
import functools

import jax
import jax.numpy as jnp
from jax import lax
from jax.experimental import pallas as pl
from jax.experimental.pallas import tpu as pltpu
from jax.experimental.pallas import tpu_sc as plsc

N_PAD = 10240
TILE_N = 640
E = 320000
GCH = 1000


def _mesh():
    return plsc.VectorSubcoreMesh(core_axis_name="c", subcore_axis_name="s")


def _node_slab(ref, s):
    return ref.at[pl.ds(s * TILE_N, TILE_N)]


def _agg_body(sg, ds_, h, o, s, si, di, rows0, rows1, bnc, acc, sem0, sem1,
              n_g):
    pltpu.sync_copy(sg, si)
    pltpu.sync_copy(ds_, di)
    pltpu.sync_copy(_node_slab(h, s), bnc)
    pltpu.sync_copy(bnc, _node_slab(acc, s))
    plsc.subcore_barrier()

    def gth(j, buf, sem):
        return pltpu.async_copy(h.at[si.at[pl.ds(j * GCH, GCH)]], buf, sem)

    def sct(j, buf):
        pltpu.sync_copy(buf, acc.at[di.at[pl.ds(j * GCH, GCH)]], add=True)

    bufs = (rows0, rows1)
    sems = (sem0, sem1)
    descs = [None] * n_g
    descs[0] = gth(0, rows0, sem0)
    for j in range(n_g):
        if j + 1 < n_g:
            descs[j + 1] = gth(j + 1, bufs[(j + 1) % 2], sems[(j + 1) % 2])
        descs[j].wait()
        sct(j, bufs[j % 2])

    plsc.subcore_barrier()
    pltpu.sync_copy(_node_slab(acc, s), bnc)
    pltpu.sync_copy(bnc, _node_slab(o, s))


def _mega_body(sg, dg, h, o, vo, t, s, si, di, rows0, rows1, bnc, repv, degv,
               ones_v, acc, accd, sem0, sem1, n_g):
    one16 = jnp.full((16,), 1.0, jnp.float32)
    pltpu.sync_copy(sg, si)
    pltpu.sync_copy(dg, di)

    @pl.loop(0, 4000 // 16)
    def _(i):
        ones_v[pl.ds(i * 16, 16)] = one16

    @pl.loop(0, TILE_N // 16)
    def _(i):
        degv[pl.ds(i * 16, 16)] = one16

    pltpu.sync_copy(degv, accd.at[pl.ds(s * TILE_N, TILE_N)])
    plsc.subcore_barrier()
    for j in range(n_g * GCH // 4000):
        pltpu.sync_copy(ones_v, accd.at[di.at[pl.ds(j * 4000, 4000)]],
                        add=True)
    plsc.subcore_barrier()

    pltpu.sync_copy(accd.at[pl.ds(s * TILE_N, TILE_N)], degv)

    @pl.loop(0, TILE_N // 16)
    def _(i):
        x = degv[pl.ds(i * 16, 16)]
        y = plsc.bitcast(
            jnp.int32(0x5F3759DF) - (plsc.bitcast(x, jnp.int32) >> 1),
            jnp.float32)
        for _ in range(3):
            y = y * (1.5 - 0.5 * x * y * y)
        degv[pl.ds(i * 16, 16)] = y

    pltpu.sync_copy(_node_slab(h, s), bnc)

    @pl.loop(0, TILE_N // 16)
    def _(i):
        dv = degv[pl.ds(i * 16, 16)]
        for kk in range(16):
            r = i * 16 + kk
            w = jnp.broadcast_to(dv[kk], (16,))
            repv[r] = w
            bnc[r] = bnc[r] * w

    pltpu.sync_copy(repv, _node_slab(vo, s))
    pltpu.sync_copy(bnc, _node_slab(t, s))
    pltpu.sync_copy(bnc, _node_slab(acc, s))
    plsc.subcore_barrier()

    def gth(j, buf, sem):
        return pltpu.async_copy(t.at[si.at[pl.ds(j * GCH, GCH)]], buf, sem)

    def sct(j, buf):
        pltpu.sync_copy(buf, acc.at[di.at[pl.ds(j * GCH, GCH)]], add=True)

    bufs = (rows0, rows1)
    sems = (sem0, sem1)
    descs = [None] * n_g
    descs[0] = gth(0, rows0, sem0)
    for j in range(n_g):
        if j + 1 < n_g:
            descs[j + 1] = gth(j + 1, bufs[(j + 1) % 2], sems[(j + 1) % 2])
        descs[j].wait()
        sct(j, bufs[j % 2])

    plsc.subcore_barrier()
    pltpu.sync_copy(_node_slab(acc, s), bnc)
    pltpu.sync_copy(bnc, _node_slab(o, s))


def _sc_mega(src1g, dst1s, src2g, dst2s, h1p, h2p):
    n_g = 20

    @functools.partial(
        pl.kernel,
        out_type=[
            jax.ShapeDtypeStruct((N_PAD, 16), jnp.float32),
            jax.ShapeDtypeStruct((N_PAD, 16), jnp.float32),
            jax.ShapeDtypeStruct((N_PAD, 16), jnp.float32),
            jax.ShapeDtypeStruct((N_PAD, 16), jnp.float32),
            jax.ShapeDtypeStruct((N_PAD, 16), jnp.float32),
            jax.ShapeDtypeStruct((N_PAD, 16), jnp.float32),
        ],
        mesh=_mesh(),
        compiler_params=pltpu.CompilerParams(use_tc_tiling_on_sc=False,
                                             needs_layout_passes=False),
        scratch_types=[
            pltpu.VMEM((n_g * GCH,), jnp.int32),
            pltpu.VMEM((n_g * GCH,), jnp.int32),
            pltpu.VMEM((GCH, 16), jnp.float32),
            pltpu.VMEM((GCH, 16), jnp.float32),
            pltpu.VMEM((TILE_N, 16), jnp.float32),
            pltpu.VMEM((TILE_N, 16), jnp.float32),
            pltpu.VMEM((TILE_N,), jnp.float32),
            pltpu.VMEM((4000,), jnp.float32),
            pltpu.VMEM_SHARED((N_PAD, 16), jnp.float32),
            pltpu.VMEM_SHARED((N_PAD,), jnp.float32),
            pltpu.SemaphoreType.DMA,
            pltpu.SemaphoreType.DMA,
        ],
    )
    def k(s1, d1, s2, d2, h1, h2, o1, o2, v1, v2, t1, t2, si, di, rows0,
          rows1, bnc, repv, degv, ones_v, acc, accd, sem0, sem1):
        c = lax.axis_index("c")
        s = lax.axis_index("s")

        @pl.when(c == 0)
        def _():
            _mega_body(s1.at[pl.ds(s * n_g * GCH, n_g * GCH)],
                       d1.at[pl.ds(s * n_g * GCH, n_g * GCH)],
                       h1, o1, v1, t1, s, si, di, rows0, rows1, bnc, repv,
                       degv, ones_v, acc, accd, sem0, sem1, n_g)

        @pl.when(c == 1)
        def _():
            _mega_body(s2.at[pl.ds(s * n_g * GCH, n_g * GCH)],
                       d2.at[pl.ds(s * n_g * GCH, n_g * GCH)],
                       h2, o2, v2, t2, s, si, di, rows0, rows1, bnc, repv,
                       degv, ones_v, acc, accd, sem0, sem1, n_g)

    return k(src1g, dst1s, src2g, dst2s, h1p, h2p)


def _sc_agg3(src1g, dst1s, hs3p):
    n_g = 10

    @functools.partial(
        pl.kernel,
        out_type=[jax.ShapeDtypeStruct((N_PAD, 16), jnp.float32)] * 2,
        mesh=_mesh(),
        compiler_params=pltpu.CompilerParams(use_tc_tiling_on_sc=False,
                                             needs_layout_passes=False),
        scratch_types=[
            pltpu.VMEM((n_g * GCH,), jnp.int32),
            pltpu.VMEM((n_g * GCH,), jnp.int32),
            pltpu.VMEM((GCH, 16), jnp.float32),
            pltpu.VMEM((GCH, 16), jnp.float32),
            pltpu.VMEM((TILE_N, 16), jnp.float32),
            pltpu.VMEM_SHARED((N_PAD, 16), jnp.float32),
            pltpu.SemaphoreType.DMA,
            pltpu.SemaphoreType.DMA,
        ],
    )
    def k(s1, d1, h3, o0, o1, si, di, rows0, rows1, bnc, acc, sem0, sem1):
        c = lax.axis_index("c")
        s = lax.axis_index("s")

        @pl.when(c == 0)
        def _():
            _agg_body(s1.at[pl.ds(s * n_g * GCH, n_g * GCH)],
                      d1.at[pl.ds(s * n_g * GCH, n_g * GCH)],
                      h3, o0, s, si, di, rows0, rows1, bnc, acc, sem0, sem1,
                      n_g)

        @pl.when(c == 1)
        def _():
            _agg_body(s1.at[pl.ds((16 + s) * n_g * GCH, n_g * GCH)],
                      d1.at[pl.ds((16 + s) * n_g * GCH, n_g * GCH)],
                      h3, o1, s, si, di, rows0, rows1, bnc, acc, sem0, sem1,
                      n_g)

    return k(src1g, dst1s, hs3p)


def _tc_head(xpk, W1big, W2big):
    MBP = 128

    def f(x_ref, w1_ref, w2_ref, h1_ref, h2_ref):
        x = x_ref[...]
        h1_ref[...] = jnp.dot(x, w1_ref[...],
                              preferred_element_type=jnp.float32)
        h2_ref[...] = jnp.dot(x, w2_ref[...],
                              preferred_element_type=jnp.float32)

    return pl.pallas_call(
        f,
        grid=(N_PAD // 8 // MBP,),
        in_specs=[
            pl.BlockSpec((MBP, 1024), lambda i: (i, 0)),
            pl.BlockSpec((1024, 128), lambda i: (0, 0)),
            pl.BlockSpec((1024, 128), lambda i: (0, 0)),
        ],
        out_specs=[
            pl.BlockSpec((MBP, 128), lambda i: (i, 0)),
            pl.BlockSpec((MBP, 128), lambda i: (i, 0)),
        ],
        out_shape=[
            jax.ShapeDtypeStruct((N_PAD // 8, 128), jnp.float32),
            jax.ShapeDtypeStruct((N_PAD // 8, 128), jnp.float32),
        ],
    )(xpk, W1big, W2big)


def _tc_mid(agg1, agg2, v1, v2, b1t, b2t, W4A, W4B):
    MBP = 128

    def f(a1, a2, d1, d2, bb1, bb2, w4a, w4b, hs3):
        x1 = jnp.maximum(d1[...] * a1[...] + bb1[...][None, :], 0.0)
        x2 = jnp.maximum(d2[...] * a2[...] + bb2[...][None, :], 0.0)
        h3 = (jnp.dot(x1, w4a[...], preferred_element_type=jnp.float32)
              + jnp.dot(x2, w4b[...], preferred_element_type=jnp.float32))
        hs3[...] = d1[...] * h3

    return pl.pallas_call(
        f,
        grid=(N_PAD // 8 // MBP,),
        in_specs=[
            pl.BlockSpec((MBP, 128), lambda i: (i, 0)),
            pl.BlockSpec((MBP, 128), lambda i: (i, 0)),
            pl.BlockSpec((MBP, 128), lambda i: (i, 0)),
            pl.BlockSpec((MBP, 128), lambda i: (i, 0)),
            pl.BlockSpec((128,), lambda i: (0,)),
            pl.BlockSpec((128,), lambda i: (0,)),
            pl.BlockSpec((128, 128), lambda i: (0, 0)),
            pl.BlockSpec((128, 128), lambda i: (0, 0)),
        ],
        out_specs=pl.BlockSpec((MBP, 128), lambda i: (i, 0)),
        out_shape=jax.ShapeDtypeStruct((N_PAD // 8, 128), jnp.float32),
    )(agg1, agg2, v1, v2, b1t, b2t, W4A, W4B)


def _tc_out(p0, p1, hs3pk, v1, b4t, sseg):
    MBP = 128

    def f(q0, q1, h3, d1, bb4, ss, o):
        z = d1[...] * (q0[...] + q1[...] - h3[...]) + bb4[...][None, :]
        m = jnp.max(z)
        e = jnp.exp(z - m)
        srep = jnp.dot(e, ss[...], preferred_element_type=jnp.float32)
        o[...] = z - (jnp.log(srep) + m)

    return pl.pallas_call(
        f,
        grid=(N_PAD // 8 // MBP,),
        in_specs=[
            pl.BlockSpec((MBP, 128), lambda i: (i, 0)),
            pl.BlockSpec((MBP, 128), lambda i: (i, 0)),
            pl.BlockSpec((MBP, 128), lambda i: (i, 0)),
            pl.BlockSpec((MBP, 128), lambda i: (i, 0)),
            pl.BlockSpec((128,), lambda i: (0,)),
            pl.BlockSpec((128, 128), lambda i: (0, 0)),
        ],
        out_specs=pl.BlockSpec((MBP, 128), lambda i: (i, 0)),
        out_shape=jax.ShapeDtypeStruct((N_PAD // 8, 128), jnp.float32),
    )(p0, p1, hs3pk, v1, b4t, sseg)


def kernel(x, edge_index, topo_edges, W1, b1, W2, b2, W4, b4):
    n = x.shape[0]
    ei = edge_index.astype(jnp.int32)
    te = topo_edges.astype(jnp.int32)
    src1g = ei[0]
    dst1s = ei[1]
    src2g = te[0]
    dst2s = te[1]
    xpk = jnp.pad(x, ((0, N_PAD - n), (0, 0))).reshape(N_PAD // 8, 8 * 128)
    ey8 = jnp.eye(8, dtype=jnp.float32)
    W1big = jnp.kron(ey8, W1)
    W2big = jnp.kron(ey8, W2)
    W4A = jnp.kron(ey8, W4[:16])
    W4B = jnp.kron(ey8, W4[16:])
    sseg = jnp.kron(ey8, jnp.ones((16, 16), jnp.float32))
    b1t = jnp.tile(b1, 8)
    b2t = jnp.tile(b2, 8)
    b4t = jnp.tile(b4, 8)

    def pk(a):
        return a.reshape(N_PAD // 8, 128)

    h1pk, h2pk = _tc_head(xpk, W1big, W2big)
    agg1, agg2, v1, v2, _t1, _t2 = _sc_mega(src1g, dst1s, src2g, dst2s,
                                            h1pk.reshape(N_PAD, 16),
                                            h2pk.reshape(N_PAD, 16))
    hs3pk = _tc_mid(pk(agg1), pk(agg2), pk(v1), pk(v2), b1t, b2t, W4A, W4B)
    p0, p1 = _sc_agg3(src1g, dst1s, hs3pk.reshape(N_PAD, 16))
    outpk = _tc_out(pk(p0), pk(p1), hs3pk, pk(v1), b4t, sseg)
    return outpk.reshape(N_PAD, 16)[:n]

# --- scband reference (transcript-rebuilt; emitter-appended) ---
"""Pipeline reference for scband-siam-net-75625784148568 (READ-ONLY COPY).

The authoritative reference and input builder live on the scoring server;
editing this copy changes nothing except your own understanding.
"""

import jax, jax.numpy as jnp
import numpy as np

N_NODES = 10000
N_EDGES = 320000
D_FEAT = 128
H1 = 16
H2 = 16
NUM_CLASSES = 16


def gcn_conv(x, W, b, edge_index, num_nodes):
    # GCNConv: symmetric-normalized aggregation with self-loops
    src = edge_index[0]
    dst = edge_index[1]
    loop = jnp.arange(num_nodes, dtype=src.dtype)
    src = jnp.concatenate([src, loop])
    dst = jnp.concatenate([dst, loop])
    h = x @ W
    deg = jax.ops.segment_sum(jnp.ones_like(dst, dtype=h.dtype), dst, num_segments=num_nodes)
    dinv = jnp.where(deg > 0, jax.lax.rsqrt(jnp.maximum(deg, 1e-12)), 0.0)
    norm = dinv[src] * dinv[dst]
    msg = h[src] * norm[:, None]
    out = jax.ops.segment_sum(msg, dst, num_segments=num_nodes)
    return out + b


def setup_inputs(seed: int = 0) -> dict:
    key = jax.random.key(seed)
    ks = jax.random.split(key, 10)
    x = jax.random.normal(ks[0], (N_NODES, D_FEAT), dtype=jnp.float32)
    edge_index = jax.random.randint(ks[1], (2, N_EDGES), 0, N_NODES, dtype=jnp.int64 if jax.config.jax_enable_x64 else jnp.int32)
    topo_edges = jax.random.randint(ks[2], (2, N_EDGES), 0, N_NODES, dtype=jnp.int64 if jax.config.jax_enable_x64 else jnp.int32)
    # learned parameters (glorot-ish init)
    W1 = jax.random.normal(ks[3], (D_FEAT, H1), dtype=jnp.float32) * (1.0 / np.sqrt(D_FEAT))
    b1 = jnp.zeros((H1,), dtype=jnp.float32)
    W2 = jax.random.normal(ks[4], (D_FEAT, H2), dtype=jnp.float32) * (1.0 / np.sqrt(D_FEAT))
    b2 = jnp.zeros((H2,), dtype=jnp.float32)
    W4 = jax.random.normal(ks[5], (H1 + H2, NUM_CLASSES), dtype=jnp.float32) * (1.0 / np.sqrt(H1 + H2))
    b4 = jnp.zeros((NUM_CLASSES,), dtype=jnp.float32)
    return {"x": x, "edge_index": edge_index, "topo_edges": topo_edges, "W1": W1, "b1": b1, "W2": W2, "b2": b2, "W4": W4, "b4": b4}


def reference(x, edge_index, topo_edges, W1, b1, W2, b2, W4, b4):
    # eval mode: dropout is identity
    n = x.shape[0]
    x1 = jax.nn.relu(gcn_conv(x, W1, b1, edge_index, n))
    x2 = jax.nn.relu(gcn_conv(x, W2, b2, topo_edges, n))
    xc = jnp.concatenate([x1, x2], axis=1)
    out = gcn_conv(xc, W4, b4, edge_index, n)
    return jax.nn.log_softmax(out, axis=1)

if __name__ == "__main__":
    import jax
    _d = setup_inputs()
    print(jax.jit(kernel)(*tuple(_d.values())))

</pallas_src>

<mosaic_0001>
#map = affine_map<(d0, d1) -> (0)>
#map1 = affine_map<(d0, d1) -> (0, 0)>
module attributes {stable_mosaic.version = 14 : i64} {
  func.func @k(%arg0: i32, %arg1: i32, %arg2: memref<320000xi32, #tpu.memory_space<hbm>>, %arg3: memref<320000xi32, #tpu.memory_space<hbm>>, %arg4: memref<320000xi32, #tpu.memory_space<hbm>>, %arg5: memref<320000xi32, #tpu.memory_space<hbm>>, %arg6: memref<10240x16xf32, #tpu.memory_space<hbm>>, %arg7: memref<10240x16xf32, #tpu.memory_space<hbm>>, %arg8: memref<10240x16xf32, #tpu.memory_space<hbm>>, %arg9: memref<10240x16xf32, #tpu.memory_space<hbm>>, %arg10: memref<10240x16xf32, #tpu.memory_space<hbm>>, %arg11: memref<10240x16xf32, #tpu.memory_space<hbm>>, %arg12: memref<10240x16xf32, #tpu.memory_space<hbm>>, %arg13: memref<10240x16xf32, #tpu.memory_space<hbm>>, %arg14: memref<20000xi32, #tpu.memory_space<vmem>>, %arg15: memref<20000xi32, #tpu.memory_space<vmem>>, %arg16: memref<1000x16xf32, #tpu.memory_space<vmem>>, %arg17: memref<1000x16xf32, #tpu.memory_space<vmem>>, %arg18: memref<640x16xf32, #tpu.memory_space<vmem>>, %arg19: memref<640x16xf32, #tpu.memory_space<vmem>>, %arg20: memref<640xf32, #tpu.memory_space<vmem>>, %arg21: memref<4000xf32, #tpu.memory_space<vmem>>, %arg22: memref<10240x16xf32, #tpu.memory_space<vmem_shared>>, %arg23: memref<10240xf32, #tpu.memory_space<vmem_shared>>, %arg24: memref<!tpu.dma_semaphore, #tpu.memory_space<semaphore_mem>>, %arg25: memref<!tpu.dma_semaphore, #tpu.memory_space<semaphore_mem>>) attributes {dimension_semantics = [#tpu.dimension_semantics<core_parallel>, #tpu.dimension_semantics<subcore_parallel>], iteration_bounds = array<i64: 2, 16>, scalar_prefetch = 0 : i64, scratch_operands = 12 : i64, tpu.core_type = #tpu.core_type<sc_vector_subcore>, window_params = [{transform_indices = #map}, {transform_indices = #map}, {transform_indices = #map}, {transform_indices = #map}, {transform_indices = #map1}, {transform_indices = #map1}, {transform_indices = #map1}, {transform_indices = #map1}, {transform_indices = #map1}, {transform_indices = #map1}, {transform_indices = #map1}, {transform_indices = #map1}]} {
    %eq3A = arith.constant 0 : i32
    %eq3A_0 = arith.cmpi eq, %arg0, %eq3A : i32
    %convert_element_type3A = arith.extui %eq3A_0 : i1 to i32
    %cond3A = arith.constant 0 : i32
    %cond3A_1 = arith.cmpi ne, %convert_element_type3A, %cond3A : i32
    scf.if %cond3A_1 {
      %mul3A = arith.constant 20 : i32
      %mul3A_7 = arith.muli %arg1, %mul3A : i32
      %mul3A_8 = arith.constant 1000 : i32
      %mul3A_9 = arith.muli %mul3A_7, %mul3A_8 : i32
      %mul3A_10 = arith.constant 20 : i32
      %mul3A_11 = arith.muli %arg1, %mul3A_10 : i32
      %mul3A_12 = arith.constant 1000 : i32
      %mul3A_13 = arith.muli %mul3A_11, %mul3A_12 : i32
      %broadcast_in_dim3A = arith.constant 1.000000e+00 : f32
      %broadcast_in_dim3A_14 = vector.broadcast %broadcast_in_dim3A : f32 to vector<16xf32>
      "tpu.region"() ({
        %run_scoped3A = tpu.sem_alloc : memref<!tpu.dma_semaphore, #tpu.memory_space<semaphore_mem>>
        %dma_start3A_251 = tpu.memref_slice %arg2[%mul3A_9] : memref<320000xi32, #tpu.memory_space<hbm>> -> memref<20000xi32, #tpu.memory_space<hbm>>
        %dma_start3A_252 = tpu.memref_slice %arg2[%mul3A_9] : memref<320000xi32, #tpu.memory_space<hbm>> -> memref<20000xi32, #tpu.memory_space<hbm>>
        tpu.enqueue_dma source(%dma_start3A_252 : memref<20000xi32, #tpu.memory_space<hbm>>) target(%arg14 : memref<20000xi32, #tpu.memory_space<vmem>>) target_semaphore(%run_scoped3A : memref<!tpu.dma_semaphore, #tpu.memory_space<semaphore_mem>>)
        %dma_wait3A_253 = tpu.memref_slice %arg2[%mul3A_9] : memref<320000xi32, #tpu.memory_space<hbm>> -> memref<20000xi32, #tpu.memory_space<hbm>>
        %dma_wait3A_254 = tpu.memref_slice %arg2[%mul3A_9] : memref<320000xi32, #tpu.memory_space<hbm>> -> memref<20000xi32, #tpu.memory_space<hbm>>
        tpu.wait_dma2 semaphore(%run_scoped3A : memref<!tpu.dma_semaphore, #tpu.memory_space<semaphore_mem>>) src(%dma_wait3A_254 : memref<20000xi32, #tpu.memory_space<hbm>>) dst(%arg14 : memref<20000xi32, #tpu.memory_space<vmem>>)
        tpu.yield
      }) : () -> ()
      "tpu.region"() ({
        %run_scoped3A = tpu.sem_alloc : memref<!tpu.dma_semaphore, #tpu.memory_space<semaphore_mem>>
        %dma_start3A_251 = tpu.memref_slice %arg3[%mul3A_13] : memref<320000xi32, #tpu.memory_space<hbm>> -> memref<20000xi32, #tpu.memory_space<hbm>>
        %dma_start3A_252 = tpu.memref_slice %arg3[%mul3A_13] : memref<320000xi32, #tpu.memory_space<hbm>> -> memref<20000xi32, #tpu.memory_space<hbm>>
        tpu.enqueue_dma source(%dma_start3A_252 : memref<20000xi32, #tpu.memory_space<hbm>>) target(%arg15 : memref<20000xi32, #tpu.memory_space<vmem>>) target_semaphore(%run_scoped3A : memref<!tpu.dma_semaphore, #tpu.memory_space<semaphore_mem>>)
        %dma_wait3A_253 = tpu.memref_slice %arg3[%mul3A_13] : memref<320000xi32, #tpu.memory_space<hbm>> -> memref<20000xi32, #tpu.memory_space<hbm>>
        %dma_wait3A_254 = tpu.memref_slice %arg3[%mul3A_13] : memref<320000xi32, #tpu.memory_space<hbm>> -> memref<20000xi32, #tpu.memory_space<hbm>>
        tpu.wait_dma2 semaphore(%run_scoped3A : memref<!tpu.dma_semaphore, #tpu.memory_space<semaphore_mem>>) src(%dma_wait3A_254 : memref<20000xi32, #tpu.memory_space<hbm>>) dst(%arg15 : memref<20000xi32, #tpu.memory_space<vmem>>)
        tpu.yield
      }) : () -> ()
      %scan3A = arith.constant 0 : i32
      %scan3A_15 = arith.constant 250 : i32
      %scan3A_16 = arith.addi %scan3A, %scan3A_15 : i32
      %scan3A_17 = arith.constant 1 : i32
      scf.for %scan3A_251 = %scan3A to %scan3A_16 step %scan3A_17  : i32 {
        %mul3A_252 = arith.constant 1 : i32
        %mul3A_253 = arith.muli %scan3A_251, %mul3A_252 : i32
        %add3A = arith.constant 0 : i32
        %add3A_254 = arith.addi %add3A, %mul3A_253 : i32
        %mul3A_255 = arith.constant 16 : i32
        %mul3A_256 = arith.muli %add3A_254, %mul3A_255 : i32
        %swap3A = arith.index_cast %mul3A_256 : i32 to index
        %swap3A_257 = tpu.vector_load %arg21[%swap3A] {strides = array<i32>} : memref<4000xf32, #tpu.memory_space<vmem>>, vector<16xf32>,
        tpu.vector_store %arg21[%swap3A], %broadcast_in_dim3A_14 {strides = array<i32>} : memref<4000xf32, #tpu.memory_space<vmem>>, vector<16xf32>,
      }
      %scan3A_18 = arith.constant 250 : i32
      %scan3A_19 = arith.constant 0 : i32
      %scan3A_20 = arith.constant 40 : i32
      %scan3A_21 = arith.addi %scan3A_19, %scan3A_20 : i32
      %scan3A_22 = arith.constant 1 : i32
      scf.for %scan3A_251 = %scan3A_19 to %scan3A_21 step %scan3A_22  : i32 {
        %mul3A_252 = arith.constant 1 : i32
        %mul3A_253 = arith.muli %scan3A_251, %mul3A_252 : i32
        %add3A = arith.constant 0 : i32
        %add3A_254 = arith.addi %add3A, %mul3A_253 : i32
        %mul3A_255 = arith.constant 16 : i32
        %mul3A_256 = arith.muli %add3A_254, %mul3A_255 : i32
        %swap3A = arith.index_cast %mul3A_256 : i32 to index
        %swap3A_257 = tpu.vector_load %arg20[%swap3A] {strides = array<i32>} : memref<640xf32, #tpu.memory_space<vmem>>, vector<16xf32>,
        tpu.vector_store %arg20[%swap3A], %broadcast_in_dim3A_14 {strides = array<i32>} : memref<640xf32, #tpu.memory_space<vmem>>, vector<16xf32>,
      }
      %scan3A_23 = arith.constant 40 : i32
      %mul3A_24 = arith.constant 640 : i32
      %mul3A_25 = arith.muli %arg1, %mul3A_24 : i32
      "tpu.region"() ({
        %run_scoped3A = tpu.sem_alloc : memref<!tpu.dma_semaphore, #tpu.memory_space<semaphore_mem>>
        %dma_start3A_251 = tpu.memref_slice %arg23[%mul3A_25] : memref<10240xf32, #tpu.memory_space<vmem_shared>> -> memref<640xf32, #tpu.memory_space<vmem_shared>>
        %dma_start3A_252 = tpu.memref_slice %arg23[%mul3A_25] : memref<10240xf32, #tpu.memory_space<vmem_shared>> -> memref<640xf32, #tpu.memory_space<vmem_shared>>
        tpu.enqueue_dma source(%arg20 : memref<640xf32, #tpu.memory_space<vmem>>) target(%dma_start3A_252 : memref<640xf32, #tpu.memory_space<vmem_shared>>) target_semaphore(%run_scoped3A : memref<!tpu.dma_semaphore, #tpu.memory_space<semaphore_mem>>)
        %dma_wait3A_253 = tpu.memref_slice %arg23[%mul3A_25] : memref<10240xf32, #tpu.memory_space<vmem_shared>> -> memref<640xf32, #tpu.memory_space<vmem_shared>>
        %dma_wait3A_254 = tpu.memref_slice %arg23[%mul3A_25] : memref<10240xf32, #tpu.memory_space<vmem_shared>> -> memref<640xf32, #tpu.memory_space<vmem_shared>>
        tpu.wait_dma2 semaphore(%run_scoped3A : memref<!tpu.dma_semaphore, #tpu.memory_space<semaphore_mem>>) src(%arg20 : memref<640xf32, #tpu.memory_space<vmem>>) dst(%dma_wait3A_254 : memref<640xf32, #tpu.memory_space<vmem_shared>>)
        tpu.yield
      }) : () -> ()
      %barrier3A = arith.constant 0 : index
      tpu.barrier barrier_id(%barrier3A)
      "tpu.region"() ({
        %run_scoped3A = tpu.sem_alloc : memref<!tpu.dma_semaphore, #tpu.memory_space<semaphore_mem>>
        %dma_start3A_251 = arith.constant 0 : i32
        %dma_start3A_252 = tpu.memref_slice %arg15[%dma_start3A_251] : memref<20000xi32, #tpu.memory_space<vmem>> -> memref<4000xi32, #tpu.memory_space<vmem>>
        %dma_start3A_253 = arith.constant 0 : i32
        %dma_start3A_254 = tpu.memref_slice %arg23[%dma_start3A_253] : memref<10240xf32, #tpu.memory_space<vmem_shared>> -> memref<10240xf32, #tpu.memory_space<vmem_shared>>
        tpu.enqueue_indirect_dma source(%arg21 : memref<4000xf32, #tpu.memory_space<vmem>>) target(%dma_start3A_254 : memref<10240xf32, #tpu.memory_space<vmem_shared>>) offsets(%dma_start3A_252 : memref<4000xi32, #tpu.memory_space<vmem>>) semaphore(%run_scoped3A : memref<!tpu.dma_semaphore, #tpu.memory_space<semaphore_mem>>) {add = true}
        %dma_wait3A_255 = arith.constant 0 : i32
        %dma_wait3A_256 = tpu.memref_slice %arg15[%dma_wait3A_255] : memref<20000xi32, #tpu.memory_space<vmem>> -> memref<4000xi32, #tpu.memory_space<vmem>>
        %dma_wait3A_257 = arith.constant 0 : i32
        %dma_wait3A_258 = tpu.memref_slice %arg23[%dma_wait3A_257] : memref<10240xf32, #tpu.memory_space<vmem_shared>> -> memref<10240xf32, #tpu.memory_space<vmem_shared>>
        tpu.wait_indirect_dma semaphore(%run_scoped3A : memref<!tpu.dma_semaphore, #tpu.memory_space<semaphore_mem>>) src(%arg21 : memref<4000xf32, #tpu.memory_space<vmem>>) dst(%dma_wait3A_258 : memref<10240xf32, #tpu.memory_space<vmem_shared>>)
        tpu.yield
      }) : () -> ()
      "tpu.region"() ({
        %run_scoped3A = tpu.sem_alloc : memref<!tpu.dma_semaphore, #tpu.memory_space<semaphore_mem>>
        %dma_start3A_251 = arith.constant 4000 : i32
        %dma_start3A_252 = tpu.memref_slice %arg15[%dma_start3A_251] : memref<20000xi32, #tpu.memory_space<vmem>> -> memref<4000xi32, #tpu.memory_space<vmem>>
        %dma_start3A_253 = arith.constant 0 : i32
        %dma_start3A_254 = tpu.memref_slice %arg23[%dma_start3A_253] : memref<10240xf32, #tpu.memory_space<vmem_shared>> -> memref<10240xf32, #tpu.memory_space<vmem_shared>>
        tpu.enqueue_indirect_dma source(%arg21 : memref<4000xf32, #tpu.memory_space<vmem>>) target(%dma_start3A_254 : memref<10240xf32, #tpu.memory_space<vmem_shared>>) offsets(%dma_start3A_252 : memref<4000xi32, #tpu.memory_space<vmem>>) semaphore(%run_scoped3A : memref<!tpu.dma_semaphore, #tpu.memory_space<semaphore_mem>>) {add = true}
        %dma_wait3A_255 = arith.constant 4000 : i32
        %dma_wait3A_256 = tpu.memref_slice %arg15[%dma_wait3A_255] : memref<20000xi32, #tpu.memory_space<vmem>> -> memref<4000xi32, #tpu.memory_space<vmem>>
        %dma_wait3A_257 = arith.constant 0 : i32
        %dma_wait3A_258 = tpu.memref_slice %arg23[%dma_wait3A_257] : memref<10240xf32, #tpu.memory_space<vmem_shared>> -> memref<10240xf32, #tpu.memory_space<vmem_shared>>
        tpu.wait_indirect_dma semaphore(%run_scoped3A : memref<!tpu.dma_semaphore, #tpu.memory_space<semaphore_mem>>) src(%arg21 : memref<4000xf32, #tpu.memory_space<vmem>>) dst(%dma_wait3A_258 : memref<10240xf32, #tpu.memory_space<vmem_shared>>)
        tpu.yield
      }) : () -> ()
      "tpu.region"() ({
        %run_scoped3A = tpu.sem_alloc : memref<!tpu.dma_semaphore, #tpu.memory_space<semaphore_mem>>
        %dma_start3A_251 = arith.constant 8000 : i32
        %dma_start3A_252 = tpu.memref_slice %arg15[%dma_start3A_251] : memref<20000xi32, #tpu.memory_space<vmem>> -> memref<4000xi32, #tpu.memory_space<vmem>>
        %dma_start3A_253 = arith.constant 0 : i32
        %dma_start3A_254 = tpu.memref_slice %arg23[%dma_start3A_253] : memref<10240xf32, #tpu.memory_space<vmem_shared>> -> memref<10240xf32, #tpu.memory_space<vmem_shared>>
        tpu.enqueue_indirect_dma source(%arg21 : memref<4000xf32, #tpu.memory_space<vmem>>) target(%dma_start3A_254 : memref<10240xf32, #tpu.memory_space<vmem_shared>>) offsets(%dma_start3A_252 : memref<4000xi32, #tpu.memory_space<vmem>>) semaphore(%run_scoped3A : memref<!tpu.dma_semaphore, #tpu.memory_space<semaphore_mem>>) {add = true}
        %dma_wait3A_255 = arith.constant 8000 : i32
        %dma_wait3A_256 = tpu.memref_slice %arg15[%dma_wait3A_255] : memref<20000xi32, #tpu.memory_space<vmem>> -> memref<4000xi32, #tpu.memory_space<vmem>>
        %dma_wait3A_257 = arith.constant 0 : i32
        %dma_wait3A_258 = tpu.memref_slice %arg23[%dma_wait3A_257] : memref<10240xf32, #tpu.memory_space<vmem_shared>> -> memref<10240xf32, #tpu.memory_space<vmem_shared>>
        tpu.wait_indirect_dma semaphore(%run_scoped3A : memref<!tpu.dma_semaphore, #tpu.memory_space<semaphore_mem>>) src(%arg21 : memref<4000xf32, #tpu.memory_space<vmem>>) dst(%dma_wait3A_258 : memref<10240xf32, #tpu.memory_space<vmem_shared>>)
        tpu.yield
      }) : () -> ()
      "tpu.region"() ({
        %run_scoped3A = tpu.sem_alloc : memref<!tpu.dma_semaphore, #tpu.memory_space<semaphore_mem>>
        %dma_start3A_251 = arith.constant 12000 : i32
        %dma_start3A_252 = tpu.memref_slice %arg15[%dma_start3A_251] : memref<20000xi32, #tpu.memory_space<vmem>> -> memref<4000xi32, #tpu.memory_space<vmem>>
        %dma_start3A_253 = arith.constant 0 : i32
        %dma_start3A_254 = tpu.memref_slice %arg23[%dma_start3A_253] : memref<10240xf32, #tpu.memory_space<vmem_shared>> -> memref<10240xf32, #tpu.memory_space<vmem_shared>>
        tpu.enqueue_indirect_dma source(%arg21 : memref<4000xf32, #tpu.memory_space<vmem>>) target(%dma_start3A_254 : memref<10240xf32, #tpu.memory_space<vmem_shared>>) offsets(%dma_start3A_252 : memref<4000xi32, #tpu.memory_space<vmem>>) semaphore(%run_scoped3A : memref<!tpu.dma_semaphore, #tpu.memory_space<semaphore_mem>>) {add = true}
        %dma_wait3A_255 = arith.constant 12000 : i32
        %dma_wait3A_256 = tpu.memref_slice %arg15[%dma_wait3A_255] : memref<20000xi32, #tpu.memory_space<vmem>> -> memref<4000xi32, #tpu.memory_space<vmem>>
        %dma_wait3A_257 = arith.constant 0 : i32
        %dma_wait3A_258 = tpu.memref_slice %arg23[%dma_wait3A_257] : memref<10240xf32, #tpu.memory_space<vmem_shared>> -> memref<10240xf32, #tpu.memory_space<vmem_shared>>
        tpu.wait_indirect_dma semaphore(%run_scoped3A : memref<!tpu.dma_semaphore, #tpu.memory_space<semaphore_mem>>) src(%arg21 : memref<4000xf32, #tpu.memory_space<vmem>>) dst(%dma_wait3A_258 : memref<10240xf32, #tpu.memory_space<vmem_shared>>)
        tpu.yield
      }) : () -> ()
      "tpu.region"() ({
        %run_scoped3A = tpu.sem_alloc : memref<!tpu.dma_semaphore, #tpu.memory_space<semaphore_mem>>
        %dma_start3A_251 = arith.constant 16000 : i32
        %dma_start3A_252 = tpu.memref_slice %arg15[%dma_start3A_251] : memref<20000xi32, #tpu.memory_space<vmem>> -> memref<4000xi32, #tpu.memory_space<vmem>>
        %dma_start3A_253 = arith.constant 0 : i32
        %dma_start3A_254 = tpu.memref_slice %arg23[%dma_start3A_253] : memref<10240xf32, #tpu.memory_space<vmem_shared>> -> memref<10240xf32, #tpu.memory_space<vmem_shared>>
        tpu.enqueue_indirect_dma source(%arg21 : memref<4000xf32, #tpu.memory_space<vmem>>) target(%dma_start3A_254 : memref<10240xf32, #tpu.memory_space<vmem_shared>>) offsets(%dma_start3A_252 : memref<4000xi32, #tpu.memory_space<vmem>>) semaphore(%run_scoped3A : memref<!tpu.dma_semaphore, #tpu.memory_space<semaphore_mem>>) {add = true}
        %dma_wait3A_255 = arith.constant 16000 : i32
        %dma_wait3A_256 = tpu.memref_slice %arg15[%dma_wait3A_255] : memref<20000xi32, #tpu.memory_space<vmem>> -> memref<4000xi32, #tpu.memory_space<vmem>>
        %dma_wait3A_257 = arith.constant 0 : i32
        %dma_wait3A_258 = tpu.memref_slice %arg23[%dma_wait3A_257] : memref<10240xf32, #tpu.memory_space<vmem_shared>> -> memref<10240xf32, #tpu.memory_space<vmem_shared>>
        tpu.wait_indirect_dma semaphore(%run_scoped3A : memref<!tpu.dma_semaphore, #tpu.memory_space<semaphore_mem>>) src(%arg21 : memref<4000xf32, #tpu.memory_space<vmem>>) dst(%dma_wait3A_258 : memref<10240xf32, #tpu.memory_space<vmem_shared>>)
        tpu.yield
      }) : () -> ()
      %barrier3A_26 = arith.constant 0 : index
      tpu.barrier barrier_id(%barrier3A_26)
      %mul3A_27 = arith.constant 640 : i32
      %mul3A_28 = arith.muli %arg1, %mul3A_27 : i32
      "tpu.region"() ({
        %run_scoped3A = tpu.sem_alloc : memref<!tpu.dma_semaphore, #tpu.memory_space<semaphore_mem>>
        %dma_start3A_251 = tpu.memref_slice %arg23[%mul3A_28] : memref<10240xf32, #tpu.memory_space<vmem_shared>> -> memref<640xf32, #tpu.memory_space<vmem_shared>>
        %dma_start3A_252 = tpu.memref_slice %arg23[%mul3A_28] : memref<10240xf32, #tpu.memory_space<vmem_shared>> -> memref<640xf32, #tpu.memory_space<vmem_shared>>
        tpu.enqueue_dma source(%dma_start3A_252 : memref<640xf32, #tpu.memory_space<vmem_shared>>) target(%arg20 : memref<640xf32, #tpu.memory_space<vmem>>) target_semaphore(%run_scoped3A : memref<!tpu.dma_semaphore, #tpu.memory_space<semaphore_mem>>)
        %dma_wait3A_253 = tpu.memref_slice %arg23[%mul3A_28] : memref<10240xf32, #tpu.memory_space<vmem_shared>> -> memref<640xf32, #tpu.memory_space<vmem_shared>>
        %dma_wait3A_254 = tpu.memref_slice %arg23[%mul3A_28] : memref<10240xf32, #tpu.memory_space<vmem_shared>> -> memref<640xf32, #tpu.memory_space<vmem_shared>>
        tpu.wait_dma2 semaphore(%run_scoped3A : memref<!tpu.dma_semaphore, #tpu.memory_space<semaphore_mem>>) src(%dma_wait3A_254 : memref<640xf32, #tpu.memory_space<vmem_shared>>) dst(%arg20 : memref<640xf32, #tpu.memory_space<vmem>>)
        tpu.yield
      }) : () -> ()
      %scan3A_29 = arith.constant 0 : i32
      %scan3A_30 = arith.constant 40 : i32
      %scan3A_31 = arith.addi %scan3A_29, %scan3A_30 : i32
      %scan3A_32 = arith.constant 1 : i32
      scf.for %scan3A_251 = %scan3A_29 to %scan3A_31 step %scan3A_32  : i32 {
        %mul3A_252 = arith.constant 1 : i32
        %mul3A_253 = arith.muli %scan3A_251, %mul3A_252 : i32
        %add3A = arith.constant 0 : i32
        %add3A_254 = arith.addi %add3A, %mul3A_253 : i32
        %mul3A_255 = arith.constant 16 : i32
        %mul3A_256 = arith.muli %add3A_254, %mul3A_255 : i32
        %get3A = arith.index_cast %mul3A_256 : i32 to index
        %get3A_257 = tpu.vector_load %arg20[%get3A] {strides = array<i32>} : memref<640xf32, #tpu.memory_space<vmem>>, vector<16xf32>,
        %bitcast3A = vector.bitcast %get3A_257 : vector<16xf32> to vector<16xi32>
        %shift_right_arithmetic3A = arith.constant 1 : i32
        %shift_right_arithmetic3A_258 = vector.broadcast %shift_right_arithmetic3A : i32 to vector<16xi32>
        %shift_right_arithmetic3A_259 = arith.shrsi %bitcast3A, %shift_right_arithmetic3A_258 : vector<16xi32>
        %sub3A = arith.constant 1597463007 : i32
        %sub3A_260 = vector.broadcast %sub3A : i32 to vector<16xi32>
        %sub3A_261 = arith.subi %sub3A_260, %shift_right_arithmetic3A_259 : vector<16xi32>
        %bitcast3A_262 = vector.bitcast %sub3A_261 : vector<16xi32> to vector<16xf32>
        %mul3A_263 = arith.constant 5.000000e-01 : f32
        %mul3A_264 = vector.broadcast %mul3A_263 : f32 to vector<16xf32>
        %mul3A_265 = arith.mulf %mul3A_264, %get3A_257 : vector<16xf32>
        %mul3A_266 = arith.mulf %mul3A_265, %bitcast3A_262 : vector<16xf32>
        %mul3A_267 = arith.mulf %mul3A_266, %bitcast3A_262 : vector<16xf32>
        %sub3A_268 = arith.constant 1.500000e+00 : f32
        %sub3A_269 = vector.broadcast %sub3A_268 : f32 to vector<16xf32>
        %sub3A_270 = arith.subf %sub3A_269, %mul3A_267 : vector<16xf32>
        %mul3A_271 = arith.mulf %bitcast3A_262, %sub3A_270 : vector<16xf32>
        %mul3A_272 = arith.constant 5.000000e-01 : f32
        %mul3A_273 = vector.broadcast %mul3A_272 : f32 to vector<16xf32>
        %mul3A_274 = arith.mulf %mul3A_273, %get3A_257 : vector<16xf32>
        %mul3A_275 = arith.mulf %mul3A_274, %mul3A_271 : vector<16xf32>
        %mul3A_276 = arith.mulf %mul3A_275, %mul3A_271 : vector<16xf32>
        %sub3A_277 = arith.constant 1.500000e+00 : f32
        %sub3A_278 = vector.broadcast %sub3A_277 : f32 to vector<16xf32>
        %sub3A_279 = arith.subf %sub3A_278, %mul3A_276 : vector<16xf32>
        %mul3A_280 = arith.mulf %mul3A_271, %sub3A_279 : vector<16xf32>
        %mul3A_281 = arith.constant 5.000000e-01 : f32
        %mul3A_282 = vector.broadcast %mul3A_281 : f32 to vector<16xf32>
        %mul3A_283 = arith.mulf %mul3A_282, %get3A_257 : vector<16xf32>
        %mul3A_284 = arith.mulf %mul3A_283, %mul3A_280 : vector<16xf32>
        %mul3A_285 = arith.mulf %mul3A_284, %mul3A_280 : vector<16xf32>
        %sub3A_286 = arith.constant 1.500000e+00 : f32
        %sub3A_287 = vector.broadcast %sub3A_286 : f32 to vector<16xf32>
        %sub3A_288 = arith.subf %sub3A_287, %mul3A_285 : vector<16xf32>
        %mul3A_289 = arith.mulf %mul3A_280, %sub3A_288 : vector<16xf32>
        %mul3A_290 = arith.constant 16 : i32
        %mul3A_291 = arith.muli %add3A_254, %mul3A_290 : i32
        %swap3A = arith.index_cast %mul3A_291 : i32 to index
        %swap3A_292 = tpu.vector_load %arg20[%swap3A] {strides = array<i32>} : memref<640xf32, #tpu.memory_space<vmem>>, vector<16xf32>,
        tpu.vector_store %arg20[%swap3A], %mul3A_289 {strides = array<i32>} : memref<640xf32, #tpu.memory_space<vmem>>, vector<16xf32>,
      }
      %scan3A_33 = arith.constant 40 : i32
      %mul3A_34 = arith.constant 640 : i32
      %mul3A_35 = arith.muli %arg1, %mul3A_34 : i32
      "tpu.region"() ({
        %run_scoped3A = tpu.sem_alloc : memref<!tpu.dma_semaphore, #tpu.memory_space<semaphore_mem>>
        %dma_start3A_251 = arith.constant 0 : i32
        %dma_start3A_252 = tpu.memref_slice %arg6[%mul3A_35, %dma_start3A_251] : memref<10240x16xf32, #tpu.memory_space<hbm>> -> memref<640x16xf32, #tpu.memory_space<hbm>>
        %dma_start3A_253 = arith.constant 0 : i32
        %dma_start3A_254 = tpu.memref_slice %arg6[%mul3A_35, %dma_start3A_253] : memref<10240x16xf32, #tpu.memory_space<hbm>> -> memref<640x16xf32, #tpu.memory_space<hbm>>
        tpu.enqueue_dma source(%dma_start3A_254 : memref<640x16xf32, #tpu.memory_space<hbm>>) target(%arg18 : memref<640x16xf32, #tpu.memory_space<vmem>>) target_semaphore(%run_scoped3A : memref<!tpu.dma_semaphore, #tpu.memory_space<semaphore_mem>>)
        %dma_wait3A_255 = arith.constant 0 : i32
        %dma_wait3A_256 = tpu.memref_slice %arg6[%mul3A_35, %dma_wait3A_255] : memref<10240x16xf32, #tpu.memory_space<hbm>> -> memref<640x16xf32, #tpu.memory_space<hbm>>
        %dma_wait3A_257 = arith.constant 0 : i32
        %dma_wait3A_258 = tpu.memref_slice %arg6[%mul3A_35, %dma_wait3A_257] : memref<10240x16xf32, #tpu.memory_space<hbm>> -> memref<640x16xf32, #tpu.memory_space<hbm>>
        tpu.wait_dma2 semaphore(%run_scoped3A : memref<!tpu.dma_semaphore, #tpu.memory_space<semaphore_mem>>) src(%dma_wait3A_258 : memref<640x16xf32, #tpu.memory_space<hbm>>) dst(%arg18 : memref<640x16xf32, #tpu.memory_space<vmem>>)
        tpu.yield
      }) : () -> ()
      %scan3A_36 = arith.constant 0 : i32
      %scan3A_37 = arith.constant 40 : i32
      %scan3A_38 = arith.addi %scan3A_36, %scan3A_37 : i32
      %scan3A_39 = arith.constant 1 : i32
      scf.for %scan3A_251 = %scan3A_36 to %scan3A_38 step %scan3A_39  : i32 {
        %mul3A_252 = arith.constant 1 : i32
        %mul3A_253 = arith.muli %scan3A_251, %mul3A_252 : i32
        %add3A = arith.constant 0 : i32
        %add3A_254 = arith.addi %add3A, %mul3A_253 : i32
        %mul3A_255 = arith.constant 16 : i32
        %mul3A_256 = arith.muli %add3A_254, %mul3A_255 : i32
        %get3A = arith.index_cast %mul3A_256 : i32 to index
        %get3A_257 = tpu.vector_load %arg20[%get3A] {strides = array<i32>} : memref<640xf32, #tpu.memory_space<vmem>>, vector<16xf32>,
        %mul3A_258 = arith.constant 16 : i32
        %mul3A_259 = arith.muli %add3A_254, %mul3A_258 : i32
        %add3A_260 = arith.constant 0 : i32
        %add3A_261 = arith.addi %mul3A_259, %add3A_260 : i32
        %slice3A = vector.extract_strided_slice %get3A_257 {offsets = [0], sizes = [1], strides = [1]} : vector<16xf32> to vector<1xf32>
        %squeeze3A = vector.extract %slice3A[0] : f32 from vector<1xf32>
        %broadcast_in_dim3A_262 = vector.broadcast %squeeze3A : f32 to vector<16xf32>
        %swap3A = arith.index_cast %add3A_261 : i32 to index
        %swap3A_263 = arith.constant 0 : index
        %swap3A_264 = tpu.vector_load %arg19[%swap3A, %swap3A_263] {strides = array<i32>} : memref<640x16xf32, #tpu.memory_space<vmem>>, vector<16xf32>,
        tpu.vector_store %arg19[%swap3A, %swap3A_263], %broadcast_in_dim3A_262 {strides = array<i32>} : memref<640x16xf32, #tpu.memory_space<vmem>>, vector<16xf32>,
        %get3A_265 = arith.index_cast %add3A_261 : i32 to index
        %get3A_266 = arith.constant 0 : index
        %get3A_267 = tpu.vector_load %arg18[%get3A_265, %get3A_266] {strides = array<i32>} : memref<640x16xf32, #tpu.memory_space<vmem>>, vector<16xf32>,
        %mul3A_268 = arith.mulf %get3A_267, %broadcast_in_dim3A_262 : vector<16xf32>
        %swap3A_269 = arith.index_cast %add3A_261 : i32 to index
        %swap3A_270 = arith.constant 0 : index
        %swap3A_271 = tpu.vector_load %arg18[%swap3A_269, %swap3A_270] {strides = array<i32>} : memref<640x16xf32, #tpu.memory_space<vmem>>, vector<16xf32>,
        tpu.vector_store %arg18[%swap3A_269, %swap3A_270], %mul3A_268 {strides = array<i32>} : memref<640x16xf32, #tpu.memory_space<vmem>>, vector<16xf32>,
        %mul3A_272 = arith.constant 16 : i32
        %mul3A_273 = arith.muli %add3A_254, %mul3A_272 : i32
        %add3A_274 = arith.constant 1 : i32
        %add3A_275 = arith.addi %mul3A_273, %add3A_274 : i32
        %slice3A_276 = vector.extract_strided_slice %get3A_257 {offsets = [1], sizes = [1], strides = [1]} : vector<16xf32> to vector<1xf32>
        %squeeze3A_277 = vector.extract %slice3A_276[0] : f32 from vector<1xf32>
        %broadcast_in_dim3A_278 = vector.broadcast %squeeze3A_277 : f32 to vector<16xf32>
        %swap3A_279 = arith.index_cast %add3A_275 : i32 to index
        %swap3A_280 = arith.constant 0 : index
        %swap3A_281 = tpu.vector_load %arg19[%swap3A_279, %swap3A_280] {strides = array<i32>} : memref<640x16xf32, #tpu.memory_space<vmem>>, vector<16xf32>,
        tpu.vector_store %arg19[%swap3A_279, %swap3A_280], %broadcast_in_dim3A_278 {strides = array<i32>} : memref<640x16xf32, #tpu.memory_space<vmem>>, vector<16xf32>,
        %get3A_282 = arith.index_cast %add3A_275 : i32 to index
        %get3A_283 = arith.constant 0 : index
        %get3A_284 = tpu.vector_load %arg18[%get3A_282, %get3A_283] {strides = array<i32>} : memref<640x16xf32, #tpu.memory_space<vmem>>, vector<16xf32>,
        %mul3A_285 = arith.mulf %get3A_284, %broadcast_in_dim3A_278 : vector<16xf32>
        %swap3A_286 = arith.index_cast %add3A_275 : i32 to index
        %swap3A_287 = arith.constant 0 : index
        %swap3A_288 = tpu.vector_load %arg18[%swap3A_286, %swap3A_287] {strides = array<i32>} : memref<640x16xf32, #tpu.memory_space<vmem>>, vector<16xf32>,
        tpu.vector_store %arg18[%swap3A_286, %swap3A_287], %mul3A_285 {strides = array<i32>} : memref<640x16xf32, #tpu.memory_space<vmem>>, vector<16xf32>,
        %mul3A_289 = arith.constant 16 : i32
        %mul3A_290 = arith.muli %add3A_254, %mul3A_289 : i32
        %add3A_291 = arith.constant 2 : i32
        %add3A_292 = arith.addi %mul3A_290, %add3A_291 : i32
        %slice3A_293 = vector.extract_strided_slice %get3A_257 {offsets = [2], sizes = [1], strides = [1]} : vector<16xf32> to vector<1xf32>
        %squeeze3A_294 = vector.extract %slice3A_293[0] : f32 from vector<1xf32>
        %broadcast_in_dim3A_295 = vector.broadcast %squeeze3A_294 : f32 to vector<16xf32>
        %swap3A_296 = arith.index_cast %add3A_292 : i32 to index
        %swap3A_297 = arith.constant 0 : index
        %swap3A_298 = tpu.vector_load %arg19[%swap3A_296, %swap3A_297] {strides = array<i32>} : memref<640x16xf32, #tpu.memory_space<vmem>>, vector<16xf32>,
        tpu.vector_store %arg19[%swap3A_296, %swap3A_297], %broadcast_in_dim3A_295 {strides = array<i32>} : memref<640x16xf32, #tpu.memory_space<vmem>>, vector<16xf32>,
        %get3A_299 = arith.index_cast %add3A_292 : i32 to index
        %get3A_300 = arith.constant 0 : index
        %get3A_301 = tpu.vector_load %arg18[%get3A_299, %get3A_300] {strides = array<i32>} : memref<640x16xf32, #tpu.memory_space<vmem>>, vector<16xf32>,
        %mul3A_302 = arith.mulf %get3A_301, %broadcast_in_dim3A_295 : vector<16xf32>
        %swap3A_303 = arith.index_cast %add3A_292 : i32 to index
        %swap3A_304 = arith.constant 0 : index
        %swap3A_305 = tpu.vector_load %arg18[%swap3A_303, %swap3A_304] {strides = array<i32>} : memref<640x16xf32, #tpu.memory_space<vmem>>, vector<16xf32>,
        tpu.vector_store %arg18[%swap3A_303, %swap3A_304], %mul3A_302 {strides = array<i32>} : memref<640x16xf32, #tpu.memory_space<vmem>>, vector<16xf32>,
        %mul3A_306 = arith.constant 16 : i32
        %mul3A_307 = arith.muli %add3A_254, %mul3A_306 : i32
        %add3A_308 = arith.constant 3 : i32
        %add3A_309 = arith.addi %mul3A_307, %add3A_308 : i32
        %slice3A_310 = vector.extract_strided_slice %get3A_257 {offsets = [3], sizes = [1], strides = [1]} : vector<16xf32> to vector<1xf32>
        %squeeze3A_311 = vector.extract %slice3A_310[0] : f32 from vector<1xf32>
        %broadcast_in_dim3A_312 = vector.broadcast %squeeze3A_311 : f32 to vector<16xf32>
        %swap3A_313 = arith.index_cast %add3A_309 : i32 to index
        %swap3A_314 = arith.constant 0 : index
        %swap3A_315 = tpu.vector_load %arg19[%swap3A_313, %swap3A_314] {strides = array<i32>} : memref<640x16xf32, #tpu.memory_space<vmem>>, vector<16xf32>,
        tpu.vector_store %arg19[%swap3A_313, %swap3A_314], %broadcast_in_dim3A_312 {strides = array<i32>} : memref<640x16xf32, #tpu.memory_space<vmem>>, vector<16xf32>,
        %get3A_316 = arith.index_cast %add3A_309 : i32 to index
        %get3A_317 = arith.constant 0 : index
        %get3A_318 = tpu.vector_load %arg18[%get3A_316, %get3A_317] {strides = array<i32>} : memref<640x16xf32, #tpu.memory_space<vmem>>, vector<16xf32>,
        %mul3A_319 = arith.mulf %get3A_318, %broadcast_in_dim3A_312 : vector<16xf32>
        %swap3A_320 = arith.index_cast %add3A_309 : i32 to index
        %swap3A_321 = arith.constant 0 : index
        %swap3A_322 = tpu.vector_load %arg18[%swap3A_320, %swap3A_321] {strides = array<i32>} : memref<640x16xf32, #tpu.memory_space<vmem>>, vector<16xf32>,
        tpu.vector_store %arg18[%swap3A_320, %swap3A_321], %mul3A_319 {strides = array<i32>} : memref<640x16xf32, #tpu.memory_space<vmem>>, vector<16xf32>,
        %mul3A_323 = arith.constant 16 : i32
        %mul3A_324 = arith.muli %add3A_254, %mul3A_323 : i32
        %add3A_325 = arith.constant 4 : i32
        %add3A_326 = arith.addi %mul3A_324, %add3A_325 : i32
        %slice3A_327 = vector.extract_strided_slice %get3A_257 {offsets = [4], sizes = [1], strides = [1]} : vector<16xf32> to vector<1xf32>
        %squeeze3A_328 = vector.extract %slice3A_327[0] : f32 from vector<1xf32>
        %broadcast_in_dim3A_329 = vector.broadcast %squeeze3A_328 : f32 to vector<16xf32>
        %swap3A_330 = arith.index_cast %add3A_326 : i32 to index
        %swap3A_331 = arith.constant 0 : index
        %swap3A_332 = tpu.vector_load %arg19[%swap3A_330, %swap3A_331] {strides = array<i32>} : memref<640x16xf32, #tpu.memory_space<vmem>>, vector<16xf32>,
        tpu.vector_store %arg19[%swap3A_330, %swap3A_331], %broadcast_in_dim3A_329 {strides = array<i32>} : memref<640x16xf32, #tpu.memory_space<vmem>>, vector<16xf32>,
        %get3A_333 = arith.index_cast %add3A_326 : i32 to index
        %get3A_334 = arith.constant 0 : index
        %get3A_335 = tpu.vector_load %arg18[%get3A_333, %get3A_334] {strides = array<i32>} : memref<640x16xf32, #tpu.memory_space<vmem>>, vector<16xf32>,
        %mul3A_336 = arith.mulf %get3A_335, %broadcast_in_dim3A_329 : vector<16xf32>
        %swap3A_337 = arith.index_cast %add3A_326 : i32 to index
        %swap3A_338 = arith.constant 0 : index
        %swap3A_339 = tpu.vector_load %arg18[%swap3A_337, %swap3A_338] {strides = array<i32>} : memref<640x16xf32, #tpu.memory_space<vmem>>, vector<16xf32>,
        tpu.vector_store %arg18[%swap3A_337, %swap3A_338], %mul3A_336 {strides = array<i32>} : memref<640x16xf32, #tpu.memory_space<vmem>>, vector<16xf32>,
        %mul3A_340 = arith.constant 16 : i32
        %mul3A_341 = arith.muli %add3A_254, %mul3A_340 : i32
        %add3A_342 = arith.constant 5 : i32
        %add3A_343 = arith.addi %mul3A_341, %add3A_342 : i32
        %slice3A_344 = vector.extract_strided_slice %get3A_257 {offsets = [5], sizes = [1], strides = [1]} : vector<16xf32> to vector<1xf32>
        %squeeze3A_345 = vector.extract %slice3A_344[0] : f32 from vector<1xf32>
        %broadcast_in_dim3A_346 = vector.broadcast %squeeze3A_345 : f32 to vector<16xf32>
        %swap3A_347 = arith.index_cast %add3A_343 : i32 to index
        %swap3A_348 = arith.constant 0 : index
        %swap3A_349 = tpu.vector_load %arg19[%swap3A_347, %swap3A_348] {strides = array<i32>} : memref<640x16xf32, #tpu.memory_space<vmem>>, vector<16xf32>,
        tpu.vector_store %arg19[%swap3A_347, %swap3A_348], %broadcast_in_dim3A_346 {strides = array<i32>} : memref<640x16xf32, #tpu.memory_space<vmem>>, vector<16xf32>,
        %get3A_350 = arith.index_cast %add3A_343 : i32 to index
        %get3A_351 = arith.constant 0 : index
        %get3A_352 = tpu.vector_load %arg18[%get3A_350, %get3A_351] {strides = array<i32>} : memref<640x16xf32, #tpu.memory_space<vmem>>, vector<16xf32>,
        %mul3A_353 = arith.mulf %get3A_352, %broadcast_in_dim3A_346 : vector<16xf32>
        %swap3A_354 = arith.index_cast %add3A_343 : i32 to index
        %swap3A_355 = arith.constant 0 : index
        %swap3A_356 = tpu.vector_load %arg18[%swap3A_354, %swap3A_355] {strides = array<i32>} : memref<640x16xf32, #tpu.memory_space<vmem>>, vector<16xf32>,
        tpu.vector_store %arg18[%swap3A_354, %swap3A_355], %mul3A_353 {strides = array<i32>} : memref<640x16xf32, #tpu.memory_space<vmem>>, vector<16xf32>,
        %mul3A_357 = arith.constant 16 : i32
        %mul3A_358 = arith.muli %add3A_254, %mul3A_357 : i32
        %add3A_359 = arith.constant 6 : i32
        %add3A_360 = arith.addi %mul3A_358, %add3A_359 : i32
        %slice3A_361 = vector.extract_strided_slice %get3A_257 {offsets = [6], sizes = [1], strides = [1]} : vector<16xf32> to vector<1xf32>
        %squeeze3A_362 = vector.extract %slice3A_361[0] : f32 from vector<1xf32>
        %broadcast_in_dim3A_363 = vector.broadcast %squeeze3A_362 : f32 to vector<16xf32>
        %swap3A_364 = arith.index_cast %add3A_360 : i32 to index
        %swap3A_365 = arith.constant 0 : index
        %swap3A_366 = tpu.vector_load %arg19[%swap3A_364, %swap3A_365] {strides = array<i32>} : memref<640x16xf32, #tpu.memory_space<vmem>>, vector<16xf32>,
        tpu.vector_store %arg19[%swap3A_364, %swap3A_365], %broadcast_in_dim3A_363 {strides = array<i32>} : memref<640x16xf32, #tpu.memory_space<vmem>>, vector<16xf32>,
        %get3A_367 = arith.index_cast %add3A_360 : i32 to index
        %get3A_368 = arith.constant 0 : index
        %get3A_369 = tpu.vector_load %arg18[%get3A_367, %get3A_368] {strides = array<i32>} : memref<640x16xf32, #tpu.memory_space<vmem>>, vector<16xf32>,
        %mul3A_370 = arith.mulf %get3A_369, %broadcast_in_dim3A_363 : vector<16xf32>
        %swap3A_371 = arith.index_cast %add3A_360 : i32 to index
        %swap3A_372 = arith.constant 0 : index
        %swap3A_373 = tpu.vector_load %arg18[%swap3A_371, %swap3A_372] {strides = array<i32>} : memref<640x16xf32, #tpu.memory_space<vmem>>, vector<16xf32>,
        tpu.vector_store %arg18[%swap3A_371, %swap3A_372], %mul3A_370 {strides = array<i32>} : memref<640x16xf32, #tpu.memory_space<vmem>>, vector<16xf32>,
        %mul3A_374 = arith.constant 16 : i32
        %mul3A_375 = arith.muli %add3A_254, %mul3A_374 : i32
        %add3A_376 = arith.constant 7 : i32
        %add3A_377 = arith.addi %mul3A_375, %add3A_376 : i32
        %slice3A_378 = vector.extract_strided_slice %get3A_257 {offsets = [7], sizes = [1], strides = [1]} : vector<16xf32> to vector<1xf32>
        %squeeze3A_379 = vector.extract %slice3A_378[0] : f32 from vector<1xf32>
        %broadcast_in_dim3A_380 = vector.broadcast %squeeze3A_379 : f32 to vector<16xf32>
        %swap3A_381 = arith.index_cast %add3A_377 : i32 to index
        %swap3A_382 = arith.constant 0 : index
        %swap3A_383 = tpu.vector_load %arg19[%swap3A_381, %swap3A_382] {strides = array<i32>} : memref<640x16xf32, #tpu.memory_space<vmem>>, vector<16xf32>,
        tpu.vector_store %arg19[%swap3A_381, %swap3A_382], %broadcast_in_dim3A_380 {strides = array<i32>} : memref<640x16xf32, #tpu.memory_space<vmem>>, vector<16xf32>,
        %get3A_384 = arith.index_cast %add3A_377 : i32 to index
        %get3A_385 = arith.constant 0 : index
        %get3A_386 = tpu.vector_load %arg18[%get3A_384, %get3A_385] {strides = array<i32>} : memref<640x16xf32, #tpu.memory_space<vmem>>, vector<16xf32>,
        %mul3A_387 = arith.mulf %get3A_386, %broadcast_in_dim3A_380 : vector<16xf32>
        %swap3A_388 = arith.index_cast %add3A_377 : i32 to index
        %swap3A_389 = arith.constant 0 : index
        %swap3A_390 = tpu.vector_load %arg18[%swap3A_388, %swap3A_389] {strides = array<i32>} : memref<640x16xf32, #tpu.memory_space<vmem>>, vector<16xf32>,
        tpu.vector_store %arg18[%swap3A_388, %swap3A_389], %mul3A_387 {strides = array<i32>} : memref<640x16xf32, #tpu.memory_space<vmem>>, vector<16xf32>,
        %mul3A_391 = arith.constant 16 : i32
        %mul3A_392 = arith.muli %add3A_254, %mul3A_391 : i32
        %add3A_393 = arith.constant 8 : i32
        %add3A_394 = arith.addi %mul3A_392, %add3A_393 : i32
        %slice3A_395 = vector.extract_strided_slice %get3A_257 {offsets = [8], sizes = [1], strides = [1]} : vector<16xf32> to vector<1xf32>
        %squeeze3A_396 = vector.extract %slice3A_395[0] : f32 from vector<1xf32>
        %broadcast_in_dim3A_397 = vector.broadcast %squeeze3A_396 : f32 to vector<16xf32>
        %swap3A_398 = arith.index_cast %add3A_394 : i32 to index
        %swap3A_399 = arith.constant 0 : index
        %swap3A_400 = tpu.vector_load %arg19[%swap3A_398, %swap3A_399] {strides = array<i32>} : memref<640x16xf32, #tpu.memory_space<vmem>>, vector<16xf32>,
        tpu.vector_store %arg19[%swap3A_398, %swap3A_399], %broadcast_in_dim3A_397 {strides = array<i32>} : memref<640x16xf32, #tpu.memory_space<vmem>>, vector<16xf32>,
        %get3A_401 = arith.index_cast %add3A_394 : i32 to index
        %get3A_402 = arith.constant 0 : index
        %get3A_403 = tpu.vector_load %arg18[%get3A_401, %get3A_402] {strides = array<i32>} : memref<640x16xf32, #tpu.memory_space<vmem>>, vector<16xf32>,
        %mul3A_404 = arith.mulf %get3A_403, %broadcast_in_dim3A_397 : vector<16xf32>
        %swap3A_405 = arith.index_cast %add3A_394 : i32 to index
        %swap3A_406 = arith.constant 0 : index
        %swap3A_407 = tpu.vector_load %arg18[%swap3A_405, %swap3A_406] {strides = array<i32>} : memref<640x16xf32, #tpu.memory_space<vmem>>, vector<16xf32>,
        tpu.vector_store %arg18[%swap3A_405, %swap3A_406], %mul3A_404 {strides = array<i32>} : memref<640x16xf32, #tpu.memory_space<vmem>>, vector<16xf32>,
        %mul3A_408 = arith.constant 16 : i32
        %mul3A_409 = arith.muli %add3A_254, %mul3A_408 : i32
        %add3A_410 = arith.constant 9 : i32
        %add3A_411 = arith.addi %mul3A_409, %add3A_410 : i32
        %slice3A_412 = vector.extract_strided_slice %get3A_257 {offsets = [9], sizes = [1], strides = [1]} : vector<16xf32> to vector<1xf32>
        %squeeze3A_413 = vector.extract %slice3A_412[0] : f32 from vector<1xf32>
        %broadcast_in_dim3A_414 = vector.broadcast %squeeze3A_413 : f32 to vector<16xf32>
        %swap3A_415 = arith.index_cast %add3A_411 : i32 to index
        %swap3A_416 = arith.constant 0 : index
        %swap3A_417 = tpu.vector_load %arg19[%swap3A_415, %swap3A_416] {strides = array<i32>} : memref<640x16xf32, #tpu.memory_space<vmem>>, vector<16xf32>,
        tpu.vector_store %arg19[%swap3A_415, %swap3A_416], %broadcast_in_dim3A_414 {strides = array<i32>} : memref<640x16xf32, #tpu.memory_space<vmem>>, vector<16xf32>,
        %get3A_418 = arith.index_cast %add3A_411 : i32 to index
        %get3A_419 = arith.constant 0 : index
        %get3A_420 = tpu.vector_load %arg18[%get3A_418, %get3A_419] {strides = array<i32>} : memref<640x16xf32, #tpu.memory_space<vmem>>, vector<16xf32>,
        %mul3A_421 = arith.mulf %get3A_420, %broadcast_in_dim3A_414 : vector<16xf32>
        %swap3A_422 = arith.index_cast %add3A_411 : i32 to index
        %swap3A_423 = arith.constant 0 : index
        %swap3A_424 = tpu.vector_load %arg18[%swap3A_422, %swap3A_423] {strides = array<i32>} : memref<640x16xf32, #tpu.memory_space<vmem>>, vector<16xf32>,
        tpu.vector_store %arg18[%swap3A_422, %swap3A_423], %mul3A_421 {strides = array<i32>} : memref<640x16xf32, #tpu.memory_space<vmem>>, vector<16xf32>,
        %mul3A_425 = arith.constant 16 : i32
        %mul3A_426 = arith.muli %add3A_254, %mul3A_425 : i32
        %add3A_427 = arith.constant 10 : i32
        %add3A_428 = arith.addi %mul3A_426, %add3A_427 : i32
        %slice3A_429 = vector.extract_strided_slice %get3A_257 {offsets = [10], sizes = [1], strides = [1]} : vector<16xf32> to vector<1xf32>
        %squeeze3A_430 = vector.extract %slice3A_429[0] : f32 from vector<1xf32>
        %broadcast_in_dim3A_431 = vector.broadcast %squeeze3A_430 : f32 to vector<16xf32>
        %swap3A_432 = arith.index_cast %add3A_428 : i32 to index
        %swap3A_433 = arith.constant 0 : index
        %swap3A_434 = tpu.vector_load %arg19[%swap3A_432, %swap3A_433] {strides = array<i32>} : memref<640x16xf32, #tpu.memory_space<vmem>>, vector<16xf32>,
        tpu.vector_store %arg19[%swap3A_432, %swap3A_433], %broadcast_in_dim3A_431 {strides = array<i32>} : memref<640x16xf32, #tpu.memory_space<vmem>>, vector<16xf32>,
        %get3A_435 = arith.index_cast %add3A_428 : i32 to index
        %get3A_436 = arith.constant 0 : index
        %get3A_437 = tpu.vector_load %arg18[%get3A_435, %get3A_436] {strides = array<i32>} : memref<640x16xf32, #tpu.memory_space<vmem>>, vector<16xf32>,
        %mul3A_438 = arith.mulf %get3A_437, %broadcast_in_dim3A_431 : vector<16xf32>
        %swap3A_439 = arith.index_cast %add3A_428 : i32 to index
        %swap3A_440 = arith.constant 0 : index
        %swap3A_441 = tpu.vector_load %arg18[%swap3A_439, %swap3A_440] {strides = array<i32>} : memref<640x16xf32, #tpu.memory_space<vmem>>, vector<16xf32>,
        tpu.vector_store %arg18[%swap3A_439, %swap3A_440], %mul3A_438 {strides = array<i32>} : memref<640x16xf32, #tpu.memory_space<vmem>>, vector<16xf32>,
        %mul3A_442 = arith.constant 16 : i32
        %mul3A_443 = arith.muli %add3A_254, %mul3A_442 : i32
        %add3A_444 = arith.constant 11 : i32
        %add3A_445 = arith.addi %mul3A_443, %add3A_444 : i32
        %slice3A_446 = vector.extract_strided_slice %get3A_257 {offsets = [11], sizes = [1], strides = [1]} : vector<16xf32> to vector<1xf32>
        %squeeze3A_447 = vector.extract %slice3A_446[0] : f32 from vector<1xf32>
        %broadcast_in_dim3A_448 = vector.broadcast %squeeze3A_447 : f32 to vector<16xf32>
        %swap3A_449 = arith.index_cast %add3A_445 : i32 to index
        %swap3A_450 = arith.constant 0 : index
        %swap3A_451 = tpu.vector_load %arg19[%swap3A_449, %swap3A_450] {strides = array<i32>} : memref<640x16xf32, #tpu.memory_space<vmem>>, vector<16xf32>,
        tpu.vector_store %arg19[%swap3A_449, %swap3A_450], %broadcast_in_dim3A_448 {strides = array<i32>} : memref<640x16xf32, #tpu.memory_space<vmem>>, vector<16xf32>,
        %get3A_452 = arith.index_cast %add3A_445 : i32 to index
        %get3A_453 = arith.constant 0 : index
        %get3A_454 = tpu.vector_load %arg18[%get3A_452, %get3A_453] {strides = array<i32>} : memref<640x16xf32, #tpu.memory_space<vmem>>, vector<16xf32>,
        %mul3A_455 = arith.mulf %get3A_454, %broadcast_in_dim3A_448 : vector<16xf32>
        %swap3A_456 = arith.index_cast %add3A_445 : i32 to index
        %swap3A_457 = arith.constant 0 : index
        %swap3A_458 = tpu.vector_load %arg18[%swap3A_456, %swap3A_457] {strides = array<i32>} : memref<640x16xf32, #tpu.memory_space<vmem>>, vector<16xf32>,
        tpu.vector_store %arg18[%swap3A_456, %swap3A_457], %mul3A_455 {strides = array<i32>} : memref<640x16xf32, #tpu.memory_space<vmem>>, vector<16xf32>,
        %mul3A_459 = arith.constant 16 : i32
        %mul3A_460 = arith.muli %add3A_254, %mul3A_459 : i32
        %add3A_461 = arith.constant 12 : i32
        %add3A_462 = arith.addi %mul3A_460, %add3A_461 : i32
        %slice3A_463 = vector.extract_strided_slice %get3A_257 {offsets = [12], sizes = [1], strides = [1]} : vector<16xf32> to vector<1xf32>
        %squeeze3A_464 = vector.extract %slice3A_463[0] : f32 from vector<1xf32>
        %broadcast_in_dim3A_465 = vector.broadcast %squeeze3A_464 : f32 to vector<16xf32>
        %swap3A_466 = arith.index_cast %add3A_462 : i32 to index
        %swap3A_467 = arith.constant 0 : index
        %swap3A_468 = tpu.vector_load %arg19[%swap3A_466, %swap3A_467] {strides = array<i32>} : memref<640x16xf32, #tpu.memory_space<vmem>>, vector<16xf32>,
        tpu.vector_store %arg19[%swap3A_466, %swap3A_467], %broadcast_in_dim3A_465 {strides = array<i32>} : memref<640x16xf32, #tpu.memory_space<vmem>>, vector<16xf32>,
        %get3A_469 = arith.index_cast %add3A_462 : i32 to index
        %get3A_470 = arith.constant 0 : index
        %get3A_471 = tpu.vector_load %arg18[%get3A_469, %get3A_470] {strides = array<i32>} : memref<640x16xf32, #tpu.memory_space<vmem>>, vector<16xf32>,
        %mul3A_472 = arith.mulf %get3A_471, %broadcast_in_dim3A_465 : vector<16xf32>
        %swap3A_473 = arith.index_cast %add3A_462 : i32 to index
        %swap3A_474 = arith.constant 0 : index
        %swap3A_475 = tpu.vector_load %arg18[%swap3A_473, %swap3A_474] {strides = array<i32>} : memref<640x16xf32, #tpu.memory_space<vmem>>, vector<16xf32>,
        tpu.vector_store %arg18[%swap3A_473, %swap3A_474], %mul3A_472 {strides = array<i32>} : memref<640x16xf32, #tpu.memory_space<vmem>>, vector<16xf32>,
        %mul3A_476 = arith.constant 16 : i32
        %mul3A_477 = arith.muli %add3A_254, %mul3A_476 : i32
        %add3A_478 = arith.constant 13 : i32
        %add3A_479 = arith.addi %mul3A_477, %add3A_478 : i32
        %slice3A_480 = vector.extract_strided_slice %get3A_257 {offsets = [13], sizes = [1], strides = [1]} : vector<16xf32> to vector<1xf32>
        %squeeze3A_481 = vector.extract %slice3A_480[0] : f32 from vector<1xf32>
        %broadcast_in_dim3A_482 = vector.broadcast %squeeze3A_481 : f32 to vector<16xf32>
        %swap3A_483 = arith.index_cast %add3A_479 : i32 to index
        %swap3A_484 = arith.constant 0 : index
        %swap3A_485 = tpu.vector_load %arg19[%swap3A_483, %swap3A_484] {strides = array<i32>} : memref<640x16xf32, #tpu.memory_space<vmem>>, vector<16xf32>,
        tpu.vector_store %arg19[%swap3A_483, %swap3A_484], %broadcast_in_dim3A_482 {strides = array<i32>} : memref<640x16xf32, #tpu.memory_space<vmem>>, vector<16xf32>,
        %get3A_486 = arith.index_cast %add3A_479 : i32 to index
        %get3A_487 = arith.constant 0 : index
        %get3A_488 = tpu.vector_load %arg18[%get3A_486, %get3A_487] {strides = array<i32>} : memref<640x16xf32, #tpu.memory_space<vmem>>, vector<16xf32>,
        %mul3A_489 = arith.mulf %get3A_488, %broadcast_in_dim3A_482 : vector<16xf32>
        %swap3A_490 = arith.index_cast %add3A_479 : i32 to index
        %swap3A_491 = arith.constant 0 : index
        %swap3A_492 = tpu.vector_load %arg18[%swap3A_490, %swap3A_491] {strides = array<i32>} : memref<640x16xf32, #tpu.memory_space<vmem>>, vector<16xf32>,
        tpu.vector_store %arg18[%swap3A_490, %swap3A_491], %mul3A_489 {strides = array<i32>} : memref<640x16xf32, #tpu.memory_space<vmem>>, vector<16xf32>,
        %mul3A_493 = arith.constant 16 : i32
        %mul3A_494 = arith.muli %add3A_254, %mul3A_493 : i32
        %add3A_495 = arith.constant 14 : i32
        %add3A_496 = arith.addi %mul3A_494, %add3A_495 : i32
        %slice3A_497 = vector.extract_strided_slice %get3A_257 {offsets = [14], sizes = [1], strides = [1]} : vector<16xf32> to vector<1xf32>
        %squeeze3A_498 = vector.extract %slice3A_497[0] : f32 from vector<1xf32>
        %broadcast_in_dim3A_499 = vector.broadcast %squeeze3A_498 : f32 to vector<16xf32>
        %swap3A_500 = arith.index_cast %add3A_496 : i32 to index
        %swap3A_501 = arith.constant 0 : index
        %swap3A_502 = tpu.vector_load %arg19[%swap3A_500, %swap3A_501] {strides = array<i32>} : memref<640x16xf32, #tpu.memory_space<vmem>>, vector<16xf32>,
        tpu.vector_store %arg19[%swap3A_500, %swap3A_501], %broadcast_in_dim3A_499 {strides = array<i32>} : memref<640x16xf32, #tpu.memory_space<vmem>>, vector<16xf32>,
        %get3A_503 = arith.index_cast %add3A_496 : i32 to index
        %get3A_504 = arith.constant 0 : index
        %get3A_505 = tpu.vector_load %arg18[%get3A_503, %get3A_504] {strides = array<i32>} : memref<640x16xf32, #tpu.memory_space<vmem>>, vector<16xf32>,
        %mul3A_506 = arith.mulf %get3A_505, %broadcast_in_dim3A_499 : vector<16xf32>
        %swap3A_507 = arith.index_cast %add3A_496 : i32 to index
        %swap3A_508 = arith.constant 0 : index
        %swap3A_509 = tpu.vector_load %arg18[%swap3A_507, %swap3A_508] {strides = array<i32>} : memref<640x16xf32, #tpu.memory_space<vmem>>, vector<16xf32>,
        tpu.vector_store %arg18[%swap3A_507, %swap3A_508], %mul3A_506 {strides = array<i32>} : memref<640x16xf32, #tpu.memory_space<vmem>>, vector<16xf32>,
        %mul3A_510 = arith.constant 16 : i32
        %mul3A_511 = arith.muli %add3A_254, %mul3A_510 : i32
        %add3A_512 = arith.constant 15 : i32
        %add3A_513 = arith.addi %mul3A_511, %add3A_512 : i32
        %slice3A_514 = vector.extract_strided_slice %get3A_257 {offsets = [15], sizes = [1], strides = [1]} : vector<16xf32> to vector<1xf32>
        %squeeze3A_515 = vector.extract %slice3A_514[0] : f32 from vector<1xf32>
        %broadcast_in_dim3A_516 = vector.broadcast %squeeze3A_515 : f32 to vector<16xf32>
        %swap3A_517 = arith.index_cast %add3A_513 : i32 to index
        %swap3A_518 = arith.constant 0 : index
        %swap3A_519 = tpu.vector_load %arg19[%swap3A_517, %swap3A_518] {strides = array<i32>} : memref<640x16xf32, #tpu.memory_space<vmem>>, vector<16xf32>,
        tpu.vector_store %arg19[%swap3A_517, %swap3A_518], %broadcast_in_dim3A_516 {strides = array<i32>} : memref<640x16xf32, #tpu.memory_space<vmem>>, vector<16xf32>,
        %get3A_520 = arith.index_cast %add3A_513 : i32 to index
        %get3A_521 = arith.constant 0 : index
        %get3A_522 = tpu.vector_load %arg18[%get3A_520, %get3A_521] {strides = array<i32>} : memref<640x16xf32, #tpu.memory_space<vmem>>, vector<16xf32>,
        %mul3A_523 = arith.mulf %get3A_522, %broadcast_in_dim3A_516 : vector<16xf32>
        %swap3A_524 = arith.index_cast %add3A_513 : i32 to index
        %swap3A_525 = arith.constant 0 : index
        %swap3A_526 = tpu.vector_load %arg18[%swap3A_524, %swap3A_525] {strides = array<i32>} : memref<640x16xf32, #tpu.memory_space<vmem>>, vector<16xf32>,
        tpu.vector_store %arg18[%swap3A_524, %swap3A_525], %mul3A_523 {strides = array<i32>} : memref<640x16xf32, #tpu.memory_space<vmem>>, vector<16xf32>,
      }
      %scan3A_40 = arith.constant 40 : i32
      %mul3A_41 = arith.constant 640 : i32
      %mul3A_42 = arith.muli %arg1, %mul3A_41 : i32
      "tpu.region"() ({
        %run_scoped3A = tpu.sem_alloc : memref<!tpu.dma_semaphore, #tpu.memory_space<semaphore_mem>>
        %dma_start3A_251 = arith.constant 0 : i32
        %dma_start3A_252 = tpu.memref_slice %arg10[%mul3A_42, %dma_start3A_251] : memref<10240x16xf32, #tpu.memory_space<hbm>> -> memref<640x16xf32, #tpu.memory_space<hbm>>
        %dma_start3A_253 = arith.constant 0 : i32
        %dma_start3A_254 = tpu.memref_slice %arg10[%mul3A_42, %dma_start3A_253] : memref<10240x16xf32, #tpu.memory_space<hbm>> -> memref<640x16xf32, #tpu.memory_space<hbm>>
        tpu.enqueue_dma source(%arg19 : memref<640x16xf32, #tpu.memory_space<vmem>>) target(%dma_start3A_254 : memref<640x16xf32, #tpu.memory_space<hbm>>) target_semaphore(%run_scoped3A : memref<!tpu.dma_semaphore, #tpu.memory_space<semaphore_mem>>)
        %dma_wait3A_255 = arith.constant 0 : i32
        %dma_wait3A_256 = tpu.memref_slice %arg10[%mul3A_42, %dma_wait3A_255] : memref<10240x16xf32, #tpu.memory_space<hbm>> -> memref<640x16xf32, #tpu.memory_space<hbm>>
        %dma_wait3A_257 = arith.constant 0 : i32
        %dma_wait3A_258 = tpu.memref_slice %arg10[%mul3A_42, %dma_wait3A_257] : memref<10240x16xf32, #tpu.memory_space<hbm>> -> memref<640x16xf32, #tpu.memory_space<hbm>>
        tpu.wait_dma2 semaphore(%run_scoped3A : memref<!tpu.dma_semaphore, #tpu.memory_space<semaphore_mem>>) src(%arg19 : memref<640x16xf32, #tpu.memory_space<vmem>>) dst(%dma_wait3A_258 : memref<640x16xf32, #tpu.memory_space<hbm>>)
        tpu.yield
      }) : () -> ()
      %mul3A_43 = arith.constant 640 : i32
      %mul3A_44 = arith.muli %arg1, %mul3A_43 : i32
      "tpu.region"() ({
        %run_scoped3A = tpu.sem_alloc : memref<!tpu.dma_semaphore, #tpu.memory_space<semaphore_mem>>
        %dma_start3A_251 = arith.constant 0 : i32
        %dma_start3A_252 = tpu.memref_slice %arg12[%mul3A_44, %dma_start3A_251] : memref<10240x16xf32, #tpu.memory_space<hbm>> -> memref<640x16xf32, #tpu.memory_space<hbm>>
        %dma_start3A_253 = arith.constant 0 : i32
        %dma_start3A_254 = tpu.memref_slice %arg12[%mul3A_44, %dma_start3A_253] : memref<10240x16xf32, #tpu.memory_space<hbm>> -> memref<640x16xf32, #tpu.memory_space<hbm>>
        tpu.enqueue_dma source(%arg18 : memref<640x16xf32, #tpu.memory_space<vmem>>) target(%dma_start3A_254 : memref<640x16xf32, #tpu.memory_space<hbm>>) target_semaphore(%run_scoped3A : memref<!tpu.dma_semaphore, #tpu.memory_space<semaphore_mem>>)
        %dma_wait3A_255 = arith.constant 0 : i32
        %dma_wait3A_256 = tpu.memref_slice %arg12[%mul3A_44, %dma_wait3A_255] : memref<10240x16xf32, #tpu.memory_space<hbm>> -> memref<640x16xf32, #tpu.memory_space<hbm>>
        %dma_wait3A_257 = arith.constant 0 : i32
        %dma_wait3A_258 = tpu.memref_slice %arg12[%mul3A_44, %dma_wait3A_257] : memref<10240x16xf32, #tpu.memory_space<hbm>> -> memref<640x16xf32, #tpu.memory_space<hbm>>
        tpu.wait_dma2 semaphore(%run_scoped3A : memref<!tpu.dma_semaphore, #tpu.memory_space<semaphore_mem>>) src(%arg18 : memref<640x16xf32, #tpu.memory_space<vmem>>) dst(%dma_wait3A_258 : memref<640x16xf32, #tpu.memory_space<hbm>>)
        tpu.yield
      }) : () -> ()
      %mul3A_45 = arith.constant 640 : i32
      %mul3A_46 = arith.muli %arg1, %mul3A_45 : i32
      "tpu.region"() ({
        %run_scoped3A = tpu.sem_alloc : memref<!tpu.dma_semaphore, #tpu.memory_space<semaphore_mem>>
        %dma_start3A_251 = arith.constant 0 : i32
        %dma_start3A_252 = tpu.memref_slice %arg22[%mul3A_46, %dma_start3A_251] : memref<10240x16xf32, #tpu.memory_space<vmem_shared>> -> memref<640x16xf32, #tpu.memory_space<vmem_shared>>
        %dma_start3A_253 = arith.constant 0 : i32
        %dma_start3A_254 = tpu.memref_slice %arg22[%mul3A_46, %dma_start3A_253] : memref<10240x16xf32, #tpu.memory_space<vmem_shared>> -> memref<640x16xf32, #tpu.memory_space<vmem_shared>>
        tpu.enqueue_dma source(%arg18 : memref<640x16xf32, #tpu.memory_space<vmem>>) target(%dma_start3A_254 : memref<640x16xf32, #tpu.memory_space<vmem_shared>>) target_semaphore(%run_scoped3A : memref<!tpu.dma_semaphore, #tpu.memory_space<semaphore_mem>>)
        %dma_wait3A_255 = arith.constant 0 : i32
        %dma_wait3A_256 = tpu.memref_slice %arg22[%mul3A_46, %dma_wait3A_255] : memref<10240x16xf32, #tpu.memory_space<vmem_shared>> -> memref<640x16xf32, #tpu.memory_space<vmem_shared>>
        %dma_wait3A_257 = arith.constant 0 : i32
        %dma_wait3A_258 = tpu.memref_slice %arg22[%mul3A_46, %dma_wait3A_257] : memref<10240x16xf32, #tpu.memory_space<vmem_shared>> -> memref<640x16xf32, #tpu.memory_space<vmem_shared>>
        tpu.wait_dma2 semaphore(%run_scoped3A : memref<!tpu.dma_semaphore, #tpu.memory_space<semaphore_mem>>) src(%arg18 : memref<640x16xf32, #tpu.memory_space<vmem>>) dst(%dma_wait3A_258 : memref<640x16xf32, #tpu.memory_space<vmem_shared>>)
        tpu.yield
      }) : () -> ()
      %barrier3A_47 = arith.constant 0 : index
      tpu.barrier barrier_id(%barrier3A_47)
      %dma_start3A = arith.constant 0 : i32
      %dma_start3A_48 = tpu.memref_slice %arg14[%dma_start3A] : memref<20000xi32, #tpu.memory_space<vmem>> -> memref<1000xi32, #tpu.memory_space<vmem>>
      %dma_start3A_49 = arith.constant 0 : i32
      %dma_start3A_50 = arith.constant 0 : i32
      %dma_start3A_51 = tpu.memref_slice %arg12[%dma_start3A_49, %dma_start3A_50] : memref<10240x16xf32, #tpu.memory_space<hbm>> -> memref<10240x16xf32, #tpu.memory_space<hbm>>
      tpu.enqueue_indirect_dma source(%dma_start3A_51 : memref<10240x16xf32, #tpu.memory_space<hbm>>) target(%arg16 : memref<1000x16xf32, #tpu.memory_space<vmem>>) offsets(%dma_start3A_48 : memref<1000xi32, #tpu.memory_space<vmem>>) semaphore(%arg24 : memref<!tpu.dma_semaphore, #tpu.memory_space<semaphore_mem>>)
      %dma_start3A_52 = arith.constant 1000 : i32
      %dma_start3A_53 = tpu.memref_slice %arg14[%dma_start3A_52] : memref<20000xi32, #tpu.memory_space<vmem>> -> memref<1000xi32, #tpu.memory_space<vmem>>
      %dma_start3A_54 = arith.constant 0 : i32
      %dma_start3A_55 = arith.constant 0 : i32
      %dma_start3A_56 = tpu.memref_slice %arg12[%dma_start3A_54, %dma_start3A_55] : memref<10240x16xf32, #tpu.memory_space<hbm>> -> memref<10240x16xf32, #tpu.memory_space<hbm>>
      tpu.enqueue_indirect_dma source(%dma_start3A_56 : memref<10240x16xf32, #tpu.memory_space<hbm>>) target(%arg17 : memref<1000x16xf32, #tpu.memory_space<vmem>>) offsets(%dma_start3A_53 : memref<1000xi32, #tpu.memory_space<vmem>>) semaphore(%arg25 : memref<!tpu.dma_semaphore, #tpu.memory_space<semaphore_mem>>)
      %dma_wait3A = arith.constant 0 : i32
      %dma_wait3A_57 = tpu.memref_slice %arg14[%dma_wait3A] : memref<20000xi32, #tpu.memory_space<vmem>> -> memref<1000xi32, #tpu.memory_space<vmem>>
      %dma_wait3A_58 = arith.constant 0 : i32
      %dma_wait3A_59 = arith.constant 0 : i32
      %dma_wait3A_60 = tpu.memref_slice %arg12[%dma_wait3A_58, %dma_wait3A_59] : memref<10240x16xf32, #tpu.memory_space<hbm>> -> memref<10240x16xf32, #tpu.memory_space<hbm>>
      tpu.wait_indirect_dma semaphore(%arg24 : memref<!tpu.dma_semaphore, #tpu.memory_space<semaphore_mem>>) src(%dma_wait3A_60 : memref<10240x16xf32, #tpu.memory_space<hbm>>) dst(%arg16 : memref<1000x16xf32, #tpu.memory_space<vmem>>)
      "tpu.region"() ({
        %run_scoped3A = tpu.sem_alloc : memref<!tpu.dma_semaphore, #tpu.memory_space<semaphore_mem>>
        %dma_start3A_251 = arith.constant 0 : i32
        %dma_start3A_252 = tpu.memref_slice %arg15[%dma_start3A_251] : memref<20000xi32, #tpu.memory_space<vmem>> -> memref<1000xi32, #tpu.memory_space<vmem>>
        %dma_start3A_253 = arith.constant 0 : i32
        %dma_start3A_254 = arith.constant 0 : i32
        %dma_start3A_255 = tpu.memref_slice %arg22[%dma_start3A_253, %dma_start3A_254] : memref<10240x16xf32, #tpu.memory_space<vmem_shared>> -> memref<10240x16xf32, #tpu.memory_space<vmem_shared>>
        tpu.enqueue_indirect_dma source(%arg16 : memref<1000x16xf32, #tpu.memory_space<vmem>>) target(%dma_start3A_255 : memref<10240x16xf32, #tpu.memory_space<vmem_shared>>) offsets(%dma_start3A_252 : memref<1000xi32, #tpu.memory_space<vmem>>) semaphore(%run_scoped3A : memref<!tpu.dma_semaphore, #tpu.memory_space<semaphore_mem>>) {add = true}
        %dma_wait3A_256 = arith.constant 0 : i32
        %dma_wait3A_257 = tpu.memref_slice %arg15[%dma_wait3A_256] : memref<20000xi32, #tpu.memory_space<vmem>> -> memref<1000xi32, #tpu.memory_space<vmem>>
        %dma_wait3A_258 = arith.constant 0 : i32
        %dma_wait3A_259 = arith.constant 0 : i32
        %dma_wait3A_260 = tpu.memref_slice %arg22[%dma_wait3A_258, %dma_wait3A_259] : memref<10240x16xf32, #tpu.memory_space<vmem_shared>> -> memref<10240x16xf32, #tpu.memory_space<vmem_shared>>
        tpu.wait_indirect_dma semaphore(%run_scoped3A : memref<!tpu.dma_semaphore, #tpu.memory_space<semaphore_mem>>) src(%arg16 : memref<1000x16xf32, #tpu.memory_space<vmem>>) dst(%dma_wait3A_260 : memref<10240x16xf32, #tpu.memory_space<vmem_shared>>)
        tpu.yield
      }) : () -> ()
      %dma_start3A_61 = arith.constant 2000 : i32
      %dma_start3A_62 = tpu.memref_slice %arg14[%dma_start3A_61] : memref<20000xi32, #tpu.memory_space<vmem>> -> memref<1000xi32, #tpu.memory_space<vmem>>
      %dma_start3A_63 = arith.constant 0 : i32
      %dma_start3A_64 = arith.constant 0 : i32
      %dma_start3A_65 = tpu.memref_slice %arg12[%dma_start3A_63, %dma_start3A_64] : memref<10240x16xf32, #tpu.memory_space<hbm>> -> memref<10240x16xf32, #tpu.memory_space<hbm>>
      tpu.enqueue_indirect_dma source(%dma_start3A_65 : memref<10240x16xf32, #tpu.memory_space<hbm>>) target(%arg16 : memref<1000x16xf32, #tpu.memory_space<vmem>>) offsets(%dma_start3A_62 : memref<1000xi32, #tpu.memory_space<vmem>>) semaphore(%arg24 : memref<!tpu.dma_semaphore, #tpu.memory_space<semaphore_mem>>)
      %dma_wait3A_66 = arith.constant 1000 : i32
      %dma_wait3A_67 = tpu.memref_slice %arg14[%dma_wait3A_66] : memref<20000xi32, #tpu.memory_space<vmem>> -> memref<1000xi32, #tpu.memory_space<vmem>>
      %dma_wait3A_68 = arith.constant 0 : i32
      %dma_wait3A_69 = arith.constant 0 : i32
      %dma_wait3A_70 = tpu.memref_slice %arg12[%dma_wait3A_68, %dma_wait3A_69] : memref<10240x16xf32, #tpu.memory_space<hbm>> -> memref<10240x16xf32, #tpu.memory_space<hbm>>
      tpu.wait_indirect_dma semaphore(%arg25 : memref<!tpu.dma_semaphore, #tpu.memory_space<semaphore_mem>>) src(%dma_wait3A_70 : memref<10240x16xf32, #tpu.memory_space<hbm>>) dst(%arg17 : memref<1000x16xf32, #tpu.memory_space<vmem>>)
      "tpu.region"() ({
        %run_scoped3A = tpu.sem_alloc : memref<!tpu.dma_semaphore, #tpu.memory_space<semaphore_mem>>
        %dma_start3A_251 = arith.constant 1000 : i32
        %dma_start3A_252 = tpu.memref_slice %arg15[%dma_start3A_251] : memref<20000xi32, #tpu.memory_space<vmem>> -> memref<1000xi32, #tpu.memory_space<vmem>>
        %dma_start3A_253 = arith.constant 0 : i32
        %dma_start3A_254 = arith.constant 0 : i32
        %dma_start3A_255 = tpu.memref_slice %arg22[%dma_start3A_253, %dma_start3A_254] : memref<10240x16xf32, #tpu.memory_space<vmem_shared>> -> memref<10240x16xf32, #tpu.memory_space<vmem_shared>>
        tpu.enqueue_indirect_dma source(%arg17 : memref<1000x16xf32, #tpu.memory_space<vmem>>) target(%dma_start3A_255 : memref<10240x16xf32, #tpu.memory_space<vmem_shared>>) offsets(%dma_start3A_252 : memref<1000xi32, #tpu.memory_space<vmem>>) semaphore(%run_scoped3A : memref<!tpu.dma_semaphore, #tpu.memory_space<semaphore_mem>>) {add = true}
        %dma_wait3A_256 = arith.constant 1000 : i32
        %dma_wait3A_257 = tpu.memref_slice %arg15[%dma_wait3A_256] : memref<20000xi32, #tpu.memory_space<vmem>> -> memref<1000xi32, #tpu.memory_space<vmem>>
        %dma_wait3A_258 = arith.constant 0 : i32
        %dma_wait3A_259 = arith.constant 0 : i32
        %dma_wait3A_260 = tpu.memref_slice %arg22[%dma_wait3A_258, %dma_wait3A_259] : memref<10240x16xf32, #tpu.memory_space<vmem_shared>> -> memref<10240x16xf32, #tpu.memory_space<vmem_shared>>
        tpu.wait_indirect_dma semaphore(%run_scoped3A : memref<!tpu.dma_semaphore, #tpu.memory_space<semaphore_mem>>) src(%arg17 : memref<1000x16xf32, #tpu.memory_space<vmem>>) dst(%dma_wait3A_260 : memref<10240x16xf32, #tpu.memory_space<vmem_shared>>)
        tpu.yield
      }) : () -> ()
      %dma_start3A_71 = arith.constant 3000 : i32
      %dma_start3A_72 = tpu.memref_slice %arg14[%dma_start3A_71] : memref<20000xi32, #tpu.memory_space<vmem>> -> memref<1000xi32, #tpu.memory_space<vmem>>
      %dma_start3A_73 = arith.constant 0 : i32
      %dma_start3A_74 = arith.constant 0 : i32
      %dma_start3A_75 = tpu.memref_slice %arg12[%dma_start3A_73, %dma_start3A_74] : memref<10240x16xf32, #tpu.memory_space<hbm>> -> memref<10240x16xf32, #tpu.memory_space<hbm>>
      tpu.enqueue_indirect_dma source(%dma_start3A_75 : memref<10240x16xf32, #tpu.memory_space<hbm>>) target(%arg17 : memref<1000x16xf32, #tpu.memory_space<vmem>>) offsets(%dma_start3A_72 : memref<1000xi32, #tpu.memory_space<vmem>>) semaphore(%arg25 : memref<!tpu.dma_semaphore, #tpu.memory_space<semaphore_mem>>)
      %dma_wait3A_76 = arith.constant 2000 : i32
      %dma_wait3A_77 = tpu.memref_slice %arg14[%dma_wait3A_76] : memref<20000xi32, #tpu.memory_space<vmem>> -> memref<1000xi32, #tpu.memory_space<vmem>>
      %dma_wait3A_78 = arith.constant 0 : i32
      %dma_wait3A_79 = arith.constant 0 : i32
      %dma_wait3A_80 = tpu.memref_slice %arg12[%dma_wait3A_78, %dma_wait3A_79] : memref<10240x16xf32, #tpu.memory_space<hbm>> -> memref<10240x16xf32, #tpu.memory_space<hbm>>
      tpu.wait_indirect_dma semaphore(%arg24 : memref<!tpu.dma_semaphore, #tpu.memory_space<semaphore_mem>>) src(%dma_wait3A_80 : memref<10240x16xf32, #tpu.memory_space<hbm>>) dst(%arg16 : memref<1000x16xf32, #tpu.memory_space<vmem>>)
      "tpu.region"() ({
        %run_scoped3A = tpu.sem_alloc : memref<!tpu.dma_semaphore, #tpu.memory_space<semaphore_mem>>
        %dma_start3A_251 = arith.constant 2000 : i32
        %dma_start3A_252 = tpu.memref_slice %arg15[%dma_start3A_251] : memref<20000xi32, #tpu.memory_space<vmem>> -> memref<1000xi32, #tpu.memory_space<vmem>>
        %dma_start3A_253 = arith.constant 0 : i32
        %dma_start3A_254 = arith.constant 0 : i32
        %dma_start3A_255 = tpu.memref_slice %arg22[%dma_start3A_253, %dma_start3A_254] : memref<10240x16xf32, #tpu.memory_space<vmem_shared>> -> memref<10240x16xf32, #tpu.memory_space<vmem_shared>>
        tpu.enqueue_indirect_dma source(%arg16 : memref<1000x16xf32, #tpu.memory_space<vmem>>) target(%dma_start3A_255 : memref<10240x16xf32, #tpu.memory_space<vmem_shared>>) offsets(%dma_start3A_252 : memref<1000xi32, #tpu.memory_space<vmem>>) semaphore(%run_scoped3A : memref<!tpu.dma_semaphore, #tpu.memory_space<semaphore_mem>>) {add = true}
        %dma_wait3A_256 = arith.constant 2000 : i32
        %dma_wait3A_257 = tpu.memref_slice %arg15[%dma_wait3A_256] : memref<20000xi32, #tpu.memory_space<vmem>> -> memref<1000xi32, #tpu.memory_space<vmem>>
        %dma_wait3A_258 = arith.constant 0 : i32
        %dma_wait3A_259 = arith.constant 0 : i32
        %dma_wait3A_260 = tpu.memref_slice %arg22[%dma_wait3A_258, %dma_wait3A_259] : memref<10240x16xf32, #tpu.memory_space<vmem_shared>> -> memref<10240x16xf32, #tpu.memory_space<vmem_shared>>
        tpu.wait_indirect_dma semaphore(%run_scoped3A : memref<!tpu.dma_semaphore, #tpu.memory_space<semaphore_mem>>) src(%arg16 : memref<1000x16xf32, #tpu.memory_space<vmem>>) dst(%dma_wait3A_260 : memref<10240x16xf32, #tpu.memory_space<vmem_shared>>)
        tpu.yield
      }) : () -> ()
      %dma_start3A_81 = arith.constant 4000 : i32
      %dma_start3A_82 = tpu.memref_slice %arg14[%dma_start3A_81] : memref<20000xi32, #tpu.memory_space<vmem>> -> memref<1000xi32, #tpu.memory_space<vmem>>
      %dma_start3A_83 = arith.constant 0 : i32
      %dma_start3A_84 = arith.constant 0 : i32
      %dma_start3A_85 = tpu.memref_slice %arg12[%dma_start3A_83, %dma_start3A_84] : memref<10240x16xf32, #tpu.memory_space<hbm>> -> memref<10240x16xf32, #tpu.memory_space<hbm>>
      tpu.enqueue_indirect_dma source(%dma_start3A_85 : memref<10240x16xf32, #tpu.memory_space<hbm>>) target(%arg16 : memref<1000x16xf32, #tpu.memory_space<vmem>>) offsets(%dma_start3A_82 : memref<1000xi32, #tpu.memory_space<vmem>>) semaphore(%arg24 : memref<!tpu.dma_semaphore, #tpu.memory_space<semaphore_mem>>)
      %dma_wait3A_86 = arith.constant 3000 : i32
      %dma_wait3A_87 = tpu.memref_slice %arg14[%dma_wait3A_86] : memref<20000xi32, #tpu.memory_space<vmem>> -> memref<1000xi32, #tpu.memory_space<vmem>>
      %dma_wait3A_88 = arith.constant 0 : i32
      %dma_wait3A_89 = arith.constant 0 : i32
      %dma_wait3A_90 = tpu.memref_slice %arg12[%dma_wait3A_88, %dma_wait3A_89] : memref<10240x16xf32, #tpu.memory_space<hbm>> -> memref<10240x16xf32, #tpu.memory_space<hbm>>
      tpu.wait_indirect_dma semaphore(%arg25 : memref<!tpu.dma_semaphore, #tpu.memory_space<semaphore_mem>>) src(%dma_wait3A_90 : memref<10240x16xf32, #tpu.memory_space<hbm>>) dst(%arg17 : memref<1000x16xf32, #tpu.memory_space<vmem>>)
      "tpu.region"() ({
        %run_scoped3A = tpu.sem_alloc : memref<!tpu.dma_semaphore, #tpu.memory_space<semaphore_mem>>
        %dma_start3A_251 = arith.constant 3000 : i32
        %dma_start3A_252 = tpu.memref_slice %arg15[%dma_start3A_251] : memref<20000xi32, #tpu.memory_space<vmem>> -> memref<1000xi32, #tpu.memory_space<vmem>>
        %dma_start3A_253 = arith.constant 0 : i32
        %dma_start3A_254 = arith.constant 0 : i32
        %dma_start3A_255 = tpu.memref_slice %arg22[%dma_start3A_253, %dma_start3A_254] : memref<10240x16xf32, #tpu.memory_space<vmem_shared>> -> memref<10240x16xf32, #tpu.memory_space<vmem_shared>>
        tpu.enqueue_indirect_dma source(%arg17 : memref<1000x16xf32, #tpu.memory_space<vmem>>) target(%dma_start3A_255 : memref<10240x16xf32, #tpu.memory_space<vmem_shared>>) offsets(%dma_start3A_252 : memref<1000xi32, #tpu.memory_space<vmem>>) semaphore(%run_scoped3A : memref<!tpu.dma_semaphore, #tpu.memory_space<semaphore_mem>>) {add = true}
        %dma_wait3A_256 = arith.constant 3000 : i32
        %dma_wait3A_257 = tpu.memref_slice %arg15[%dma_wait3A_256] : memref<20000xi32, #tpu.memory_space<vmem>> -> memref<1000xi32, #tpu.memory_space<vmem>>
        %dma_wait3A_258 = arith.constant 0 : i32
        %dma_wait3A_259 = arith.constant 0 : i32
        %dma_wait3A_260 = tpu.memref_slice %arg22[%dma_wait3A_258, %dma_wait3A_259] : memref<10240x16xf32, #tpu.memory_space<vmem_shared>> -> memref<10240x16xf32, #tpu.memory_space<vmem_shared>>
        tpu.wait_indirect_dma semaphore(%run_scoped3A : memref<!tpu.dma_semaphore, #tpu.memory_space<semaphore_mem>>) src(%arg17 : memref<1000x16xf32, #tpu.memory_space<vmem>>) dst(%dma_wait3A_260 : memref<10240x16xf32, #tpu.memory_space<vmem_shared>>)
        tpu.yield
      }) : () -> ()
      %dma_start3A_91 = arith.constant 5000 : i32
      %dma_start3A_92 = tpu.memref_slice %arg14[%dma_start3A_91] : memref<20000xi32, #tpu.memory_space<vmem>> -> memref<1000xi32, #tpu.memory_space<vmem>>
      %dma_start3A_93 = arith.constant 0 : i32
      %dma_start3A_94 = arith.constant 0 : i32
      %dma_start3A_95 = tpu.memref_slice %arg12[%dma_start3A_93, %dma_start3A_94] : memref<10240x16xf32, #tpu.memory_space<hbm>> -> memref<10240x16xf32, #tpu.memory_space<hbm>>
      tpu.enqueue_indirect_dma source(%dma_start3A_95 : memref<10240x16xf32, #tpu.memory_space<hbm>>) target(%arg17 : memref<1000x16xf32, #tpu.memory_space<vmem>>) offsets(%dma_start3A_92 : memref<1000xi32, #tpu.memory_space<vmem>>) semaphore(%arg25 : memref<!tpu.dma_semaphore, #tpu.memory_space<semaphore_mem>>)
      %dma_wait3A_96 = arith.constant 4000 : i32
      %dma_wait3A_97 = tpu.memref_slice %arg14[%dma_wait3A_96] : memref<20000xi32, #tpu.memory_space<vmem>> -> memref<1000xi32, #tpu.memory_space<vmem>>
      %dma_wait3A_98 = arith.constant 0 : i32
      %dma_wait3A_99 = arith.constant 0 : i32
      %dma_wait3A_100 = tpu.memref_slice %arg12[%dma_wait3A_98, %dma_wait3A_99] : memref<10240x16xf32, #tpu.memory_space<hbm>> -> memref<10240x16xf32, #tpu.memory_space<hbm>>
      tpu.wait_indirect_dma semaphore(%arg24 : memref<!tpu.dma_semaphore, #tpu.memory_space<semaphore_mem>>) src(%dma_wait3A_100 : memref<10240x16xf32, #tpu.memory_space<hbm>>) dst(%arg16 : memref<1000x16xf32, #tpu.memory_space<vmem>>)
      "tpu.region"() ({
        %run_scoped3A = tpu.sem_alloc : memref<!tpu.dma_semaphore, #tpu.memory_space<semaphore_mem>>
        %dma_start3A_251 = arith.constant 4000 : i32
        %dma_start3A_252 = tpu.memref_slice %arg15[%dma_start3A_251] : memref<20000xi32, #tpu.memory_space<vmem>> -> memref<1000xi32, #tpu.memory_space<vmem>>
        %dma_start3A_253 = arith.constant 0 : i32
        %dma_start3A_254 = arith.constant 0 : i32
        %dma_start3A_255 = tpu.memref_slice %arg22[%dma_start3A_253, %dma_start3A_254] : memref<10240x16xf32, #tpu.memory_space<vmem_shared>> -> memref<10240x16xf32, #tpu.memory_space<vmem_shared>>
        tpu.enqueue_indirect_dma source(%arg16 : memref<1000x16xf32, #tpu.memory_space<vmem>>) target(%dma_start3A_255 : memref<10240x16xf32, #tpu.memory_space<vmem_shared>>) offsets(%dma_start3A_252 : memref<1000xi32, #tpu.memory_space<vmem>>) semaphore(%run_scoped3A : memref<!tpu.dma_semaphore, #tpu.memory_space<semaphore_mem>>) {add = true}
        %dma_wait3A_256 = arith.constant 4000 : i32
        %dma_wait3A_257 = tpu.memref_slice %arg15[%dma_wait3A_256] : memref<20000xi32, #tpu.memory_space<vmem>> -> memref<1000xi32, #tpu.memory_space<vmem>>
        %dma_wait3A_258 = arith.constant 0 : i32
        %dma_wait3A_259 = arith.constant 0 : i32
        %dma_wait3A_260 = tpu.memref_slice %arg22[%dma_wait3A_258, %dma_wait3A_259] : memref<10240x16xf32, #tpu.memory_space<vmem_shared>> -> memref<10240x16xf32, #tpu.memory_space<vmem_shared>>
        tpu.wait_indirect_dma semaphore(%run_scoped3A : memref<!tpu.dma_semaphore, #tpu.memory_space<semaphore_mem>>) src(%arg16 : memref<1000x16xf32, #tpu.memory_space<vmem>>) dst(%dma_wait3A_260 : memref<10240x16xf32, #tpu.memory_space<vmem_shared>>)
        tpu.yield
      }) : () -> ()
      %dma_start3A_101 = arith.constant 6000 : i32
      %dma_start3A_102 = tpu.memref_slice %arg14[%dma_start3A_101] : memref<20000xi32, #tpu.memory_space<vmem>> -> memref<1000xi32, #tpu.memory_space<vmem>>
      %dma_start3A_103 = arith.constant 0 : i32
      %dma_start3A_104 = arith.constant 0 : i32
      %dma_start3A_105 = tpu.memref_slice %arg12[%dma_start3A_103, %dma_start3A_104] : memref<10240x16xf32, #tpu.memory_space<hbm>> -> memref<10240x16xf32, #tpu.memory_space<hbm>>
      tpu.enqueue_indirect_dma source(%dma_start3A_105 : memref<10240x16xf32, #tpu.memory_space<hbm>>) target(%arg16 : memref<1000x16xf32, #tpu.memory_space<vmem>>) offsets(%dma_start3A_102 : memref<1000xi32, #tpu.memory_space<vmem>>) semaphore(%arg24 : memref<!tpu.dma_semaphore, #tpu.memory_space<semaphore_mem>>)
      %dma_wait3A_106 = arith.constant 5000 : i32
      %dma_wait3A_107 = tpu.memref_slice %arg14[%dma_wait3A_106] : memref<20000xi32, #tpu.memory_space<vmem>> -> memref<1000xi32, #tpu.memory_space<vmem>>
      %dma_wait3A_108 = arith.constant 0 : i32
      %dma_wait3A_109 = arith.constant 0 : i32
      %dma_wait3A_110 = tpu.memref_slice %arg12[%dma_wait3A_108, %dma_wait3A_109] : memref<10240x16xf32, #tpu.memory_space<hbm>> -> memref<10240x16xf32, #tpu.memory_space<hbm>>
      tpu.wait_indirect_dma semaphore(%arg25 : memref<!tpu.dma_semaphore, #tpu.memory_space<semaphore_mem>>) src(%dma_wait3A_110 : memref<10240x16xf32, #tpu.memory_space<hbm>>) dst(%arg17 : memref<1000x16xf32, #tpu.memory_space<vmem>>)
      "tpu.region"() ({
        %run_scoped3A = tpu.sem_alloc : memref<!tpu.dma_semaphore, #tpu.memory_space<semaphore_mem>>
        %dma_start3A_251 = arith.constant 5000 : i32
        %dma_start3A_252 = tpu.memref_slice %arg15[%dma_start3A_251] : memref<20000xi32, #tpu.memory_space<vmem>> -> memref<1000xi32, #tpu.memory_space<vmem>>
        %dma_start3A_253 = arith.constant 0 : i32
        %dma_start3A_254 = arith.constant 0 : i32
        %dma_start3A_255 = tpu.memref_slice %arg22[%dma_start3A_253, %dma_start3A_254] : memref<10240x16xf32, #tpu.memory_space<vmem_shared>> -> memref<10240x16xf32, #tpu.memory_space<vmem_shared>>
        tpu.enqueue_indirect_dma source(%arg17 : memref<1000x16xf32, #tpu.memory_space<vmem>>) target(%dma_start3A_255 : memref<10240x16xf32, #tpu.memory_space<vmem_shared>>) offsets(%dma_start3A_252 : memref<1000xi32, #tpu.memory_space<vmem>>) semaphore(%run_scoped3A : memref<!tpu.dma_semaphore, #tpu.memory_space<semaphore_mem>>) {add = true}
        %dma_wait3A_256 = arith.constant 5000 : i32
        %dma_wait3A_257 = tpu.memref_slice %arg15[%dma_wait3A_256] : memref<20000xi32, #tpu.memory_space<vmem>> -> memref<1000xi32, #tpu.memory_space<vmem>>
        %dma_wait3A_258 = arith.constant 0 : i32
        %dma_wait3A_259 = arith.constant 0 : i32
        %dma_wait3A_260 = tpu.memref_slice %arg22[%dma_wait3A_258, %dma_wait3A_259] : memref<10240x16xf32, #tpu.memory_space<vmem_shared>> -> memref<10240x16xf32, #tpu.memory_space<vmem_shared>>
        tpu.wait_indirect_dma semaphore(%run_scoped3A : memref<!tpu.dma_semaphore, #tpu.memory_space<semaphore_mem>>) src(%arg17 : memref<1000x16xf32, #tpu.memory_space<vmem>>) dst(%dma_wait3A_260 : memref<10240x16xf32, #tpu.memory_space<vmem_shared>>)
        tpu.yield
      }) : () -> ()
      %dma_start3A_111 = arith.constant 7000 : i32
      %dma_start3A_112 = tpu.memref_slice %arg14[%dma_start3A_111] : memref<20000xi32, #tpu.memory_space<vmem>> -> memref<1000xi32, #tpu.memory_space<vmem>>
      %dma_start3A_113 = arith.constant 0 : i32
      %dma_start3A_114 = arith.constant 0 : i32
      %dma_start3A_115 = tpu.memref_slice %arg12[%dma_start3A_113, %dma_start3A_114] : memref<10240x16xf32, #tpu.memory_space<hbm>> -> memref<10240x16xf32, #tpu.memory_space<hbm>>
      tpu.enqueue_indirect_dma source(%dma_start3A_115 : memref<10240x16xf32, #tpu.memory_space<hbm>>) target(%arg17 : memref<1000x16xf32, #tpu.memory_space<vmem>>) offsets(%dma_start3A_112 : memref<1000xi32, #tpu.memory_space<vmem>>) semaphore(%arg25 : memref<!tpu.dma_semaphore, #tpu.memory_space<semaphore_mem>>)
      %dma_wait3A_116 = arith.constant 6000 : i32
      %dma_wait3A_117 = tpu.memref_slice %arg14[%dma_wait3A_116] : memref<20000xi32, #tpu.memory_space<vmem>> -> memref<1000xi32, #tpu.memory_space<vmem>>
      %dma_wait3A_118 = arith.constant 0 : i32
      %dma_wait3A_119 = arith.constant 0 : i32
      %dma_wait3A_120 = tpu.memref_slice %arg12[%dma_wait3A_118, %dma_wait3A_119] : memref<10240x16xf32, #tpu.memory_space<hbm>> -> memref<10240x16xf32, #tpu.memory_space<hbm>>
      tpu.wait_indirect_dma semaphore(%arg24 : memref<!tpu.dma_semaphore, #tpu.memory_space<semaphore_mem>>) src(%dma_wait3A_120 : memref<10240x16xf32, #tpu.memory_space<hbm>>) dst(%arg16 : memref<1000x16xf32, #tpu.memory_space<vmem>>)
      "tpu.region"() ({
        %run_scoped3A = tpu.sem_alloc : memref<!tpu.dma_semaphore, #tpu.memory_space<semaphore_mem>>
        %dma_start3A_251 = arith.constant 6000 : i32
        %dma_start3A_252 = tpu.memref_slice %arg15[%dma_start3A_251] : memref<20000xi32, #tpu.memory_space<vmem>> -> memref<1000xi32, #tpu.memory_space<vmem>>
        %dma_start3A_253 = arith.constant 0 : i32
        %dma_start3A_254 = arith.constant 0 : i32
        %dma_start3A_255 = tpu.memref_slice %arg22[%dma_start3A_253, %dma_start3A_254] : memref<10240x16xf32, #tpu.memory_space<vmem_shared>> -> memref<10240x16xf32, #tpu.memory_space<vmem_shared>>
        tpu.enqueue_indirect_dma source(%arg16 : memref<1000x16xf32, #tpu.memory_space<vmem>>) target(%dma_start3A_255 : memref<10240x16xf32, #tpu.memory_space<vmem_shared>>) offsets(%dma_start3A_252 : memref<1000xi32, #tpu.memory_space<vmem>>) semaphore(%run_scoped3A : memref<!tpu.dma_semaphore, #tpu.memory_space<semaphore_mem>>) {add = true}
        %dma_wait3A_256 = arith.constant 6000 : i32
        %dma_wait3A_257 = tpu.memref_slice %arg15[%dma_wait3A_256] : memref<20000xi32, #tpu.memory_space<vmem>> -> memref<1000xi32, #tpu.memory_space<vmem>>
        %dma_wait3A_258 = arith.constant 0 : i32
        %dma_wait3A_259 = arith.constant 0 : i32
        %dma_wait3A_260 = tpu.memref_slice %arg22[%dma_wait3A_258, %dma_wait3A_259] : memref<10240x16xf32, #tpu.memory_space<vmem_shared>> -> memref<10240x16xf32, #tpu.memory_space<vmem_shared>>
        tpu.wait_indirect_dma semaphore(%run_scoped3A : memref<!tpu.dma_semaphore, #tpu.memory_space<semaphore_mem>>) src(%arg16 : memref<1000x16xf32, #tpu.memory_space<vmem>>) dst(%dma_wait3A_260 : memref<10240x16xf32, #tpu.memory_space<vmem_shared>>)
        tpu.yield
      }) : () -> ()
      %dma_start3A_121 = arith.constant 8000 : i32
      %dma_start3A_122 = tpu.memref_slice %arg14[%dma_start3A_121] : memref<20000xi32, #tpu.memory_space<vmem>> -> memref<1000xi32, #tpu.memory_space<vmem>>
      %dma_start3A_123 = arith.constant 0 : i32
      %dma_start3A_124 = arith.constant 0 : i32
      %dma_start3A_125 = tpu.memref_slice %arg12[%dma_start3A_123, %dma_start3A_124] : memref<10240x16xf32, #tpu.memory_space<hbm>> -> memref<10240x16xf32, #tpu.memory_space<hbm>>
      tpu.enqueue_indirect_dma source(%dma_start3A_125 : memref<10240x16xf32, #tpu.memory_space<hbm>>) target(%arg16 : memref<1000x16xf32, #tpu.memory_space<vmem>>) offsets(%dma_start3A_122 : memref<1000xi32, #tpu.memory_space<vmem>>) semaphore(%arg24 : memref<!tpu.dma_semaphore, #tpu.memory_space<semaphore_mem>>)
      %dma_wait3A_126 = arith.constant 7000 : i32
      %dma_wait3A_127 = tpu.memref_slice %arg14[%dma_wait3A_126] : memref<20000xi32, #tpu.memory_space<vmem>> -> memref<1000xi32, #tpu.memory_space<vmem>>
      %dma_wait3A_128 = arith.constant 0 : i32
      %dma_wait3A_129 = arith.constant 0 : i32
      %dma_wait3A_130 = tpu.memref_slice %arg12[%dma_wait3A_128, %dma_wait3A_129] : memref<10240x16xf32, #tpu.memory_space<hbm>> -> memref<10240x16xf32, #tpu.memory_space<hbm>>
      tpu.wait_indirect_dma semaphore(%arg25 : memref<!tpu.dma_semaphore, #tpu.memory_space<semaphore_mem>>) src(%dma_wait3A_130 : memref<10240x16xf32, #tpu.memory_space<hbm>>) dst(%arg17 : memref<1000x16xf32, #tpu.memory_space<vmem>>)
      "tpu.region"() ({
        %run_scoped3A = tpu.sem_alloc : memref<!tpu.dma_semaphore, #tpu.memory_space<semaphore_mem>>
        %dma_start3A_251 = arith.constant 7000 : i32
        %dma_start3A_252 = tpu.memref_slice %arg15[%dma_start3A_251] : memref<20000xi32, #tpu.memory_space<vmem>> -> memref<1000xi32, #tpu.memory_space<vmem>>
        %dma_start3A_253 = arith.constant 0 : i32
        %dma_start3A_254 = arith.constant 0 : i32
        %dma_start3A_255 = tpu.memref_slice %arg22[%dma_start3A_253, %dma_start3A_254] : memref<10240x16xf32, #tpu.memory_space<vmem_shared>> -> memref<10240x16xf32, #tpu.memory_space<vmem_shared>>
        tpu.enqueue_indirect_dma source(%arg17 : memref<1000x16xf32, #tpu.memory_space<vmem>>) target(%dma_start3A_255 : memref<10240x16xf32, #tpu.memory_space<vmem_shared>>) offsets(%dma_start3A_252 : memref<1000xi32, #tpu.memory_space<vmem>>) semaphore(%run_scoped3A : memref<!tpu.dma_semaphore, #tpu.memory_space<semaphore_mem>>) {add = true}
        %dma_wait3A_256 = arith.constant 7000 : i32
        %dma_wait3A_257 = tpu.memref_slice %arg15[%dma_wait3A_256] : memref<20000xi32, #tpu.memory_space<vmem>> -> memref<1000xi32, #tpu.memory_space<vmem>>
        %dma_wait3A_258 = arith.constant 0 : i32
        %dma_wait3A_259 = arith.constant 0 : i32
        %dma_wait3A_260 = tpu.memref_slice %arg22[%dma_wait3A_258, %dma_wait3A_259] : memref<10240x16xf32, #tpu.memory_space<vmem_shared>> -> memref<10240x16xf32, #tpu.memory_space<vmem_shared>>
        tpu.wait_indirect_dma semaphore(%run_scoped3A : memref<!tpu.dma_semaphore, #tpu.memory_space<semaphore_mem>>) src(%arg17 : memref<1000x16xf32, #tpu.memory_space<vmem>>) dst(%dma_wait3A_260 : memref<10240x16xf32, #tpu.memory_space<vmem_shared>>)
        tpu.yield
      }) : () -> ()
      %dma_start3A_131 = arith.constant 9000 : i32
      %dma_start3A_132 = tpu.memref_slice %arg14[%dma_start3A_131] : memref<20000xi32, #tpu.memory_space<vmem>> -> memref<1000xi32, #tpu.memory_space<vmem>>
      %dma_start3A_133 = arith.constant 0 : i32
      %dma_start3A_134 = arith.constant 0 : i32
      %dma_start3A_135 = tpu.memref_slice %arg12[%dma_start3A_133, %dma_start3A_134] : memref<10240x16xf32, #tpu.memory_space<hbm>> -> memref<10240x16xf32, #tpu.memory_space<hbm>>
      tpu.enqueue_indirect_dma source(%dma_start3A_135 : memref<10240x16xf32, #tpu.memory_space<hbm>>) target(%arg17 : memref<1000x16xf32, #tpu.memory_space<vmem>>) offsets(%dma_start3A_132 : memref<1000xi32, #tpu.memory_space<vmem>>) semaphore(%arg25 : memref<!tpu.dma_semaphore, #tpu.memory_space<semaphore_mem>>)
      %dma_wait3A_136 = arith.constant 8000 : i32
      %dma_wait3A_137 = tpu.memref_slice %arg14[%dma_wait3A_136] : memref<20000xi32, #tpu.memory_space<vmem>> -> memref<1000xi32, #tpu.memory_space<vmem>>
      %dma_wait3A_138 = arith.constant 0 : i32
      %dma_wait3A_139 = arith.constant 0 : i32
      %dma_wait3A_140 = tpu.memref_slice %arg12[%dma_wait3A_138, %dma_wait3A_139] : memref<10240x16xf32, #tpu.memory_space<hbm>> -> memref<10240x16xf32, #tpu.memory_space<hbm>>
      tpu.wait_indirect_dma semaphore(%arg24 : memref<!tpu.dma_semaphore, #tpu.memory_space<semaphore_mem>>) src(%dma_wait3A_140 : memref<10240x16xf32, #tpu.memory_space<hbm>>) dst(%arg16 : memref<1000x16xf32, #tpu.memory_space<vmem>>)
      "tpu.region"() ({
        %run_scoped3A = tpu.sem_alloc : memref<!tpu.dma_semaphore, #tpu.memory_space<semaphore_mem>>
        %dma_start3A_251 = arith.constant 8000 : i32
        %dma_start3A_252 = tpu.memref_slice %arg15[%dma_start3A_251] : memref<20000xi32, #tpu.memory_space<vmem>> -> memref<1000xi32, #tpu.memory_space<vmem>>
        %dma_start3A_253 = arith.constant 0 : i32
        %dma_start3A_254 = arith.constant 0 : i32
        %dma_start3A_255 = tpu.memref_slice %arg22[%dma_start3A_253, %dma_start3A_254] : memref<10240x16xf32, #tpu.memory_space<vmem_shared>> -> memref<10240x16xf32, #tpu.memory_space<vmem_shared>>
        tpu.enqueue_indirect_dma source(%arg16 : memref<1000x16xf32, #tpu.memory_space<vmem>>) target(%dma_start3A_255 : memref<10240x16xf32, #tpu.memory_space<vmem_shared>>) offsets(%dma_start3A_252 : memref<1000xi32, #tpu.memory_space<vmem>>) semaphore(%run_scoped3A : memref<!tpu.dma_semaphore, #tpu.memory_space<semaphore_mem>>) {add = true}
        %dma_wait3A_256 = arith.constant 8000 : i32
        %dma_wait3A_257 = tpu.memref_slice %arg15[%dma_wait3A_256] : memref<20000xi32, #tpu.memory_space<vmem>> -> memref<1000xi32, #tpu.memory_space<vmem>>
        %dma_wait3A_258 = arith.constant 0 : i32
        %dma_wait3A_259 = arith.constant 0 : i32
        %dma_wait3A_260 = tpu.memref_slice %arg22[%dma_wait3A_258, %dma_wait3A_259] : memref<10240x16xf32, #tpu.memory_space<vmem_shared>> -> memref<10240x16xf32, #tpu.memory_space<vmem_shared>>
        tpu.wait_indirect_dma semaphore(%run_scoped3A : memref<!tpu.dma_semaphore, #tpu.memory_space<semaphore_mem>>) src(%arg16 : memref<1000x16xf32, #tpu.memory_space<vmem>>) dst(%dma_wait3A_260 : memref<10240x16xf32, #tpu.memory_space<vmem_shared>>)
        tpu.yield
      }) : () -> ()
      %dma_start3A_141 = arith.constant 10000 : i32
      %dma_start3A_142 = tpu.memref_slice %arg14[%dma_start3A_141] : memref<20000xi32, #tpu.memory_space<vmem>> -> memref<1000xi32, #tpu.memory_space<vmem>>
      %dma_start3A_143 = arith.constant 0 : i32
      %dma_start3A_144 = arith.constant 0 : i32
      %dma_start3A_145 = tpu.memref_slice %arg12[%dma_start3A_143, %dma_start3A_144] : memref<10240x16xf32, #tpu.memory_space<hbm>> -> memref<10240x16xf32, #tpu.memory_space<hbm>>
      tpu.enqueue_indirect_dma source(%dma_start3A_145 : memref<10240x16xf32, #tpu.memory_space<hbm>>) target(%arg16 : memref<1000x16xf32, #tpu.memory_space<vmem>>) offsets(%dma_start3A_142 : memref<1000xi32, #tpu.memory_space<vmem>>) semaphore(%arg24 : memref<!tpu.dma_semaphore, #tpu.memory_space<semaphore_mem>>)
      %dma_wait3A_146 = arith.constant 9000 : i32
      %dma_wait3A_147 = tpu.memref_slice %arg14[%dma_wait3A_146] : memref<20000xi32, #tpu.memory_space<vmem>> -> memref<1000xi32, #tpu.memory_space<vmem>>
      %dma_wait3A_148 = arith.constant 0 : i32
      %dma_wait3A_149 = arith.constant 0 : i32
      %dma_wait3A_150 = tpu.memref_slice %arg12[%dma_wait3A_148, %dma_wait3A_149] : memref<10240x16xf32, #tpu.memory_space<hbm>> -> memref<10240x16xf32, #tpu.memory_space<hbm>>
      tpu.wait_indirect_dma semaphore(%arg25 : memref<!tpu.dma_semaphore, #tpu.memory_space<semaphore_mem>>) src(%dma_wait3A_150 : memref<10240x16xf32, #tpu.memory_space<hbm>>) dst(%arg17 : memref<1000x16xf32, #tpu.memory_space<vmem>>)
      "tpu.region"() ({
        %run_scoped3A = tpu.sem_alloc : memref<!tpu.dma_semaphore, #tpu.memory_space<semaphore_mem>>
        %dma_start3A_251 = arith.constant 9000 : i32
        %dma_start3A_252 = tpu.memref_slice %arg15[%dma_start3A_251] : memref<20000xi32, #tpu.memory_space<vmem>> -> memref<1000xi32, #tpu.memory_space<vmem>>
        %dma_start3A_253 = arith.constant 0 : i32
        %dma_start3A_254 = arith.constant 0 : i32
        %dma_start3A_255 = tpu.memref_slice %arg22[%dma_start3A_253, %dma_start3A_254] : memref<10240x16xf32, #tpu.memory_space<vmem_shared>> -> memref<10240x16xf32, #tpu.memory_space<vmem_shared>>
        tpu.enqueue_indirect_dma source(%arg17 : memref<1000x16xf32, #tpu.memory_space<vmem>>) target(%dma_start3A_255 : memref<10240x16xf32, #tpu.memory_space<vmem_shared>>) offsets(%dma_start3A_252 : memref<1000xi32, #tpu.memory_space<vmem>>) semaphore(%run_scoped3A : memref<!tpu.dma_semaphore, #tpu.memory_space<semaphore_mem>>) {add = true}
        %dma_wait3A_256 = arith.constant 9000 : i32
        %dma_wait3A_257 = tpu.memref_slice %arg15[%dma_wait3A_256] : memref<20000xi32, #tpu.memory_space<vmem>> -> memref<1000xi32, #tpu.memory_space<vmem>>
        %dma_wait3A_258 = arith.constant 0 : i32
        %dma_wait3A_259 = arith.constant 0 : i32
        %dma_wait3A_260 = tpu.memref_slice %arg22[%dma_wait3A_258, %dma_wait3A_259] : memref<10240x16xf32, #tpu.memory_space<vmem_shared>> -> memref<10240x16xf32, #tpu.memory_space<vmem_shared>>
        tpu.wait_indirect_dma semaphore(%run_scoped3A : memref<!tpu.dma_semaphore, #tpu.memory_space<semaphore_mem>>) src(%arg17 : memref<1000x16xf32, #tpu.memory_space<vmem>>) dst(%dma_wait3A_260 : memref<10240x16xf32, #tpu.memory_space<vmem_shared>>)
        tpu.yield
      }) : () -> ()
      %dma_start3A_151 = arith.constant 11000 : i32
      %dma_start3A_152 = tpu.memref_slice %arg14[%dma_start3A_151] : memref<20000xi32, #tpu.memory_space<vmem>> -> memref<1000xi32, #tpu.memory_space<vmem>>
      %dma_start3A_153 = arith.constant 0 : i32
      %dma_start3A_154 = arith.constant 0 : i32
      %dma_start3A_155 = tpu.memref_slice %arg12[%dma_start3A_153, %dma_start3A_154] : memref<10240x16xf32, #tpu.memory_space<hbm>> -> memref<10240x16xf32, #tpu.memory_space<hbm>>
      tpu.enqueue_indirect_dma source(%dma_start3A_155 : memref<10240x16xf32, #tpu.memory_space<hbm>>) target(%arg17 : memref<1000x16xf32, #tpu.memory_space<vmem>>) offsets(%dma_start3A_152 : memref<1000xi32, #tpu.memory_space<vmem>>) semaphore(%arg25 : memref<!tpu.dma_semaphore, #tpu.memory_space<semaphore_mem>>)
      %dma_wait3A_156 = arith.constant 10000 : i32
      %dma_wait3A_157 = tpu.memref_slice %arg14[%dma_wait3A_156] : memref<20000xi32, #tpu.memory_space<vmem>> -> memref<1000xi32, #tpu.memory_space<vmem>>
      %dma_wait3A_158 = arith.constant 0 : i32
      %dma_wait3A_159 = arith.constant 0 : i32
      %dma_wait3A_160 = tpu.memref_slice %arg12[%dma_wait3A_158, %dma_wait3A_159] : memref<10240x16xf32, #tpu.memory_space<hbm>> -> memref<10240x16xf32, #tpu.memory_space<hbm>>
      tpu.wait_indirect_dma semaphore(%arg24 : memref<!tpu.dma_semaphore, #tpu.memory_space<semaphore_mem>>) src(%dma_wait3A_160 : memref<10240x16xf32, #tpu.memory_space<hbm>>) dst(%arg16 : memref<1000x16xf32, #tpu.memory_space<vmem>>)
      "tpu.region"() ({
        %run_scoped3A = tpu.sem_alloc : memref<!tpu.dma_semaphore, #tpu.memory_space<semaphore_mem>>
        %dma_start3A_251 = arith.constant 10000 : i32
        %dma_start3A_252 = tpu.memref_slice %arg15[%dma_start3A_251] : memref<20000xi32, #tpu.memory_space<vmem>> -> memref<1000xi32, #tpu.memory_space<vmem>>
        %dma_start3A_253 = arith.constant 0 : i32
        %dma_start3A_254 = arith.constant 0 : i32
        %dma_start3A_255 = tpu.memref_slice %arg22[%dma_start3A_253, %dma_start3A_254] : memref<10240x16xf32, #tpu.memory_space<vmem_shared>> -> memref<10240x16xf32, #tpu.memory_space<vmem_shared>>
        tpu.enqueue_indirect_dma source(%arg16 : memref<1000x16xf32, #tpu.memory_space<vmem>>) target(%dma_start3A_255 : memref<10240x16xf32, #tpu.memory_space<vmem_shared>>) offsets(%dma_start3A_252 : memref<1000xi32, #tpu.memory_space<vmem>>) semaphore(%run_scoped3A : memref<!tpu.dma_semaphore, #tpu.memory_space<semaphore_mem>>) {add = true}
        %dma_wait3A_256 = arith.constant 10000 : i32
        %dma_wait3A_257 = tpu.memref_slice %arg15[%dma_wait3A_256] : memref<20000xi32, #tpu.memory_space<vmem>> -> memref<1000xi32, #tpu.memory_space<vmem>>
        %dma_wait3A_258 = arith.constant 0 : i32
        %dma_wait3A_259 = arith.constant 0 : i32
        %dma_wait3A_260 = tpu.memref_slice %arg22[%dma_wait3A_258, %dma_wait3A_259] : memref<10240x16xf32, #tpu.memory_space<vmem_shared>> -> memref<10240x16xf32, #tpu.memory_space<vmem_shared>>
        tpu.wait_indirect_dma semaphore(%run_scoped3A : memref<!tpu.dma_semaphore, #tpu.memory_space<semaphore_mem>>) src(%arg16 : memref<1000x16xf32, #tpu.memory_space<vmem>>) dst(%dma_wait3A_260 : memref<10240x16xf32, #tpu.memory_space<vmem_shared>>)
        tpu.yield
      }) : () -> ()
      %dma_start3A_161 = arith.constant 12000 : i32
      %dma_start3A_162 = tpu.memref_slice %arg14[%dma_start3A_161] : memref<20000xi32, #tpu.memory_space<vmem>> -> memref<1000xi32, #tpu.memory_space<vmem>>
      %dma_start3A_163 = arith.constant 0 : i32
      %dma_start3A_164 = arith.constant 0 : i32
      %dma_start3A_165 = tpu.memref_slice %arg12[%dma_start3A_163, %dma_start3A_164] : memref<10240x16xf32, #tpu.memory_space<hbm>> -> memref<10240x16xf32, #tpu.memory_space<hbm>>
      tpu.enqueue_indirect_dma source(%dma_start3A_165 : memref<10240x16xf32, #tpu.memory_space<hbm>>) target(%arg16 : memref<1000x16xf32, #tpu.memory_space<vmem>>) offsets(%dma_start3A_162 : memref<1000xi32, #tpu.memory_space<vmem>>) semaphore(%arg24 : memref<!tpu.dma_semaphore, #tpu.memory_space<semaphore_mem>>)
      %dma_wait3A_166 = arith.constant 11000 : i32
      %dma_wait3A_167 = tpu.memref_slice %arg14[%dma_wait3A_166] : memref<20000xi32, #tpu.memory_space<vmem>> -> memref<1000xi32, #tpu.memory_space<vmem>>
      %dma_wait3A_168 = arith.constant 0 : i32
      %dma_wait3A_169 = arith.constant 0 : i32
      %dma_wait3A_170 = tpu.memref_slice %arg12[%dma_wait3A_168, %dma_wait3A_169] : memref<10240x16xf32, #tpu.memory_space<hbm>> -> memref<10240x16xf32, #tpu.memory_space<hbm>>
      tpu.wait_indirect_dma semaphore(%arg25 : memref<!tpu.dma_semaphore, #tpu.memory_space<semaphore_mem>>) src(%dma_wait3A_170 : memref<10240x16xf32, #tpu.memory_space<hbm>>) dst(%arg17 : memref<1000x16xf32, #tpu.memory_space<vmem>>)
      "tpu.region"() ({
        %run_scoped3A = tpu.sem_alloc : memref<!tpu.dma_semaphore, #tpu.memory_space<semaphore_mem>>
        %dma_start3A_251 = arith.constant 11000 : i32
        %dma_start3A_252 = tpu.memref_slice %arg15[%dma_start3A_251] : memref<20000xi32, #tpu.memory_space<vmem>> -> memref<1000xi32, #tpu.memory_space<vmem>>
        %dma_start3A_253 = arith.constant 0 : i32
        %dma_start3A_254 = arith.constant 0 : i32
        %dma_start3A_255 = tpu.memref_slice %arg22[%dma_start3A_253, %dma_start3A_254] : memref<10240x16xf32, #tpu.memory_space<vmem_shared>> -> memref<10240x16xf32, #tpu.memory_space<vmem_shared>>
        tpu.enqueue_indirect_dma source(%arg17 : memref<1000x16xf32, #tpu.memory_space<vmem>>) target(%dma_start3A_255 : memref<10240x16xf32, #tpu.memory_space<vmem_shared>>) offsets(%dma_start3A_252 : memref<1000xi32, #tpu.memory_space<vmem>>) semaphore(%run_scoped3A : memref<!tpu.dma_semaphore, #tpu.memory_space<semaphore_mem>>) {add = true}
        %dma_wait3A_256 = arith.constant 11000 : i32
        %dma_wait3A_257 = tpu.memref_slice %arg15[%dma_wait3A_256] : memref<20000xi32, #tpu.memory_space<vmem>> -> memref<1000xi32, #tpu.memory_space<vmem>>
        %dma_wait3A_258 = arith.constant 0 : i32
        %dma_wait3A_259 = arith.constant 0 : i32
        %dma_wait3A_260 = tpu.memref_slice %arg22[%dma_wait3A_258, %dma_wait3A_259] : memref<10240x16xf32, #tpu.memory_space<vmem_shared>> -> memref<10240x16xf32, #tpu.memory_space<vmem_shared>>
        tpu.wait_indirect_dma semaphore(%run_scoped3A : memref<!tpu.dma_semaphore, #tpu.memory_space<semaphore_mem>>) src(%arg17 : memref<1000x16xf32, #tpu.memory_space<vmem>>) dst(%dma_wait3A_260 : memref<10240x16xf32, #tpu.memory_space<vmem_shared>>)
        tpu.yield
      }) : () -> ()
      %dma_start3A_171 = arith.constant 13000 : i32
      %dma_start3A_172 = tpu.memref_slice %arg14[%dma_start3A_171] : memref<20000xi32, #tpu.memory_space<vmem>> -> memref<1000xi32, #tpu.memory_space<vmem>>
      %dma_start3A_173 = arith.constant 0 : i32
      %dma_start3A_174 = arith.constant 0 : i32
      %dma_start3A_175 = tpu.memref_slice %arg12[%dma_start3A_173, %dma_start3A_174] : memref<10240x16xf32, #tpu.memory_space<hbm>> -> memref<10240x16xf32, #tpu.memory_space<hbm>>
      tpu.enqueue_indirect_dma source(%dma_start3A_175 : memref<10240x16xf32, #tpu.memory_space<hbm>>) target(%arg17 : memref<1000x16xf32, #tpu.memory_space<vmem>>) offsets(%dma_start3A_172 : memref<1000xi32, #tpu.memory_space<vmem>>) semaphore(%arg25 : memref<!tpu.dma_semaphore, #tpu.memory_space<semaphore_mem>>)
      %dma_wait3A_176 = arith.constant 12000 : i32
      %dma_wait3A_177 = tpu.memref_slice %arg14[%dma_wait3A_176] : memref<20000xi32, #tpu.memory_space<vmem>> -> memref<1000xi32, #tpu.memory_space<vmem>>
      %dma_wait3A_178 = arith.constant 0 : i32
      %dma_wait3A_179 = arith.constant 0 : i32
      %dma_wait3A_180 = tpu.memref_slice %arg12[%dma_wait3A_178, %dma_wait3A_179] : memref<10240x16xf32, #tpu.memory_space<hbm>> -> memref<10240x16xf32, #tpu.memory_space<hbm>>
      tpu.wait_indirect_dma semaphore(%arg24 : memref<!tpu.dma_semaphore, #tpu.memory_space<semaphore_mem>>) src(%dma_wait3A_180 : memref<10240x16xf32, #tpu.memory_space<hbm>>) dst(%arg16 : memref<1000x16xf32, #tpu.memory_space<vmem>>)
      "tpu.region"() ({
        %run_scoped3A = tpu.sem_alloc : memref<!tpu.dma_semaphore, #tpu.memory_space<semaphore_mem>>
        %dma_start3A_251 = arith.constant 12000 : i32
        %dma_start3A_252 = tpu.memref_slice %arg15[%dma_start3A_251] : memref<20000xi32, #tpu.memory_space<vmem>> -> memref<1000xi32, #tpu.memory_space<vmem>>
        %dma_start3A_253 = arith.constant 0 : i32
        %dma_start3A_254 = arith.constant 0 : i32
        %dma_start3A_255 = tpu.memref_slice %arg22[%dma_start3A_253, %dma_start3A_254] : memref<10240x16xf32, #tpu.memory_space<vmem_shared>> -> memref<10240x16xf32, #tpu.memory_space<vmem_shared>>
        tpu.enqueue_indirect_dma source(%arg16 : memref<1000x16xf32, #tpu.memory_space<vmem>>) target(%dma_start3A_255 : memref<10240x16xf32, #tpu.memory_space<vmem_shared>>) offsets(%dma_start3A_252 : memref<1000xi32, #tpu.memory_space<vmem>>) semaphore(%run_scoped3A : memref<!tpu.dma_semaphore, #tpu.memory_space<semaphore_mem>>) {add = true}
        %dma_wait3A_256 = arith.constant 12000 : i32
        %dma_wait3A_257 = tpu.memref_slice %arg15[%dma_wait3A_256] : memref<20000xi32, #tpu.memory_space<vmem>> -> memref<1000xi32, #tpu.memory_space<vmem>>
        %dma_wait3A_258 = arith.constant 0 : i32
        %dma_wait3A_259 = arith.constant 0 : i32
        %dma_wait3A_260 = tpu.memref_slice %arg22[%dma_wait3A_258, %dma_wait3A_259] : memref<10240x16xf32, #tpu.memory_space<vmem_shared>> -> memref<10240x16xf32, #tpu.memory_space<vmem_shared>>
        tpu.wait_indirect_dma semaphore(%run_scoped3A : memref<!tpu.dma_semaphore, #tpu.memory_space<semaphore_mem>>) src(%arg16 : memref<1000x16xf32, #tpu.memory_space<vmem>>) dst(%dma_wait3A_260 : memref<10240x16xf32, #tpu.memory_space<vmem_shared>>)
        tpu.yield
      }) : () -> ()
      %dma_start3A_181 = arith.constant 14000 : i32
      %dma_start3A_182 = tpu.memref_slice %arg14[%dma_start3A_181] : memref<20000xi32, #tpu.memory_space<vmem>> -> memref<1000xi32, #tpu.memory_space<vmem>>
      %dma_start3A_183 = arith.constant 0 : i32
      %dma_start3A_184 = arith.constant 0 : i32
      %dma_start3A_185 = tpu.memref_slice %arg12[%dma_start3A_183, %dma_start3A_184] : memref<10240x16xf32, #tpu.memory_space<hbm>> -> memref<10240x16xf32, #tpu.memory_space<hbm>>
      tpu.enqueue_indirect_dma source(%dma_start3A_185 : memref<10240x16xf32, #tpu.memory_space<hbm>>) target(%arg16 : memref<1000x16xf32, #tpu.memory_space<vmem>>) offsets(%dma_start3A_182 : memref<1000xi32, #tpu.memory_space<vmem>>) semaphore(%arg24 : memref<!tpu.dma_semaphore, #tpu.memory_space<semaphore_mem>>)
      %dma_wait3A_186 = arith.constant 13000 : i32
      %dma_wait3A_187 = tpu.memref_slice %arg14[%dma_wait3A_186] : memref<20000xi32, #tpu.memory_space<vmem>> -> memref<1000xi32, #tpu.memory_space<vmem>>
      %dma_wait3A_188 = arith.constant 0 : i32
      %dma_wait3A_189 = arith.constant 0 : i32
      %dma_wait3A_190 = tpu.memref_slice %arg12[%dma_wait3A_188, %dma_wait3A_189] : memref<10240x16xf32, #tpu.memory_space<hbm>> -> memref<10240x16xf32, #tpu.memory_space<hbm>>
      tpu.wait_indirect_dma semaphore(%arg25 : memref<!tpu.dma_semaphore, #tpu.memory_space<semaphore_mem>>) src(%dma_wait3A_190 : memref<10240x16xf32, #tpu.memory_space<hbm>>) dst(%arg17 : memref<1000x16xf32, #tpu.memory_space<vmem>>)
      "tpu.region"() ({
        %run_scoped3A = tpu.sem_alloc : memref<!tpu.dma_semaphore, #tpu.memory_space<semaphore_mem>>
        %dma_start3A_251 = arith.constant 13000 : i32
        %dma_start3A_252 = tpu.memref_slice %arg15[%dma_start3A_251] : memref<20000xi32, #tpu.memory_space<vmem>> -> memref<1000xi32, #tpu.memory_space<vmem>>
        %dma_start3A_253 = arith.constant 0 : i32
        %dma_start3A_254 = arith.constant 0 : i32
        %dma_start3A_255 = tpu.memref_slice %arg22[%dma_start3A_253, %dma_start3A_254] : memref<10240x16xf32, #tpu.memory_space<vmem_shared>> -> memref<10240x16xf32, #tpu.memory_space<vmem_shared>>
        tpu.enqueue_indirect_dma source(%arg17 : memref<1000x16xf32, #tpu.memory_space<vmem>>) target(%dma_start3A_255 : memref<10240x16xf32, #tpu.memory_space<vmem_shared>>) offsets(%dma_start3A_252 : memref<1000xi32, #tpu.memory_space<vmem>>) semaphore(%run_scoped3A : memref<!tpu.dma_semaphore, #tpu.memory_space<semaphore_mem>>) {add = true}
        %dma_wait3A_256 = arith.constant 13000 : i32
        %dma_wait3A_257 = tpu.memref_slice %arg15[%dma_wait3A_256] : memref<20000xi32, #tpu.memory_space<vmem>> -> memref<1000xi32, #tpu.memory_space<vmem>>
        %dma_wait3A_258 = arith.constant 0 : i32
        %dma_wait3A_259 = arith.constant 0 : i32
        %dma_wait3A_260 = tpu.memref_slice %arg22[%dma_wait3A_258, %dma_wait3A_259] : memref<10240x16xf32, #tpu.memory_space<vmem_shared>> -> memref<10240x16xf32, #tpu.memory_space<vmem_shared>>
        tpu.wait_indirect_dma semaphore(%run_scoped3A : memref<!tpu.dma_semaphore, #tpu.memory_space<semaphore_mem>>) src(%arg17 : memref<1000x16xf32, #tpu.memory_space<vmem>>) dst(%dma_wait3A_260 : memref<10240x16xf32, #tpu.memory_space<vmem_shared>>)
        tpu.yield
      }) : () -> ()
      %dma_start3A_191 = arith.constant 15000 : i32
      %dma_start3A_192 = tpu.memref_slice %arg14[%dma_start3A_191] : memref<20000xi32, #tpu.memory_space<vmem>> -> memref<1000xi32, #tpu.memory_space<vmem>>
      %dma_start3A_193 = arith.constant 0 : i32
      %dma_start3A_194 = arith.constant 0 : i32
      %dma_start3A_195 = tpu.memref_slice %arg12[%dma_start3A_193, %dma_start3A_194] : memref<10240x16xf32, #tpu.memory_space<hbm>> -> memref<10240x16xf32, #tpu.memory_space<hbm>>
      tpu.enqueue_indirect_dma source(%dma_start3A_195 : memref<10240x16xf32, #tpu.memory_space<hbm>>) target(%arg17 : memref<1000x16xf32, #tpu.memory_space<vmem>>) offsets(%dma_start3A_192 : memref<1000xi32, #tpu.memory_space<vmem>>) semaphore(%arg25 : memref<!tpu.dma_semaphore, #tpu.memory_space<semaphore_mem>>)
      %dma_wait3A_196 = arith.constant 14000 : i32
      %dma_wait3A_197 = tpu.memref_slice %arg14[%dma_wait3A_196] : memref<20000xi32, #tpu.memory_space<vmem>> -> memref<1000xi32, #tpu.memory_space<vmem>>
      %dma_wait3A_198 = arith.constant 0 : i32
      %dma_wait3A_199 = arith.constant 0 : i32
      %dma_wait3A_200 = tpu.memref_slice %arg12[%dma_wait3A_198, %dma_wait3A_199] : memref<10240x16xf32, #tpu.memory_space<hbm>> -> memref<10240x16xf32, #tpu.memory_space<hbm>>
      tpu.wait_indirect_dma semaphore(%arg24 : memref<!tpu.dma_semaphore, #tpu.memory_space<semaphore_mem>>) src(%dma_wait3A_200 : memref<10240x16xf32, #tpu.memory_space<hbm>>) dst(%arg16 : memref<1000x16xf32, #tpu.memory_space<vmem>>)
      "tpu.region"() ({
        %run_scoped3A = tpu.sem_alloc : memref<!tpu.dma_semaphore, #tpu.memory_space<semaphore_mem>>
        %dma_start3A_251 = arith.constant 14000 : i32
        %dma_start3A_252 = tpu.memref_slice %arg15[%dma_start3A_251] : memref<20000xi32, #tpu.memory_space<vmem>> -> memref<1000xi32, #tpu.memory_space<vmem>>
        %dma_start3A_253 = arith.constant 0 : i32
        %dma_start3A_254 = arith.constant 0 : i32
        %dma_start3A_255 = tpu.memref_slice %arg22[%dma_start3A_253, %dma_start3A_254] : memref<10240x16xf32, #tpu.memory_space<vmem_shared>> -> memref<10240x16xf32, #tpu.memory_space<vmem_shared>>
        tpu.enqueue_indirect_dma source(%arg16 : memref<1000x16xf32, #tpu.memory_space<vmem>>) target(%dma_start3A_255 : memref<10240x16xf32, #tpu.memory_space<vmem_shared>>) offsets(%dma_start3A_252 : memref<1000xi32, #tpu.memory_space<vmem>>) semaphore(%run_scoped3A : memref<!tpu.dma_semaphore, #tpu.memory_space<semaphore_mem>>) {add = true}
        %dma_wait3A_256 = arith.constant 14000 : i32
        %dma_wait3A_257 = tpu.memref_slice %arg15[%dma_wait3A_256] : memref<20000xi32, #tpu.memory_space<vmem>> -> memref<1000xi32, #tpu.memory_space<vmem>>
        %dma_wait3A_258 = arith.constant 0 : i32
        %dma_wait3A_259 = arith.constant 0 : i32
        %dma_wait3A_260 = tpu.memref_slice %arg22[%dma_wait3A_258, %dma_wait3A_259] : memref<10240x16xf32, #tpu.memory_space<vmem_shared>> -> memref<10240x16xf32, #tpu.memory_space<vmem_shared>>
        tpu.wait_indirect_dma semaphore(%run_scoped3A : memref<!tpu.dma_semaphore, #tpu.memory_space<semaphore_mem>>) src(%arg16 : memref<1000x16xf32, #tpu.memory_space<vmem>>) dst(%dma_wait3A_260 : memref<10240x16xf32, #tpu.memory_space<vmem_shared>>)
        tpu.yield
      }) : () -> ()
      %dma_start3A_201 = arith.constant 16000 : i32
      %dma_start3A_202 = tpu.memref_slice %arg14[%dma_start3A_201] : memref<20000xi32, #tpu.memory_space<vmem>> -> memref<1000xi32, #tpu.memory_space<vmem>>
      %dma_start3A_203 = arith.constant 0 : i32
      %dma_start3A_204 = arith.constant 0 : i32
      %dma_start3A_205 = tpu.memref_slice %arg12[%dma_start3A_203, %dma_start3A_204] : memref<10240x16xf32, #tpu.memory_space<hbm>> -> memref<10240x16xf32, #tpu.memory_space<hbm>>
      tpu.enqueue_indirect_dma source(%dma_start3A_205 : memref<10240x16xf32, #tpu.memory_space<hbm>>) target(%arg16 : memref<1000x16xf32, #tpu.memory_space<vmem>>) offsets(%dma_start3A_202 : memref<1000xi32, #tpu.memory_space<vmem>>) semaphore(%arg24 : memref<!tpu.dma_semaphore, #tpu.memory_space<semaphore_mem>>)
      %dma_wait3A_206 = arith.constant 15000 : i32
      %dma_wait3A_207 = tpu.memref_slice %arg14[%dma_wait3A_206] : memref<20000xi32, #tpu.memory_space<vmem>> -> memref<1000xi32, #tpu.memory_space<vmem>>
      %dma_wait3A_208 = arith.constant 0 : i32
      %dma_wait3A_209 = arith.constant 0 : i32
      %dma_wait3A_210 = tpu.memref_slice %arg12[%dma_wait3A_208, %dma_wait3A_209] : memref<10240x16xf32, #tpu.memory_space<hbm>> -> memref<10240x16xf32, #tpu.memory_space<hbm>>
      tpu.wait_indirect_dma semaphore(%arg25 : memref<!tpu.dma_semaphore, #tpu.memory_space<semaphore_mem>>) src(%dma_wait3A_210 : memref<10240x16xf32, #tpu.memory_space<hbm>>) dst(%arg17 : memref<1000x16xf32, #tpu.memory_space<vmem>>)
      "tpu.region"() ({
        %run_scoped3A = tpu.sem_alloc : memref<!tpu.dma_semaphore, #tpu.memory_space<semaphore_mem>>
        %dma_start3A_251 = arith.constant 15000 : i32
        %dma_start3A_252 = tpu.memref_slice %arg15[%dma_start3A_251] : memref<20000xi32, #tpu.memory_space<vmem>> -> memref<1000xi32, #tpu.memory_space<vmem>>
        %dma_start3A_253 = arith.constant 0 : i32
        %dma_start3A_254 = arith.constant 0 : i32
        %dma_start3A_255 = tpu.memref_slice %arg22[%dma_start3A_253, %dma_start3A_254] : memref<10240x16xf32, #tpu.memory_space<vmem_shared>> -> memref<10240x16xf32, #tpu.memory_space<vmem_shared>>
        tpu.enqueue_indirect_dma source(%arg17 : memref<1000x16xf32, #tpu.memory_space<vmem>>) target(%dma_start3A_255 : memref<10240x16xf32, #tpu.memory_space<vmem_shared>>) offsets(%dma_start3A_252 : memref<1000xi32, #tpu.memory_space<vmem>>) semaphore(%run_scoped3A : memref<!tpu.dma_semaphore, #tpu.memory_space<semaphore_mem>>) {add = true}
        %dma_wait3A_256 = arith.constant 15000 : i32
        %dma_wait3A_257 = tpu.memref_slice %arg15[%dma_wait3A_256] : memref<20000xi32, #tpu.memory_space<vmem>> -> memref<1000xi32, #tpu.memory_space<vmem>>
        %dma_wait3A_258 = arith.constant 0 : i32
        %dma_wait3A_259 = arith.constant 0 : i32
        %dma_wait3A_260 = tpu.memref_slice %arg22[%dma_wait3A_258, %dma_wait3A_259] : memref<10240x16xf32, #tpu.memory_space<vmem_shared>> -> memref<10240x16xf32, #tpu.memory_space<vmem_shared>>
        tpu.wait_indirect_dma semaphore(%run_scoped3A : memref<!tpu.dma_semaphore, #tpu.memory_space<semaphore_mem>>) src(%arg17 : memref<1000x16xf32, #tpu.memory_space<vmem>>) dst(%dma_wait3A_260 : memref<10240x16xf32, #tpu.memory_space<vmem_shared>>)
        tpu.yield
      }) : () -> ()
      %dma_start3A_211 = arith.constant 17000 : i32
      %dma_start3A_212 = tpu.memref_slice %arg14[%dma_start3A_211] : memref<20000xi32, #tpu.memory_space<vmem>> -> memref<1000xi32, #tpu.memory_space<vmem>>
      %dma_start3A_213 = arith.constant 0 : i32
      %dma_start3A_214 = arith.constant 0 : i32
      %dma_start3A_215 = tpu.memref_slice %arg12[%dma_start3A_213, %dma_start3A_214] : memref<10240x16xf32, #tpu.memory_space<hbm>> -> memref<10240x16xf32, #tpu.memory_space<hbm>>
      tpu.enqueue_indirect_dma source(%dma_start3A_215 : memref<10240x16xf32, #tpu.memory_space<hbm>>) target(%arg17 : memref<1000x16xf32, #tpu.memory_space<vmem>>) offsets(%dma_start3A_212 : memref<1000xi32, #tpu.memory_space<vmem>>) semaphore(%arg25 : memref<!tpu.dma_semaphore, #tpu.memory_space<semaphore_mem>>)
      %dma_wait3A_216 = arith.constant 16000 : i32
      %dma_wait3A_217 = tpu.memref_slice %arg14[%dma_wait3A_216] : memref<20000xi32, #tpu.memory_space<vmem>> -> memref<1000xi32, #tpu.memory_space<vmem>>
      %dma_wait3A_218 = arith.constant 0 : i32
      %dma_wait3A_219 = arith.constant 0 : i32
      %dma_wait3A_220 = tpu.memref_slice %arg12[%dma_wait3A_218, %dma_wait3A_219] : memref<10240x16xf32, #tpu.memory_space<hbm>> -> memref<10240x16xf32, #tpu.memory_space<hbm>>
      tpu.wait_indirect_dma semaphore(%arg24 : memref<!tpu.dma_semaphore, #tpu.memory_space<semaphore_mem>>) src(%dma_wait3A_220 : memref<10240x16xf32, #tpu.memory_space<hbm>>) dst(%arg16 : memref<1000x16xf32, #tpu.memory_space<vmem>>)
      "tpu.region"() ({
        %run_scoped3A = tpu.sem_alloc : memref<!tpu.dma_semaphore, #tpu.memory_space<semaphore_mem>>
        %dma_start3A_251 = arith.constant 16000 : i32
        %dma_start3A_252 = tpu.memref_slice %arg15[%dma_start3A_251] : memref<20000xi32, #tpu.memory_space<vmem>> -> memref<1000xi32, #tpu.memory_space<vmem>>
        %dma_start3A_253 = arith.constant 0 : i32
        %dma_start3A_254 = arith.constant 0 : i32
        %dma_start3A_255 = tpu.memref_slice %arg22[%dma_start3A_253, %dma_start3A_254] : memref<10240x16xf32, #tpu.memory_space<vmem_shared>> -> memref<10240x16xf32, #tpu.memory_space<vmem_shared>>
        tpu.enqueue_indirect_dma source(%arg16 : memref<1000x16xf32, #tpu.memory_space<vmem>>) target(%dma_start3A_255 : memref<10240x16xf32, #tpu.memory_space<vmem_shared>>) offsets(%dma_start3A_252 : memref<1000xi32, #tpu.memory_space<vmem>>) semaphore(%run_scoped3A : memref<!tpu.dma_semaphore, #tpu.memory_space<semaphore_mem>>) {add = true}
        %dma_wait3A_256 = arith.constant 16000 : i32
        %dma_wait3A_257 = tpu.memref_slice %arg15[%dma_wait3A_256] : memref<20000xi32, #tpu.memory_space<vmem>> -> memref<1000xi32, #tpu.memory_space<vmem>>
        %dma_wait3A_258 = arith.constant 0 : i32
        %dma_wait3A_259 = arith.constant 0 : i32
        %dma_wait3A_260 = tpu.memref_slice %arg22[%dma_wait3A_258, %dma_wait3A_259] : memref<10240x16xf32, #tpu.memory_space<vmem_shared>> -> memref<10240x16xf32, #tpu.memory_space<vmem_shared>>
        tpu.wait_indirect_dma semaphore(%run_scoped3A : memref<!tpu.dma_semaphore, #tpu.memory_space<semaphore_mem>>) src(%arg16 : memref<1000x16xf32, #tpu.memory_space<vmem>>) dst(%dma_wait3A_260 : memref<10240x16xf32, #tpu.memory_space<vmem_shared>>)
        tpu.yield
      }) : () -> ()
      %dma_start3A_221 = arith.constant 18000 : i32
      %dma_start3A_222 = tpu.memref_slice %arg14[%dma_start3A_221] : memref<20000xi32, #tpu.memory_space<vmem>> -> memref<1000xi32, #tpu.memory_space<vmem>>
      %dma_start3A_223 = arith.constant 0 : i32
      %dma_start3A_224 = arith.constant 0 : i32
      %dma_start3A_225 = tpu.memref_slice %arg12[%dma_start3A_223, %dma_start3A_224] : memref<10240x16xf32, #tpu.memory_space<hbm>> -> memref<10240x16xf32, #tpu.memory_space<hbm>>
      tpu.enqueue_indirect_dma source(%dma_start3A_225 : memref<10240x16xf32, #tpu.memory_space<hbm>>) target(%arg16 : memref<1000x16xf32, #tpu.memory_space<vmem>>) offsets(%dma_start3A_222 : memref<1000xi32, #tpu.memory_space<vmem>>) semaphore(%arg24 : memref<!tpu.dma_semaphore, #tpu.memory_space<semaphore_mem>>)
      %dma_wait3A_226 = arith.constant 17000 : i32
      %dma_wait3A_227 = tpu.memref_slice %arg14[%dma_wait3A_226] : memref<20000xi32, #tpu.memory_space<vmem>> -> memref<1000xi32, #tpu.memory_space<vmem>>
      %dma_wait3A_228 = arith.constant 0 : i32
      %dma_wait3A_229 = arith.constant 0 : i32
      %dma_wait3A_230 = tpu.memref_slice %arg12[%dma_wait3A_228, %dma_wait3A_229] : memref<10240x16xf32, #tpu.memory_space<hbm>> -> memref<10240x16xf32, #tpu.memory_space<hbm>>
      tpu.wait_indirect_dma semaphore(%arg25 : memref<!tpu.dma_semaphore, #tpu.memory_space<semaphore_mem>>) src(%dma_wait3A_230 : memref<10240x16xf32, #tpu.memory_space<hbm>>) dst(%arg17 : memref<1000x16xf32, #tpu.memory_space<vmem>>)
      "tpu.region"() ({
        %run_scoped3A = tpu.sem_alloc : memref<!tpu.dma_semaphore, #tpu.memory_space<semaphore_mem>>
        %dma_start3A_251 = arith.constant 17000 : i32
        %dma_start3A_252 = tpu.memref_slice %arg15[%dma_start3A_251] : memref<20000xi32, #tpu.memory_space<vmem>> -> memref<1000xi32, #tpu.memory_space<vmem>>
        %dma_start3A_253 = arith.constant 0 : i32
        %dma_start3A_254 = arith.constant 0 : i32
        %dma_start3A_255 = tpu.memref_slice %arg22[%dma_start3A_253, %dma_start3A_254] : memref<10240x16xf32, #tpu.memory_space<vmem_shared>> -> memref<10240x16xf32, #tpu.memory_space<vmem_shared>>
        tpu.enqueue_indirect_dma source(%arg17 : memref<1000x16xf32, #tpu.memory_space<vmem>>) target(%dma_start3A_255 : memref<10240x16xf32, #tpu.memory_space<vmem_shared>>) offsets(%dma_start3A_252 : memref<1000xi32, #tpu.memory_space<vmem>>) semaphore(%run_scoped3A : memref<!tpu.dma_semaphore, #tpu.memory_space<semaphore_mem>>) {add = true}
        %dma_wait3A_256 = arith.constant 17000 : i32
        %dma_wait3A_257 = tpu.memref_slice %arg15[%dma_wait3A_256] : memref<20000xi32, #tpu.memory_space<vmem>> -> memref<1000xi32, #tpu.memory_space<vmem>>
        %dma_wait3A_258 = arith.constant 0 : i32
        %dma_wait3A_259 = arith.constant 0 : i32
        %dma_wait3A_260 = tpu.memref_slice %arg22[%dma_wait3A_258, %dma_wait3A_259] : memref<10240x16xf32, #tpu.memory_space<vmem_shared>> -> memref<10240x16xf32, #tpu.memory_space<vmem_shared>>
        tpu.wait_indirect_dma semaphore(%run_scoped3A : memref<!tpu.dma_semaphore, #tpu.memory_space<semaphore_mem>>) src(%arg17 : memref<1000x16xf32, #tpu.memory_space<vmem>>) dst(%dma_wait3A_260 : memref<10240x16xf32, #tpu.memory_space<vmem_shared>>)
        tpu.yield
      }) : () -> ()
      %dma_start3A_231 = arith.constant 19000 : i32
      %dma_start3A_232 = tpu.memref_slice %arg14[%dma_start3A_231] : memref<20000xi32, #tpu.memory_space<vmem>> -> memref<1000xi32, #tpu.memory_space<vmem>>
      %dma_start3A_233 = arith.constant 0 : i32
      %dma_start3A_234 = arith.constant 0 : i32
      %dma_start3A_235 = tpu.memref_slice %arg12[%dma_start3A_233, %dma_start3A_234] : memref<10240x16xf32, #tpu.memory_space<hbm>> -> memref<10240x16xf32, #tpu.memory_space<hbm>>
      tpu.enqueue_indirect_dma source(%dma_start3A_235 : memref<10240x16xf32, #tpu.memory_space<hbm>>) target(%arg17 : memref<1000x16xf32, #tpu.memory_space<vmem>>) offsets(%dma_start3A_232 : memref<1000xi32, #tpu.memory_space<vmem>>) semaphore(%arg25 : memref<!tpu.dma_semaphore, #tpu.memory_space<semaphore_mem>>)
      %dma_wait3A_236 = arith.constant 18000 : i32
      %dma_wait3A_237 = tpu.memref_slice %arg14[%dma_wait3A_236] : memref<20000xi32, #tpu.memory_space<vmem>> -> memref<1000xi32, #tpu.memory_space<vmem>>
      %dma_wait3A_238 = arith.constant 0 : i32
      %dma_wait3A_239 = arith.constant 0 : i32
      %dma_wait3A_240 = tpu.memref_slice %arg12[%dma_wait3A_238, %dma_wait3A_239] : memref<10240x16xf32, #tpu.memory_space<hbm>> -> memref<10240x16xf32, #tpu.memory_space<hbm>>
      tpu.wait_indirect_dma semaphore(%arg24 : memref<!tpu.dma_semaphore, #tpu.memory_space<semaphore_mem>>) src(%dma_wait3A_240 : memref<10240x16xf32, #tpu.memory_space<hbm>>) dst(%arg16 : memref<1000x16xf32, #tpu.memory_space<vmem>>)
      "tpu.region"() ({
        %run_scoped3A = tpu.sem_alloc : memref<!tpu.dma_semaphore, #tpu.memory_space<semaphore_mem>>
        %dma_start3A_251 = arith.constant 18000 : i32
        %dma_start3A_252 = tpu.memref_slice %arg15[%dma_start3A_251] : memref<20000xi32, #tpu.memory_space<vmem>> -> memref<1000xi32, #tpu.memory_space<vmem>>
        %dma_start3A_253 = arith.constant 0 : i32
        %dma_start3A_254 = arith.constant 0 : i32
        %dma_start3A_255 = tpu.memref_slice %arg22[%dma_start3A_253, %dma_start3A_254] : memref<10240x16xf32, #tpu.memory_space<vmem_shared>> -> memref<10240x16xf32, #tpu.memory_space<vmem_shared>>
        tpu.enqueue_indirect_dma source(%arg16 : memref<1000x16xf32, #tpu.memory_space<vmem>>) target(%dma_start3A_255 : memref<10240x16xf32, #tpu.memory_space<vmem_shared>>) offsets(%dma_start3A_252 : memref<1000xi32, #tpu.memory_space<vmem>>) semaphore(%run_scoped3A : memref<!tpu.dma_semaphore, #tpu.memory_space<semaphore_mem>>) {add = true}
        %dma_wait3A_256 = arith.constant 18000 : i32
        %dma_wait3A_257 = tpu.memref_slice %arg15[%dma_wait3A_256] : memref<20000xi32, #tpu.memory_space<vmem>> -> memref<1000xi32, #tpu.memory_space<vmem>>
        %dma_wait3A_258 = arith.constant 0 : i32
        %dma_wait3A_259 = arith.constant 0 : i32
        %dma_wait3A_260 = tpu.memref_slice %arg22[%dma_wait3A_258, %dma_wait3A_259] : memref<10240x16xf32, #tpu.memory_space<vmem_shared>> -> memref<10240x16xf32, #tpu.memory_space<vmem_shared>>
        tpu.wait_indirect_dma semaphore(%run_scoped3A : memref<!tpu.dma_semaphore, #tpu.memory_space<semaphore_mem>>) src(%arg16 : memref<1000x16xf32, #tpu.memory_space<vmem>>) dst(%dma_wait3A_260 : memref<10240x16xf32, #tpu.memory_space<vmem_shared>>)
        tpu.yield
      }) : () -> ()
      %dma_wait3A_241 = arith.constant 19000 : i32
      %dma_wait3A_242 = tpu.memref_slice %arg14[%dma_wait3A_241] : memref<20000xi32, #tpu.memory_space<vmem>> -> memref<1000xi32, #tpu.memory_space<vmem>>
      %dma_wait3A_243 = arith.constant 0 : i32
      %dma_wait3A_244 = arith.constant 0 : i32
      %dma_wait3A_245 = tpu.memref_slice %arg12[%dma_wait3A_243, %dma_wait3A_244] : memref<10240x16xf32, #tpu.memory_space<hbm>> -> memref<10240x16xf32, #tpu.memory_space<hbm>>
      tpu.wait_indirect_dma semaphore(%arg25 : memref<!tpu.dma_semaphore, #tpu.memory_space<semaphore_mem>>) src(%dma_wait3A_245 : memref<10240x16xf32, #tpu.memory_space<hbm>>) dst(%arg17 : memref<1000x16xf32, #tpu.memory_space<vmem>>)
      "tpu.region"() ({
        %run_scoped3A = tpu.sem_alloc : memref<!tpu.dma_semaphore, #tpu.memory_space<semaphore_mem>>
        %dma_start3A_251 = arith.constant 19000 : i32
        %dma_start3A_252 = tpu.memref_slice %arg15[%dma_start3A_251] : memref<20000xi32, #tpu.memory_space<vmem>> -> memref<1000xi32, #tpu.memory_space<vmem>>
        %dma_start3A_253 = arith.constant 0 : i32
        %dma_start3A_254 = arith.constant 0 : i32
        %dma_start3A_255 = tpu.memref_slice %arg22[%dma_start3A_253, %dma_start3A_254] : memref<10240x16xf32, #tpu.memory_space<vmem_shared>> -> memref<10240x16xf32, #tpu.memory_space<vmem_shared>>
        tpu.enqueue_indirect_dma source(%arg17 : memref<1000x16xf32, #tpu.memory_space<vmem>>) target(%dma_start3A_255 : memref<10240x16xf32, #tpu.memory_space<vmem_shared>>) offsets(%dma_start3A_252 : memref<1000xi32, #tpu.memory_space<vmem>>) semaphore(%run_scoped3A : memref<!tpu.dma_semaphore, #tpu.memory_space<semaphore_mem>>) {add = true}
        %dma_wait3A_256 = arith.constant 19000 : i32
        %dma_wait3A_257 = tpu.memref_slice %arg15[%dma_wait3A_256] : memref<20000xi32, #tpu.memory_space<vmem>> -> memref<1000xi32, #tpu.memory_space<vmem>>
        %dma_wait3A_258 = arith.constant 0 : i32
        %dma_wait3A_259 = arith.constant 0 : i32
        %dma_wait3A_260 = tpu.memref_slice %arg22[%dma_wait3A_258, %dma_wait3A_259] : memref<10240x16xf32, #tpu.memory_space<vmem_shared>> -> memref<10240x16xf32, #tpu.memory_space<vmem_shared>>
        tpu.wait_indirect_dma semaphore(%run_scoped3A : memref<!tpu.dma_semaphore, #tpu.memory_space<semaphore_mem>>) src(%arg17 : memref<1000x16xf32, #tpu.memory_space<vmem>>) dst(%dma_wait3A_260 : memref<10240x16xf32, #tpu.memory_space<vmem_shared>>)
        tpu.yield
      }) : () -> ()
      %barrier3A_246 = arith.constant 0 : index
      tpu.barrier barrier_id(%barrier3A_246)
      %mul3A_247 = arith.constant 640 : i32
      %mul3A_248 = arith.muli %arg1, %mul3A_247 : i32
      "tpu.region"() ({
        %run_scoped3A = tpu.sem_alloc : memref<!tpu.dma_semaphore, #tpu.memory_space<semaphore_mem>>
        %dma_start3A_251 = arith.constant 0 : i32
        %dma_start3A_252 = tpu.memref_slice %arg22[%mul3A_248, %dma_start3A_251] : memref<10240x16xf32, #tpu.memory_space<vmem_shared>> -> memref<640x16xf32, #tpu.memory_space<vmem_shared>>
        %dma_start3A_253 = arith.constant 0 : i32
        %dma_start3A_254 = tpu.memref_slice %arg22[%mul3A_248, %dma_start3A_253] : memref<10240x16xf32, #tpu.memory_space<vmem_shared>> -> memref<640x16xf32, #tpu.memory_space<vmem_shared>>
        tpu.enqueue_dma source(%dma_start3A_254 : memref<640x16xf32, #tpu.memory_space<vmem_shared>>) target(%arg18 : memref<640x16xf32, #tpu.memory_space<vmem>>) target_semaphore(%run_scoped3A : memref<!tpu.dma_semaphore, #tpu.memory_space<semaphore_mem>>)
        %dma_wait3A_255 = arith.constant 0 : i32
        %dma_wait3A_256 = tpu.memref_slice %arg22[%mul3A_248, %dma_wait3A_255] : memref<10240x16xf32, #tpu.memory_space<vmem_shared>> -> memref<640x16xf32, #tpu.memory_space<vmem_shared>>
        %dma_wait3A_257 = arith.constant 0 : i32
        %dma_wait3A_258 = tpu.memref_slice %arg22[%mul3A_248, %dma_wait3A_257] : memref<10240x16xf32, #tpu.memory_space<vmem_shared>> -> memref<640x16xf32, #tpu.memory_space<vmem_shared>>
        tpu.wait_dma2 semaphore(%run_scoped3A : memref<!tpu.dma_semaphore, #tpu.memory_space<semaphore_mem>>) src(%dma_wait3A_258 : memref<640x16xf32, #tpu.memory_space<vmem_shared>>) dst(%arg18 : memref<640x16xf32, #tpu.memory_space<vmem>>)
        tpu.yield
      }) : () -> ()
      %mul3A_249 = arith.constant 640 : i32
      %mul3A_250 = arith.muli %arg1, %mul3A_249 : i32
      "tpu.region"() ({
        %run_scoped3A = tpu.sem_alloc : memref<!tpu.dma_semaphore, #tpu.memory_space<semaphore_mem>>
        %dma_start3A_251 = arith.constant 0 : i32
        %dma_start3A_252 = tpu.memref_slice %arg8[%mul3A_250, %dma_start3A_251] : memref<10240x16xf32, #tpu.memory_space<hbm>> -> memref<640x16xf32, #tpu.memory_space<hbm>>
        %dma_start3A_253 = arith.constant 0 : i32
        %dma_start3A_254 = tpu.memref_slice %arg8[%mul3A_250, %dma_start3A_253] : memref<10240x16xf32, #tpu.memory_space<hbm>> -> memref<640x16xf32, #tpu.memory_space<hbm>>
        tpu.enqueue_dma source(%arg18 : memref<640x16xf32, #tpu.memory_space<vmem>>) target(%dma_start3A_254 : memref<640x16xf32, #tpu.memory_space<hbm>>) target_semaphore(%run_scoped3A : memref<!tpu.dma_semaphore, #tpu.memory_space<semaphore_mem>>)
        %dma_wait3A_255 = arith.constant 0 : i32
        %dma_wait3A_256 = tpu.memref_slice %arg8[%mul3A_250, %dma_wait3A_255] : memref<10240x16xf32, #tpu.memory_space<hbm>> -> memref<640x16xf32, #tpu.memory_space<hbm>>
        %dma_wait3A_257 = arith.constant 0 : i32
        %dma_wait3A_258 = tpu.memref_slice %arg8[%mul3A_250, %dma_wait3A_257] : memref<10240x16xf32, #tpu.memory_space<hbm>> -> memref<640x16xf32, #tpu.memory_space<hbm>>
        tpu.wait_dma2 semaphore(%run_scoped3A : memref<!tpu.dma_semaphore, #tpu.memory_space<semaphore_mem>>) src(%arg18 : memref<640x16xf32, #tpu.memory_space<vmem>>) dst(%dma_wait3A_258 : memref<640x16xf32, #tpu.memory_space<hbm>>)
        tpu.yield
      }) : () -> ()
    } else {
    }
    %eq3A_2 = arith.constant 1 : i32
    %eq3A_3 = arith.cmpi eq, %arg0, %eq3A_2 : i32
    %convert_element_type3A_4 = arith.extui %eq3A_3 : i1 to i32
    %cond3A_5 = arith.constant 0 : i32
    %cond3A_6 = arith.cmpi ne, %convert_element_type3A_4, %cond3A_5 : i32
    scf.if %cond3A_6 {
      %mul3A = arith.constant 20 : i32
      %mul3A_7 = arith.muli %arg1, %mul3A : i32
      %mul3A_8 = arith.constant 1000 : i32
      %mul3A_9 = arith.muli %mul3A_7, %mul3A_8 : i32
      %mul3A_10 = arith.constant 20 : i32
      %mul3A_11 = arith.muli %arg1, %mul3A_10 : i32
      %mul3A_12 = arith.constant 1000 : i32
      %mul3A_13 = arith.muli %mul3A_11, %mul3A_12 : i32
      %broadcast_in_dim3A = arith.constant 1.000000e+00 : f32
      %broadcast_in_dim3A_14 = vector.broadcast %broadcast_in_dim3A : f32 to vector<16xf32>
      "tpu.region"() ({
        %run_scoped3A = tpu.sem_alloc : memref<!tpu.dma_semaphore, #tpu.memory_space<semaphore_mem>>
        %dma_start3A_251 = tpu.memref_slice %arg4[%mul3A_9] : memref<320000xi32, #tpu.memory_space<hbm>> -> memref<20000xi32, #tpu.memory_space<hbm>>
        %dma_start3A_252 = tpu.memref_slice %arg4[%mul3A_9] : memref<320000xi32, #tpu.memory_space<hbm>> -> memref<20000xi32, #tpu.memory_space<hbm>>
        tpu.enqueue_dma source(%dma_start3A_252 : memref<20000xi32, #tpu.memory_space<hbm>>) target(%arg14 : memref<20000xi32, #tpu.memory_space<vmem>>) target_semaphore(%run_scoped3A : memref<!tpu.dma_semaphore, #tpu.memory_space<semaphore_mem>>)
        %dma_wait3A_253 = tpu.memref_slice %arg4[%mul3A_9] : memref<320000xi32, #tpu.memory_space<hbm>> -> memref<20000xi32, #tpu.memory_space<hbm>>
        %dma_wait3A_254 = tpu.memref_slice %arg4[%mul3A_9] : memref<320000xi32, #tpu.memory_space<hbm>> -> memref<20000xi32, #tpu.memory_space<hbm>>
        tpu.wait_dma2 semaphore(%run_scoped3A : memref<!tpu.dma_semaphore, #tpu.memory_space<semaphore_mem>>) src(%dma_wait3A_254 : memref<20000xi32, #tpu.memory_space<hbm>>) dst(%arg14 : memref<20000xi32, #tpu.memory_space<vmem>>)
        tpu.yield
      }) : () -> ()
      "tpu.region"() ({
        %run_scoped3A = tpu.sem_alloc : memref<!tpu.dma_semaphore, #tpu.memory_space<semaphore_mem>>
        %dma_start3A_251 = tpu.memref_slice %arg5[%mul3A_13] : memref<320000xi32, #tpu.memory_space<hbm>> -> memref<20000xi32, #tpu.memory_space<hbm>>
        %dma_start3A_252 = tpu.memref_slice %arg5[%mul3A_13] : memref<320000xi32, #tpu.memory_space<hbm>> -> memref<20000xi32, #tpu.memory_space<hbm>>
        tpu.enqueue_dma source(%dma_start3A_252 : memref<20000xi32, #tpu.memory_space<hbm>>) target(%arg15 : memref<20000xi32, #tpu.memory_space<vmem>>) target_semaphore(%run_scoped3A : memref<!tpu.dma_semaphore, #tpu.memory_space<semaphore_mem>>)
        %dma_wait3A_253 = tpu.memref_slice %arg5[%mul3A_13] : memref<320000xi32, #tpu.memory_space<hbm>> -> memref<20000xi32, #tpu.memory_space<hbm>>
        %dma_wait3A_254 = tpu.memref_slice %arg5[%mul3A_13] : memref<320000xi32, #tpu.memory_space<hbm>> -> memref<20000xi32, #tpu.memory_space<hbm>>
        tpu.wait_dma2 semaphore(%run_scoped3A : memref<!tpu.dma_semaphore, #tpu.memory_space<semaphore_mem>>) src(%dma_wait3A_254 : memref<20000xi32, #tpu.memory_space<hbm>>) dst(%arg15 : memref<20000xi32, #tpu.memory_space<vmem>>)
        tpu.yield
      }) : () -> ()
      %scan3A = arith.constant 0 : i32
      %scan3A_15 = arith.constant 250 : i32
      %scan3A_16 = arith.addi %scan3A, %scan3A_15 : i32
      %scan3A_17 = arith.constant 1 : i32
      scf.for %scan3A_251 = %scan3A to %scan3A_16 step %scan3A_17  : i32 {
        %mul3A_252 = arith.constant 1 : i32
        %mul3A_253 = arith.muli %scan3A_251, %mul3A_252 : i32
        %add3A = arith.constant 0 : i32
        %add3A_254 = arith.addi %add3A, %mul3A_253 : i32
        %mul3A_255 = arith.constant 16 : i32
        %mul3A_256 = arith.muli %add3A_254, %mul3A_255 : i32
        %swap3A = arith.index_cast %mul3A_256 : i32 to index
        %swap3A_257 = tpu.vector_load %arg21[%swap3A] {strides = array<i32>} : memref<4000xf32, #tpu.memory_space<vmem>>, vector<16xf32>,
        tpu.vector_store %arg21[%swap3A], %broadcast_in_dim3A_14 {strides = array<i32>} : memref<4000xf32, #tpu.memory_space<vmem>>, vector<16xf32>,
      }
      %scan3A_18 = arith.constant 250 : i32
      %scan3A_19 = arith.constant 0 : i32
      %scan3A_20 = arith.constant 40 : i32
      %scan3A_21 = arith.addi %scan3A_19, %scan3A_20 : i32
      %scan3A_22 = arith.constant 1 : i32
      scf.for %scan3A_251 = %scan3A_19 to %scan3A_21 step %scan3A_22  : i32 {
        %mul3A_252 = arith.constant 1 : i32
        %mul3A_253 = arith.muli %scan3A_251, %mul3A_252 : i32
        %add3A = arith.constant 0 : i32
        %add3A_254 = arith.addi %add3A, %mul3A_253 : i32
        %mul3A_255 = arith.constant 16 : i32
        %mul3A_256 = arith.muli %add3A_254, %mul3A_255 : i32
        %swap3A = arith.index_cast %mul3A_256 : i32 to index
        %swap3A_257 = tpu.vector_load %arg20[%swap3A] {strides = array<i32>} : memref<640xf32, #tpu.memory_space<vmem>>, vector<16xf32>,
        tpu.vector_store %arg20[%swap3A], %broadcast_in_dim3A_14 {strides = array<i32>} : memref<640xf32, #tpu.memory_space<vmem>>, vector<16xf32>,
      }
      %scan3A_23 = arith.constant 40 : i32
      %mul3A_24 = arith.constant 640 : i32
      %mul3A_25 = arith.muli %arg1, %mul3A_24 : i32
      "tpu.region"() ({
        %run_scoped3A = tpu.sem_alloc : memref<!tpu.dma_semaphore, #tpu.memory_space<semaphore_mem>>
        %dma_start3A_251 = tpu.memref_slice %arg23[%mul3A_25] : memref<10240xf32, #tpu.memory_space<vmem_shared>> -> memref<640xf32, #tpu.memory_space<vmem_shared>>
        %dma_start3A_252 = tpu.memref_slice %arg23[%mul3A_25] : memref<10240xf32, #tpu.memory_space<vmem_shared>> -> memref<640xf32, #tpu.memory_space<vmem_shared>>
        tpu.enqueue_dma source(%arg20 : memref<640xf32, #tpu.memory_space<vmem>>) target(%dma_start3A_252 : memref<640xf32, #tpu.memory_space<vmem_shared>>) target_semaphore(%run_scoped3A : memref<!tpu.dma_semaphore, #tpu.memory_space<semaphore_mem>>)
        %dma_wait3A_253 = tpu.memref_slice %arg23[%mul3A_25] : memref<10240xf32, #tpu.memory_space<vmem_shared>> -> memref<640xf32, #tpu.memory_space<vmem_shared>>
        %dma_wait3A_254 = tpu.memref_slice %arg23[%mul3A_25] : memref<10240xf32, #tpu.memory_space<vmem_shared>> -> memref<640xf32, #tpu.memory_space<vmem_shared>>
        tpu.wait_dma2 semaphore(%run_scoped3A : memref<!tpu.dma_semaphore, #tpu.memory_space<semaphore_mem>>) src(%arg20 : memref<640xf32, #tpu.memory_space<vmem>>) dst(%dma_wait3A_254 : memref<640xf32, #tpu.memory_space<vmem_shared>>)
        tpu.yield
      }) : () -> ()
      %barrier3A = arith.constant 0 : index
      tpu.barrier barrier_id(%barrier3A)
      "tpu.region"() ({
        %run_scoped3A = tpu.sem_alloc : memref<!tpu.dma_semaphore, #tpu.memory_space<semaphore_mem>>
        %dma_start3A_251 = arith.constant 0 : i32
        %dma_start3A_252 = tpu.memref_slice %arg15[%dma_start3A_251] : memref<20000xi32, #tpu.memory_space<vmem>> -> memref<4000xi32, #tpu.memory_space<vmem>>
        %dma_start3A_253 = arith.constant 0 : i32
        %dma_start3A_254 = tpu.memref_slice %arg23[%dma_start3A_253] : memref<10240xf32, #tpu.memory_space<vmem_shared>> -> memref<10240xf32, #tpu.memory_space<vmem_shared>>
        tpu.enqueue_indirect_dma source(%arg21 : memref<4000xf32, #tpu.memory_space<vmem>>) target(%dma_start3A_254 : memref<10240xf32, #tpu.memory_space<vmem_shared>>) offsets(%dma_start3A_252 : memref<4000xi32, #tpu.memory_space<vmem>>) semaphore(%run_scoped3A : memref<!tpu.dma_semaphore, #tpu.memory_space<semaphore_mem>>) {add = true}
        %dma_wait3A_255 = arith.constant 0 : i32
        %dma_wait3A_256 = tpu.memref_slice %arg15[%dma_wait3A_255] : memref<20000xi32, #tpu.memory_space<vmem>> -> memref<4000xi32, #tpu.memory_space<vmem>>
        %dma_wait3A_257 = arith.constant 0 : i32
        %dma_wait3A_258 = tpu.memref_slice %arg23[%dma_wait3A_257] : memref<10240xf32, #tpu.memory_space<vmem_shared>> -> memref<10240xf32, #tpu.memory_space<vmem_shared>>
        tpu.wait_indirect_dma semaphore(%run_scoped3A : memref<!tpu.dma_semaphore, #tpu.memory_space<semaphore_mem>>) src(%arg21 : memref<4000xf32, #tpu.memory_space<vmem>>) dst(%dma_wait3A_258 : memref<10240xf32, #tpu.memory_space<vmem_shared>>)
        tpu.yield
      }) : () -> ()
      "tpu.region"() ({
        %run_scoped3A = tpu.sem_alloc : memref<!tpu.dma_semaphore, #tpu.memory_space<semaphore_mem>>
        %dma_start3A_251 = arith.constant 4000 : i32
        %dma_start3A_252 = tpu.memref_slice %arg15[%dma_start3A_251] : memref<20000xi32, #tpu.memory_space<vmem>> -> memref<4000xi32, #tpu.memory_space<vmem>>
        %dma_start3A_253 = arith.constant 0 : i32
        %dma_start3A_254 = tpu.memref_slice %arg23[%dma_start3A_253] : memref<10240xf32, #tpu.memory_space<vmem_shared>> -> memref<10240xf32, #tpu.memory_space<vmem_shared>>
        tpu.enqueue_indirect_dma source(%arg21 : memref<4000xf32, #tpu.memory_space<vmem>>) target(%dma_start3A_254 : memref<10240xf32, #tpu.memory_space<vmem_shared>>) offsets(%dma_start3A_252 : memref<4000xi32, #tpu.memory_space<vmem>>) semaphore(%run_scoped3A : memref<!tpu.dma_semaphore, #tpu.memory_space<semaphore_mem>>) {add = true}
        %dma_wait3A_255 = arith.constant 4000 : i32
        %dma_wait3A_256 = tpu.memref_slice %arg15[%dma_wait3A_255] : memref<20000xi32, #tpu.memory_space<vmem>> -> memref<4000xi32, #tpu.memory_space<vmem>>
        %dma_wait3A_257 = arith.constant 0 : i32
        %dma_wait3A_258 = tpu.memref_slice %arg23[%dma_wait3A_257] : memref<10240xf32, #tpu.memory_space<vmem_shared>> -> memref<10240xf32, #tpu.memory_space<vmem_shared>>
        tpu.wait_indirect_dma semaphore(%run_scoped3A : memref<!tpu.dma_semaphore, #tpu.memory_space<semaphore_mem>>) src(%arg21 : memref<4000xf32, #tpu.memory_space<vmem>>) dst(%dma_wait3A_258 : memref<10240xf32, #tpu.memory_space<vmem_shared>>)
        tpu.yield
      }) : () -> ()
      "tpu.region"() ({
        %run_scoped3A = tpu.sem_alloc : memref<!tpu.dma_semaphore, #tpu.memory_space<semaphore_mem>>
        %dma_start3A_251 = arith.constant 8000 : i32
        %dma_start3A_252 = tpu.memref_slice %arg15[%dma_start3A_251] : memref<20000xi32, #tpu.memory_space<vmem>> -> memref<4000xi32, #tpu.memory_space<vmem>>
        %dma_start3A_253 = arith.constant 0 : i32
        %dma_start3A_254 = tpu.memref_slice %arg23[%dma_start3A_253] : memref<10240xf32, #tpu.memory_space<vmem_shared>> -> memref<10240xf32, #tpu.memory_space<vmem_shared>>
        tpu.enqueue_indirect_dma source(%arg21 : memref<4000xf32, #tpu.memory_space<vmem>>) target(%dma_start3A_254 : memref<10240xf32, #tpu.memory_space<vmem_shared>>) offsets(%dma_start3A_252 : memref<4000xi32, #tpu.memory_space<vmem>>) semaphore(%run_scoped3A : memref<!tpu.dma_semaphore, #tpu.memory_space<semaphore_mem>>) {add = true}
        %dma_wait3A_255 = arith.constant 8000 : i32
        %dma_wait3A_256 = tpu.memref_slice %arg15[%dma_wait3A_255] : memref<20000xi32, #tpu.memory_space<vmem>> -> memref<4000xi32, #tpu.memory_space<vmem>>
        %dma_wait3A_257 = arith.constant 0 : i32
        %dma_wait3A_258 = tpu.memref_slice %arg23[%dma_wait3A_257] : memref<10240xf32, #tpu.memory_space<vmem_shared>> -> memref<10240xf32, #tpu.memory_space<vmem_shared>>
        tpu.wait_indirect_dma semaphore(%run_scoped3A : memref<!tpu.dma_semaphore, #tpu.memory_space<semaphore_mem>>) src(%arg21 : memref<4000xf32, #tpu.memory_space<vmem>>) dst(%dma_wait3A_258 : memref<10240xf32, #tpu.memory_space<vmem_shared>>)
        tpu.yield
      }) : () -> ()
      "tpu.region"() ({
        %run_scoped3A = tpu.sem_alloc : memref<!tpu.dma_semaphore, #tpu.memory_space<semaphore_mem>>
        %dma_start3A_251 = arith.constant 12000 : i32
        %dma_start3A_252 = tpu.memref_slice %arg15[%dma_start3A_251] : memref<20000xi32, #tpu.memory_space<vmem>> -> memref<4000xi32, #tpu.memory_space<vmem>>
        %dma_start3A_253 = arith.constant 0 : i32
        %dma_start3A_254 = tpu.memref_slice %arg23[%dma_start3A_253] : memref<10240xf32, #tpu.memory_space<vmem_shared>> -> memref<10240xf32, #tpu.memory_space<vmem_shared>>
        tpu.enqueue_indirect_dma source(%arg21 : memref<4000xf32, #tpu.memory_space<vmem>>) target(%dma_start3A_254 : memref<10240xf32, #tpu.memory_space<vmem_shared>>) offsets(%dma_start3A_252 : memref<4000xi32, #tpu.memory_space<vmem>>) semaphore(%run_scoped3A : memref<!tpu.dma_semaphore, #tpu.memory_space<semaphore_mem>>) {add = true}
        %dma_wait3A_255 = arith.constant 12000 : i32
        %dma_wait3A_256 = tpu.memref_slice %arg15[%dma_wait3A_255] : memref<20000xi32, #tpu.memory_space<vmem>> -> memref<4000xi32, #tpu.memory_space<vmem>>
        %dma_wait3A_257 = arith.constant 0 : i32
        %dma_wait3A_258 = tpu.memref_slice %arg23[%dma_wait3A_257] : memref<10240xf32, #tpu.memory_space<vmem_shared>> -> memref<10240xf32, #tpu.memory_space<vmem_shared>>
        tpu.wait_indirect_dma semaphore(%run_scoped3A : memref<!tpu.dma_semaphore, #tpu.memory_space<semaphore_mem>>) src(%arg21 : memref<4000xf32, #tpu.memory_space<vmem>>) dst(%dma_wait3A_258 : memref<10240xf32, #tpu.memory_space<vmem_shared>>)
        tpu.yield
      }) : () -> ()
      "tpu.region"() ({
        %run_scoped3A = tpu.sem_alloc : memref<!tpu.dma_semaphore, #tpu.memory_space<semaphore_mem>>
        %dma_start3A_251 = arith.constant 16000 : i32
        %dma_start3A_252 = tpu.memref_slice %arg15[%dma_start3A_251] : memref<20000xi32, #tpu.memory_space<vmem>> -> memref<4000xi32, #tpu.memory_space<vmem>>
        %dma_start3A_253 = arith.constant 0 : i32
        %dma_start3A_254 = tpu.memref_slice %arg23[%dma_start3A_253] : memref<10240xf32, #tpu.memory_space<vmem_shared>> -> memref<10240xf32, #tpu.memory_space<vmem_shared>>
        tpu.enqueue_indirect_dma source(%arg21 : memref<4000xf32, #tpu.memory_space<vmem>>) target(%dma_start3A_254 : memref<10240xf32, #tpu.memory_space<vmem_shared>>) offsets(%dma_start3A_252 : memref<4000xi32, #tpu.memory_space<vmem>>) semaphore(%run_scoped3A : memref<!tpu.dma_semaphore, #tpu.memory_space<semaphore_mem>>) {add = true}
        %dma_wait3A_255 = arith.constant 16000 : i32
        %dma_wait3A_256 = tpu.memref_slice %arg15[%dma_wait3A_255] : memref<20000xi32, #tpu.memory_space<vmem>> -> memref<4000xi32, #tpu.memory_space<vmem>>
        %dma_wait3A_257 = arith.constant 0 : i32
        %dma_wait3A_258 = tpu.memref_slice %arg23[%dma_wait3A_257] : memref<10240xf32, #tpu.memory_space<vmem_shared>> -> memref<10240xf32, #tpu.memory_space<vmem_shared>>
        tpu.wait_indirect_dma semaphore(%run_scoped3A : memref<!tpu.dma_semaphore, #tpu.memory_space<semaphore_mem>>) src(%arg21 : memref<4000xf32, #tpu.memory_space<vmem>>) dst(%dma_wait3A_258 : memref<10240xf32, #tpu.memory_space<vmem_shared>>)
        tpu.yield
      }) : () -> ()
      %barrier3A_26 = arith.constant 0 : index
      tpu.barrier barrier_id(%barrier3A_26)
      %mul3A_27 = arith.constant 640 : i32
      %mul3A_28 = arith.muli %arg1, %mul3A_27 : i32
      "tpu.region"() ({
        %run_scoped3A = tpu.sem_alloc : memref<!tpu.dma_semaphore, #tpu.memory_space<semaphore_mem>>
        %dma_start3A_251 = tpu.memref_slice %arg23[%mul3A_28] : memref<10240xf32, #tpu.memory_space<vmem_shared>> -> memref<640xf32, #tpu.memory_space<vmem_shared>>
        %dma_start3A_252 = tpu.memref_slice %arg23[%mul3A_28] : memref<10240xf32, #tpu.memory_space<vmem_shared>> -> memref<640xf32, #tpu.memory_space<vmem_shared>>
        tpu.enqueue_dma source(%dma_start3A_252 : memref<640xf32, #tpu.memory_space<vmem_shared>>) target(%arg20 : memref<640xf32, #tpu.memory_space<vmem>>) target_semaphore(%run_scoped3A : memref<!tpu.dma_semaphore, #tpu.memory_space<semaphore_mem>>)
        %dma_wait3A_253 = tpu.memref_slice %arg23[%mul3A_28] : memref<10240xf32, #tpu.memory_space<vmem_shared>> -> memref<640xf32, #tpu.memory_space<vmem_shared>>
        %dma_wait3A_254 = tpu.memref_slice %arg23[%mul3A_28] : memref<10240xf32, #tpu.memory_space<vmem_shared>> -> memref<640xf32, #tpu.memory_space<vmem_shared>>
        tpu.wait_dma2 semaphore(%run_scoped3A : memref<!tpu.dma_semaphore, #tpu.memory_space<semaphore_mem>>) src(%dma_wait3A_254 : memref<640xf32, #tpu.memory_space<vmem_shared>>) dst(%arg20 : memref<640xf32, #tpu.memory_space<vmem>>)
        tpu.yield
      }) : () -> ()
      %scan3A_29 = arith.constant 0 : i32
      %scan3A_30 = arith.constant 40 : i32
      %scan3A_31 = arith.addi %scan3A_29, %scan3A_30 : i32
      %scan3A_32 = arith.constant 1 : i32
      scf.for %scan3A_251 = %scan3A_29 to %scan3A_31 step %scan3A_32  : i32 {
        %mul3A_252 = arith.constant 1 : i32
        %mul3A_253 = arith.muli %scan3A_251, %mul3A_252 : i32
        %add3A = arith.constant 0 : i32
        %add3A_254 = arith.addi %add3A, %mul3A_253 : i32
        %mul3A_255 = arith.constant 16 : i32
        %mul3A_256 = arith.muli %add3A_254, %mul3A_255 : i32
        %get3A = arith.index_cast %mul3A_256 : i32 to index
        %get3A_257 = tpu.vector_load %arg20[%get3A] {strides = array<i32>} : memref<640xf32, #tpu.memory_space<vmem>>, vector<16xf32>,
        %bitcast3A = vector.bitcast %get3A_257 : vector<16xf32> to vector<16xi32>
        %shift_right_arithmetic3A = arith.constant 1 : i32
        %shift_right_arithmetic3A_258 = vector.broadcast %shift_right_arithmetic3A : i32 to vector<16xi32>
        %shift_right_arithmetic3A_259 = arith.shrsi %bitcast3A, %shift_right_arithmetic3A_258 : vector<16xi32>
        %sub3A = arith.constant 1597463007 : i32
        %sub3A_260 = vector.broadcast %sub3A : i32 to vector<16xi32>
        %sub3A_261 = arith.subi %sub3A_260, %shift_right_arithmetic3A_259 : vector<16xi32>
        %bitcast3A_262 = vector.bitcast %sub3A_261 : vector<16xi32> to vector<16xf32>
        %mul3A_263 = arith.constant 5.000000e-01 : f32
        %mul3A_264 = vector.broadcast %mul3A_263 : f32 to vector<16xf32>
        %mul3A_265 = arith.mulf %mul3A_264, %get3A_257 : vector<16xf32>
        %mul3A_266 = arith.mulf %mul3A_265, %bitcast3A_262 : vector<16xf32>
        %mul3A_267 = arith.mulf %mul3A_266, %bitcast3A_262 : vector<16xf32>
        %sub3A_268 = arith.constant 1.500000e+00 : f32
        %sub3A_269 = vector.broadcast %sub3A_268 : f32 to vector<16xf32>
        %sub3A_270 = arith.subf %sub3A_269, %mul3A_267 : vector<16xf32>
        %mul3A_271 = arith.mulf %bitcast3A_262, %sub3A_270 : vector<16xf32>
        %mul3A_272 = arith.constant 5.000000e-01 : f32
        %mul3A_273 = vector.broadcast %mul3A_272 : f32 to vector<16xf32>
        %mul3A_274 = arith.mulf %mul3A_273, %get3A_257 : vector<16xf32>
        %mul3A_275 = arith.mulf %mul3A_274, %mul3A_271 : vector<16xf32>
        %mul3A_276 = arith.mulf %mul3A_275, %mul3A_271 : vector<16xf32>
        %sub3A_277 = arith.constant 1.500000e+00 : f32
        %sub3A_278 = vector.broadcast %sub3A_277 : f32 to vector<16xf32>
        %sub3A_279 = arith.subf %sub3A_278, %mul3A_276 : vector<16xf32>
        %mul3A_280 = arith.mulf %mul3A_271, %sub3A_279 : vector<16xf32>
        %mul3A_281 = arith.constant 5.000000e-01 : f32
        %mul3A_282 = vector.broadcast %mul3A_281 : f32 to vector<16xf32>
        %mul3A_283 = arith.mulf %mul3A_282, %get3A_257 : vector<16xf32>
        %mul3A_284 = arith.mulf %mul3A_283, %mul3A_280 : vector<16xf32>
        %mul3A_285 = arith.mulf %mul3A_284, %mul3A_280 : vector<16xf32>
        %sub3A_286 = arith.constant 1.500000e+00 : f32
        %sub3A_287 = vector.broadcast %sub3A_286 : f32 to vector<16xf32>
        %sub3A_288 = arith.subf %sub3A_287, %mul3A_285 : vector<16xf32>
        %mul3A_289 = arith.mulf %mul3A_280, %sub3A_288 : vector<16xf32>
        %mul3A_290 = arith.constant 16 : i32
        %mul3A_291 = arith.muli %add3A_254, %mul3A_290 : i32
        %swap3A = arith.index_cast %mul3A_291 : i32 to index
        %swap3A_292 = tpu.vector_load %arg20[%swap3A] {strides = array<i32>} : memref<640xf32, #tpu.memory_space<vmem>>, vector<16xf32>,
        tpu.vector_store %arg20[%swap3A], %mul3A_289 {strides = array<i32>} : memref<640xf32, #tpu.memory_space<vmem>>, vector<16xf32>,
      }
      %scan3A_33 = arith.constant 40 : i32
      %mul3A_34 = arith.constant 640 : i32
      %mul3A_35 = arith.muli %arg1, %mul3A_34 : i32
      "tpu.region"() ({
        %run_scoped3A = tpu.sem_alloc : memref<!tpu.dma_semaphore, #tpu.memory_space<semaphore_mem>>
        %dma_start3A_251 = arith.constant 0 : i32
        %dma_start3A_252 = tpu.memref_slice %arg7[%mul3A_35, %dma_start3A_251] : memref<10240x16xf32, #tpu.memory_space<hbm>> -> memref<640x16xf32, #tpu.memory_space<hbm>>
        %dma_start3A_253 = arith.constant 0 : i32
        %dma_start3A_254 = tpu.memref_slice %arg7[%mul3A_35, %dma_start3A_253] : memref<10240x16xf32, #tpu.memory_space<hbm>> -> memref<640x16xf32, #tpu.memory_space<hbm>>
        tpu.enqueue_dma source(%dma_start3A_254 : memref<640x16xf32, #tpu.memory_space<hbm>>) target(%arg18 : memref<640x16xf32, #tpu.memory_space<vmem>>) target_semaphore(%run_scoped3A : memref<!tpu.dma_semaphore, #tpu.memory_space<semaphore_mem>>)
        %dma_wait3A_255 = arith.constant 0 : i32
        %dma_wait3A_256 = tpu.memref_slice %arg7[%mul3A_35, %dma_wait3A_255] : memref<10240x16xf32, #tpu.memory_space<hbm>> -> memref<640x16xf32, #tpu.memory_space<hbm>>
        %dma_wait3A_257 = arith.constant 0 : i32
        %dma_wait3A_258 = tpu.memref_slice %arg7[%mul3A_35, %dma_wait3A_257] : memref<10240x16xf32, #tpu.memory_space<hbm>> -> memref<640x16xf32, #tpu.memory_space<hbm>>
        tpu.wait_dma2 semaphore(%run_scoped3A : memref<!tpu.dma_semaphore, #tpu.memory_space<semaphore_mem>>) src(%dma_wait3A_258 : memref<640x16xf32, #tpu.memory_space<hbm>>) dst(%arg18 : memref<640x16xf32, #tpu.memory_space<vmem>>)
        tpu.yield
      }) : () -> ()
      %scan3A_36 = arith.constant 0 : i32
      %scan3A_37 = arith.constant 40 : i32
      %scan3A_38 = arith.addi %scan3A_36, %scan3A_37 : i32
      %scan3A_39 = arith.constant 1 : i32
      scf.for %scan3A_251 = %scan3A_36 to %scan3A_38 step %scan3A_39  : i32 {
        %mul3A_252 = arith.constant 1 : i32
        %mul3A_253 = arith.muli %scan3A_251, %mul3A_252 : i32
        %add3A = arith.constant 0 : i32
        %add3A_254 = arith.addi %add3A, %mul3A_253 : i32
        %mul3A_255 = arith.constant 16 : i32
        %mul3A_256 = arith.muli %add3A_254, %mul3A_255 : i32
        %get3A = arith.index_cast %mul3A_256 : i32 to index
        %get3A_257 = tpu.vector_load %arg20[%get3A] {strides = array<i32>} : memref<640xf32, #tpu.memory_space<vmem>>, vector<16xf32>,
        %mul3A_258 = arith.constant 16 : i32
        %mul3A_259 = arith.muli %add3A_254, %mul3A_258 : i32
        %add3A_260 = arith.constant 0 : i32
        %add3A_261 = arith.addi %mul3A_259, %add3A_260 : i32
        %slice3A = vector.extract_strided_slice %get3A_257 {offsets = [0], sizes = [1], strides = [1]} : vector<16xf32> to vector<1xf32>
        %squeeze3A = vector.extract %slice3A[0] : f32 from vector<1xf32>
        %broadcast_in_dim3A_262 = vector.broadcast %squeeze3A : f32 to vector<16xf32>
        %swap3A = arith.index_cast %add3A_261 : i32 to index
        %swap3A_263 = arith.constant 0 : index
        %swap3A_264 = tpu.vector_load %arg19[%swap3A, %swap3A_263] {strides = array<i32>} : memref<640x16xf32, #tpu.memory_space<vmem>>, vector<16xf32>,
        tpu.vector_store %arg19[%swap3A, %swap3A_263], %broadcast_in_dim3A_262 {strides = array<i32>} : memref<640x16xf32, #tpu.memory_space<vmem>>, vector<16xf32>,
        %get3A_265 = arith.index_cast %add3A_261 : i32 to index
        %get3A_266 = arith.constant 0 : index
        %get3A_267 = tpu.vector_load %arg18[%get3A_265, %get3A_266] {strides = array<i32>} : memref<640x16xf32, #tpu.memory_space<vmem>>, vector<16xf32>,
        %mul3A_268 = arith.mulf %get3A_267, %broadcast_in_dim3A_262 : vector<16xf32>
        %swap3A_269 = arith.index_cast %add3A_261 : i32 to index
        %swap3A_270 = arith.constant 0 : index
        %swap3A_271 = tpu.vector_load %arg18[%swap3A_269, %swap3A_270] {strides = array<i32>} : memref<640x16xf32, #tpu.memory_space<vmem>>, vector<16xf32>,
        tpu.vector_store %arg18[%swap3A_269, %swap3A_270], %mul3A_268 {strides = array<i32>} : memref<640x16xf32, #tpu.memory_space<vmem>>, vector<16xf32>,
        %mul3A_272 = arith.constant 16 : i32
        %mul3A_273 = arith.muli %add3A_254, %mul3A_272 : i32
        %add3A_274 = arith.constant 1 : i32
        %add3A_275 = arith.addi %mul3A_273, %add3A_274 : i32
        %slice3A_276 = vector.extract_strided_slice %get3A_257 {offsets = [1], sizes = [1], strides = [1]} : vector<16xf32> to vector<1xf32>
        %squeeze3A_277 = vector.extract %slice3A_276[0] : f32 from vector<1xf32>
        %broadcast_in_dim3A_278 = vector.broadcast %squeeze3A_277 : f32 to vector<16xf32>
        %swap3A_279 = arith.index_cast %add3A_275 : i32 to index
        %swap3A_280 = arith.constant 0 : index
        %swap3A_281 = tpu.vector_load %arg19[%swap3A_279, %swap3A_280] {strides = array<i32>} : memref<640x16xf32, #tpu.memory_space<vmem>>, vector<16xf32>,
        tpu.vector_store %arg19[%swap3A_279, %swap3A_280], %broadcast_in_dim3A_278 {strides = array<i32>} : memref<640x16xf32, #tpu.memory_space<vmem>>, vector<16xf32>,
        %get3A_282 = arith.index_cast %add3A_275 : i32 to index
        %get3A_283 = arith.constant 0 : index
        %get3A_284 = tpu.vector_load %arg18[%get3A_282, %get3A_283] {strides = array<i32>} : memref<640x16xf32, #tpu.memory_space<vmem>>, vector<16xf32>,
        %mul3A_285 = arith.mulf %get3A_284, %broadcast_in_dim3A_278 : vector<16xf32>
        %swap3A_286 = arith.index_cast %add3A_275 : i32 to index
        %swap3A_287 = arith.constant 0 : index
        %swap3A_288 = tpu.vector_load %arg18[%swap3A_286, %swap3A_287] {strides = array<i32>} : memref<640x16xf32, #tpu.memory_space<vmem>>, vector<16xf32>,
        tpu.vector_store %arg18[%swap3A_286, %swap3A_287], %mul3A_285 {strides = array<i32>} : memref<640x16xf32, #tpu.memory_space<vmem>>, vector<16xf32>,
        %mul3A_289 = arith.constant 16 : i32
        %mul3A_290 = arith.muli %add3A_254, %mul3A_289 : i32
        %add3A_291 = arith.constant 2 : i32
        %add3A_292 = arith.addi %mul3A_290, %add3A_291 : i32
        %slice3A_293 = vector.extract_strided_slice %get3A_257 {offsets = [2], sizes = [1], strides = [1]} : vector<16xf32> to vector<1xf32>
        %squeeze3A_294 = vector.extract %slice3A_293[0] : f32 from vector<1xf32>
        %broadcast_in_dim3A_295 = vector.broadcast %squeeze3A_294 : f32 to vector<16xf32>
        %swap3A_296 = arith.index_cast %add3A_292 : i32 to index
        %swap3A_297 = arith.constant 0 : index
        %swap3A_298 = tpu.vector_load %arg19[%swap3A_296, %swap3A_297] {strides = array<i32>} : memref<640x16xf32, #tpu.memory_space<vmem>>, vector<16xf32>,
        tpu.vector_store %arg19[%swap3A_296, %swap3A_297], %broadcast_in_dim3A_295 {strides = array<i32>} : memref<640x16xf32, #tpu.memory_space<vmem>>, vector<16xf32>,
        %get3A_299 = arith.index_cast %add3A_292 : i32 to index
        %get3A_300 = arith.constant 0 : index
        %get3A_301 = tpu.vector_load %arg18[%get3A_299, %get3A_300] {strides = array<i32>} : memref<640x16xf32, #tpu.memory_space<vmem>>, vector<16xf32>,
        %mul3A_302 = arith.mulf %get3A_301, %broadcast_in_dim3A_295 : vector<16xf32>
        %swap3A_303 = arith.index_cast %add3A_292 : i32 to index
        %swap3A_304 = arith.constant 0 : index
        %swap3A_305 = tpu.vector_load %arg18[%swap3A_303, %swap3A_304] {strides = array<i32>} : memref<640x16xf32, #tpu.memory_space<vmem>>, vector<16xf32>,
        tpu.vector_store %arg18[%swap3A_303, %swap3A_304], %mul3A_302 {strides = array<i32>} : memref<640x16xf32, #tpu.memory_space<vmem>>, vector<16xf32>,
        %mul3A_306 = arith.constant 16 : i32
        %mul3A_307 = arith.muli %add3A_254, %mul3A_306 : i32
        %add3A_308 = arith.constant 3 : i32
        %add3A_309 = arith.addi %mul3A_307, %add3A_308 : i32
        %slice3A_310 = vector.extract_strided_slice %get3A_257 {offsets = [3], sizes = [1], strides = [1]} : vector<16xf32> to vector<1xf32>
        %squeeze3A_311 = vector.extract %slice3A_310[0] : f32 from vector<1xf32>
        %broadcast_in_dim3A_312 = vector.broadcast %squeeze3A_311 : f32 to vector<16xf32>
        %swap3A_313 = arith.index_cast %add3A_309 : i32 to index
        %swap3A_314 = arith.constant 0 : index
        %swap3A_315 = tpu.vector_load %arg19[%swap3A_313, %swap3A_314] {strides = array<i32>} : memref<640x16xf32, #tpu.memory_space<vmem>>, vector<16xf32>,
        tpu.vector_store %arg19[%swap3A_313, %swap3A_314], %broadcast_in_dim3A_312 {strides = array<i32>} : memref<640x16xf32, #tpu.memory_space<vmem>>, vector<16xf32>,
        %get3A_316 = arith.index_cast %add3A_309 : i32 to index
        %get3A_317 = arith.constant 0 : index
        %get3A_318 = tpu.vector_load %arg18[%get3A_316, %get3A_317] {strides = array<i32>} : memref<640x16xf32, #tpu.memory_space<vmem>>, vector<16xf32>,
        %mul3A_319 = arith.mulf %get3A_318, %broadcast_in_dim3A_312 : vector<16xf32>
        %swap3A_320 = arith.index_cast %add3A_309 : i32 to index
        %swap3A_321 = arith.constant 0 : index
        %swap3A_322 = tpu.vector_load %arg18[%swap3A_320, %swap3A_321] {strides = array<i32>} : memref<640x16xf32, #tpu.memory_space<vmem>>, vector<16xf32>,
        tpu.vector_store %arg18[%swap3A_320, %swap3A_321], %mul3A_319 {strides = array<i32>} : memref<640x16xf32, #tpu.memory_space<vmem>>, vector<16xf32>,
        %mul3A_323 = arith.constant 16 : i32
        %mul3A_324 = arith.muli %add3A_254, %mul3A_323 : i32
        %add3A_325 = arith.constant 4 : i32
        %add3A_326 = arith.addi %mul3A_324, %add3A_325 : i32
        %slice3A_327 = vector.extract_strided_slice %get3A_257 {offsets = [4], sizes = [1], strides = [1]} : vector<16xf32> to vector<1xf32>
        %squeeze3A_328 = vector.extract %slice3A_327[0] : f32 from vector<1xf32>
        %broadcast_in_dim3A_329 = vector.broadcast %squeeze3A_328 : f32 to vector<16xf32>
        %swap3A_330 = arith.index_cast %add3A_326 : i32 to index
        %swap3A_331 = arith.constant 0 : index
        %swap3A_332 = tpu.vector_load %arg19[%swap3A_330, %swap3A_331] {strides = array<i32>} : memref<640x16xf32, #tpu.memory_space<vmem>>, vector<16xf32>,
        tpu.vector_store %arg19[%swap3A_330, %swap3A_331], %broadcast_in_dim3A_329 {strides = array<i32>} : memref<640x16xf32, #tpu.memory_space<vmem>>, vector<16xf32>,
        %get3A_333 = arith.index_cast %add3A_326 : i32 to index
        %get3A_334 = arith.constant 0 : index
        %get3A_335 = tpu.vector_load %arg18[%get3A_333, %get3A_334] {strides = array<i32>} : memref<640x16xf32, #tpu.memory_space<vmem>>, vector<16xf32>,
        %mul3A_336 = arith.mulf %get3A_335, %broadcast_in_dim3A_329 : vector<16xf32>
        %swap3A_337 = arith.index_cast %add3A_326 : i32 to index
        %swap3A_338 = arith.constant 0 : index
        %swap3A_339 = tpu.vector_load %arg18[%swap3A_337, %swap3A_338] {strides = array<i32>} : memref<640x16xf32, #tpu.memory_space<vmem>>, vector<16xf32>,
        tpu.vector_store %arg18[%swap3A_337, %swap3A_338], %mul3A_336 {strides = array<i32>} : memref<640x16xf32, #tpu.memory_space<vmem>>, vector<16xf32>,
        %mul3A_340 = arith.constant 16 : i32
        %mul3A_341 = arith.muli %add3A_254, %mul3A_340 : i32
        %add3A_342 = arith.constant 5 : i32
        %add3A_343 = arith.addi %mul3A_341, %add3A_342 : i32
        %slice3A_344 = vector.extract_strided_slice %get3A_257 {offsets = [5], sizes = [1], strides = [1]} : vector<16xf32> to vector<1xf32>
        %squeeze3A_345 = vector.extract %slice3A_344[0] : f32 from vector<1xf32>
        %broadcast_in_dim3A_346 = vector.broadcast %squeeze3A_345 : f32 to vector<16xf32>
        %swap3A_347 = arith.index_cast %add3A_343 : i32 to index
        %swap3A_348 = arith.constant 0 : index
        %swap3A_349 = tpu.vector_load %arg19[%swap3A_347, %swap3A_348] {strides = array<i32>} : memref<640x16xf32, #tpu.memory_space<vmem>>, vector<16xf32>,
        tpu.vector_store %arg19[%swap3A_347, %swap3A_348], %broadcast_in_dim3A_346 {strides = array<i32>} : memref<640x16xf32, #tpu.memory_space<vmem>>, vector<16xf32>,
        %get3A_350 = arith.index_cast %add3A_343 : i32 to index
        %get3A_351 = arith.constant 0 : index
        %get3A_352 = tpu.vector_load %arg18[%get3A_350, %get3A_351] {strides = array<i32>} : memref<640x16xf32, #tpu.memory_space<vmem>>, vector<16xf32>,
        %mul3A_353 = arith.mulf %get3A_352, %broadcast_in_dim3A_346 : vector<16xf32>
        %swap3A_354 = arith.index_cast %add3A_343 : i32 to index
        %swap3A_355 = arith.constant 0 : index
        %swap3A_356 = tpu.vector_load %arg18[%swap3A_354, %swap3A_355] {strides = array<i32>} : memref<640x16xf32, #tpu.memory_space<vmem>>, vector<16xf32>,
        tpu.vector_store %arg18[%swap3A_354, %swap3A_355], %mul3A_353 {strides = array<i32>} : memref<640x16xf32, #tpu.memory_space<vmem>>, vector<16xf32>,
        %mul3A_357 = arith.constant 16 : i32
        %mul3A_358 = arith.muli %add3A_254, %mul3A_357 : i32
        %add3A_359 = arith.constant 6 : i32
        %add3A_360 = arith.addi %mul3A_358, %add3A_359 : i32
        %slice3A_361 = vector.extract_strided_slice %get3A_257 {offsets = [6], sizes = [1], strides = [1]} : vector<16xf32> to vector<1xf32>
        %squeeze3A_362 = vector.extract %slice3A_361[0] : f32 from vector<1xf32>
        %broadcast_in_dim3A_363 = vector.broadcast %squeeze3A_362 : f32 to vector<16xf32>
        %swap3A_364 = arith.index_cast %add3A_360 : i32 to index
        %swap3A_365 = arith.constant 0 : index
        %swap3A_366 = tpu.vector_load %arg19[%swap3A_364, %swap3A_365] {strides = array<i32>} : memref<640x16xf32, #tpu.memory_space<vmem>>, vector<16xf32>,
        tpu.vector_store %arg19[%swap3A_364, %swap3A_365], %broadcast_in_dim3A_363 {strides = array<i32>} : memref<640x16xf32, #tpu.memory_space<vmem>>, vector<16xf32>,
        %get3A_367 = arith.index_cast %add3A_360 : i32 to index
        %get3A_368 = arith.constant 0 : index
        %get3A_369 = tpu.vector_load %arg18[%get3A_367, %get3A_368] {strides = array<i32>} : memref<640x16xf32, #tpu.memory_space<vmem>>, vector<16xf32>,
        %mul3A_370 = arith.mulf %get3A_369, %broadcast_in_dim3A_363 : vector<16xf32>
        %swap3A_371 = arith.index_cast %add3A_360 : i32 to index
        %swap3A_372 = arith.constant 0 : index
        %swap3A_373 = tpu.vector_load %arg18[%swap3A_371, %swap3A_372] {strides = array<i32>} : memref<640x16xf32, #tpu.memory_space<vmem>>, vector<16xf32>,
        tpu.vector_store %arg18[%swap3A_371, %swap3A_372], %mul3A_370 {strides = array<i32>} : memref<640x16xf32, #tpu.memory_space<vmem>>, vector<16xf32>,
        %mul3A_374 = arith.constant 16 : i32
        %mul3A_375 = arith.muli %add3A_254, %mul3A_374 : i32
        %add3A_376 = arith.constant 7 : i32
        %add3A_377 = arith.addi %mul3A_375, %add3A_376 : i32
        %slice3A_378 = vector.extract_strided_slice %get3A_257 {offsets = [7], sizes = [1], strides = [1]} : vector<16xf32> to vector<1xf32>
        %squeeze3A_379 = vector.extract %slice3A_378[0] : f32 from vector<1xf32>
        %broadcast_in_dim3A_380 = vector.broadcast %squeeze3A_379 : f32 to vector<16xf32>
        %swap3A_381 = arith.index_cast %add3A_377 : i32 to index
        %swap3A_382 = arith.constant 0 : index
        %swap3A_383 = tpu.vector_load %arg19[%swap3A_381, %swap3A_382] {strides = array<i32>} : memref<640x16xf32, #tpu.memory_space<vmem>>, vector<16xf32>,
        tpu.vector_store %arg19[%swap3A_381, %swap3A_382], %broadcast_in_dim3A_380 {strides = array<i32>} : memref<640x16xf32, #tpu.memory_space<vmem>>, vector<16xf32>,
        %get3A_384 = arith.index_cast %add3A_377 : i32 to index
        %get3A_385 = arith.constant 0 : index
        %get3A_386 = tpu.vector_load %arg18[%get3A_384, %get3A_385] {strides = array<i32>} : memref<640x16xf32, #tpu.memory_space<vmem>>, vector<16xf32>,
        %mul3A_387 = arith.mulf %get3A_386, %broadcast_in_dim3A_380 : vector<16xf32>
        %swap3A_388 = arith.index_cast %add3A_377 : i32 to index
        %swap3A_389 = arith.constant 0 : index
        %swap3A_390 = tpu.vector_load %arg18[%swap3A_388, %swap3A_389] {strides = array<i32>} : memref<640x16xf32, #tpu.memory_space<vmem>>, vector<16xf32>,
        tpu.vector_store %arg18[%swap3A_388, %swap3A_389], %mul3A_387 {strides = array<i32>} : memref<640x16xf32, #tpu.memory_space<vmem>>, vector<16xf32>,
        %mul3A_391 = arith.constant 16 : i32
        %mul3A_392 = arith.muli %add3A_254, %mul3A_391 : i32
        %add3A_393 = arith.constant 8 : i32
        %add3A_394 = arith.addi %mul3A_392, %add3A_393 : i32
        %slice3A_395 = vector.extract_strided_slice %get3A_257 {offsets = [8], sizes = [1], strides = [1]} : vector<16xf32> to vector<1xf32>
        %squeeze3A_396 = vector.extract %slice3A_395[0] : f32 from vector<1xf32>
        %broadcast_in_dim3A_397 = vector.broadcast %squeeze3A_396 : f32 to vector<16xf32>
        %swap3A_398 = arith.index_cast %add3A_394 : i32 to index
        %swap3A_399 = arith.constant 0 : index
        %swap3A_400 = tpu.vector_load %arg19[%swap3A_398, %swap3A_399] {strides = array<i32>} : memref<640x16xf32, #tpu.memory_space<vmem>>, vector<16xf32>,
        tpu.vector_store %arg19[%swap3A_398, %swap3A_399], %broadcast_in_dim3A_397 {strides = array<i32>} : memref<640x16xf32, #tpu.memory_space<vmem>>, vector<16xf32>,
        %get3A_401 = arith.index_cast %add3A_394 : i32 to index
        %get3A_402 = arith.constant 0 : index
        %get3A_403 = tpu.vector_load %arg18[%get3A_401, %get3A_402] {strides = array<i32>} : memref<640x16xf32, #tpu.memory_space<vmem>>, vector<16xf32>,
        %mul3A_404 = arith.mulf %get3A_403, %broadcast_in_dim3A_397 : vector<16xf32>
        %swap3A_405 = arith.index_cast %add3A_394 : i32 to index
        %swap3A_406 = arith.constant 0 : index
        %swap3A_407 = tpu.vector_load %arg18[%swap3A_405, %swap3A_406] {strides = array<i32>} : memref<640x16xf32, #tpu.memory_space<vmem>>, vector<16xf32>,
        tpu.vector_store %arg18[%swap3A_405, %swap3A_406], %mul3A_404 {strides = array<i32>} : memref<640x16xf32, #tpu.memory_space<vmem>>, vector<16xf32>,
        %mul3A_408 = arith.constant 16 : i32
        %mul3A_409 = arith.muli %add3A_254, %mul3A_408 : i32
        %add3A_410 = arith.constant 9 : i32
        %add3A_411 = arith.addi %mul3A_409, %add3A_410 : i32
        %slice3A_412 = vector.extract_strided_slice %get3A_257 {offsets = [9], sizes = [1], strides = [1]} : vector<16xf32> to vector<1xf32>
        %squeeze3A_413 = vector.extract %slice3A_412[0] : f32 from vector<1xf32>
        %broadcast_in_dim3A_414 = vector.broadcast %squeeze3A_413 : f32 to vector<16xf32>
        %swap3A_415 = arith.index_cast %add3A_411 : i32 to index
        %swap3A_416 = arith.constant 0 : index
        %swap3A_417 = tpu.vector_load %arg19[%swap3A_415, %swap3A_416] {strides = array<i32>} : memref<640x16xf32, #tpu.memory_space<vmem>>, vector<16xf32>,
        tpu.vector_store %arg19[%swap3A_415, %swap3A_416], %broadcast_in_dim3A_414 {strides = array<i32>} : memref<640x16xf32, #tpu.memory_space<vmem>>, vector<16xf32>,
        %get3A_418 = arith.index_cast %add3A_411 : i32 to index
        %get3A_419 = arith.constant 0 : index
        %get3A_420 = tpu.vector_load %arg18[%get3A_418, %get3A_419] {strides = array<i32>} : memref<640x16xf32, #tpu.memory_space<vmem>>, vector<16xf32>,
        %mul3A_421 = arith.mulf %get3A_420, %broadcast_in_dim3A_414 : vector<16xf32>
        %swap3A_422 = arith.index_cast %add3A_411 : i32 to index
        %swap3A_423 = arith.constant 0 : index
        %swap3A_424 = tpu.vector_load %arg18[%swap3A_422, %swap3A_423] {strides = array<i32>} : memref<640x16xf32, #tpu.memory_space<vmem>>, vector<16xf32>,
        tpu.vector_store %arg18[%swap3A_422, %swap3A_423], %mul3A_421 {strides = array<i32>} : memref<640x16xf32, #tpu.memory_space<vmem>>, vector<16xf32>,
        %mul3A_425 = arith.constant 16 : i32
        %mul3A_426 = arith.muli %add3A_254, %mul3A_425 : i32
        %add3A_427 = arith.constant 10 : i32
        %add3A_428 = arith.addi %mul3A_426, %add3A_427 : i32
        %slice3A_429 = vector.extract_strided_slice %get3A_257 {offsets = [10], sizes = [1], strides = [1]} : vector<16xf32> to vector<1xf32>
        %squeeze3A_430 = vector.extract %slice3A_429[0] : f32 from vector<1xf32>
        %broadcast_in_dim3A_431 = vector.broadcast %squeeze3A_430 : f32 to vector<16xf32>
        %swap3A_432 = arith.index_cast %add3A_428 : i32 to index
        %swap3A_433 = arith.constant 0 : index
        %swap3A_434 = tpu.vector_load %arg19[%swap3A_432, %swap3A_433] {strides = array<i32>} : memref<640x16xf32, #tpu.memory_space<vmem>>, vector<16xf32>,
        tpu.vector_store %arg19[%swap3A_432, %swap3A_433], %broadcast_in_dim3A_431 {strides = array<i32>} : memref<640x16xf32, #tpu.memory_space<vmem>>, vector<16xf32>,
        %get3A_435 = arith.index_cast %add3A_428 : i32 to index
        %get3A_436 = arith.constant 0 : index
        %get3A_437 = tpu.vector_load %arg18[%get3A_435, %get3A_436] {strides = array<i32>} : memref<640x16xf32, #tpu.memory_space<vmem>>, vector<16xf32>,
        %mul3A_438 = arith.mulf %get3A_437, %broadcast_in_dim3A_431 : vector<16xf32>
        %swap3A_439 = arith.index_cast %add3A_428 : i32 to index
        %swap3A_440 = arith.constant 0 : index
        %swap3A_441 = tpu.vector_load %arg18[%swap3A_439, %swap3A_440] {strides = array<i32>} : memref<640x16xf32, #tpu.memory_space<vmem>>, vector<16xf32>,
        tpu.vector_store %arg18[%swap3A_439, %swap3A_440], %mul3A_438 {strides = array<i32>} : memref<640x16xf32, #tpu.memory_space<vmem>>, vector<16xf32>,
        %mul3A_442 = arith.constant 16 : i32
        %mul3A_443 = arith.muli %add3A_254, %mul3A_442 : i32
        %add3A_444 = arith.constant 11 : i32
        %add3A_445 = arith.addi %mul3A_443, %add3A_444 : i32
        %slice3A_446 = vector.extract_strided_slice %get3A_257 {offsets = [11], sizes = [1], strides = [1]} : vector<16xf32> to vector<1xf32>
        %squeeze3A_447 = vector.extract %slice3A_446[0] : f32 from vector<1xf32>
        %broadcast_in_dim3A_448 = vector.broadcast %squeeze3A_447 : f32 to vector<16xf32>
        %swap3A_449 = arith.index_cast %add3A_445 : i32 to index
        %swap3A_450 = arith.constant 0 : index
        %swap3A_451 = tpu.vector_load %arg19[%swap3A_449, %swap3A_450] {strides = array<i32>} : memref<640x16xf32, #tpu.memory_space<vmem>>, vector<16xf32>,
        tpu.vector_store %arg19[%swap3A_449, %swap3A_450], %broadcast_in_dim3A_448 {strides = array<i32>} : memref<640x16xf32, #tpu.memory_space<vmem>>, vector<16xf32>,
        %get3A_452 = arith.index_cast %add3A_445 : i32 to index
        %get3A_453 = arith.constant 0 : index
        %get3A_454 = tpu.vector_load %arg18[%get3A_452, %get3A_453] {strides = array<i32>} : memref<640x16xf32, #tpu.memory_space<vmem>>, vector<16xf32>,
        %mul3A_455 = arith.mulf %get3A_454, %broadcast_in_dim3A_448 : vector<16xf32>
        %swap3A_456 = arith.index_cast %add3A_445 : i32 to index
        %swap3A_457 = arith.constant 0 : index
        %swap3A_458 = tpu.vector_load %arg18[%swap3A_456, %swap3A_457] {strides = array<i32>} : memref<640x16xf32, #tpu.memory_space<vmem>>, vector<16xf32>,
        tpu.vector_store %arg18[%swap3A_456, %swap3A_457], %mul3A_455 {strides = array<i32>} : memref<640x16xf32, #tpu.memory_space<vmem>>, vector<16xf32>,
        %mul3A_459 = arith.constant 16 : i32
        %mul3A_460 = arith.muli %add3A_254, %mul3A_459 : i32
        %add3A_461 = arith.constant 12 : i32
        %add3A_462 = arith.addi %mul3A_460, %add3A_461 : i32
        %slice3A_463 = vector.extract_strided_slice %get3A_257 {offsets = [12], sizes = [1], strides = [1]} : vector<16xf32> to vector<1xf32>
        %squeeze3A_464 = vector.extract %slice3A_463[0] : f32 from vector<1xf32>
        %broadcast_in_dim3A_465 = vector.broadcast %squeeze3A_464 : f32 to vector<16xf32>
        %swap3A_466 = arith.index_cast %add3A_462 : i32 to index
        %swap3A_467 = arith.constant 0 : index
        %swap3A_468 = tpu.vector_load %arg19[%swap3A_466, %swap3A_467] {strides = array<i32>} : memref<640x16xf32, #tpu.memory_space<vmem>>, vector<16xf32>,
        tpu.vector_store %arg19[%swap3A_466, %swap3A_467], %broadcast_in_dim3A_465 {strides = array<i32>} : memref<640x16xf32, #tpu.memory_space<vmem>>, vector<16xf32>,
        %get3A_469 = arith.index_cast %add3A_462 : i32 to index
        %get3A_470 = arith.constant 0 : index
        %get3A_471 = tpu.vector_load %arg18[%get3A_469, %get3A_470] {strides = array<i32>} : memref<640x16xf32, #tpu.memory_space<vmem>>, vector<16xf32>,
        %mul3A_472 = arith.mulf %get3A_471, %broadcast_in_dim3A_465 : vector<16xf32>
        %swap3A_473 = arith.index_cast %add3A_462 : i32 to index
        %swap3A_474 = arith.constant 0 : index
        %swap3A_475 = tpu.vector_load %arg18[%swap3A_473, %swap3A_474] {strides = array<i32>} : memref<640x16xf32, #tpu.memory_space<vmem>>, vector<16xf32>,
        tpu.vector_store %arg18[%swap3A_473, %swap3A_474], %mul3A_472 {strides = array<i32>} : memref<640x16xf32, #tpu.memory_space<vmem>>, vector<16xf32>,
        %mul3A_476 = arith.constant 16 : i32
        %mul3A_477 = arith.muli %add3A_254, %mul3A_476 : i32
        %add3A_478 = arith.constant 13 : i32
        %add3A_479 = arith.addi %mul3A_477, %add3A_478 : i32
        %slice3A_480 = vector.extract_strided_slice %get3A_257 {offsets = [13], sizes = [1], strides = [1]} : vector<16xf32> to vector<1xf32>
        %squeeze3A_481 = vector.extract %slice3A_480[0] : f32 from vector<1xf32>
        %broadcast_in_dim3A_482 = vector.broadcast %squeeze3A_481 : f32 to vector<16xf32>
        %swap3A_483 = arith.index_cast %add3A_479 : i32 to index
        %swap3A_484 = arith.constant 0 : index
        %swap3A_485 = tpu.vector_load %arg19[%swap3A_483, %swap3A_484] {strides = array<i32>} : memref<640x16xf32, #tpu.memory_space<vmem>>, vector<16xf32>,
        tpu.vector_store %arg19[%swap3A_483, %swap3A_484], %broadcast_in_dim3A_482 {strides = array<i32>} : memref<640x16xf32, #tpu.memory_space<vmem>>, vector<16xf32>,
        %get3A_486 = arith.index_cast %add3A_479 : i32 to index
        %get3A_487 = arith.constant 0 : index
        %get3A_488 = tpu.vector_load %arg18[%get3A_486, %get3A_487] {strides = array<i32>} : memref<640x16xf32, #tpu.memory_space<vmem>>, vector<16xf32>,
        %mul3A_489 = arith.mulf %get3A_488, %broadcast_in_dim3A_482 : vector<16xf32>
        %swap3A_490 = arith.index_cast %add3A_479 : i32 to index
        %swap3A_491 = arith.constant 0 : index
        %swap3A_492 = tpu.vector_load %arg18[%swap3A_490, %swap3A_491] {strides = array<i32>} : memref<640x16xf32, #tpu.memory_space<vmem>>, vector<16xf32>,
        tpu.vector_store %arg18[%swap3A_490, %swap3A_491], %mul3A_489 {strides = array<i32>} : memref<640x16xf32, #tpu.memory_space<vmem>>, vector<16xf32>,
        %mul3A_493 = arith.constant 16 : i32
        %mul3A_494 = arith.muli %add3A_254, %mul3A_493 : i32
        %add3A_495 = arith.constant 14 : i32
        %add3A_496 = arith.addi %mul3A_494, %add3A_495 : i32
        %slice3A_497 = vector.extract_strided_slice %get3A_257 {offsets = [14], sizes = [1], strides = [1]} : vector<16xf32> to vector<1xf32>
        %squeeze3A_498 = vector.extract %slice3A_497[0] : f32 from vector<1xf32>
        %broadcast_in_dim3A_499 = vector.broadcast %squeeze3A_498 : f32 to vector<16xf32>
        %swap3A_500 = arith.index_cast %add3A_496 : i32 to index
        %swap3A_501 = arith.constant 0 : index
        %swap3A_502 = tpu.vector_load %arg19[%swap3A_500, %swap3A_501] {strides = array<i32>} : memref<640x16xf32, #tpu.memory_space<vmem>>, vector<16xf32>,
        tpu.vector_store %arg19[%swap3A_500, %swap3A_501], %broadcast_in_dim3A_499 {strides = array<i32>} : memref<640x16xf32, #tpu.memory_space<vmem>>, vector<16xf32>,
        %get3A_503 = arith.index_cast %add3A_496 : i32 to index
        %get3A_504 = arith.constant 0 : index
        %get3A_505 = tpu.vector_load %arg18[%get3A_503, %get3A_504] {strides = array<i32>} : memref<640x16xf32, #tpu.memory_space<vmem>>, vector<16xf32>,
        %mul3A_506 = arith.mulf %get3A_505, %broadcast_in_dim3A_499 : vector<16xf32>
        %swap3A_507 = arith.index_cast %add3A_496 : i32 to index
        %swap3A_508 = arith.constant 0 : index
        %swap3A_509 = tpu.vector_load %arg18[%swap3A_507, %swap3A_508] {strides = array<i32>} : memref<640x16xf32, #tpu.memory_space<vmem>>, vector<16xf32>,
        tpu.vector_store %arg18[%swap3A_507, %swap3A_508], %mul3A_506 {strides = array<i32>} : memref<640x16xf32, #tpu.memory_space<vmem>>, vector<16xf32>,
        %mul3A_510 = arith.constant 16 : i32
        %mul3A_511 = arith.muli %add3A_254, %mul3A_510 : i32
        %add3A_512 = arith.constant 15 : i32
        %add3A_513 = arith.addi %mul3A_511, %add3A_512 : i32
        %slice3A_514 = vector.extract_strided_slice %get3A_257 {offsets = [15], sizes = [1], strides = [1]} : vector<16xf32> to vector<1xf32>
        %squeeze3A_515 = vector.extract %slice3A_514[0] : f32 from vector<1xf32>
        %broadcast_in_dim3A_516 = vector.broadcast %squeeze3A_515 : f32 to vector<16xf32>
        %swap3A_517 = arith.index_cast %add3A_513 : i32 to index
        %swap3A_518 = arith.constant 0 : index
        %swap3A_519 = tpu.vector_load %arg19[%swap3A_517, %swap3A_518] {strides = array<i32>} : memref<640x16xf32, #tpu.memory_space<vmem>>, vector<16xf32>,
        tpu.vector_store %arg19[%swap3A_517, %swap3A_518], %broadcast_in_dim3A_516 {strides = array<i32>} : memref<640x16xf32, #tpu.memory_space<vmem>>, vector<16xf32>,
        %get3A_520 = arith.index_cast %add3A_513 : i32 to index
        %get3A_521 = arith.constant 0 : index
        %get3A_522 = tpu.vector_load %arg18[%get3A_520, %get3A_521] {strides = array<i32>} : memref<640x16xf32, #tpu.memory_space<vmem>>, vector<16xf32>,
        %mul3A_523 = arith.mulf %get3A_522, %broadcast_in_dim3A_516 : vector<16xf32>
        %swap3A_524 = arith.index_cast %add3A_513 : i32 to index
        %swap3A_525 = arith.constant 0 : index
        %swap3A_526 = tpu.vector_load %arg18[%swap3A_524, %swap3A_525] {strides = array<i32>} : memref<640x16xf32, #tpu.memory_space<vmem>>, vector<16xf32>,
        tpu.vector_store %arg18[%swap3A_524, %swap3A_525], %mul3A_523 {strides = array<i32>} : memref<640x16xf32, #tpu.memory_space<vmem>>, vector<16xf32>,
      }
      %scan3A_40 = arith.constant 40 : i32
      %mul3A_41 = arith.constant 640 : i32
      %mul3A_42 = arith.muli %arg1, %mul3A_41 : i32
      "tpu.region"() ({
        %run_scoped3A = tpu.sem_alloc : memref<!tpu.dma_semaphore, #tpu.memory_space<semaphore_mem>>
        %dma_start3A_251 = arith.constant 0 : i32
        %dma_start3A_252 = tpu.memref_slice %arg11[%mul3A_42, %dma_start3A_251] : memref<10240x16xf32, #tpu.memory_space<hbm>> -> memref<640x16xf32, #tpu.memory_space<hbm>>
        %dma_start3A_253 = arith.constant 0 : i32
        %dma_start3A_254 = tpu.memref_slice %arg11[%mul3A_42, %dma_start3A_253] : memref<10240x16xf32, #tpu.memory_space<hbm>> -> memref<640x16xf32, #tpu.memory_space<hbm>>
        tpu.enqueue_dma source(%arg19 : memref<640x16xf32, #tpu.memory_space<vmem>>) target(%dma_start3A_254 : memref<640x16xf32, #tpu.memory_space<hbm>>) target_semaphore(%run_scoped3A : memref<!tpu.dma_semaphore, #tpu.memory_space<semaphore_mem>>)
        %dma_wait3A_255 = arith.constant 0 : i32
        %dma_wait3A_256 = tpu.memref_slice %arg11[%mul3A_42, %dma_wait3A_255] : memref<10240x16xf32, #tpu.memory_space<hbm>> -> memref<640x16xf32, #tpu.memory_space<hbm>>
        %dma_wait3A_257 = arith.constant 0 : i32
        %dma_wait3A_258 = tpu.memref_slice %arg11[%mul3A_42, %dma_wait3A_257] : memref<10240x16xf32, #tpu.memory_space<hbm>> -> memref<640x16xf32, #tpu.memory_space<hbm>>
        tpu.wait_dma2 semaphore(%run_scoped3A : memref<!tpu.dma_semaphore, #tpu.memory_space<semaphore_mem>>) src(%arg19 : memref<640x16xf32, #tpu.memory_space<vmem>>) dst(%dma_wait3A_258 : memref<640x16xf32, #tpu.memory_space<hbm>>)
        tpu.yield
      }) : () -> ()
      %mul3A_43 = arith.constant 640 : i32
      %mul3A_44 = arith.muli %arg1, %mul3A_43 : i32
      "tpu.region"() ({
        %run_scoped3A = tpu.sem_alloc : memref<!tpu.dma_semaphore, #tpu.memory_space<semaphore_mem>>
        %dma_start3A_251 = arith.constant 0 : i32
        %dma_start3A_252 = tpu.memref_slice %arg13[%mul3A_44, %dma_start3A_251] : memref<10240x16xf32, #tpu.memory_space<hbm>> -> memref<640x16xf32, #tpu.memory_space<hbm>>
        %dma_start3A_253 = arith.constant 0 : i32
        %dma_start3A_254 = tpu.memref_slice %arg13[%mul3A_44, %dma_start3A_253] : memref<10240x16xf32, #tpu.memory_space<hbm>> -> memref<640x16xf32, #tpu.memory_space<hbm>>
        tpu.enqueue_dma source(%arg18 : memref<640x16xf32, #tpu.memory_space<vmem>>) target(%dma_start3A_254 : memref<640x16xf32, #tpu.memory_space<hbm>>) target_semaphore(%run_scoped3A : memref<!tpu.dma_semaphore, #tpu.memory_space<semaphore_mem>>)
        %dma_wait3A_255 = arith.constant 0 : i32
        %dma_wait3A_256 = tpu.memref_slice %arg13[%mul3A_44, %dma_wait3A_255] : memref<10240x16xf32, #tpu.memory_space<hbm>> -> memref<640x16xf32, #tpu.memory_space<hbm>>
        %dma_wait3A_257 = arith.constant 0 : i32
        %dma_wait3A_258 = tpu.memref_slice %arg13[%mul3A_44, %dma_wait3A_257] : memref<10240x16xf32, #tpu.memory_space<hbm>> -> memref<640x16xf32, #tpu.memory_space<hbm>>
        tpu.wait_dma2 semaphore(%run_scoped3A : memref<!tpu.dma_semaphore, #tpu.memory_space<semaphore_mem>>) src(%arg18 : memref<640x16xf32, #tpu.memory_space<vmem>>) dst(%dma_wait3A_258 : memref<640x16xf32, #tpu.memory_space<hbm>>)
        tpu.yield
      }) : () -> ()
      %mul3A_45 = arith.constant 640 : i32
      %mul3A_46 = arith.muli %arg1, %mul3A_45 : i32
      "tpu.region"() ({
        %run_scoped3A = tpu.sem_alloc : memref<!tpu.dma_semaphore, #tpu.memory_space<semaphore_mem>>
        %dma_start3A_251 = arith.constant 0 : i32
        %dma_start3A_252 = tpu.memref_slice %arg22[%mul3A_46, %dma_start3A_251] : memref<10240x16xf32, #tpu.memory_space<vmem_shared>> -> memref<640x16xf32, #tpu.memory_space<vmem_shared>>
        %dma_start3A_253 = arith.constant 0 : i32
        %dma_start3A_254 = tpu.memref_slice %arg22[%mul3A_46, %dma_start3A_253] : memref<10240x16xf32, #tpu.memory_space<vmem_shared>> -> memref<640x16xf32, #tpu.memory_space<vmem_shared>>
        tpu.enqueue_dma source(%arg18 : memref<640x16xf32, #tpu.memory_space<vmem>>) target(%dma_start3A_254 : memref<640x16xf32, #tpu.memory_space<vmem_shared>>) target_semaphore(%run_scoped3A : memref<!tpu.dma_semaphore, #tpu.memory_space<semaphore_mem>>)
        %dma_wait3A_255 = arith.constant 0 : i32
        %dma_wait3A_256 = tpu.memref_slice %arg22[%mul3A_46, %dma_wait3A_255] : memref<10240x16xf32, #tpu.memory_space<vmem_shared>> -> memref<640x16xf32, #tpu.memory_space<vmem_shared>>
        %dma_wait3A_257 = arith.constant 0 : i32
        %dma_wait3A_258 = tpu.memref_slice %arg22[%mul3A_46, %dma_wait3A_257] : memref<10240x16xf32, #tpu.memory_space<vmem_shared>> -> memref<640x16xf32, #tpu.memory_space<vmem_shared>>
        tpu.wait_dma2 semaphore(%run_scoped3A : memref<!tpu.dma_semaphore, #tpu.memory_space<semaphore_mem>>) src(%arg18 : memref<640x16xf32, #tpu.memory_space<vmem>>) dst(%dma_wait3A_258 : memref<640x16xf32, #tpu.memory_space<vmem_shared>>)
        tpu.yield
      }) : () -> ()
      %barrier3A_47 = arith.constant 0 : index
      tpu.barrier barrier_id(%barrier3A_47)
      %dma_start3A = arith.constant 0 : i32
      %dma_start3A_48 = tpu.memref_slice %arg14[%dma_start3A] : memref<20000xi32, #tpu.memory_space<vmem>> -> memref<1000xi32, #tpu.memory_space<vmem>>
      %dma_start3A_49 = arith.constant 0 : i32
      %dma_start3A_50 = arith.constant 0 : i32
      %dma_start3A_51 = tpu.memref_slice %arg13[%dma_start3A_49, %dma_start3A_50] : memref<10240x16xf32, #tpu.memory_space<hbm>> -> memref<10240x16xf32, #tpu.memory_space<hbm>>
      tpu.enqueue_indirect_dma source(%dma_start3A_51 : memref<10240x16xf32, #tpu.memory_space<hbm>>) target(%arg16 : memref<1000x16xf32, #tpu.memory_space<vmem>>) offsets(%dma_start3A_48 : memref<1000xi32, #tpu.memory_space<vmem>>) semaphore(%arg24 : memref<!tpu.dma_semaphore, #tpu.memory_space<semaphore_mem>>)
      %dma_start3A_52 = arith.constant 1000 : i32
      %dma_start3A_53 = tpu.memref_slice %arg14[%dma_start3A_52] : memref<20000xi32, #tpu.memory_space<vmem>> -> memref<1000xi32, #tpu.memory_space<vmem>>
      %dma_start3A_54 = arith.constant 0 : i32
      %dma_start3A_55 = arith.constant 0 : i32
      %dma_start3A_56 = tpu.memref_slice %arg13[%dma_start3A_54, %dma_start3A_55] : memref<10240x16xf32, #tpu.memory_space<hbm>> -> memref<10240x16xf32, #tpu.memory_space<hbm>>
      tpu.enqueue_indirect_dma source(%dma_start3A_56 : memref<10240x16xf32, #tpu.memory_space<hbm>>) target(%arg17 : memref<1000x16xf32, #tpu.memory_space<vmem>>) offsets(%dma_start3A_53 : memref<1000xi32, #tpu.memory_space<vmem>>) semaphore(%arg25 : memref<!tpu.dma_semaphore, #tpu.memory_space<semaphore_mem>>)
      %dma_wait3A = arith.constant 0 : i32
      %dma_wait3A_57 = tpu.memref_slice %arg14[%dma_wait3A] : memref<20000xi32, #tpu.memory_space<vmem>> -> memref<1000xi32, #tpu.memory_space<vmem>>
      %dma_wait3A_58 = arith.constant 0 : i32
      %dma_wait3A_59 = arith.constant 0 : i32
      %dma_wait3A_60 = tpu.memref_slice %arg13[%dma_wait3A_58, %dma_wait3A_59] : memref<10240x16xf32, #tpu.memory_space<hbm>> -> memref<10240x16xf32, #tpu.memory_space<hbm>>
      tpu.wait_indirect_dma semaphore(%arg24 : memref<!tpu.dma_semaphore, #tpu.memory_space<semaphore_mem>>) src(%dma_wait3A_60 : memref<10240x16xf32, #tpu.memory_space<hbm>>) dst(%arg16 : memref<1000x16xf32, #tpu.memory_space<vmem>>)
      "tpu.region"() ({
        %run_scoped3A = tpu.sem_alloc : memref<!tpu.dma_semaphore, #tpu.memory_space<semaphore_mem>>
        %dma_start3A_251 = arith.constant 0 : i32
        %dma_start3A_252 = tpu.memref_slice %arg15[%dma_start3A_251] : memref<20000xi32, #tpu.memory_space<vmem>> -> memref<1000xi32, #tpu.memory_space<vmem>>
        %dma_start3A_253 = arith.constant 0 : i32
        %dma_start3A_254 = arith.constant 0 : i32
        %dma_start3A_255 = tpu.memref_slice %arg22[%dma_start3A_253, %dma_start3A_254] : memref<10240x16xf32, #tpu.memory_space<vmem_shared>> -> memref<10240x16xf32, #tpu.memory_space<vmem_shared>>
        tpu.enqueue_indirect_dma source(%arg16 : memref<1000x16xf32, #tpu.memory_space<vmem>>) target(%dma_start3A_255 : memref<10240x16xf32, #tpu.memory_space<vmem_shared>>) offsets(%dma_start3A_252 : memref<1000xi32, #tpu.memory_space<vmem>>) semaphore(%run_scoped3A : memref<!tpu.dma_semaphore, #tpu.memory_space<semaphore_mem>>) {add = true}
        %dma_wait3A_256 = arith.constant 0 : i32
        %dma_wait3A_257 = tpu.memref_slice %arg15[%dma_wait3A_256] : memref<20000xi32, #tpu.memory_space<vmem>> -> memref<1000xi32, #tpu.memory_space<vmem>>
        %dma_wait3A_258 = arith.constant 0 : i32
        %dma_wait3A_259 = arith.constant 0 : i32
        %dma_wait3A_260 = tpu.memref_slice %arg22[%dma_wait3A_258, %dma_wait3A_259] : memref<10240x16xf32, #tpu.memory_space<vmem_shared>> -> memref<10240x16xf32, #tpu.memory_space<vmem_shared>>
        tpu.wait_indirect_dma semaphore(%run_scoped3A : memref<!tpu.dma_semaphore, #tpu.memory_space<semaphore_mem>>) src(%arg16 : memref<1000x16xf32, #tpu.memory_space<vmem>>) dst(%dma_wait3A_260 : memref<10240x16xf32, #tpu.memory_space<vmem_shared>>)
        tpu.yield
      }) : () -> ()
      %dma_start3A_61 = arith.constant 2000 : i32
      %dma_start3A_62 = tpu.memref_slice %arg14[%dma_start3A_61] : memref<20000xi32, #tpu.memory_space<vmem>> -> memref<1000xi32, #tpu.memory_space<vmem>>
      %dma_start3A_63 = arith.constant 0 : i32
      %dma_start3A_64 = arith.constant 0 : i32
      %dma_start3A_65 = tpu.memref_slice %arg13[%dma_start3A_63, %dma_start3A_64] : memref<10240x16xf32, #tpu.memory_space<hbm>> -> memref<10240x16xf32, #tpu.memory_space<hbm>>
      tpu.enqueue_indirect_dma source(%dma_start3A_65 : memref<10240x16xf32, #tpu.memory_space<hbm>>) target(%arg16 : memref<1000x16xf32, #tpu.memory_space<vmem>>) offsets(%dma_start3A_62 : memref<1000xi32, #tpu.memory_space<vmem>>) semaphore(%arg24 : memref<!tpu.dma_semaphore, #tpu.memory_space<semaphore_mem>>)
      %dma_wait3A_66 = arith.constant 1000 : i32
      %dma_wait3A_67 = tpu.memref_slice %arg14[%dma_wait3A_66] : memref<20000xi32, #tpu.memory_space<vmem>> -> memref<1000xi32, #tpu.memory_space<vmem>>
      %dma_wait3A_68 = arith.constant 0 : i32
      %dma_wait3A_69 = arith.constant 0 : i32
      %dma_wait3A_70 = tpu.memref_slice %arg13[%dma_wait3A_68, %dma_wait3A_69] : memref<10240x16xf32, #tpu.memory_space<hbm>> -> memref<10240x16xf32, #tpu.memory_space<hbm>>
      tpu.wait_indirect_dma semaphore(%arg25 : memref<!tpu.dma_semaphore, #tpu.memory_space<semaphore_mem>>) src(%dma_wait3A_70 : memref<10240x16xf32, #tpu.memory_space<hbm>>) dst(%arg17 : memref<1000x16xf32, #tpu.memory_space<vmem>>)
      "tpu.region"() ({
        %run_scoped3A = tpu.sem_alloc : memref<!tpu.dma_semaphore, #tpu.memory_space<semaphore_mem>>
        %dma_start3A_251 = arith.constant 1000 : i32
        %dma_start3A_252 = tpu.memref_slice %arg15[%dma_start3A_251] : memref<20000xi32, #tpu.memory_space<vmem>> -> memref<1000xi32, #tpu.memory_space<vmem>>
        %dma_start3A_253 = arith.constant 0 : i32
        %dma_start3A_254 = arith.constant 0 : i32
        %dma_start3A_255 = tpu.memref_slice %arg22[%dma_start3A_253, %dma_start3A_254] : memref<10240x16xf32, #tpu.memory_space<vmem_shared>> -> memref<10240x16xf32, #tpu.memory_space<vmem_shared>>
        tpu.enqueue_indirect_dma source(%arg17 : memref<1000x16xf32, #tpu.memory_space<vmem>>) target(%dma_start3A_255 : memref<10240x16xf32, #tpu.memory_space<vmem_shared>>) offsets(%dma_start3A_252 : memref<1000xi32, #tpu.memory_space<vmem>>) semaphore(%run_scoped3A : memref<!tpu.dma_semaphore, #tpu.memory_space<semaphore_mem>>) {add = true}
        %dma_wait3A_256 = arith.constant 1000 : i32
        %dma_wait3A_257 = tpu.memref_slice %arg15[%dma_wait3A_256] : memref<20000xi32, #tpu.memory_space<vmem>> -> memref<1000xi32, #tpu.memory_space<vmem>>
        %dma_wait3A_258 = arith.constant 0 : i32
        %dma_wait3A_259 = arith.constant 0 : i32
        %dma_wait3A_260 = tpu.memref_slice %arg22[%dma_wait3A_258, %dma_wait3A_259] : memref<10240x16xf32, #tpu.memory_space<vmem_shared>> -> memref<10240x16xf32, #tpu.memory_space<vmem_shared>>
        tpu.wait_indirect_dma semaphore(%run_scoped3A : memref<!tpu.dma_semaphore, #tpu.memory_space<semaphore_mem>>) src(%arg17 : memref<1000x16xf32, #tpu.memory_space<vmem>>) dst(%dma_wait3A_260 : memref<10240x16xf32, #tpu.memory_space<vmem_shared>>)
        tpu.yield
      }) : () -> ()
      %dma_start3A_71 = arith.constant 3000 : i32
      %dma_start3A_72 = tpu.memref_slice %arg14[%dma_start3A_71] : memref<20000xi32, #tpu.memory_space<vmem>> -> memref<1000xi32, #tpu.memory_space<vmem>>
      %dma_start3A_73 = arith.constant 0 : i32
      %dma_start3A_74 = arith.constant 0 : i32
      %dma_start3A_75 = tpu.memref_slice %arg13[%dma_start3A_73, %dma_start3A_74] : memref<10240x16xf32, #tpu.memory_space<hbm>> -> memref<10240x16xf32, #tpu.memory_space<hbm>>
      tpu.enqueue_indirect_dma source(%dma_start3A_75 : memref<10240x16xf32, #tpu.memory_space<hbm>>) target(%arg17 : memref<1000x16xf32, #tpu.memory_space<vmem>>) offsets(%dma_start3A_72 : memref<1000xi32, #tpu.memory_space<vmem>>) semaphore(%arg25 : memref<!tpu.dma_semaphore, #tpu.memory_space<semaphore_mem>>)
      %dma_wait3A_76 = arith.constant 2000 : i32
      %dma_wait3A_77 = tpu.memref_slice %arg14[%dma_wait3A_76] : memref<20000xi32, #tpu.memory_space<vmem>> -> memref<1000xi32, #tpu.memory_space<vmem>>
      %dma_wait3A_78 = arith.constant 0 : i32
      %dma_wait3A_79 = arith.constant 0 : i32
      %dma_wait3A_80 = tpu.memref_slice %arg13[%dma_wait3A_78, %dma_wait3A_79] : memref<10240x16xf32, #tpu.memory_space<hbm>> -> memref<10240x16xf32, #tpu.memory_space<hbm>>
      tpu.wait_indirect_dma semaphore(%arg24 : memref<!tpu.dma_semaphore, #tpu.memory_space<semaphore_mem>>) src(%dma_wait3A_80 : memref<10240x16xf32, #tpu.memory_space<hbm>>) dst(%arg16 : memref<1000x16xf32, #tpu.memory_space<vmem>>)
      "tpu.region"() ({
        %run_scoped3A = tpu.sem_alloc : memref<!tpu.dma_semaphore, #tpu.memory_space<semaphore_mem>>
        %dma_start3A_251 = arith.constant 2000 : i32
        %dma_start3A_252 = tpu.memref_slice %arg15[%dma_start3A_251] : memref<20000xi32, #tpu.memory_space<vmem>> -> memref<1000xi32, #tpu.memory_space<vmem>>
        %dma_start3A_253 = arith.constant 0 : i32
        %dma_start3A_254 = arith.constant 0 : i32
        %dma_start3A_255 = tpu.memref_slice %arg22[%dma_start3A_253, %dma_start3A_254] : memref<10240x16xf32, #tpu.memory_space<vmem_shared>> -> memref<10240x16xf32, #tpu.memory_space<vmem_shared>>
        tpu.enqueue_indirect_dma source(%arg16 : memref<1000x16xf32, #tpu.memory_space<vmem>>) target(%dma_start3A_255 : memref<10240x16xf32, #tpu.memory_space<vmem_shared>>) offsets(%dma_start3A_252 : memref<1000xi32, #tpu.memory_space<vmem>>) semaphore(%run_scoped3A : memref<!tpu.dma_semaphore, #tpu.memory_space<semaphore_mem>>) {add = true}
        %dma_wait3A_256 = arith.constant 2000 : i32
        %dma_wait3A_257 = tpu.memref_slice %arg15[%dma_wait3A_256] : memref<20000xi32, #tpu.memory_space<vmem>> -> memref<1000xi32, #tpu.memory_space<vmem>>
        %dma_wait3A_258 = arith.constant 0 : i32
        %dma_wait3A_259 = arith.constant 0 : i32
        %dma_wait3A_260 = tpu.memref_slice %arg22[%dma_wait3A_258, %dma_wait3A_259] : memref<10240x16xf32, #tpu.memory_space<vmem_shared>> -> memref<10240x16xf32, #tpu.memory_space<vmem_shared>>
        tpu.wait_indirect_dma semaphore(%run_scoped3A : memref<!tpu.dma_semaphore, #tpu.memory_space<semaphore_mem>>) src(%arg16 : memref<1000x16xf32, #tpu.memory_space<vmem>>) dst(%dma_wait3A_260 : memref<10240x16xf32, #tpu.memory_space<vmem_shared>>)
        tpu.yield
      }) : () -> ()
      %dma_start3A_81 = arith.constant 4000 : i32
      %dma_start3A_82 = tpu.memref_slice %arg14[%dma_start3A_81] : memref<20000xi32, #tpu.memory_space<vmem>> -> memref<1000xi32, #tpu.memory_space<vmem>>
      %dma_start3A_83 = arith.constant 0 : i32
      %dma_start3A_84 = arith.constant 0 : i32
      %dma_start3A_85 = tpu.memref_slice %arg13[%dma_start3A_83, %dma_start3A_84] : memref<10240x16xf32, #tpu.memory_space<hbm>> -> memref<10240x16xf32, #tpu.memory_space<hbm>>
      tpu.enqueue_indirect_dma source(%dma_start3A_85 : memref<10240x16xf32, #tpu.memory_space<hbm>>) target(%arg16 : memref<1000x16xf32, #tpu.memory_space<vmem>>) offsets(%dma_start3A_82 : memref<1000xi32, #tpu.memory_space<vmem>>) semaphore(%arg24 : memref<!tpu.dma_semaphore, #tpu.memory_space<semaphore_mem>>)
      %dma_wait3A_86 = arith.constant 3000 : i32
      %dma_wait3A_87 = tpu.memref_slice %arg14[%dma_wait3A_86] : memref<20000xi32, #tpu.memory_space<vmem>> -> memref<1000xi32, #tpu.memory_space<vmem>>
      %dma_wait3A_88 = arith.constant 0 : i32
      %dma_wait3A_89 = arith.constant 0 : i32
      %dma_wait3A_90 = tpu.memref_slice %arg13[%dma_wait3A_88, %dma_wait3A_89] : memref<10240x16xf32, #tpu.memory_space<hbm>> -> memref<10240x16xf32, #tpu.memory_space<hbm>>
      tpu.wait_indirect_dma semaphore(%arg25 : memref<!tpu.dma_semaphore, #tpu.memory_space<semaphore_mem>>) src(%dma_wait3A_90 : memref<10240x16xf32, #tpu.memory_space<hbm>>) dst(%arg17 : memref<1000x16xf32, #tpu.memory_space<vmem>>)
      "tpu.region"() ({
        %run_scoped3A = tpu.sem_alloc : memref<!tpu.dma_semaphore, #tpu.memory_space<semaphore_mem>>
        %dma_start3A_251 = arith.constant 3000 : i32
        %dma_start3A_252 = tpu.memref_slice %arg15[%dma_start3A_251] : memref<20000xi32, #tpu.memory_space<vmem>> -> memref<1000xi32, #tpu.memory_space<vmem>>
        %dma_start3A_253 = arith.constant 0 : i32
        %dma_start3A_254 = arith.constant 0 : i32
        %dma_start3A_255 = tpu.memref_slice %arg22[%dma_start3A_253, %dma_start3A_254] : memref<10240x16xf32, #tpu.memory_space<vmem_shared>> -> memref<10240x16xf32, #tpu.memory_space<vmem_shared>>
        tpu.enqueue_indirect_dma source(%arg17 : memref<1000x16xf32, #tpu.memory_space<vmem>>) target(%dma_start3A_255 : memref<10240x16xf32, #tpu.memory_space<vmem_shared>>) offsets(%dma_start3A_252 : memref<1000xi32, #tpu.memory_space<vmem>>) semaphore(%run_scoped3A : memref<!tpu.dma_semaphore, #tpu.memory_space<semaphore_mem>>) {add = true}
        %dma_wait3A_256 = arith.constant 3000 : i32
        %dma_wait3A_257 = tpu.memref_slice %arg15[%dma_wait3A_256] : memref<20000xi32, #tpu.memory_space<vmem>> -> memref<1000xi32, #tpu.memory_space<vmem>>
        %dma_wait3A_258 = arith.constant 0 : i32
        %dma_wait3A_259 = arith.constant 0 : i32
        %dma_wait3A_260 = tpu.memref_slice %arg22[%dma_wait3A_258, %dma_wait3A_259] : memref<10240x16xf32, #tpu.memory_space<vmem_shared>> -> memref<10240x16xf32, #tpu.memory_space<vmem_shared>>
        tpu.wait_indirect_dma semaphore(%run_scoped3A : memref<!tpu.dma_semaphore, #tpu.memory_space<semaphore_mem>>) src(%arg17 : memref<1000x16xf32, #tpu.memory_space<vmem>>) dst(%dma_wait3A_260 : memref<10240x16xf32, #tpu.memory_space<vmem_shared>>)
        tpu.yield
      }) : () -> ()
      %dma_start3A_91 = arith.constant 5000 : i32
      %dma_start3A_92 = tpu.memref_slice %arg14[%dma_start3A_91] : memref<20000xi32, #tpu.memory_space<vmem>> -> memref<1000xi32, #tpu.memory_space<vmem>>
      %dma_start3A_93 = arith.constant 0 : i32
      %dma_start3A_94 = arith.constant 0 : i32
      %dma_start3A_95 = tpu.memref_slice %arg13[%dma_start3A_93, %dma_start3A_94] : memref<10240x16xf32, #tpu.memory_space<hbm>> -> memref<10240x16xf32, #tpu.memory_space<hbm>>
      tpu.enqueue_indirect_dma source(%dma_start3A_95 : memref<10240x16xf32, #tpu.memory_space<hbm>>) target(%arg17 : memref<1000x16xf32, #tpu.memory_space<vmem>>) offsets(%dma_start3A_92 : memref<1000xi32, #tpu.memory_space<vmem>>) semaphore(%arg25 : memref<!tpu.dma_semaphore, #tpu.memory_space<semaphore_mem>>)
      %dma_wait3A_96 = arith.constant 4000 : i32
      %dma_wait3A_97 = tpu.memref_slice %arg14[%dma_wait3A_96] : memref<20000xi32, #tpu.memory_space<vmem>> -> memref<1000xi32, #tpu.memory_space<vmem>>
      %dma_wait3A_98 = arith.constant 0 : i32
      %dma_wait3A_99 = arith.constant 0 : i32
      %dma_wait3A_100 = tpu.memref_slice %arg13[%dma_wait3A_98, %dma_wait3A_99] : memref<10240x16xf32, #tpu.memory_space<hbm>> -> memref<10240x16xf32, #tpu.memory_space<hbm>>
      tpu.wait_indirect_dma semaphore(%arg24 : memref<!tpu.dma_semaphore, #tpu.memory_space<semaphore_mem>>) src(%dma_wait3A_100 : memref<10240x16xf32, #tpu.memory_space<hbm>>) dst(%arg16 : memref<1000x16xf32, #tpu.memory_space<vmem>>)
      "tpu.region"() ({
        %run_scoped3A = tpu.sem_alloc : memref<!tpu.dma_semaphore, #tpu.memory_space<semaphore_mem>>
        %dma_start3A_251 = arith.constant 4000 : i32
        %dma_start3A_252 = tpu.memref_slice %arg15[%dma_start3A_251] : memref<20000xi32, #tpu.memory_space<vmem>> -> memref<1000xi32, #tpu.memory_space<vmem>>
        %dma_start3A_253 = arith.constant 0 : i32
        %dma_start3A_254 = arith.constant 0 : i32
        %dma_start3A_255 = tpu.memref_slice %arg22[%dma_start3A_253, %dma_start3A_254] : memref<10240x16xf32, #tpu.memory_space<vmem_shared>> -> memref<10240x16xf32, #tpu.memory_space<vmem_shared>>
        tpu.enqueue_indirect_dma source(%arg16 : memref<1000x16xf32, #tpu.memory_space<vmem>>) target(%dma_start3A_255 : memref<10240x16xf32, #tpu.memory_space<vmem_shared>>) offsets(%dma_start3A_252 : memref<1000xi32, #tpu.memory_space<vmem>>) semaphore(%run_scoped3A : memref<!tpu.dma_semaphore, #tpu.memory_space<semaphore_mem>>) {add = true}
        %dma_wait3A_256 = arith.constant 4000 : i32
        %dma_wait3A_257 = tpu.memref_slice %arg15[%dma_wait3A_256] : memref<20000xi32, #tpu.memory_space<vmem>> -> memref<1000xi32, #tpu.memory_space<vmem>>
        %dma_wait3A_258 = arith.constant 0 : i32
        %dma_wait3A_259 = arith.constant 0 : i32
        %dma_wait3A_260 = tpu.memref_slice %arg22[%dma_wait3A_258, %dma_wait3A_259] : memref<10240x16xf32, #tpu.memory_space<vmem_shared>> -> memref<10240x16xf32, #tpu.memory_space<vmem_shared>>
        tpu.wait_indirect_dma semaphore(%run_scoped3A : memref<!tpu.dma_semaphore, #tpu.memory_space<semaphore_mem>>) src(%arg16 : memref<1000x16xf32, #tpu.memory_space<vmem>>) dst(%dma_wait3A_260 : memref<10240x16xf32, #tpu.memory_space<vmem_shared>>)
        tpu.yield
      }) : () -> ()
      %dma_start3A_101 = arith.constant 6000 : i32
      %dma_start3A_102 = tpu.memref_slice %arg14[%dma_start3A_101] : memref<20000xi32, #tpu.memory_space<vmem>> -> memref<1000xi32, #tpu.memory_space<vmem>>
      %dma_start3A_103 = arith.constant 0 : i32
      %dma_start3A_104 = arith.constant 0 : i32
      %dma_start3A_105 = tpu.memref_slice %arg13[%dma_start3A_103, %dma_start3A_104] : memref<10240x16xf32, #tpu.memory_space<hbm>> -> memref<10240x16xf32, #tpu.memory_space<hbm>>
      tpu.enqueue_indirect_dma source(%dma_start3A_105 : memref<10240x16xf32, #tpu.memory_space<hbm>>) target(%arg16 : memref<1000x16xf32, #tpu.memory_space<vmem>>) offsets(%dma_start3A_102 : memref<1000xi32, #tpu.memory_space<vmem>>) semaphore(%arg24 : memref<!tpu.dma_semaphore, #tpu.memory_space<semaphore_mem>>)
      %dma_wait3A_106 = arith.constant 5000 : i32
      %dma_wait3A_107 = tpu.memref_slice %arg14[%dma_wait3A_106] : memref<20000xi32, #tpu.memory_space<vmem>> -> memref<1000xi32, #tpu.memory_space<vmem>>
      %dma_wait3A_108 = arith.constant 0 : i32
      %dma_wait3A_109 = arith.constant 0 : i32
      %dma_wait3A_110 = tpu.memref_slice %arg13[%dma_wait3A_108, %dma_wait3A_109] : memref<10240x16xf32, #tpu.memory_space<hbm>> -> memref<10240x16xf32, #tpu.memory_space<hbm>>
      tpu.wait_indirect_dma semaphore(%arg25 : memref<!tpu.dma_semaphore, #tpu.memory_space<semaphore_mem>>) src(%dma_wait3A_110 : memref<10240x16xf32, #tpu.memory_space<hbm>>) dst(%arg17 : memref<1000x16xf32, #tpu.memory_space<vmem>>)
      "tpu.region"() ({
        %run_scoped3A = tpu.sem_alloc : memref<!tpu.dma_semaphore, #tpu.memory_space<semaphore_mem>>
        %dma_start3A_251 = arith.constant 5000 : i32
        %dma_start3A_252 = tpu.memref_slice %arg15[%dma_start3A_251] : memref<20000xi32, #tpu.memory_space<vmem>> -> memref<1000xi32, #tpu.memory_space<vmem>>
        %dma_start3A_253 = arith.constant 0 : i32
        %dma_start3A_254 = arith.constant 0 : i32
        %dma_start3A_255 = tpu.memref_slice %arg22[%dma_start3A_253, %dma_start3A_254] : memref<10240x16xf32, #tpu.memory_space<vmem_shared>> -> memref<10240x16xf32, #tpu.memory_space<vmem_shared>>
        tpu.enqueue_indirect_dma source(%arg17 : memref<1000x16xf32, #tpu.memory_space<vmem>>) target(%dma_start3A_255 : memref<10240x16xf32, #tpu.memory_space<vmem_shared>>) offsets(%dma_start3A_252 : memref<1000xi32, #tpu.memory_space<vmem>>) semaphore(%run_scoped3A : memref<!tpu.dma_semaphore, #tpu.memory_space<semaphore_mem>>) {add = true}
        %dma_wait3A_256 = arith.constant 5000 : i32
        %dma_wait3A_257 = tpu.memref_slice %arg15[%dma_wait3A_256] : memref<20000xi32, #tpu.memory_space<vmem>> -> memref<1000xi32, #tpu.memory_space<vmem>>
        %dma_wait3A_258 = arith.constant 0 : i32
        %dma_wait3A_259 = arith.constant 0 : i32
        %dma_wait3A_260 = tpu.memref_slice %arg22[%dma_wait3A_258, %dma_wait3A_259] : memref<10240x16xf32, #tpu.memory_space<vmem_shared>> -> memref<10240x16xf32, #tpu.memory_space<vmem_shared>>
        tpu.wait_indirect_dma semaphore(%run_scoped3A : memref<!tpu.dma_semaphore, #tpu.memory_space<semaphore_mem>>) src(%arg17 : memref<1000x16xf32, #tpu.memory_space<vmem>>) dst(%dma_wait3A_260 : memref<10240x16xf32, #tpu.memory_space<vmem_shared>>)
        tpu.yield
      }) : () -> ()
      %dma_start3A_111 = arith.constant 7000 : i32
      %dma_start3A_112 = tpu.memref_slice %arg14[%dma_start3A_111] : memref<20000xi32, #tpu.memory_space<vmem>> -> memref<1000xi32, #tpu.memory_space<vmem>>
      %dma_start3A_113 = arith.constant 0 : i32
      %dma_start3A_114 = arith.constant 0 : i32
      %dma_start3A_115 = tpu.memref_slice %arg13[%dma_start3A_113, %dma_start3A_114] : memref<10240x16xf32, #tpu.memory_space<hbm>> -> memref<10240x16xf32, #tpu.memory_space<hbm>>
      tpu.enqueue_indirect_dma source(%dma_start3A_115 : memref<10240x16xf32, #tpu.memory_space<hbm>>) target(%arg17 : memref<1000x16xf32, #tpu.memory_space<vmem>>) offsets(%dma_start3A_112 : memref<1000xi32, #tpu.memory_space<vmem>>) semaphore(%arg25 : memref<!tpu.dma_semaphore, #tpu.memory_space<semaphore_mem>>)
      %dma_wait3A_116 = arith.constant 6000 : i32
      %dma_wait3A_117 = tpu.memref_slice %arg14[%dma_wait3A_116] : memref<20000xi32, #tpu.memory_space<vmem>> -> memref<1000xi32, #tpu.memory_space<vmem>>
      %dma_wait3A_118 = arith.constant 0 : i32
      %dma_wait3A_119 = arith.constant 0 : i32
      %dma_wait3A_120 = tpu.memref_slice %arg13[%dma_wait3A_118, %dma_wait3A_119] : memref<10240x16xf32, #tpu.memory_space<hbm>> -> memref<10240x16xf32, #tpu.memory_space<hbm>>
      tpu.wait_indirect_dma semaphore(%arg24 : memref<!tpu.dma_semaphore, #tpu.memory_space<semaphore_mem>>) src(%dma_wait3A_120 : memref<10240x16xf32, #tpu.memory_space<hbm>>) dst(%arg16 : memref<1000x16xf32, #tpu.memory_space<vmem>>)
      "tpu.region"() ({
        %run_scoped3A = tpu.sem_alloc : memref<!tpu.dma_semaphore, #tpu.memory_space<semaphore_mem>>
        %dma_start3A_251 = arith.constant 6000 : i32
        %dma_start3A_252 = tpu.memref_slice %arg15[%dma_start3A_251] : memref<20000xi32, #tpu.memory_space<vmem>> -> memref<1000xi32, #tpu.memory_space<vmem>>
        %dma_start3A_253 = arith.constant 0 : i32
        %dma_start3A_254 = arith.constant 0 : i32
        %dma_start3A_255 = tpu.memref_slice %arg22[%dma_start3A_253, %dma_start3A_254] : memref<10240x16xf32, #tpu.memory_space<vmem_shared>> -> memref<10240x16xf32, #tpu.memory_space<vmem_shared>>
        tpu.enqueue_indirect_dma source(%arg16 : memref<1000x16xf32, #tpu.memory_space<vmem>>) target(%dma_start3A_255 : memref<10240x16xf32, #tpu.memory_space<vmem_shared>>) offsets(%dma_start3A_252 : memref<1000xi32, #tpu.memory_space<vmem>>) semaphore(%run_scoped3A : memref<!tpu.dma_semaphore, #tpu.memory_space<semaphore_mem>>) {add = true}
        %dma_wait3A_256 = arith.constant 6000 : i32
        %dma_wait3A_257 = tpu.memref_slice %arg15[%dma_wait3A_256] : memref<20000xi32, #tpu.memory_space<vmem>> -> memref<1000xi32, #tpu.memory_space<vmem>>
        %dma_wait3A_258 = arith.constant 0 : i32
        %dma_wait3A_259 = arith.constant 0 : i32
        %dma_wait3A_260 = tpu.memref_slice %arg22[%dma_wait3A_258, %dma_wait3A_259] : memref<10240x16xf32, #tpu.memory_space<vmem_shared>> -> memref<10240x16xf32, #tpu.memory_space<vmem_shared>>
        tpu.wait_indirect_dma semaphore(%run_scoped3A : memref<!tpu.dma_semaphore, #tpu.memory_space<semaphore_mem>>) src(%arg16 : memref<1000x16xf32, #tpu.memory_space<vmem>>) dst(%dma_wait3A_260 : memref<10240x16xf32, #tpu.memory_space<vmem_shared>>)
        tpu.yield
      }) : () -> ()
      %dma_start3A_121 = arith.constant 8000 : i32
      %dma_start3A_122 = tpu.memref_slice %arg14[%dma_start3A_121] : memref<20000xi32, #tpu.memory_space<vmem>> -> memref<1000xi32, #tpu.memory_space<vmem>>
      %dma_start3A_123 = arith.constant 0 : i32
      %dma_start3A_124 = arith.constant 0 : i32
      %dma_start3A_125 = tpu.memref_slice %arg13[%dma_start3A_123, %dma_start3A_124] : memref<10240x16xf32, #tpu.memory_space<hbm>> -> memref<10240x16xf32, #tpu.memory_space<hbm>>
      tpu.enqueue_indirect_dma source(%dma_start3A_125 : memref<10240x16xf32, #tpu.memory_space<hbm>>) target(%arg16 : memref<1000x16xf32, #tpu.memory_space<vmem>>) offsets(%dma_start3A_122 : memref<1000xi32, #tpu.memory_space<vmem>>) semaphore(%arg24 : memref<!tpu.dma_semaphore, #tpu.memory_space<semaphore_mem>>)
      %dma_wait3A_126 = arith.constant 7000 : i32
      %dma_wait3A_127 = tpu.memref_slice %arg14[%dma_wait3A_126] : memref<20000xi32, #tpu.memory_space<vmem>> -> memref<1000xi32, #tpu.memory_space<vmem>>
      %dma_wait3A_128 = arith.constant 0 : i32
      %dma_wait3A_129 = arith.constant 0 : i32
      %dma_wait3A_130 = tpu.memref_slice %arg13[%dma_wait3A_128, %dma_wait3A_129] : memref<10240x16xf32, #tpu.memory_space<hbm>> -> memref<10240x16xf32, #tpu.memory_space<hbm>>
      tpu.wait_indirect_dma semaphore(%arg25 : memref<!tpu.dma_semaphore, #tpu.memory_space<semaphore_mem>>) src(%dma_wait3A_130 : memref<10240x16xf32, #tpu.memory_space<hbm>>) dst(%arg17 : memref<1000x16xf32, #tpu.memory_space<vmem>>)
      "tpu.region"() ({
        %run_scoped3A = tpu.sem_alloc : memref<!tpu.dma_semaphore, #tpu.memory_space<semaphore_mem>>
        %dma_start3A_251 = arith.constant 7000 : i32
        %dma_start3A_252 = tpu.memref_slice %arg15[%dma_start3A_251] : memref<20000xi32, #tpu.memory_space<vmem>> -> memref<1000xi32, #tpu.memory_space<vmem>>
        %dma_start3A_253 = arith.constant 0 : i32
        %dma_start3A_254 = arith.constant 0 : i32
        %dma_start3A_255 = tpu.memref_slice %arg22[%dma_start3A_253, %dma_start3A_254] : memref<10240x16xf32, #tpu.memory_space<vmem_shared>> -> memref<10240x16xf32, #tpu.memory_space<vmem_shared>>
        tpu.enqueue_indirect_dma source(%arg17 : memref<1000x16xf32, #tpu.memory_space<vmem>>) target(%dma_start3A_255 : memref<10240x16xf32, #tpu.memory_space<vmem_shared>>) offsets(%dma_start3A_252 : memref<1000xi32, #tpu.memory_space<vmem>>) semaphore(%run_scoped3A : memref<!tpu.dma_semaphore, #tpu.memory_space<semaphore_mem>>) {add = true}
        %dma_wait3A_256 = arith.constant 7000 : i32
        %dma_wait3A_257 = tpu.memref_slice %arg15[%dma_wait3A_256] : memref<20000xi32, #tpu.memory_space<vmem>> -> memref<1000xi32, #tpu.memory_space<vmem>>
        %dma_wait3A_258 = arith.constant 0 : i32
        %dma_wait3A_259 = arith.constant 0 : i32
        %dma_wait3A_260 = tpu.memref_slice %arg22[%dma_wait3A_258, %dma_wait3A_259] : memref<10240x16xf32, #tpu.memory_space<vmem_shared>> -> memref<10240x16xf32, #tpu.memory_space<vmem_shared>>
        tpu.wait_indirect_dma semaphore(%run_scoped3A : memref<!tpu.dma_semaphore, #tpu.memory_space<semaphore_mem>>) src(%arg17 : memref<1000x16xf32, #tpu.memory_space<vmem>>) dst(%dma_wait3A_260 : memref<10240x16xf32, #tpu.memory_space<vmem_shared>>)
        tpu.yield
      }) : () -> ()
      %dma_start3A_131 = arith.constant 9000 : i32
      %dma_start3A_132 = tpu.memref_slice %arg14[%dma_start3A_131] : memref<20000xi32, #tpu.memory_space<vmem>> -> memref<1000xi32, #tpu.memory_space<vmem>>
      %dma_start3A_133 = arith.constant 0 : i32
      %dma_start3A_134 = arith.constant 0 : i32
      %dma_start3A_135 = tpu.memref_slice %arg13[%dma_start3A_133, %dma_start3A_134] : memref<10240x16xf32, #tpu.memory_space<hbm>> -> memref<10240x16xf32, #tpu.memory_space<hbm>>
      tpu.enqueue_indirect_dma source(%dma_start3A_135 : memref<10240x16xf32, #tpu.memory_space<hbm>>) target(%arg17 : memref<1000x16xf32, #tpu.memory_space<vmem>>) offsets(%dma_start3A_132 : memref<1000xi32, #tpu.memory_space<vmem>>) semaphore(%arg25 : memref<!tpu.dma_semaphore, #tpu.memory_space<semaphore_mem>>)
      %dma_wait3A_136 = arith.constant 8000 : i32
      %dma_wait3A_137 = tpu.memref_slice %arg14[%dma_wait3A_136] : memref<20000xi32, #tpu.memory_space<vmem>> -> memref<1000xi32, #tpu.memory_space<vmem>>
      %dma_wait3A_138 = arith.constant 0 : i32
      %dma_wait3A_139 = arith.constant 0 : i32
      %dma_wait3A_140 = tpu.memref_slice %arg13[%dma_wait3A_138, %dma_wait3A_139] : memref<10240x16xf32, #tpu.memory_space<hbm>> -> memref<10240x16xf32, #tpu.memory_space<hbm>>
      tpu.wait_indirect_dma semaphore(%arg24 : memref<!tpu.dma_semaphore, #tpu.memory_space<semaphore_mem>>) src(%dma_wait3A_140 : memref<10240x16xf32, #tpu.memory_space<hbm>>) dst(%arg16 : memref<1000x16xf32, #tpu.memory_space<vmem>>)
      "tpu.region"() ({
        %run_scoped3A = tpu.sem_alloc : memref<!tpu.dma_semaphore, #tpu.memory_space<semaphore_mem>>
        %dma_start3A_251 = arith.constant 8000 : i32
        %dma_start3A_252 = tpu.memref_slice %arg15[%dma_start3A_251] : memref<20000xi32, #tpu.memory_space<vmem>> -> memref<1000xi32, #tpu.memory_space<vmem>>
        %dma_start3A_253 = arith.constant 0 : i32
        %dma_start3A_254 = arith.constant 0 : i32
        %dma_start3A_255 = tpu.memref_slice %arg22[%dma_start3A_253, %dma_start3A_254] : memref<10240x16xf32, #tpu.memory_space<vmem_shared>> -> memref<10240x16xf32, #tpu.memory_space<vmem_shared>>
        tpu.enqueue_indirect_dma source(%arg16 : memref<1000x16xf32, #tpu.memory_space<vmem>>) target(%dma_start3A_255 : memref<10240x16xf32, #tpu.memory_space<vmem_shared>>) offsets(%dma_start3A_252 : memref<1000xi32, #tpu.memory_space<vmem>>) semaphore(%run_scoped3A : memref<!tpu.dma_semaphore, #tpu.memory_space<semaphore_mem>>) {add = true}
        %dma_wait3A_256 = arith.constant 8000 : i32
        %dma_wait3A_257 = tpu.memref_slice %arg15[%dma_wait3A_256] : memref<20000xi32, #tpu.memory_space<vmem>> -> memref<1000xi32, #tpu.memory_space<vmem>>
        %dma_wait3A_258 = arith.constant 0 : i32
        %dma_wait3A_259 = arith.constant 0 : i32
        %dma_wait3A_260 = tpu.memref_slice %arg22[%dma_wait3A_258, %dma_wait3A_259] : memref<10240x16xf32, #tpu.memory_space<vmem_shared>> -> memref<10240x16xf32, #tpu.memory_space<vmem_shared>>
        tpu.wait_indirect_dma semaphore(%run_scoped3A : memref<!tpu.dma_semaphore, #tpu.memory_space<semaphore_mem>>) src(%arg16 : memref<1000x16xf32, #tpu.memory_space<vmem>>) dst(%dma_wait3A_260 : memref<10240x16xf32, #tpu.memory_space<vmem_shared>>)
        tpu.yield
      }) : () -> ()
      %dma_start3A_141 = arith.constant 10000 : i32
      %dma_start3A_142 = tpu.memref_slice %arg14[%dma_start3A_141] : memref<20000xi32, #tpu.memory_space<vmem>> -> memref<1000xi32, #tpu.memory_space<vmem>>
      %dma_start3A_143 = arith.constant 0 : i32
      %dma_start3A_144 = arith.constant 0 : i32
      %dma_start3A_145 = tpu.memref_slice %arg13[%dma_start3A_143, %dma_start3A_144] : memref<10240x16xf32, #tpu.memory_space<hbm>> -> memref<10240x16xf32, #tpu.memory_space<hbm>>
      tpu.enqueue_indirect_dma source(%dma_start3A_145 : memref<10240x16xf32, #tpu.memory_space<hbm>>) target(%arg16 : memref<1000x16xf32, #tpu.memory_space<vmem>>) offsets(%dma_start3A_142 : memref<1000xi32, #tpu.memory_space<vmem>>) semaphore(%arg24 : memref<!tpu.dma_semaphore, #tpu.memory_space<semaphore_mem>>)
      %dma_wait3A_146 = arith.constant 9000 : i32
      %dma_wait3A_147 = tpu.memref_slice %arg14[%dma_wait3A_146] : memref<20000xi32, #tpu.memory_space<vmem>> -> memref<1000xi32, #tpu.memory_space<vmem>>
      %dma_wait3A_148 = arith.constant 0 : i32
      %dma_wait3A_149 = arith.constant 0 : i32
      %dma_wait3A_150 = tpu.memref_slice %arg13[%dma_wait3A_148, %dma_wait3A_149] : memref<10240x16xf32, #tpu.memory_space<hbm>> -> memref<10240x16xf32, #tpu.memory_space<hbm>>
      tpu.wait_indirect_dma semaphore(%arg25 : memref<!tpu.dma_semaphore, #tpu.memory_space<semaphore_mem>>) src(%dma_wait3A_150 : memref<10240x16xf32, #tpu.memory_space<hbm>>) dst(%arg17 : memref<1000x16xf32, #tpu.memory_space<vmem>>)
      "tpu.region"() ({
        %run_scoped3A = tpu.sem_alloc : memref<!tpu.dma_semaphore, #tpu.memory_space<semaphore_mem>>
        %dma_start3A_251 = arith.constant 9000 : i32
        %dma_start3A_252 = tpu.memref_slice %arg15[%dma_start3A_251] : memref<20000xi32, #tpu.memory_space<vmem>> -> memref<1000xi32, #tpu.memory_space<vmem>>
        %dma_start3A_253 = arith.constant 0 : i32
        %dma_start3A_254 = arith.constant 0 : i32
        %dma_start3A_255 = tpu.memref_slice %arg22[%dma_start3A_253, %dma_start3A_254] : memref<10240x16xf32, #tpu.memory_space<vmem_shared>> -> memref<10240x16xf32, #tpu.memory_space<vmem_shared>>
        tpu.enqueue_indirect_dma source(%arg17 : memref<1000x16xf32, #tpu.memory_space<vmem>>) target(%dma_start3A_255 : memref<10240x16xf32, #tpu.memory_space<vmem_shared>>) offsets(%dma_start3A_252 : memref<1000xi32, #tpu.memory_space<vmem>>) semaphore(%run_scoped3A : memref<!tpu.dma_semaphore, #tpu.memory_space<semaphore_mem>>) {add = true}
        %dma_wait3A_256 = arith.constant 9000 : i32
        %dma_wait3A_257 = tpu.memref_slice %arg15[%dma_wait3A_256] : memref<20000xi32, #tpu.memory_space<vmem>> -> memref<1000xi32, #tpu.memory_space<vmem>>
        %dma_wait3A_258 = arith.constant 0 : i32
        %dma_wait3A_259 = arith.constant 0 : i32
        %dma_wait3A_260 = tpu.memref_slice %arg22[%dma_wait3A_258, %dma_wait3A_259] : memref<10240x16xf32, #tpu.memory_space<vmem_shared>> -> memref<10240x16xf32, #tpu.memory_space<vmem_shared>>
        tpu.wait_indirect_dma semaphore(%run_scoped3A : memref<!tpu.dma_semaphore, #tpu.memory_space<semaphore_mem>>) src(%arg17 : memref<1000x16xf32, #tpu.memory_space<vmem>>) dst(%dma_wait3A_260 : memref<10240x16xf32, #tpu.memory_space<vmem_shared>>)
        tpu.yield
      }) : () -> ()
      %dma_start3A_151 = arith.constant 11000 : i32
      %dma_start3A_152 = tpu.memref_slice %arg14[%dma_start3A_151] : memref<20000xi32, #tpu.memory_space<vmem>> -> memref<1000xi32, #tpu.memory_space<vmem>>
      %dma_start3A_153 = arith.constant 0 : i32
      %dma_start3A_154 = arith.constant 0 : i32
      %dma_start3A_155 = tpu.memref_slice %arg13[%dma_start3A_153, %dma_start3A_154] : memref<10240x16xf32, #tpu.memory_space<hbm>> -> memref<10240x16xf32, #tpu.memory_space<hbm>>
      tpu.enqueue_indirect_dma source(%dma_start3A_155 : memref<10240x16xf32, #tpu.memory_space<hbm>>) target(%arg17 : memref<1000x16xf32, #tpu.memory_space<vmem>>) offsets(%dma_start3A_152 : memref<1000xi32, #tpu.memory_space<vmem>>) semaphore(%arg25 : memref<!tpu.dma_semaphore, #tpu.memory_space<semaphore_mem>>)
      %dma_wait3A_156 = arith.constant 10000 : i32
      %dma_wait3A_157 = tpu.memref_slice %arg14[%dma_wait3A_156] : memref<20000xi32, #tpu.memory_space<vmem>> -> memref<1000xi32, #tpu.memory_space<vmem>>
      %dma_wait3A_158 = arith.constant 0 : i32
      %dma_wait3A_159 = arith.constant 0 : i32
      %dma_wait3A_160 = tpu.memref_slice %arg13[%dma_wait3A_158, %dma_wait3A_159] : memref<10240x16xf32, #tpu.memory_space<hbm>> -> memref<10240x16xf32, #tpu.memory_space<hbm>>
      tpu.wait_indirect_dma semaphore(%arg24 : memref<!tpu.dma_semaphore, #tpu.memory_space<semaphore_mem>>) src(%dma_wait3A_160 : memref<10240x16xf32, #tpu.memory_space<hbm>>) dst(%arg16 : memref<1000x16xf32, #tpu.memory_space<vmem>>)
      "tpu.region"() ({
        %run_scoped3A = tpu.sem_alloc : memref<!tpu.dma_semaphore, #tpu.memory_space<semaphore_mem>>
        %dma_start3A_251 = arith.constant 10000 : i32
        %dma_start3A_252 = tpu.memref_slice %arg15[%dma_start3A_251] : memref<20000xi32, #tpu.memory_space<vmem>> -> memref<1000xi32, #tpu.memory_space<vmem>>
        %dma_start3A_253 = arith.constant 0 : i32
        %dma_start3A_254 = arith.constant 0 : i32
        %dma_start3A_255 = tpu.memref_slice %arg22[%dma_start3A_253, %dma_start3A_254] : memref<10240x16xf32, #tpu.memory_space<vmem_shared>> -> memref<10240x16xf32, #tpu.memory_space<vmem_shared>>
        tpu.enqueue_indirect_dma source(%arg16 : memref<1000x16xf32, #tpu.memory_space<vmem>>) target(%dma_start3A_255 : memref<10240x16xf32, #tpu.memory_space<vmem_shared>>) offsets(%dma_start3A_252 : memref<1000xi32, #tpu.memory_space<vmem>>) semaphore(%run_scoped3A : memref<!tpu.dma_semaphore, #tpu.memory_space<semaphore_mem>>) {add = true}
        %dma_wait3A_256 = arith.constant 10000 : i32
        %dma_wait3A_257 = tpu.memref_slice %arg15[%dma_wait3A_256] : memref<20000xi32, #tpu.memory_space<vmem>> -> memref<1000xi32, #tpu.memory_space<vmem>>
        %dma_wait3A_258 = arith.constant 0 : i32
        %dma_wait3A_259 = arith.constant 0 : i32
        %dma_wait3A_260 = tpu.memref_slice %arg22[%dma_wait3A_258, %dma_wait3A_259] : memref<10240x16xf32, #tpu.memory_space<vmem_shared>> -> memref<10240x16xf32, #tpu.memory_space<vmem_shared>>
        tpu.wait_indirect_dma semaphore(%run_scoped3A : memref<!tpu.dma_semaphore, #tpu.memory_space<semaphore_mem>>) src(%arg16 : memref<1000x16xf32, #tpu.memory_space<vmem>>) dst(%dma_wait3A_260 : memref<10240x16xf32, #tpu.memory_space<vmem_shared>>)
        tpu.yield
      }) : () -> ()
      %dma_start3A_161 = arith.constant 12000 : i32
      %dma_start3A_162 = tpu.memref_slice %arg14[%dma_start3A_161] : memref<20000xi32, #tpu.memory_space<vmem>> -> memref<1000xi32, #tpu.memory_space<vmem>>
      %dma_start3A_163 = arith.constant 0 : i32
      %dma_start3A_164 = arith.constant 0 : i32
      %dma_start3A_165 = tpu.memref_slice %arg13[%dma_start3A_163, %dma_start3A_164] : memref<10240x16xf32, #tpu.memory_space<hbm>> -> memref<10240x16xf32, #tpu.memory_space<hbm>>
      tpu.enqueue_indirect_dma source(%dma_start3A_165 : memref<10240x16xf32, #tpu.memory_space<hbm>>) target(%arg16 : memref<1000x16xf32, #tpu.memory_space<vmem>>) offsets(%dma_start3A_162 : memref<1000xi32, #tpu.memory_space<vmem>>) semaphore(%arg24 : memref<!tpu.dma_semaphore, #tpu.memory_space<semaphore_mem>>)
      %dma_wait3A_166 = arith.constant 11000 : i32
      %dma_wait3A_167 = tpu.memref_slice %arg14[%dma_wait3A_166] : memref<20000xi32, #tpu.memory_space<vmem>> -> memref<1000xi32, #tpu.memory_space<vmem>>
      %dma_wait3A_168 = arith.constant 0 : i32
      %dma_wait3A_169 = arith.constant 0 : i32
      %dma_wait3A_170 = tpu.memref_slice %arg13[%dma_wait3A_168, %dma_wait3A_169] : memref<10240x16xf32, #tpu.memory_space<hbm>> -> memref<10240x16xf32, #tpu.memory_space<hbm>>
      tpu.wait_indirect_dma semaphore(%arg25 : memref<!tpu.dma_semaphore, #tpu.memory_space<semaphore_mem>>) src(%dma_wait3A_170 : memref<10240x16xf32, #tpu.memory_space<hbm>>) dst(%arg17 : memref<1000x16xf32, #tpu.memory_space<vmem>>)
      "tpu.region"() ({
        %run_scoped3A = tpu.sem_alloc : memref<!tpu.dma_semaphore, #tpu.memory_space<semaphore_mem>>
        %dma_start3A_251 = arith.constant 11000 : i32
        %dma_start3A_252 = tpu.memref_slice %arg15[%dma_start3A_251] : memref<20000xi32, #tpu.memory_space<vmem>> -> memref<1000xi32, #tpu.memory_space<vmem>>
        %dma_start3A_253 = arith.constant 0 : i32
        %dma_start3A_254 = arith.constant 0 : i32
        %dma_start3A_255 = tpu.memref_slice %arg22[%dma_start3A_253, %dma_start3A_254] : memref<10240x16xf32, #tpu.memory_space<vmem_shared>> -> memref<10240x16xf32, #tpu.memory_space<vmem_shared>>
        tpu.enqueue_indirect_dma source(%arg17 : memref<1000x16xf32, #tpu.memory_space<vmem>>) target(%dma_start3A_255 : memref<10240x16xf32, #tpu.memory_space<vmem_shared>>) offsets(%dma_start3A_252 : memref<1000xi32, #tpu.memory_space<vmem>>) semaphore(%run_scoped3A : memref<!tpu.dma_semaphore, #tpu.memory_space<semaphore_mem>>) {add = true}
        %dma_wait3A_256 = arith.constant 11000 : i32
        %dma_wait3A_257 = tpu.memref_slice %arg15[%dma_wait3A_256] : memref<20000xi32, #tpu.memory_space<vmem>> -> memref<1000xi32, #tpu.memory_space<vmem>>
        %dma_wait3A_258 = arith.constant 0 : i32
        %dma_wait3A_259 = arith.constant 0 : i32
        %dma_wait3A_260 = tpu.memref_slice %arg22[%dma_wait3A_258, %dma_wait3A_259] : memref<10240x16xf32, #tpu.memory_space<vmem_shared>> -> memref<10240x16xf32, #tpu.memory_space<vmem_shared>>
        tpu.wait_indirect_dma semaphore(%run_scoped3A : memref<!tpu.dma_semaphore, #tpu.memory_space<semaphore_mem>>) src(%arg17 : memref<1000x16xf32, #tpu.memory_space<vmem>>) dst(%dma_wait3A_260 : memref<10240x16xf32, #tpu.memory_space<vmem_shared>>)
        tpu.yield
      }) : () -> ()
      %dma_start3A_171 = arith.constant 13000 : i32
      %dma_start3A_172 = tpu.memref_slice %arg14[%dma_start3A_171] : memref<20000xi32, #tpu.memory_space<vmem>> -> memref<1000xi32, #tpu.memory_space<vmem>>
      %dma_start3A_173 = arith.constant 0 : i32
      %dma_start3A_174 = arith.constant 0 : i32
      %dma_start3A_175 = tpu.memref_slice %arg13[%dma_start3A_173, %dma_start3A_174] : memref<10240x16xf32, #tpu.memory_space<hbm>> -> memref<10240x16xf32, #tpu.memory_space<hbm>>
      tpu.enqueue_indirect_dma source(%dma_start3A_175 : memref<10240x16xf32, #tpu.memory_space<hbm>>) target(%arg17 : memref<1000x16xf32, #tpu.memory_space<vmem>>) offsets(%dma_start3A_172 : memref<1000xi32, #tpu.memory_space<vmem>>) semaphore(%arg25 : memref<!tpu.dma_semaphore, #tpu.memory_space<semaphore_mem>>)
      %dma_wait3A_176 = arith.constant 12000 : i32
      %dma_wait3A_177 = tpu.memref_slice %arg14[%dma_wait3A_176] : memref<20000xi32, #tpu.memory_space<vmem>> -> memref<1000xi32, #tpu.memory_space<vmem>>
      %dma_wait3A_178 = arith.constant 0 : i32
      %dma_wait3A_179 = arith.constant 0 : i32
      %dma_wait3A_180 = tpu.memref_slice %arg13[%dma_wait3A_178, %dma_wait3A_179] : memref<10240x16xf32, #tpu.memory_space<hbm>> -> memref<10240x16xf32, #tpu.memory_space<hbm>>
      tpu.wait_indirect_dma semaphore(%arg24 : memref<!tpu.dma_semaphore, #tpu.memory_space<semaphore_mem>>) src(%dma_wait3A_180 : memref<10240x16xf32, #tpu.memory_space<hbm>>) dst(%arg16 : memref<1000x16xf32, #tpu.memory_space<vmem>>)
      "tpu.region"() ({
        %run_scoped3A = tpu.sem_alloc : memref<!tpu.dma_semaphore, #tpu.memory_space<semaphore_mem>>
        %dma_start3A_251 = arith.constant 12000 : i32
        %dma_start3A_252 = tpu.memref_slice %arg15[%dma_start3A_251] : memref<20000xi32, #tpu.memory_space<vmem>> -> memref<1000xi32, #tpu.memory_space<vmem>>
        %dma_start3A_253 = arith.constant 0 : i32
        %dma_start3A_254 = arith.constant 0 : i32
        %dma_start3A_255 = tpu.memref_slice %arg22[%dma_start3A_253, %dma_start3A_254] : memref<10240x16xf32, #tpu.memory_space<vmem_shared>> -> memref<10240x16xf32, #tpu.memory_space<vmem_shared>>
        tpu.enqueue_indirect_dma source(%arg16 : memref<1000x16xf32, #tpu.memory_space<vmem>>) target(%dma_start3A_255 : memref<10240x16xf32, #tpu.memory_space<vmem_shared>>) offsets(%dma_start3A_252 : memref<1000xi32, #tpu.memory_space<vmem>>) semaphore(%run_scoped3A : memref<!tpu.dma_semaphore, #tpu.memory_space<semaphore_mem>>) {add = true}
        %dma_wait3A_256 = arith.constant 12000 : i32
        %dma_wait3A_257 = tpu.memref_slice %arg15[%dma_wait3A_256] : memref<20000xi32, #tpu.memory_space<vmem>> -> memref<1000xi32, #tpu.memory_space<vmem>>
        %dma_wait3A_258 = arith.constant 0 : i32
        %dma_wait3A_259 = arith.constant 0 : i32
        %dma_wait3A_260 = tpu.memref_slice %arg22[%dma_wait3A_258, %dma_wait3A_259] : memref<10240x16xf32, #tpu.memory_space<vmem_shared>> -> memref<10240x16xf32, #tpu.memory_space<vmem_shared>>
        tpu.wait_indirect_dma semaphore(%run_scoped3A : memref<!tpu.dma_semaphore, #tpu.memory_space<semaphore_mem>>) src(%arg16 : memref<1000x16xf32, #tpu.memory_space<vmem>>) dst(%dma_wait3A_260 : memref<10240x16xf32, #tpu.memory_space<vmem_shared>>)
        tpu.yield
      }) : () -> ()
      %dma_start3A_181 = arith.constant 14000 : i32
      %dma_start3A_182 = tpu.memref_slice %arg14[%dma_start3A_181] : memref<20000xi32, #tpu.memory_space<vmem>> -> memref<1000xi32, #tpu.memory_space<vmem>>
      %dma_start3A_183 = arith.constant 0 : i32
      %dma_start3A_184 = arith.constant 0 : i32
      %dma_start3A_185 = tpu.memref_slice %arg13[%dma_start3A_183, %dma_start3A_184] : memref<10240x16xf32, #tpu.memory_space<hbm>> -> memref<10240x16xf32, #tpu.memory_space<hbm>>
      tpu.enqueue_indirect_dma source(%dma_start3A_185 : memref<10240x16xf32, #tpu.memory_space<hbm>>) target(%arg16 : memref<1000x16xf32, #tpu.memory_space<vmem>>) offsets(%dma_start3A_182 : memref<1000xi32, #tpu.memory_space<vmem>>) semaphore(%arg24 : memref<!tpu.dma_semaphore, #tpu.memory_space<semaphore_mem>>)
      %dma_wait3A_186 = arith.constant 13000 : i32
      %dma_wait3A_187 = tpu.memref_slice %arg14[%dma_wait3A_186] : memref<20000xi32, #tpu.memory_space<vmem>> -> memref<1000xi32, #tpu.memory_space<vmem>>
      %dma_wait3A_188 = arith.constant 0 : i32
      %dma_wait3A_189 = arith.constant 0 : i32
      %dma_wait3A_190 = tpu.memref_slice %arg13[%dma_wait3A_188, %dma_wait3A_189] : memref<10240x16xf32, #tpu.memory_space<hbm>> -> memref<10240x16xf32, #tpu.memory_space<hbm>>
      tpu.wait_indirect_dma semaphore(%arg25 : memref<!tpu.dma_semaphore, #tpu.memory_space<semaphore_mem>>) src(%dma_wait3A_190 : memref<10240x16xf32, #tpu.memory_space<hbm>>) dst(%arg17 : memref<1000x16xf32, #tpu.memory_space<vmem>>)
      "tpu.region"() ({
        %run_scoped3A = tpu.sem_alloc : memref<!tpu.dma_semaphore, #tpu.memory_space<semaphore_mem>>
        %dma_start3A_251 = arith.constant 13000 : i32
        %dma_start3A_252 = tpu.memref_slice %arg15[%dma_start3A_251] : memref<20000xi32, #tpu.memory_space<vmem>> -> memref<1000xi32, #tpu.memory_space<vmem>>
        %dma_start3A_253 = arith.constant 0 : i32
        %dma_start3A_254 = arith.constant 0 : i32
        %dma_start3A_255 = tpu.memref_slice %arg22[%dma_start3A_253, %dma_start3A_254] : memref<10240x16xf32, #tpu.memory_space<vmem_shared>> -> memref<10240x16xf32, #tpu.memory_space<vmem_shared>>
        tpu.enqueue_indirect_dma source(%arg17 : memref<1000x16xf32, #tpu.memory_space<vmem>>) target(%dma_start3A_255 : memref<10240x16xf32, #tpu.memory_space<vmem_shared>>) offsets(%dma_start3A_252 : memref<1000xi32, #tpu.memory_space<vmem>>) semaphore(%run_scoped3A : memref<!tpu.dma_semaphore, #tpu.memory_space<semaphore_mem>>) {add = true}
        %dma_wait3A_256 = arith.constant 13000 : i32
        %dma_wait3A_257 = tpu.memref_slice %arg15[%dma_wait3A_256] : memref<20000xi32, #tpu.memory_space<vmem>> -> memref<1000xi32, #tpu.memory_space<vmem>>
        %dma_wait3A_258 = arith.constant 0 : i32
        %dma_wait3A_259 = arith.constant 0 : i32
        %dma_wait3A_260 = tpu.memref_slice %arg22[%dma_wait3A_258, %dma_wait3A_259] : memref<10240x16xf32, #tpu.memory_space<vmem_shared>> -> memref<10240x16xf32, #tpu.memory_space<vmem_shared>>
        tpu.wait_indirect_dma semaphore(%run_scoped3A : memref<!tpu.dma_semaphore, #tpu.memory_space<semaphore_mem>>) src(%arg17 : memref<1000x16xf32, #tpu.memory_space<vmem>>) dst(%dma_wait3A_260 : memref<10240x16xf32, #tpu.memory_space<vmem_shared>>)
        tpu.yield
      }) : () -> ()
      %dma_start3A_191 = arith.constant 15000 : i32
      %dma_start3A_192 = tpu.memref_slice %arg14[%dma_start3A_191] : memref<20000xi32, #tpu.memory_space<vmem>> -> memref<1000xi32, #tpu.memory_space<vmem>>
      %dma_start3A_193 = arith.constant 0 : i32
      %dma_start3A_194 = arith.constant 0 : i32
      %dma_start3A_195 = tpu.memref_slice %arg13[%dma_start3A_193, %dma_start3A_194] : memref<10240x16xf32, #tpu.memory_space<hbm>> -> memref<10240x16xf32, #tpu.memory_space<hbm>>
      tpu.enqueue_indirect_dma source(%dma_start3A_195 : memref<10240x16xf32, #tpu.memory_space<hbm>>) target(%arg17 : memref<1000x16xf32, #tpu.memory_space<vmem>>) offsets(%dma_start3A_192 : memref<1000xi32, #tpu.memory_space<vmem>>) semaphore(%arg25 : memref<!tpu.dma_semaphore, #tpu.memory_space<semaphore_mem>>)
      %dma_wait3A_196 = arith.constant 14000 : i32
      %dma_wait3A_197 = tpu.memref_slice %arg14[%dma_wait3A_196] : memref<20000xi32, #tpu.memory_space<vmem>> -> memref<1000xi32, #tpu.memory_space<vmem>>
      %dma_wait3A_198 = arith.constant 0 : i32
      %dma_wait3A_199 = arith.constant 0 : i32
      %dma_wait3A_200 = tpu.memref_slice %arg13[%dma_wait3A_198, %dma_wait3A_199] : memref<10240x16xf32, #tpu.memory_space<hbm>> -> memref<10240x16xf32, #tpu.memory_space<hbm>>
      tpu.wait_indirect_dma semaphore(%arg24 : memref<!tpu.dma_semaphore, #tpu.memory_space<semaphore_mem>>) src(%dma_wait3A_200 : memref<10240x16xf32, #tpu.memory_space<hbm>>) dst(%arg16 : memref<1000x16xf32, #tpu.memory_space<vmem>>)
      "tpu.region"() ({
        %run_scoped3A = tpu.sem_alloc : memref<!tpu.dma_semaphore, #tpu.memory_space<semaphore_mem>>
        %dma_start3A_251 = arith.constant 14000 : i32
        %dma_start3A_252 = tpu.memref_slice %arg15[%dma_start3A_251] : memref<20000xi32, #tpu.memory_space<vmem>> -> memref<1000xi32, #tpu.memory_space<vmem>>
        %dma_start3A_253 = arith.constant 0 : i32
        %dma_start3A_254 = arith.constant 0 : i32
        %dma_start3A_255 = tpu.memref_slice %arg22[%dma_start3A_253, %dma_start3A_254] : memref<10240x16xf32, #tpu.memory_space<vmem_shared>> -> memref<10240x16xf32, #tpu.memory_space<vmem_shared>>
        tpu.enqueue_indirect_dma source(%arg16 : memref<1000x16xf32, #tpu.memory_space<vmem>>) target(%dma_start3A_255 : memref<10240x16xf32, #tpu.memory_space<vmem_shared>>) offsets(%dma_start3A_252 : memref<1000xi32, #tpu.memory_space<vmem>>) semaphore(%run_scoped3A : memref<!tpu.dma_semaphore, #tpu.memory_space<semaphore_mem>>) {add = true}
        %dma_wait3A_256 = arith.constant 14000 : i32
        %dma_wait3A_257 = tpu.memref_slice %arg15[%dma_wait3A_256] : memref<20000xi32, #tpu.memory_space<vmem>> -> memref<1000xi32, #tpu.memory_space<vmem>>
        %dma_wait3A_258 = arith.constant 0 : i32
        %dma_wait3A_259 = arith.constant 0 : i32
        %dma_wait3A_260 = tpu.memref_slice %arg22[%dma_wait3A_258, %dma_wait3A_259] : memref<10240x16xf32, #tpu.memory_space<vmem_shared>> -> memref<10240x16xf32, #tpu.memory_space<vmem_shared>>
        tpu.wait_indirect_dma semaphore(%run_scoped3A : memref<!tpu.dma_semaphore, #tpu.memory_space<semaphore_mem>>) src(%arg16 : memref<1000x16xf32, #tpu.memory_space<vmem>>) dst(%dma_wait3A_260 : memref<10240x16xf32, #tpu.memory_space<vmem_shared>>)
        tpu.yield
      }) : () -> ()
      %dma_start3A_201 = arith.constant 16000 : i32
      %dma_start3A_202 = tpu.memref_slice %arg14[%dma_start3A_201] : memref<20000xi32, #tpu.memory_space<vmem>> -> memref<1000xi32, #tpu.memory_space<vmem>>
      %dma_start3A_203 = arith.constant 0 : i32
      %dma_start3A_204 = arith.constant 0 : i32
      %dma_start3A_205 = tpu.memref_slice %arg13[%dma_start3A_203, %dma_start3A_204] : memref<10240x16xf32, #tpu.memory_space<hbm>> -> memref<10240x16xf32, #tpu.memory_space<hbm>>
      tpu.enqueue_indirect_dma source(%dma_start3A_205 : memref<10240x16xf32, #tpu.memory_space<hbm>>) target(%arg16 : memref<1000x16xf32, #tpu.memory_space<vmem>>) offsets(%dma_start3A_202 : memref<1000xi32, #tpu.memory_space<vmem>>) semaphore(%arg24 : memref<!tpu.dma_semaphore, #tpu.memory_space<semaphore_mem>>)
      %dma_wait3A_206 = arith.constant 15000 : i32
      %dma_wait3A_207 = tpu.memref_slice %arg14[%dma_wait3A_206] : memref<20000xi32, #tpu.memory_space<vmem>> -> memref<1000xi32, #tpu.memory_space<vmem>>
      %dma_wait3A_208 = arith.constant 0 : i32
      %dma_wait3A_209 = arith.constant 0 : i32
      %dma_wait3A_210 = tpu.memref_slice %arg13[%dma_wait3A_208, %dma_wait3A_209] : memref<10240x16xf32, #tpu.memory_space<hbm>> -> memref<10240x16xf32, #tpu.memory_space<hbm>>
      tpu.wait_indirect_dma semaphore(%arg25 : memref<!tpu.dma_semaphore, #tpu.memory_space<semaphore_mem>>) src(%dma_wait3A_210 : memref<10240x16xf32, #tpu.memory_space<hbm>>) dst(%arg17 : memref<1000x16xf32, #tpu.memory_space<vmem>>)
      "tpu.region"() ({
        %run_scoped3A = tpu.sem_alloc : memref<!tpu.dma_semaphore, #tpu.memory_space<semaphore_mem>>
        %dma_start3A_251 = arith.constant 15000 : i32
        %dma_start3A_252 = tpu.memref_slice %arg15[%dma_start3A_251] : memref<20000xi32, #tpu.memory_space<vmem>> -> memref<1000xi32, #tpu.memory_space<vmem>>
        %dma_start3A_253 = arith.constant 0 : i32
        %dma_start3A_254 = arith.constant 0 : i32
        %dma_start3A_255 = tpu.memref_slice %arg22[%dma_start3A_253, %dma_start3A_254] : memref<10240x16xf32, #tpu.memory_space<vmem_shared>> -> memref<10240x16xf32, #tpu.memory_space<vmem_shared>>
        tpu.enqueue_indirect_dma source(%arg17 : memref<1000x16xf32, #tpu.memory_space<vmem>>) target(%dma_start3A_255 : memref<10240x16xf32, #tpu.memory_space<vmem_shared>>) offsets(%dma_start3A_252 : memref<1000xi32, #tpu.memory_space<vmem>>) semaphore(%run_scoped3A : memref<!tpu.dma_semaphore, #tpu.memory_space<semaphore_mem>>) {add = true}
        %dma_wait3A_256 = arith.constant 15000 : i32
        %dma_wait3A_257 = tpu.memref_slice %arg15[%dma_wait3A_256] : memref<20000xi32, #tpu.memory_space<vmem>> -> memref<1000xi32, #tpu.memory_space<vmem>>
        %dma_wait3A_258 = arith.constant 0 : i32
        %dma_wait3A_259 = arith.constant 0 : i32
        %dma_wait3A_260 = tpu.memref_slice %arg22[%dma_wait3A_258, %dma_wait3A_259] : memref<10240x16xf32, #tpu.memory_space<vmem_shared>> -> memref<10240x16xf32, #tpu.memory_space<vmem_shared>>
        tpu.wait_indirect_dma semaphore(%run_scoped3A : memref<!tpu.dma_semaphore, #tpu.memory_space<semaphore_mem>>) src(%arg17 : memref<1000x16xf32, #tpu.memory_space<vmem>>) dst(%dma_wait3A_260 : memref<10240x16xf32, #tpu.memory_space<vmem_shared>>)
        tpu.yield
      }) : () -> ()
      %dma_start3A_211 = arith.constant 17000 : i32
      %dma_start3A_212 = tpu.memref_slice %arg14[%dma_start3A_211] : memref<20000xi32, #tpu.memory_space<vmem>> -> memref<1000xi32, #tpu.memory_space<vmem>>
      %dma_start3A_213 = arith.constant 0 : i32
      %dma_start3A_214 = arith.constant 0 : i32
      %dma_start3A_215 = tpu.memref_slice %arg13[%dma_start3A_213, %dma_start3A_214] : memref<10240x16xf32, #tpu.memory_space<hbm>> -> memref<10240x16xf32, #tpu.memory_space<hbm>>
      tpu.enqueue_indirect_dma source(%dma_start3A_215 : memref<10240x16xf32, #tpu.memory_space<hbm>>) target(%arg17 : memref<1000x16xf32, #tpu.memory_space<vmem>>) offsets(%dma_start3A_212 : memref<1000xi32, #tpu.memory_space<vmem>>) semaphore(%arg25 : memref<!tpu.dma_semaphore, #tpu.memory_space<semaphore_mem>>)
      %dma_wait3A_216 = arith.constant 16000 : i32
      %dma_wait3A_217 = tpu.memref_slice %arg14[%dma_wait3A_216] : memref<20000xi32, #tpu.memory_space<vmem>> -> memref<1000xi32, #tpu.memory_space<vmem>>
      %dma_wait3A_218 = arith.constant 0 : i32
      %dma_wait3A_219 = arith.constant 0 : i32
      %dma_wait3A_220 = tpu.memref_slice %arg13[%dma_wait3A_218, %dma_wait3A_219] : memref<10240x16xf32, #tpu.memory_space<hbm>> -> memref<10240x16xf32, #tpu.memory_space<hbm>>
      tpu.wait_indirect_dma semaphore(%arg24 : memref<!tpu.dma_semaphore, #tpu.memory_space<semaphore_mem>>) src(%dma_wait3A_220 : memref<10240x16xf32, #tpu.memory_space<hbm>>) dst(%arg16 : memref<1000x16xf32, #tpu.memory_space<vmem>>)
      "tpu.region"() ({
        %run_scoped3A = tpu.sem_alloc : memref<!tpu.dma_semaphore, #tpu.memory_space<semaphore_mem>>
        %dma_start3A_251 = arith.constant 16000 : i32
        %dma_start3A_252 = tpu.memref_slice %arg15[%dma_start3A_251] : memref<20000xi32, #tpu.memory_space<vmem>> -> memref<1000xi32, #tpu.memory_space<vmem>>
        %dma_start3A_253 = arith.constant 0 : i32
        %dma_start3A_254 = arith.constant 0 : i32
        %dma_start3A_255 = tpu.memref_slice %arg22[%dma_start3A_253, %dma_start3A_254] : memref<10240x16xf32, #tpu.memory_space<vmem_shared>> -> memref<10240x16xf32, #tpu.memory_space<vmem_shared>>
        tpu.enqueue_indirect_dma source(%arg16 : memref<1000x16xf32, #tpu.memory_space<vmem>>) target(%dma_start3A_255 : memref<10240x16xf32, #tpu.memory_space<vmem_shared>>) offsets(%dma_start3A_252 : memref<1000xi32, #tpu.memory_space<vmem>>) semaphore(%run_scoped3A : memref<!tpu.dma_semaphore, #tpu.memory_space<semaphore_mem>>) {add = true}
        %dma_wait3A_256 = arith.constant 16000 : i32
        %dma_wait3A_257 = tpu.memref_slice %arg15[%dma_wait3A_256] : memref<20000xi32, #tpu.memory_space<vmem>> -> memref<1000xi32, #tpu.memory_space<vmem>>
        %dma_wait3A_258 = arith.constant 0 : i32
        %dma_wait3A_259 = arith.constant 0 : i32
        %dma_wait3A_260 = tpu.memref_slice %arg22[%dma_wait3A_258, %dma_wait3A_259] : memref<10240x16xf32, #tpu.memory_space<vmem_shared>> -> memref<10240x16xf32, #tpu.memory_space<vmem_shared>>
        tpu.wait_indirect_dma semaphore(%run_scoped3A : memref<!tpu.dma_semaphore, #tpu.memory_space<semaphore_mem>>) src(%arg16 : memref<1000x16xf32, #tpu.memory_space<vmem>>) dst(%dma_wait3A_260 : memref<10240x16xf32, #tpu.memory_space<vmem_shared>>)
        tpu.yield
      }) : () -> ()
      %dma_start3A_221 = arith.constant 18000 : i32
      %dma_start3A_222 = tpu.memref_slice %arg14[%dma_start3A_221] : memref<20000xi32, #tpu.memory_space<vmem>> -> memref<1000xi32, #tpu.memory_space<vmem>>
      %dma_start3A_223 = arith.constant 0 : i32
      %dma_start3A_224 = arith.constant 0 : i32
      %dma_start3A_225 = tpu.memref_slice %arg13[%dma_start3A_223, %dma_start3A_224] : memref<10240x16xf32, #tpu.memory_space<hbm>> -> memref<10240x16xf32, #tpu.memory_space<hbm>>
      tpu.enqueue_indirect_dma source(%dma_start3A_225 : memref<10240x16xf32, #tpu.memory_space<hbm>>) target(%arg16 : memref<1000x16xf32, #tpu.memory_space<vmem>>) offsets(%dma_start3A_222 : memref<1000xi32, #tpu.memory_space<vmem>>) semaphore(%arg24 : memref<!tpu.dma_semaphore, #tpu.memory_space<semaphore_mem>>)
      %dma_wait3A_226 = arith.constant 17000 : i32
      %dma_wait3A_227 = tpu.memref_slice %arg14[%dma_wait3A_226] : memref<20000xi32, #tpu.memory_space<vmem>> -> memref<1000xi32, #tpu.memory_space<vmem>>
      %dma_wait3A_228 = arith.constant 0 : i32
      %dma_wait3A_229 = arith.constant 0 : i32
      %dma_wait3A_230 = tpu.memref_slice %arg13[%dma_wait3A_228, %dma_wait3A_229] : memref<10240x16xf32, #tpu.memory_space<hbm>> -> memref<10240x16xf32, #tpu.memory_space<hbm>>
      tpu.wait_indirect_dma semaphore(%arg25 : memref<!tpu.dma_semaphore, #tpu.memory_space<semaphore_mem>>) src(%dma_wait3A_230 : memref<10240x16xf32, #tpu.memory_space<hbm>>) dst(%arg17 : memref<1000x16xf32, #tpu.memory_space<vmem>>)
      "tpu.region"() ({
        %run_scoped3A = tpu.sem_alloc : memref<!tpu.dma_semaphore, #tpu.memory_space<semaphore_mem>>
        %dma_start3A_251 = arith.constant 17000 : i32
        %dma_start3A_252 = tpu.memref_slice %arg15[%dma_start3A_251] : memref<20000xi32, #tpu.memory_space<vmem>> -> memref<1000xi32, #tpu.memory_space<vmem>>
        %dma_start3A_253 = arith.constant 0 : i32
        %dma_start3A_254 = arith.constant 0 : i32
        %dma_start3A_255 = tpu.memref_slice %arg22[%dma_start3A_253, %dma_start3A_254] : memref<10240x16xf32, #tpu.memory_space<vmem_shared>> -> memref<10240x16xf32, #tpu.memory_space<vmem_shared>>
        tpu.enqueue_indirect_dma source(%arg17 : memref<1000x16xf32, #tpu.memory_space<vmem>>) target(%dma_start3A_255 : memref<10240x16xf32, #tpu.memory_space<vmem_shared>>) offsets(%dma_start3A_252 : memref<1000xi32, #tpu.memory_space<vmem>>) semaphore(%run_scoped3A : memref<!tpu.dma_semaphore, #tpu.memory_space<semaphore_mem>>) {add = true}
        %dma_wait3A_256 = arith.constant 17000 : i32
        %dma_wait3A_257 = tpu.memref_slice %arg15[%dma_wait3A_256] : memref<20000xi32, #tpu.memory_space<vmem>> -> memref<1000xi32, #tpu.memory_space<vmem>>
        %dma_wait3A_258 = arith.constant 0 : i32
        %dma_wait3A_259 = arith.constant 0 : i32
        %dma_wait3A_260 = tpu.memref_slice %arg22[%dma_wait3A_258, %dma_wait3A_259] : memref<10240x16xf32, #tpu.memory_space<vmem_shared>> -> memref<10240x16xf32, #tpu.memory_space<vmem_shared>>
        tpu.wait_indirect_dma semaphore(%run_scoped3A : memref<!tpu.dma_semaphore, #tpu.memory_space<semaphore_mem>>) src(%arg17 : memref<1000x16xf32, #tpu.memory_space<vmem>>) dst(%dma_wait3A_260 : memref<10240x16xf32, #tpu.memory_space<vmem_shared>>)
        tpu.yield
      }) : () -> ()
      %dma_start3A_231 = arith.constant 19000 : i32
      %dma_start3A_232 = tpu.memref_slice %arg14[%dma_start3A_231] : memref<20000xi32, #tpu.memory_space<vmem>> -> memref<1000xi32, #tpu.memory_space<vmem>>
      %dma_start3A_233 = arith.constant 0 : i32
      %dma_start3A_234 = arith.constant 0 : i32
      %dma_start3A_235 = tpu.memref_slice %arg13[%dma_start3A_233, %dma_start3A_234] : memref<10240x16xf32, #tpu.memory_space<hbm>> -> memref<10240x16xf32, #tpu.memory_space<hbm>>
      tpu.enqueue_indirect_dma source(%dma_start3A_235 : memref<10240x16xf32, #tpu.memory_space<hbm>>) target(%arg17 : memref<1000x16xf32, #tpu.memory_space<vmem>>) offsets(%dma_start3A_232 : memref<1000xi32, #tpu.memory_space<vmem>>) semaphore(%arg25 : memref<!tpu.dma_semaphore, #tpu.memory_space<semaphore_mem>>)
      %dma_wait3A_236 = arith.constant 18000 : i32
      %dma_wait3A_237 = tpu.memref_slice %arg14[%dma_wait3A_236] : memref<20000xi32, #tpu.memory_space<vmem>> -> memref<1000xi32, #tpu.memory_space<vmem>>
      %dma_wait3A_238 = arith.constant 0 : i32
      %dma_wait3A_239 = arith.constant 0 : i32
      %dma_wait3A_240 = tpu.memref_slice %arg13[%dma_wait3A_238, %dma_wait3A_239] : memref<10240x16xf32, #tpu.memory_space<hbm>> -> memref<10240x16xf32, #tpu.memory_space<hbm>>
      tpu.wait_indirect_dma semaphore(%arg24 : memref<!tpu.dma_semaphore, #tpu.memory_space<semaphore_mem>>) src(%dma_wait3A_240 : memref<10240x16xf32, #tpu.memory_space<hbm>>) dst(%arg16 : memref<1000x16xf32, #tpu.memory_space<vmem>>)
      "tpu.region"() ({
        %run_scoped3A = tpu.sem_alloc : memref<!tpu.dma_semaphore, #tpu.memory_space<semaphore_mem>>
        %dma_start3A_251 = arith.constant 18000 : i32
        %dma_start3A_252 = tpu.memref_slice %arg15[%dma_start3A_251] : memref<20000xi32, #tpu.memory_space<vmem>> -> memref<1000xi32, #tpu.memory_space<vmem>>
        %dma_start3A_253 = arith.constant 0 : i32
        %dma_start3A_254 = arith.constant 0 : i32
        %dma_start3A_255 = tpu.memref_slice %arg22[%dma_start3A_253, %dma_start3A_254] : memref<10240x16xf32, #tpu.memory_space<vmem_shared>> -> memref<10240x16xf32, #tpu.memory_space<vmem_shared>>
        tpu.enqueue_indirect_dma source(%arg16 : memref<1000x16xf32, #tpu.memory_space<vmem>>) target(%dma_start3A_255 : memref<10240x16xf32, #tpu.memory_space<vmem_shared>>) offsets(%dma_start3A_252 : memref<1000xi32, #tpu.memory_space<vmem>>) semaphore(%run_scoped3A : memref<!tpu.dma_semaphore, #tpu.memory_space<semaphore_mem>>) {add = true}
        %dma_wait3A_256 = arith.constant 18000 : i32
        %dma_wait3A_257 = tpu.memref_slice %arg15[%dma_wait3A_256] : memref<20000xi32, #tpu.memory_space<vmem>> -> memref<1000xi32, #tpu.memory_space<vmem>>
        %dma_wait3A_258 = arith.constant 0 : i32
        %dma_wait3A_259 = arith.constant 0 : i32
        %dma_wait3A_260 = tpu.memref_slice %arg22[%dma_wait3A_258, %dma_wait3A_259] : memref<10240x16xf32, #tpu.memory_space<vmem_shared>> -> memref<10240x16xf32, #tpu.memory_space<vmem_shared>>
        tpu.wait_indirect_dma semaphore(%run_scoped3A : memref<!tpu.dma_semaphore, #tpu.memory_space<semaphore_mem>>) src(%arg16 : memref<1000x16xf32, #tpu.memory_space<vmem>>) dst(%dma_wait3A_260 : memref<10240x16xf32, #tpu.memory_space<vmem_shared>>)
        tpu.yield
      }) : () -> ()
      %dma_wait3A_241 = arith.constant 19000 : i32
      %dma_wait3A_242 = tpu.memref_slice %arg14[%dma_wait3A_241] : memref<20000xi32, #tpu.memory_space<vmem>> -> memref<1000xi32, #tpu.memory_space<vmem>>
      %dma_wait3A_243 = arith.constant 0 : i32
      %dma_wait3A_244 = arith.constant 0 : i32
      %dma_wait3A_245 = tpu.memref_slice %arg13[%dma_wait3A_243, %dma_wait3A_244] : memref<10240x16xf32, #tpu.memory_space<hbm>> -> memref<10240x16xf32, #tpu.memory_space<hbm>>
      tpu.wait_indirect_dma semaphore(%arg25 : memref<!tpu.dma_semaphore, #tpu.memory_space<semaphore_mem>>) src(%dma_wait3A_245 : memref<10240x16xf32, #tpu.memory_space<hbm>>) dst(%arg17 : memref<1000x16xf32, #tpu.memory_space<vmem>>)
      "tpu.region"() ({
        %run_scoped3A = tpu.sem_alloc : memref<!tpu.dma_semaphore, #tpu.memory_space<semaphore_mem>>
        %dma_start3A_251 = arith.constant 19000 : i32
        %dma_start3A_252 = tpu.memref_slice %arg15[%dma_start3A_251] : memref<20000xi32, #tpu.memory_space<vmem>> -> memref<1000xi32, #tpu.memory_space<vmem>>
        %dma_start3A_253 = arith.constant 0 : i32
        %dma_start3A_254 = arith.constant 0 : i32
        %dma_start3A_255 = tpu.memref_slice %arg22[%dma_start3A_253, %dma_start3A_254] : memref<10240x16xf32, #tpu.memory_space<vmem_shared>> -> memref<10240x16xf32, #tpu.memory_space<vmem_shared>>
        tpu.enqueue_indirect_dma source(%arg17 : memref<1000x16xf32, #tpu.memory_space<vmem>>) target(%dma_start3A_255 : memref<10240x16xf32, #tpu.memory_space<vmem_shared>>) offsets(%dma_start3A_252 : memref<1000xi32, #tpu.memory_space<vmem>>) semaphore(%run_scoped3A : memref<!tpu.dma_semaphore, #tpu.memory_space<semaphore_mem>>) {add = true}
        %dma_wait3A_256 = arith.constant 19000 : i32
        %dma_wait3A_257 = tpu.memref_slice %arg15[%dma_wait3A_256] : memref<20000xi32, #tpu.memory_space<vmem>> -> memref<1000xi32, #tpu.memory_space<vmem>>
        %dma_wait3A_258 = arith.constant 0 : i32
        %dma_wait3A_259 = arith.constant 0 : i32
        %dma_wait3A_260 = tpu.memref_slice %arg22[%dma_wait3A_258, %dma_wait3A_259] : memref<10240x16xf32, #tpu.memory_space<vmem_shared>> -> memref<10240x16xf32, #tpu.memory_space<vmem_shared>>
        tpu.wait_indirect_dma semaphore(%run_scoped3A : memref<!tpu.dma_semaphore, #tpu.memory_space<semaphore_mem>>) src(%arg17 : memref<1000x16xf32, #tpu.memory_space<vmem>>) dst(%dma_wait3A_260 : memref<10240x16xf32, #tpu.memory_space<vmem_shared>>)
        tpu.yield
      }) : () -> ()
      %barrier3A_246 = arith.constant 0 : index
      tpu.barrier barrier_id(%barrier3A_246)
      %mul3A_247 = arith.constant 640 : i32
      %mul3A_248 = arith.muli %arg1, %mul3A_247 : i32
      "tpu.region"() ({
        %run_scoped3A = tpu.sem_alloc : memref<!tpu.dma_semaphore, #tpu.memory_space<semaphore_mem>>
        %dma_start3A_251 = arith.constant 0 : i32
        %dma_start3A_252 = tpu.memref_slice %arg22[%mul3A_248, %dma_start3A_251] : memref<10240x16xf32, #tpu.memory_space<vmem_shared>> -> memref<640x16xf32, #tpu.memory_space<vmem_shared>>
        %dma_start3A_253 = arith.constant 0 : i32
        %dma_start3A_254 = tpu.memref_slice %arg22[%mul3A_248, %dma_start3A_253] : memref<10240x16xf32, #tpu.memory_space<vmem_shared>> -> memref<640x16xf32, #tpu.memory_space<vmem_shared>>
        tpu.enqueue_dma source(%dma_start3A_254 : memref<640x16xf32, #tpu.memory_space<vmem_shared>>) target(%arg18 : memref<640x16xf32, #tpu.memory_space<vmem>>) target_semaphore(%run_scoped3A : memref<!tpu.dma_semaphore, #tpu.memory_space<semaphore_mem>>)
        %dma_wait3A_255 = arith.constant 0 : i32
        %dma_wait3A_256 = tpu.memref_slice %arg22[%mul3A_248, %dma_wait3A_255] : memref<10240x16xf32, #tpu.memory_space<vmem_shared>> -> memref<640x16xf32, #tpu.memory_space<vmem_shared>>
        %dma_wait3A_257 = arith.constant 0 : i32
        %dma_wait3A_258 = tpu.memref_slice %arg22[%mul3A_248, %dma_wait3A_257] : memref<10240x16xf32, #tpu.memory_space<vmem_shared>> -> memref<640x16xf32, #tpu.memory_space<vmem_shared>>
        tpu.wait_dma2 semaphore(%run_scoped3A : memref<!tpu.dma_semaphore, #tpu.memory_space<semaphore_mem>>) src(%dma_wait3A_258 : memref<640x16xf32, #tpu.memory_space<vmem_shared>>) dst(%arg18 : memref<640x16xf32, #tpu.memory_space<vmem>>)
        tpu.yield
      }) : () -> ()
      %mul3A_249 = arith.constant 640 : i32
      %mul3A_250 = arith.muli %arg1, %mul3A_249 : i32
      "tpu.region"() ({
        %run_scoped3A = tpu.sem_alloc : memref<!tpu.dma_semaphore, #tpu.memory_space<semaphore_mem>>
        %dma_start3A_251 = arith.constant 0 : i32
        %dma_start3A_252 = tpu.memref_slice %arg9[%mul3A_250, %dma_start3A_251] : memref<10240x16xf32, #tpu.memory_space<hbm>> -> memref<640x16xf32, #tpu.memory_space<hbm>>
        %dma_start3A_253 = arith.constant 0 : i32
        %dma_start3A_254 = tpu.memref_slice %arg9[%mul3A_250, %dma_start3A_253] : memref<10240x16xf32, #tpu.memory_space<hbm>> -> memref<640x16xf32, #tpu.memory_space<hbm>>
        tpu.enqueue_dma source(%arg18 : memref<640x16xf32, #tpu.memory_space<vmem>>) target(%dma_start3A_254 : memref<640x16xf32, #tpu.memory_space<hbm>>) target_semaphore(%run_scoped3A : memref<!tpu.dma_semaphore, #tpu.memory_space<semaphore_mem>>)
        %dma_wait3A_255 = arith.constant 0 : i32
        %dma_wait3A_256 = tpu.memref_slice %arg9[%mul3A_250, %dma_wait3A_255] : memref<10240x16xf32, #tpu.memory_space<hbm>> -> memref<640x16xf32, #tpu.memory_space<hbm>>
        %dma_wait3A_257 = arith.constant 0 : i32
        %dma_wait3A_258 = tpu.memref_slice %arg9[%mul3A_250, %dma_wait3A_257] : memref<10240x16xf32, #tpu.memory_space<hbm>> -> memref<640x16xf32, #tpu.memory_space<hbm>>
        tpu.wait_dma2 semaphore(%run_scoped3A : memref<!tpu.dma_semaphore, #tpu.memory_space<semaphore_mem>>) src(%arg18 : memref<640x16xf32, #tpu.memory_space<vmem>>) dst(%dma_wait3A_258 : memref<640x16xf32, #tpu.memory_space<hbm>>)
        tpu.yield
      }) : () -> ()
    } else {
    }
    return
  }
}

#map = affine_map<(d0, d1) -> (0)>
#map1 = affine_map<(d0, d1) -> (0, 0)>
module attributes {stable_mosaic.version = 14 : i64} {
  func.func @k(%arg0: i32, %arg1: i32, %arg2: memref<320000xi32, #tpu.memory_space<hbm>>, %arg3: memref<320000xi32, #tpu.memory_space<hbm>>, %arg4: memref<10240x16xf32, #tpu.memory_space<hbm>>, %arg5: memref<10240x16xf32, #tpu.memory_space<hbm>>, %arg6: memref<10240x16xf32, #tpu.memory_space<hbm>>, %arg7: memref<10000xi32, #tpu.memory_space<vmem>>, %arg8: memref<10000xi32, #tpu.memory_space<vmem>>, %arg9: memref<1000x16xf32, #tpu.memory_space<vmem>>, %arg10: memref<1000x16xf32, #tpu.memory_space<vmem>>, %arg11: memref<640x16xf32, #tpu.memory_space<vmem>>, %arg12: memref<10240x16xf32, #tpu.memory_space<vmem_shared>>, %arg13: memref<!tpu.dma_semaphore, #tpu.memory_space<semaphore_mem>>, %arg14: memref<!tpu.dma_semaphore, #tpu.memory_space<semaphore_mem>>) attributes {dimension_semantics = [#tpu.dimension_semantics<core_parallel>, #tpu.dimension_semantics<subcore_parallel>], iteration_bounds = array<i64: 2, 16>, scalar_prefetch = 0 : i64, scratch_operands = 8 : i64, tpu.core_type = #tpu.core_type<sc_vector_subcore>, window_params = [{transform_indices = #map}, {transform_indices = #map}, {transform_indices = #map1}, {transform_indices = #map1}, {transform_indices = #map1}]} {
    %eq3A = arith.constant 0 : i32
    %eq3A_0 = arith.cmpi eq, %arg0, %eq3A : i32
    %convert_element_type3A = arith.extui %eq3A_0 : i1 to i32
    %cond3A = arith.constant 0 : i32
    %cond3A_1 = arith.cmpi ne, %convert_element_type3A, %cond3A : i32
    scf.if %cond3A_1 {
      %mul3A = arith.constant 10 : i32
      %mul3A_7 = arith.muli %arg1, %mul3A : i32
      %mul3A_8 = arith.constant 1000 : i32
      %mul3A_9 = arith.muli %mul3A_7, %mul3A_8 : i32
      %mul3A_10 = arith.constant 10 : i32
      %mul3A_11 = arith.muli %arg1, %mul3A_10 : i32
      %mul3A_12 = arith.constant 1000 : i32
      %mul3A_13 = arith.muli %mul3A_11, %mul3A_12 : i32
      "tpu.region"() ({
        %run_scoped3A = tpu.sem_alloc : memref<!tpu.dma_semaphore, #tpu.memory_space<semaphore_mem>>
        %dma_start3A_121 = tpu.memref_slice %arg2[%mul3A_9] : memref<320000xi32, #tpu.memory_space<hbm>> -> memref<10000xi32, #tpu.memory_space<hbm>>
        %dma_start3A_122 = tpu.memref_slice %arg2[%mul3A_9] : memref<320000xi32, #tpu.memory_space<hbm>> -> memref<10000xi32, #tpu.memory_space<hbm>>
        tpu.enqueue_dma source(%dma_start3A_122 : memref<10000xi32, #tpu.memory_space<hbm>>) target(%arg7 : memref<10000xi32, #tpu.memory_space<vmem>>) target_semaphore(%run_scoped3A : memref<!tpu.dma_semaphore, #tpu.memory_space<semaphore_mem>>)
        %dma_wait3A_123 = tpu.memref_slice %arg2[%mul3A_9] : memref<320000xi32, #tpu.memory_space<hbm>> -> memref<10000xi32, #tpu.memory_space<hbm>>
        %dma_wait3A_124 = tpu.memref_slice %arg2[%mul3A_9] : memref<320000xi32, #tpu.memory_space<hbm>> -> memref<10000xi32, #tpu.memory_space<hbm>>
        tpu.wait_dma2 semaphore(%run_scoped3A : memref<!tpu.dma_semaphore, #tpu.memory_space<semaphore_mem>>) src(%dma_wait3A_124 : memref<10000xi32, #tpu.memory_space<hbm>>) dst(%arg7 : memref<10000xi32, #tpu.memory_space<vmem>>)
        tpu.yield
      }) : () -> ()
      "tpu.region"() ({
        %run_scoped3A = tpu.sem_alloc : memref<!tpu.dma_semaphore, #tpu.memory_space<semaphore_mem>>
        %dma_start3A_121 = tpu.memref_slice %arg3[%mul3A_13] : memref<320000xi32, #tpu.memory_space<hbm>> -> memref<10000xi32, #tpu.memory_space<hbm>>
        %dma_start3A_122 = tpu.memref_slice %arg3[%mul3A_13] : memref<320000xi32, #tpu.memory_space<hbm>> -> memref<10000xi32, #tpu.memory_space<hbm>>
        tpu.enqueue_dma source(%dma_start3A_122 : memref<10000xi32, #tpu.memory_space<hbm>>) target(%arg8 : memref<10000xi32, #tpu.memory_space<vmem>>) target_semaphore(%run_scoped3A : memref<!tpu.dma_semaphore, #tpu.memory_space<semaphore_mem>>)
        %dma_wait3A_123 = tpu.memref_slice %arg3[%mul3A_13] : memref<320000xi32, #tpu.memory_space<hbm>> -> memref<10000xi32, #tpu.memory_space<hbm>>
        %dma_wait3A_124 = tpu.memref_slice %arg3[%mul3A_13] : memref<320000xi32, #tpu.memory_space<hbm>> -> memref<10000xi32, #tpu.memory_space<hbm>>
        tpu.wait_dma2 semaphore(%run_scoped3A : memref<!tpu.dma_semaphore, #tpu.memory_space<semaphore_mem>>) src(%dma_wait3A_124 : memref<10000xi32, #tpu.memory_space<hbm>>) dst(%arg8 : memref<10000xi32, #tpu.memory_space<vmem>>)
        tpu.yield
      }) : () -> ()
      %mul3A_14 = arith.constant 640 : i32
      %mul3A_15 = arith.muli %arg1, %mul3A_14 : i32
      "tpu.region"() ({
        %run_scoped3A = tpu.sem_alloc : memref<!tpu.dma_semaphore, #tpu.memory_space<semaphore_mem>>
        %dma_start3A_121 = arith.constant 0 : i32
        %dma_start3A_122 = tpu.memref_slice %arg4[%mul3A_15, %dma_start3A_121] : memref<10240x16xf32, #tpu.memory_space<hbm>> -> memref<640x16xf32, #tpu.memory_space<hbm>>
        %dma_start3A_123 = arith.constant 0 : i32
        %dma_start3A_124 = tpu.memref_slice %arg4[%mul3A_15, %dma_start3A_123] : memref<10240x16xf32, #tpu.memory_space<hbm>> -> memref<640x16xf32, #tpu.memory_space<hbm>>
        tpu.enqueue_dma source(%dma_start3A_124 : memref<640x16xf32, #tpu.memory_space<hbm>>) target(%arg11 : memref<640x16xf32, #tpu.memory_space<vmem>>) target_semaphore(%run_scoped3A : memref<!tpu.dma_semaphore, #tpu.memory_space<semaphore_mem>>)
        %dma_wait3A_125 = arith.constant 0 : i32
        %dma_wait3A_126 = tpu.memref_slice %arg4[%mul3A_15, %dma_wait3A_125] : memref<10240x16xf32, #tpu.memory_space<hbm>> -> memref<640x16xf32, #tpu.memory_space<hbm>>
        %dma_wait3A_127 = arith.constant 0 : i32
        %dma_wait3A_128 = tpu.memref_slice %arg4[%mul3A_15, %dma_wait3A_127] : memref<10240x16xf32, #tpu.memory_space<hbm>> -> memref<640x16xf32, #tpu.memory_space<hbm>>
        tpu.wait_dma2 semaphore(%run_scoped3A : memref<!tpu.dma_semaphore, #tpu.memory_space<semaphore_mem>>) src(%dma_wait3A_128 : memref<640x16xf32, #tpu.memory_space<hbm>>) dst(%arg11 : memref<640x16xf32, #tpu.memory_space<vmem>>)
        tpu.yield
      }) : () -> ()
      %mul3A_16 = arith.constant 640 : i32
      %mul3A_17 = arith.muli %arg1, %mul3A_16 : i32
      "tpu.region"() ({
        %run_scoped3A = tpu.sem_alloc : memref<!tpu.dma_semaphore, #tpu.memory_space<semaphore_mem>>
        %dma_start3A_121 = arith.constant 0 : i32
        %dma_start3A_122 = tpu.memref_slice %arg12[%mul3A_17, %dma_start3A_121] : memref<10240x16xf32, #tpu.memory_space<vmem_shared>> -> memref<640x16xf32, #tpu.memory_space<vmem_shared>>
        %dma_start3A_123 = arith.constant 0 : i32
        %dma_start3A_124 = tpu.memref_slice %arg12[%mul3A_17, %dma_start3A_123] : memref<10240x16xf32, #tpu.memory_space<vmem_shared>> -> memref<640x16xf32, #tpu.memory_space<vmem_shared>>
        tpu.enqueue_dma source(%arg11 : memref<640x16xf32, #tpu.memory_space<vmem>>) target(%dma_start3A_124 : memref<640x16xf32, #tpu.memory_space<vmem_shared>>) target_semaphore(%run_scoped3A : memref<!tpu.dma_semaphore, #tpu.memory_space<semaphore_mem>>)
        %dma_wait3A_125 = arith.constant 0 : i32
        %dma_wait3A_126 = tpu.memref_slice %arg12[%mul3A_17, %dma_wait3A_125] : memref<10240x16xf32, #tpu.memory_space<vmem_shared>> -> memref<640x16xf32, #tpu.memory_space<vmem_shared>>
        %dma_wait3A_127 = arith.constant 0 : i32
        %dma_wait3A_128 = tpu.memref_slice %arg12[%mul3A_17, %dma_wait3A_127] : memref<10240x16xf32, #tpu.memory_space<vmem_shared>> -> memref<640x16xf32, #tpu.memory_space<vmem_shared>>
        tpu.wait_dma2 semaphore(%run_scoped3A : memref<!tpu.dma_semaphore, #tpu.memory_space<semaphore_mem>>) src(%arg11 : memref<640x16xf32, #tpu.memory_space<vmem>>) dst(%dma_wait3A_128 : memref<640x16xf32, #tpu.memory_space<vmem_shared>>)
        tpu.yield
      }) : () -> ()
      %barrier3A = arith.constant 0 : index
      tpu.barrier barrier_id(%barrier3A)
      %dma_start3A = arith.constant 0 : i32
      %dma_start3A_18 = tpu.memref_slice %arg7[%dma_start3A] : memref<10000xi32, #tpu.memory_space<vmem>> -> memref<1000xi32, #tpu.memory_space<vmem>>
      %dma_start3A_19 = arith.constant 0 : i32
      %dma_start3A_20 = arith.constant 0 : i32
      %dma_start3A_21 = tpu.memref_slice %arg4[%dma_start3A_19, %dma_start3A_20] : memref<10240x16xf32, #tpu.memory_space<hbm>> -> memref<10240x16xf32, #tpu.memory_space<hbm>>
      tpu.enqueue_indirect_dma source(%dma_start3A_21 : memref<10240x16xf32, #tpu.memory_space<hbm>>) target(%arg9 : memref<1000x16xf32, #tpu.memory_space<vmem>>) offsets(%dma_start3A_18 : memref<1000xi32, #tpu.memory_space<vmem>>) semaphore(%arg13 : memref<!tpu.dma_semaphore, #tpu.memory_space<semaphore_mem>>)
      %dma_start3A_22 = arith.constant 1000 : i32
      %dma_start3A_23 = tpu.memref_slice %arg7[%dma_start3A_22] : memref<10000xi32, #tpu.memory_space<vmem>> -> memref<1000xi32, #tpu.memory_space<vmem>>
      %dma_start3A_24 = arith.constant 0 : i32
      %dma_start3A_25 = arith.constant 0 : i32
      %dma_start3A_26 = tpu.memref_slice %arg4[%dma_start3A_24, %dma_start3A_25] : memref<10240x16xf32, #tpu.memory_space<hbm>> -> memref<10240x16xf32, #tpu.memory_space<hbm>>
      tpu.enqueue_indirect_dma source(%dma_start3A_26 : memref<10240x16xf32, #tpu.memory_space<hbm>>) target(%arg10 : memref<1000x16xf32, #tpu.memory_space<vmem>>) offsets(%dma_start3A_23 : memref<1000xi32, #tpu.memory_space<vmem>>) semaphore(%arg14 : memref<!tpu.dma_semaphore, #tpu.memory_space<semaphore_mem>>)
      %dma_wait3A = arith.constant 0 : i32
      %dma_wait3A_27 = tpu.memref_slice %arg7[%dma_wait3A] : memref<10000xi32, #tpu.memory_space<vmem>> -> memref<1000xi32, #tpu.memory_space<vmem>>
      %dma_wait3A_28 = arith.constant 0 : i32
      %dma_wait3A_29 = arith.constant 0 : i32
      %dma_wait3A_30 = tpu.memref_slice %arg4[%dma_wait3A_28, %dma_wait3A_29] : memref<10240x16xf32, #tpu.memory_space<hbm>> -> memref<10240x16xf32, #tpu.memory_space<hbm>>
      tpu.wait_indirect_dma semaphore(%arg13 : memref<!tpu.dma_semaphore, #tpu.memory_space<semaphore_mem>>) src(%dma_wait3A_30 : memref<10240x16xf32, #tpu.memory_space<hbm>>) dst(%arg9 : memref<1000x16xf32, #tpu.memory_space<vmem>>)
      "tpu.region"() ({
        %run_scoped3A = tpu.sem_alloc : memref<!tpu.dma_semaphore, #tpu.memory_space<semaphore_mem>>
        %dma_start3A_121 = arith.constant 0 : i32
        %dma_start3A_122 = tpu.memref_slice %arg8[%dma_start3A_121] : memref<10000xi32, #tpu.memory_space<vmem>> -> memref<1000xi32, #tpu.memory_space<vmem>>
        %dma_start3A_123 = arith.constant 0 : i32
        %dma_start3A_124 = arith.constant 0 : i32
        %dma_start3A_125 = tpu.memref_slice %arg12[%dma_start3A_123, %dma_start3A_124] : memref<10240x16xf32, #tpu.memory_space<vmem_shared>> -> memref<10240x16xf32, #tpu.memory_space<vmem_shared>>
        tpu.enqueue_indirect_dma source(%arg9 : memref<1000x16xf32, #tpu.memory_space<vmem>>) target(%dma_start3A_125 : memref<10240x16xf32, #tpu.memory_space<vmem_shared>>) offsets(%dma_start3A_122 : memref<1000xi32, #tpu.memory_space<vmem>>) semaphore(%run_scoped3A : memref<!tpu.dma_semaphore, #tpu.memory_space<semaphore_mem>>) {add = true}
        %dma_wait3A_126 = arith.constant 0 : i32
        %dma_wait3A_127 = tpu.memref_slice %arg8[%dma_wait3A_126] : memref<10000xi32, #tpu.memory_space<vmem>> -> memref<1000xi32, #tpu.memory_space<vmem>>
        %dma_wait3A_128 = arith.constant 0 : i32
        %dma_wait3A_129 = arith.constant 0 : i32
        %dma_wait3A_130 = tpu.memref_slice %arg12[%dma_wait3A_128, %dma_wait3A_129] : memref<10240x16xf32, #tpu.memory_space<vmem_shared>> -> memref<10240x16xf32, #tpu.memory_space<vmem_shared>>
        tpu.wait_indirect_dma semaphore(%run_scoped3A : memref<!tpu.dma_semaphore, #tpu.memory_space<semaphore_mem>>) src(%arg9 : memref<1000x16xf32, #tpu.memory_space<vmem>>) dst(%dma_wait3A_130 : memref<10240x16xf32, #tpu.memory_space<vmem_shared>>)
        tpu.yield
      }) : () -> ()
      %dma_start3A_31 = arith.constant 2000 : i32
      %dma_start3A_32 = tpu.memref_slice %arg7[%dma_start3A_31] : memref<10000xi32, #tpu.memory_space<vmem>> -> memref<1000xi32, #tpu.memory_space<vmem>>
      %dma_start3A_33 = arith.constant 0 : i32
      %dma_start3A_34 = arith.constant 0 : i32
      %dma_start3A_35 = tpu.memref_slice %arg4[%dma_start3A_33, %dma_start3A_34] : memref<10240x16xf32, #tpu.memory_space<hbm>> -> memref<10240x16xf32, #tpu.memory_space<hbm>>
      tpu.enqueue_indirect_dma source(%dma_start3A_35 : memref<10240x16xf32, #tpu.memory_space<hbm>>) target(%arg9 : memref<1000x16xf32, #tpu.memory_space<vmem>>) offsets(%dma_start3A_32 : memref<1000xi32, #tpu.memory_space<vmem>>) semaphore(%arg13 : memref<!tpu.dma_semaphore, #tpu.memory_space<semaphore_mem>>)
      %dma_wait3A_36 = arith.constant 1000 : i32
      %dma_wait3A_37 = tpu.memref_slice %arg7[%dma_wait3A_36] : memref<10000xi32, #tpu.memory_space<vmem>> -> memref<1000xi32, #tpu.memory_space<vmem>>
      %dma_wait3A_38 = arith.constant 0 : i32
      %dma_wait3A_39 = arith.constant 0 : i32
      %dma_wait3A_40 = tpu.memref_slice %arg4[%dma_wait3A_38, %dma_wait3A_39] : memref<10240x16xf32, #tpu.memory_space<hbm>> -> memref<10240x16xf32, #tpu.memory_space<hbm>>
      tpu.wait_indirect_dma semaphore(%arg14 : memref<!tpu.dma_semaphore, #tpu.memory_space<semaphore_mem>>) src(%dma_wait3A_40 : memref<10240x16xf32, #tpu.memory_space<hbm>>) dst(%arg10 : memref<1000x16xf32, #tpu.memory_space<vmem>>)
      "tpu.region"() ({
        %run_scoped3A = tpu.sem_alloc : memref<!tpu.dma_semaphore, #tpu.memory_space<semaphore_mem>>
        %dma_start3A_121 = arith.constant 1000 : i32
        %dma_start3A_122 = tpu.memref_slice %arg8[%dma_start3A_121] : memref<10000xi32, #tpu.memory_space<vmem>> -> memref<1000xi32, #tpu.memory_space<vmem>>
        %dma_start3A_123 = arith.constant 0 : i32
        %dma_start3A_124 = arith.constant 0 : i32
        %dma_start3A_125 = tpu.memref_slice %arg12[%dma_start3A_123, %dma_start3A_124] : memref<10240x16xf32, #tpu.memory_space<vmem_shared>> -> memref<10240x16xf32, #tpu.memory_space<vmem_shared>>
        tpu.enqueue_indirect_dma source(%arg10 : memref<1000x16xf32, #tpu.memory_space<vmem>>) target(%dma_start3A_125 : memref<10240x16xf32, #tpu.memory_space<vmem_shared>>) offsets(%dma_start3A_122 : memref<1000xi32, #tpu.memory_space<vmem>>) semaphore(%run_scoped3A : memref<!tpu.dma_semaphore, #tpu.memory_space<semaphore_mem>>) {add = true}
        %dma_wait3A_126 = arith.constant 1000 : i32
        %dma_wait3A_127 = tpu.memref_slice %arg8[%dma_wait3A_126] : memref<10000xi32, #tpu.memory_space<vmem>> -> memref<1000xi32, #tpu.memory_space<vmem>>
        %dma_wait3A_128 = arith.constant 0 : i32
        %dma_wait3A_129 = arith.constant 0 : i32
        %dma_wait3A_130 = tpu.memref_slice %arg12[%dma_wait3A_128, %dma_wait3A_129] : memref<10240x16xf32, #tpu.memory_space<vmem_shared>> -> memref<10240x16xf32, #tpu.memory_space<vmem_shared>>
        tpu.wait_indirect_dma semaphore(%run_scoped3A : memref<!tpu.dma_semaphore, #tpu.memory_space<semaphore_mem>>) src(%arg10 : memref<1000x16xf32, #tpu.memory_space<vmem>>) dst(%dma_wait3A_130 : memref<10240x16xf32, #tpu.memory_space<vmem_shared>>)
        tpu.yield
      }) : () -> ()
      %dma_start3A_41 = arith.constant 3000 : i32
      %dma_start3A_42 = tpu.memref_slice %arg7[%dma_start3A_41] : memref<10000xi32, #tpu.memory_space<vmem>> -> memref<1000xi32, #tpu.memory_space<vmem>>
      %dma_start3A_43 = arith.constant 0 : i32
      %dma_start3A_44 = arith.constant 0 : i32
      %dma_start3A_45 = tpu.memref_slice %arg4[%dma_start3A_43, %dma_start3A_44] : memref<10240x16xf32, #tpu.memory_space<hbm>> -> memref<10240x16xf32, #tpu.memory_space<hbm>>
      tpu.enqueue_indirect_dma source(%dma_start3A_45 : memref<10240x16xf32, #tpu.memory_space<hbm>>) target(%arg10 : memref<1000x16xf32, #tpu.memory_space<vmem>>) offsets(%dma_start3A_42 : memref<1000xi32, #tpu.memory_space<vmem>>) semaphore(%arg14 : memref<!tpu.dma_semaphore, #tpu.memory_space<semaphore_mem>>)
      %dma_wait3A_46 = arith.constant 2000 : i32
      %dma_wait3A_47 = tpu.memref_slice %arg7[%dma_wait3A_46] : memref<10000xi32, #tpu.memory_space<vmem>> -> memref<1000xi32, #tpu.memory_space<vmem>>
      %dma_wait3A_48 = arith.constant 0 : i32
      %dma_wait3A_49 = arith.constant 0 : i32
      %dma_wait3A_50 = tpu.memref_slice %arg4[%dma_wait3A_48, %dma_wait3A_49] : memref<10240x16xf32, #tpu.memory_space<hbm>> -> memref<10240x16xf32, #tpu.memory_space<hbm>>
      tpu.wait_indirect_dma semaphore(%arg13 : memref<!tpu.dma_semaphore, #tpu.memory_space<semaphore_mem>>) src(%dma_wait3A_50 : memref<10240x16xf32, #tpu.memory_space<hbm>>) dst(%arg9 : memref<1000x16xf32, #tpu.memory_space<vmem>>)
      "tpu.region"() ({
        %run_scoped3A = tpu.sem_alloc : memref<!tpu.dma_semaphore, #tpu.memory_space<semaphore_mem>>
        %dma_start3A_121 = arith.constant 2000 : i32
        %dma_start3A_122 = tpu.memref_slice %arg8[%dma_start3A_121] : memref<10000xi32, #tpu.memory_space<vmem>> -> memref<1000xi32, #tpu.memory_space<vmem>>
        %dma_start3A_123 = arith.constant 0 : i32
        %dma_start3A_124 = arith.constant 0 : i32
        %dma_start3A_125 = tpu.memref_slice %arg12[%dma_start3A_123, %dma_start3A_124] : memref<10240x16xf32, #tpu.memory_space<vmem_shared>> -> memref<10240x16xf32, #tpu.memory_space<vmem_shared>>
        tpu.enqueue_indirect_dma source(%arg9 : memref<1000x16xf32, #tpu.memory_space<vmem>>) target(%dma_start3A_125 : memref<10240x16xf32, #tpu.memory_space<vmem_shared>>) offsets(%dma_start3A_122 : memref<1000xi32, #tpu.memory_space<vmem>>) semaphore(%run_scoped3A : memref<!tpu.dma_semaphore, #tpu.memory_space<semaphore_mem>>) {add = true}
        %dma_wait3A_126 = arith.constant 2000 : i32
        %dma_wait3A_127 = tpu.memref_slice %arg8[%dma_wait3A_126] : memref<10000xi32, #tpu.memory_space<vmem>> -> memref<1000xi32, #tpu.memory_space<vmem>>
        %dma_wait3A_128 = arith.constant 0 : i32
        %dma_wait3A_129 = arith.constant 0 : i32
        %dma_wait3A_130 = tpu.memref_slice %arg12[%dma_wait3A_128, %dma_wait3A_129] : memref<10240x16xf32, #tpu.memory_space<vmem_shared>> -> memref<10240x16xf32, #tpu.memory_space<vmem_shared>>
        tpu.wait_indirect_dma semaphore(%run_scoped3A : memref<!tpu.dma_semaphore, #tpu.memory_space<semaphore_mem>>) src(%arg9 : memref<1000x16xf32, #tpu.memory_space<vmem>>) dst(%dma_wait3A_130 : memref<10240x16xf32, #tpu.memory_space<vmem_shared>>)
        tpu.yield
      }) : () -> ()
      %dma_start3A_51 = arith.constant 4000 : i32
      %dma_start3A_52 = tpu.memref_slice %arg7[%dma_start3A_51] : memref<10000xi32, #tpu.memory_space<vmem>> -> memref<1000xi32, #tpu.memory_space<vmem>>
      %dma_start3A_53 = arith.constant 0 : i32
      %dma_start3A_54 = arith.constant 0 : i32
      %dma_start3A_55 = tpu.memref_slice %arg4[%dma_start3A_53, %dma_start3A_54] : memref<10240x16xf32, #tpu.memory_space<hbm>> -> memref<10240x16xf32, #tpu.memory_space<hbm>>
      tpu.enqueue_indirect_dma source(%dma_start3A_55 : memref<10240x16xf32, #tpu.memory_space<hbm>>) target(%arg9 : memref<1000x16xf32, #tpu.memory_space<vmem>>) offsets(%dma_start3A_52 : memref<1000xi32, #tpu.memory_space<vmem>>) semaphore(%arg13 : memref<!tpu.dma_semaphore, #tpu.memory_space<semaphore_mem>>)
      %dma_wait3A_56 = arith.constant 3000 : i32
      %dma_wait3A_57 = tpu.memref_slice %arg7[%dma_wait3A_56] : memref<10000xi32, #tpu.memory_space<vmem>> -> memref<1000xi32, #tpu.memory_space<vmem>>
      %dma_wait3A_58 = arith.constant 0 : i32
      %dma_wait3A_59 = arith.constant 0 : i32
      %dma_wait3A_60 = tpu.memref_slice %arg4[%dma_wait3A_58, %dma_wait3A_59] : memref<10240x16xf32, #tpu.memory_space<hbm>> -> memref<10240x16xf32, #tpu.memory_space<hbm>>
      tpu.wait_indirect_dma semaphore(%arg14 : memref<!tpu.dma_semaphore, #tpu.memory_space<semaphore_mem>>) src(%dma_wait3A_60 : memref<10240x16xf32, #tpu.memory_space<hbm>>) dst(%arg10 : memref<1000x16xf32, #tpu.memory_space<vmem>>)
      "tpu.region"() ({
        %run_scoped3A = tpu.sem_alloc : memref<!tpu.dma_semaphore, #tpu.memory_space<semaphore_mem>>
        %dma_start3A_121 = arith.constant 3000 : i32
        %dma_start3A_122 = tpu.memref_slice %arg8[%dma_start3A_121] : memref<10000xi32, #tpu.memory_space<vmem>> -> memref<1000xi32, #tpu.memory_space<vmem>>
        %dma_start3A_123 = arith.constant 0 : i32
        %dma_start3A_124 = arith.constant 0 : i32
        %dma_start3A_125 = tpu.memref_slice %arg12[%dma_start3A_123, %dma_start3A_124] : memref<10240x16xf32, #tpu.memory_space<vmem_shared>> -> memref<10240x16xf32, #tpu.memory_space<vmem_shared>>
        tpu.enqueue_indirect_dma source(%arg10 : memref<1000x16xf32, #tpu.memory_space<vmem>>) target(%dma_start3A_125 : memref<10240x16xf32, #tpu.memory_space<vmem_shared>>) offsets(%dma_start3A_122 : memref<1000xi32, #tpu.memory_space<vmem>>) semaphore(%run_scoped3A : memref<!tpu.dma_semaphore, #tpu.memory_space<semaphore_mem>>) {add = true}
        %dma_wait3A_126 = arith.constant 3000 : i32
        %dma_wait3A_127 = tpu.memref_slice %arg8[%dma_wait3A_126] : memref<10000xi32, #tpu.memory_space<vmem>> -> memref<1000xi32, #tpu.memory_space<vmem>>
        %dma_wait3A_128 = arith.constant 0 : i32
        %dma_wait3A_129 = arith.constant 0 : i32
        %dma_wait3A_130 = tpu.memref_slice %arg12[%dma_wait3A_128, %dma_wait3A_129] : memref<10240x16xf32, #tpu.memory_space<vmem_shared>> -> memref<10240x16xf32, #tpu.memory_space<vmem_shared>>
        tpu.wait_indirect_dma semaphore(%run_scoped3A : memref<!tpu.dma_semaphore, #tpu.memory_space<semaphore_mem>>) src(%arg10 : memref<1000x16xf32, #tpu.memory_space<vmem>>) dst(%dma_wait3A_130 : memref<10240x16xf32, #tpu.memory_space<vmem_shared>>)
        tpu.yield
      }) : () -> ()
      %dma_start3A_61 = arith.constant 5000 : i32
      %dma_start3A_62 = tpu.memref_slice %arg7[%dma_start3A_61] : memref<10000xi32, #tpu.memory_space<vmem>> -> memref<1000xi32, #tpu.memory_space<vmem>>
      %dma_start3A_63 = arith.constant 0 : i32
      %dma_start3A_64 = arith.constant 0 : i32
      %dma_start3A_65 = tpu.memref_slice %arg4[%dma_start3A_63, %dma_start3A_64] : memref<10240x16xf32, #tpu.memory_space<hbm>> -> memref<10240x16xf32, #tpu.memory_space<hbm>>
      tpu.enqueue_indirect_dma source(%dma_start3A_65 : memref<10240x16xf32, #tpu.memory_space<hbm>>) target(%arg10 : memref<1000x16xf32, #tpu.memory_space<vmem>>) offsets(%dma_start3A_62 : memref<1000xi32, #tpu.memory_space<vmem>>) semaphore(%arg14 : memref<!tpu.dma_semaphore, #tpu.memory_space<semaphore_mem>>)
      %dma_wait3A_66 = arith.constant 4000 : i32
      %dma_wait3A_67 = tpu.memref_slice %arg7[%dma_wait3A_66] : memref<10000xi32, #tpu.memory_space<vmem>> -> memref<1000xi32, #tpu.memory_space<vmem>>
      %dma_wait3A_68 = arith.constant 0 : i32
      %dma_wait3A_69 = arith.constant 0 : i32
      %dma_wait3A_70 = tpu.memref_slice %arg4[%dma_wait3A_68, %dma_wait3A_69] : memref<10240x16xf32, #tpu.memory_space<hbm>> -> memref<10240x16xf32, #tpu.memory_space<hbm>>
      tpu.wait_indirect_dma semaphore(%arg13 : memref<!tpu.dma_semaphore, #tpu.memory_space<semaphore_mem>>) src(%dma_wait3A_70 : memref<10240x16xf32, #tpu.memory_space<hbm>>) dst(%arg9 : memref<1000x16xf32, #tpu.memory_space<vmem>>)
      "tpu.region"() ({
        %run_scoped3A = tpu.sem_alloc : memref<!tpu.dma_semaphore, #tpu.memory_space<semaphore_mem>>
        %dma_start3A_121 = arith.constant 4000 : i32
        %dma_start3A_122 = tpu.memref_slice %arg8[%dma_start3A_121] : memref<10000xi32, #tpu.memory_space<vmem>> -> memref<1000xi32, #tpu.memory_space<vmem>>
        %dma_start3A_123 = arith.constant 0 : i32
        %dma_start3A_124 = arith.constant 0 : i32
        %dma_start3A_125 = tpu.memref_slice %arg12[%dma_start3A_123, %dma_start3A_124] : memref<10240x16xf32, #tpu.memory_space<vmem_shared>> -> memref<10240x16xf32, #tpu.memory_space<vmem_shared>>
        tpu.enqueue_indirect_dma source(%arg9 : memref<1000x16xf32, #tpu.memory_space<vmem>>) target(%dma_start3A_125 : memref<10240x16xf32, #tpu.memory_space<vmem_shared>>) offsets(%dma_start3A_122 : memref<1000xi32, #tpu.memory_space<vmem>>) semaphore(%run_scoped3A : memref<!tpu.dma_semaphore, #tpu.memory_space<semaphore_mem>>) {add = true}
        %dma_wait3A_126 = arith.constant 4000 : i32
        %dma_wait3A_127 = tpu.memref_slice %arg8[%dma_wait3A_126] : memref<10000xi32, #tpu.memory_space<vmem>> -> memref<1000xi32, #tpu.memory_space<vmem>>
        %dma_wait3A_128 = arith.constant 0 : i32
        %dma_wait3A_129 = arith.constant 0 : i32
        %dma_wait3A_130 = tpu.memref_slice %arg12[%dma_wait3A_128, %dma_wait3A_129] : memref<10240x16xf32, #tpu.memory_space<vmem_shared>> -> memref<10240x16xf32, #tpu.memory_space<vmem_shared>>
        tpu.wait_indirect_dma semaphore(%run_scoped3A : memref<!tpu.dma_semaphore, #tpu.memory_space<semaphore_mem>>) src(%arg9 : memref<1000x16xf32, #tpu.memory_space<vmem>>) dst(%dma_wait3A_130 : memref<10240x16xf32, #tpu.memory_space<vmem_shared>>)
        tpu.yield
      }) : () -> ()
      %dma_start3A_71 = arith.constant 6000 : i32
      %dma_start3A_72 = tpu.memref_slice %arg7[%dma_start3A_71] : memref<10000xi32, #tpu.memory_space<vmem>> -> memref<1000xi32, #tpu.memory_space<vmem>>
      %dma_start3A_73 = arith.constant 0 : i32
      %dma_start3A_74 = arith.constant 0 : i32
      %dma_start3A_75 = tpu.memref_slice %arg4[%dma_start3A_73, %dma_start3A_74] : memref<10240x16xf32, #tpu.memory_space<hbm>> -> memref<10240x16xf32, #tpu.memory_space<hbm>>
      tpu.enqueue_indirect_dma source(%dma_start3A_75 : memref<10240x16xf32, #tpu.memory_space<hbm>>) target(%arg9 : memref<1000x16xf32, #tpu.memory_space<vmem>>) offsets(%dma_start3A_72 : memref<1000xi32, #tpu.memory_space<vmem>>) semaphore(%arg13 : memref<!tpu.dma_semaphore, #tpu.memory_space<semaphore_mem>>)
      %dma_wait3A_76 = arith.constant 5000 : i32
      %dma_wait3A_77 = tpu.memref_slice %arg7[%dma_wait3A_76] : memref<10000xi32, #tpu.memory_space<vmem>> -> memref<1000xi32, #tpu.memory_space<vmem>>
      %dma_wait3A_78 = arith.constant 0 : i32
      %dma_wait3A_79 = arith.constant 0 : i32
      %dma_wait3A_80 = tpu.memref_slice %arg4[%dma_wait3A_78, %dma_wait3A_79] : memref<10240x16xf32, #tpu.memory_space<hbm>> -> memref<10240x16xf32, #tpu.memory_space<hbm>>
      tpu.wait_indirect_dma semaphore(%arg14 : memref<!tpu.dma_semaphore, #tpu.memory_space<semaphore_mem>>) src(%dma_wait3A_80 : memref<10240x16xf32, #tpu.memory_space<hbm>>) dst(%arg10 : memref<1000x16xf32, #tpu.memory_space<vmem>>)
      "tpu.region"() ({
        %run_scoped3A = tpu.sem_alloc : memref<!tpu.dma_semaphore, #tpu.memory_space<semaphore_mem>>
        %dma_start3A_121 = arith.constant 5000 : i32
        %dma_start3A_122 = tpu.memref_slice %arg8[%dma_start3A_121] : memref<10000xi32, #tpu.memory_space<vmem>> -> memref<1000xi32, #tpu.memory_space<vmem>>
        %dma_start3A_123 = arith.constant 0 : i32
        %dma_start3A_124 = arith.constant 0 : i32
        %dma_start3A_125 = tpu.memref_slice %arg12[%dma_start3A_123, %dma_start3A_124] : memref<10240x16xf32, #tpu.memory_space<vmem_shared>> -> memref<10240x16xf32, #tpu.memory_space<vmem_shared>>
        tpu.enqueue_indirect_dma source(%arg10 : memref<1000x16xf32, #tpu.memory_space<vmem>>) target(%dma_start3A_125 : memref<10240x16xf32, #tpu.memory_space<vmem_shared>>) offsets(%dma_start3A_122 : memref<1000xi32, #tpu.memory_space<vmem>>) semaphore(%run_scoped3A : memref<!tpu.dma_semaphore, #tpu.memory_space<semaphore_mem>>) {add = true}
        %dma_wait3A_126 = arith.constant 5000 : i32
        %dma_wait3A_127 = tpu.memref_slice %arg8[%dma_wait3A_126] : memref<10000xi32, #tpu.memory_space<vmem>> -> memref<1000xi32, #tpu.memory_space<vmem>>
        %dma_wait3A_128 = arith.constant 0 : i32
        %dma_wait3A_129 = arith.constant 0 : i32
        %dma_wait3A_130 = tpu.memref_slice %arg12[%dma_wait3A_128, %dma_wait3A_129] : memref<10240x16xf32, #tpu.memory_space<vmem_shared>> -> memref<10240x16xf32, #tpu.memory_space<vmem_shared>>
        tpu.wait_indirect_dma semaphore(%run_scoped3A : memref<!tpu.dma_semaphore, #tpu.memory_space<semaphore_mem>>) src(%arg10 : memref<1000x16xf32, #tpu.memory_space<vmem>>) dst(%dma_wait3A_130 : memref<10240x16xf32, #tpu.memory_space<vmem_shared>>)
        tpu.yield
      }) : () -> ()
      %dma_start3A_81 = arith.constant 7000 : i32
      %dma_start3A_82 = tpu.memref_slice %arg7[%dma_start3A_81] : memref<10000xi32, #tpu.memory_space<vmem>> -> memref<1000xi32, #tpu.memory_space<vmem>>
      %dma_start3A_83 = arith.constant 0 : i32
      %dma_start3A_84 = arith.constant 0 : i32
      %dma_start3A_85 = tpu.memref_slice %arg4[%dma_start3A_83, %dma_start3A_84] : memref<10240x16xf32, #tpu.memory_space<hbm>> -> memref<10240x16xf32, #tpu.memory_space<hbm>>
      tpu.enqueue_indirect_dma source(%dma_start3A_85 : memref<10240x16xf32, #tpu.memory_space<hbm>>) target(%arg10 : memref<1000x16xf32, #tpu.memory_space<vmem>>) offsets(%dma_start3A_82 : memref<1000xi32, #tpu.memory_space<vmem>>) semaphore(%arg14 : memref<!tpu.dma_semaphore, #tpu.memory_space<semaphore_mem>>)
      %dma_wait3A_86 = arith.constant 6000 : i32
      %dma_wait3A_87 = tpu.memref_slice %arg7[%dma_wait3A_86] : memref<10000xi32, #tpu.memory_space<vmem>> -> memref<1000xi32, #tpu.memory_space<vmem>>
      %dma_wait3A_88 = arith.constant 0 : i32
      %dma_wait3A_89 = arith.constant 0 : i32
      %dma_wait3A_90 = tpu.memref_slice %arg4[%dma_wait3A_88, %dma_wait3A_89] : memref<10240x16xf32, #tpu.memory_space<hbm>> -> memref<10240x16xf32, #tpu.memory_space<hbm>>
      tpu.wait_indirect_dma semaphore(%arg13 : memref<!tpu.dma_semaphore, #tpu.memory_space<semaphore_mem>>) src(%dma_wait3A_90 : memref<10240x16xf32, #tpu.memory_space<hbm>>) dst(%arg9 : memref<1000x16xf32, #tpu.memory_space<vmem>>)
      "tpu.region"() ({
        %run_scoped3A = tpu.sem_alloc : memref<!tpu.dma_semaphore, #tpu.memory_space<semaphore_mem>>
        %dma_start3A_121 = arith.constant 6000 : i32
        %dma_start3A_122 = tpu.memref_slice %arg8[%dma_start3A_121] : memref<10000xi32, #tpu.memory_space<vmem>> -> memref<1000xi32, #tpu.memory_space<vmem>>
        %dma_start3A_123 = arith.constant 0 : i32
        %dma_start3A_124 = arith.constant 0 : i32
        %dma_start3A_125 = tpu.memref_slice %arg12[%dma_start3A_123, %dma_start3A_124] : memref<10240x16xf32, #tpu.memory_space<vmem_shared>> -> memref<10240x16xf32, #tpu.memory_space<vmem_shared>>
        tpu.enqueue_indirect_dma source(%arg9 : memref<1000x16xf32, #tpu.memory_space<vmem>>) target(%dma_start3A_125 : memref<10240x16xf32, #tpu.memory_space<vmem_shared>>) offsets(%dma_start3A_122 : memref<1000xi32, #tpu.memory_space<vmem>>) semaphore(%run_scoped3A : memref<!tpu.dma_semaphore, #tpu.memory_space<semaphore_mem>>) {add = true}
        %dma_wait3A_126 = arith.constant 6000 : i32
        %dma_wait3A_127 = tpu.memref_slice %arg8[%dma_wait3A_126] : memref<10000xi32, #tpu.memory_space<vmem>> -> memref<1000xi32, #tpu.memory_space<vmem>>
        %dma_wait3A_128 = arith.constant 0 : i32
        %dma_wait3A_129 = arith.constant 0 : i32
        %dma_wait3A_130 = tpu.memref_slice %arg12[%dma_wait3A_128, %dma_wait3A_129] : memref<10240x16xf32, #tpu.memory_space<vmem_shared>> -> memref<10240x16xf32, #tpu.memory_space<vmem_shared>>
        tpu.wait_indirect_dma semaphore(%run_scoped3A : memref<!tpu.dma_semaphore, #tpu.memory_space<semaphore_mem>>) src(%arg9 : memref<1000x16xf32, #tpu.memory_space<vmem>>) dst(%dma_wait3A_130 : memref<10240x16xf32, #tpu.memory_space<vmem_shared>>)
        tpu.yield
      }) : () -> ()
      %dma_start3A_91 = arith.constant 8000 : i32
      %dma_start3A_92 = tpu.memref_slice %arg7[%dma_start3A_91] : memref<10000xi32, #tpu.memory_space<vmem>> -> memref<1000xi32, #tpu.memory_space<vmem>>
      %dma_start3A_93 = arith.constant 0 : i32
      %dma_start3A_94 = arith.constant 0 : i32
      %dma_start3A_95 = tpu.memref_slice %arg4[%dma_start3A_93, %dma_start3A_94] : memref<10240x16xf32, #tpu.memory_space<hbm>> -> memref<10240x16xf32, #tpu.memory_space<hbm>>
      tpu.enqueue_indirect_dma source(%dma_start3A_95 : memref<10240x16xf32, #tpu.memory_space<hbm>>) target(%arg9 : memref<1000x16xf32, #tpu.memory_space<vmem>>) offsets(%dma_start3A_92 : memref<1000xi32, #tpu.memory_space<vmem>>) semaphore(%arg13 : memref<!tpu.dma_semaphore, #tpu.memory_space<semaphore_mem>>)
      %dma_wait3A_96 = arith.constant 7000 : i32
      %dma_wait3A_97 = tpu.memref_slice %arg7[%dma_wait3A_96] : memref<10000xi32, #tpu.memory_space<vmem>> -> memref<1000xi32, #tpu.memory_space<vmem>>
      %dma_wait3A_98 = arith.constant 0 : i32
      %dma_wait3A_99 = arith.constant 0 : i32
      %dma_wait3A_100 = tpu.memref_slice %arg4[%dma_wait3A_98, %dma_wait3A_99] : memref<10240x16xf32, #tpu.memory_space<hbm>> -> memref<10240x16xf32, #tpu.memory_space<hbm>>
      tpu.wait_indirect_dma semaphore(%arg14 : memref<!tpu.dma_semaphore, #tpu.memory_space<semaphore_mem>>) src(%dma_wait3A_100 : memref<10240x16xf32, #tpu.memory_space<hbm>>) dst(%arg10 : memref<1000x16xf32, #tpu.memory_space<vmem>>)
      "tpu.region"() ({
        %run_scoped3A = tpu.sem_alloc : memref<!tpu.dma_semaphore, #tpu.memory_space<semaphore_mem>>
        %dma_start3A_121 = arith.constant 7000 : i32
        %dma_start3A_122 = tpu.memref_slice %arg8[%dma_start3A_121] : memref<10000xi32, #tpu.memory_space<vmem>> -> memref<1000xi32, #tpu.memory_space<vmem>>
        %dma_start3A_123 = arith.constant 0 : i32
        %dma_start3A_124 = arith.constant 0 : i32
        %dma_start3A_125 = tpu.memref_slice %arg12[%dma_start3A_123, %dma_start3A_124] : memref<10240x16xf32, #tpu.memory_space<vmem_shared>> -> memref<10240x16xf32, #tpu.memory_space<vmem_shared>>
        tpu.enqueue_indirect_dma source(%arg10 : memref<1000x16xf32, #tpu.memory_space<vmem>>) target(%dma_start3A_125 : memref<10240x16xf32, #tpu.memory_space<vmem_shared>>) offsets(%dma_start3A_122 : memref<1000xi32, #tpu.memory_space<vmem>>) semaphore(%run_scoped3A : memref<!tpu.dma_semaphore, #tpu.memory_space<semaphore_mem>>) {add = true}
        %dma_wait3A_126 = arith.constant 7000 : i32
        %dma_wait3A_127 = tpu.memref_slice %arg8[%dma_wait3A_126] : memref<10000xi32, #tpu.memory_space<vmem>> -> memref<1000xi32, #tpu.memory_space<vmem>>
        %dma_wait3A_128 = arith.constant 0 : i32
        %dma_wait3A_129 = arith.constant 0 : i32
        %dma_wait3A_130 = tpu.memref_slice %arg12[%dma_wait3A_128, %dma_wait3A_129] : memref<10240x16xf32, #tpu.memory_space<vmem_shared>> -> memref<10240x16xf32, #tpu.memory_space<vmem_shared>>
        tpu.wait_indirect_dma semaphore(%run_scoped3A : memref<!tpu.dma_semaphore, #tpu.memory_space<semaphore_mem>>) src(%arg10 : memref<1000x16xf32, #tpu.memory_space<vmem>>) dst(%dma_wait3A_130 : memref<10240x16xf32, #tpu.memory_space<vmem_shared>>)
        tpu.yield
      }) : () -> ()
      %dma_start3A_101 = arith.constant 9000 : i32
      %dma_start3A_102 = tpu.memref_slice %arg7[%dma_start3A_101] : memref<10000xi32, #tpu.memory_space<vmem>> -> memref<1000xi32, #tpu.memory_space<vmem>>
      %dma_start3A_103 = arith.constant 0 : i32
      %dma_start3A_104 = arith.constant 0 : i32
      %dma_start3A_105 = tpu.memref_slice %arg4[%dma_start3A_103, %dma_start3A_104] : memref<10240x16xf32, #tpu.memory_space<hbm>> -> memref<10240x16xf32, #tpu.memory_space<hbm>>
      tpu.enqueue_indirect_dma source(%dma_start3A_105 : memref<10240x16xf32, #tpu.memory_space<hbm>>) target(%arg10 : memref<1000x16xf32, #tpu.memory_space<vmem>>) offsets(%dma_start3A_102 : memref<1000xi32, #tpu.memory_space<vmem>>) semaphore(%arg14 : memref<!tpu.dma_semaphore, #tpu.memory_space<semaphore_mem>>)
      %dma_wait3A_106 = arith.constant 8000 : i32
      %dma_wait3A_107 = tpu.memref_slice %arg7[%dma_wait3A_106] : memref<10000xi32, #tpu.memory_space<vmem>> -> memref<1000xi32, #tpu.memory_space<vmem>>
      %dma_wait3A_108 = arith.constant 0 : i32
      %dma_wait3A_109 = arith.constant 0 : i32
      %dma_wait3A_110 = tpu.memref_slice %arg4[%dma_wait3A_108, %dma_wait3A_109] : memref<10240x16xf32, #tpu.memory_space<hbm>> -> memref<10240x16xf32, #tpu.memory_space<hbm>>
      tpu.wait_indirect_dma semaphore(%arg13 : memref<!tpu.dma_semaphore, #tpu.memory_space<semaphore_mem>>) src(%dma_wait3A_110 : memref<10240x16xf32, #tpu.memory_space<hbm>>) dst(%arg9 : memref<1000x16xf32, #tpu.memory_space<vmem>>)
      "tpu.region"() ({
        %run_scoped3A = tpu.sem_alloc : memref<!tpu.dma_semaphore, #tpu.memory_space<semaphore_mem>>
        %dma_start3A_121 = arith.constant 8000 : i32
        %dma_start3A_122 = tpu.memref_slice %arg8[%dma_start3A_121] : memref<10000xi32, #tpu.memory_space<vmem>> -> memref<1000xi32, #tpu.memory_space<vmem>>
        %dma_start3A_123 = arith.constant 0 : i32
        %dma_start3A_124 = arith.constant 0 : i32
        %dma_start3A_125 = tpu.memref_slice %arg12[%dma_start3A_123, %dma_start3A_124] : memref<10240x16xf32, #tpu.memory_space<vmem_shared>> -> memref<10240x16xf32, #tpu.memory_space<vmem_shared>>
        tpu.enqueue_indirect_dma source(%arg9 : memref<1000x16xf32, #tpu.memory_space<vmem>>) target(%dma_start3A_125 : memref<10240x16xf32, #tpu.memory_space<vmem_shared>>) offsets(%dma_start3A_122 : memref<1000xi32, #tpu.memory_space<vmem>>) semaphore(%run_scoped3A : memref<!tpu.dma_semaphore, #tpu.memory_space<semaphore_mem>>) {add = true}
        %dma_wait3A_126 = arith.constant 8000 : i32
        %dma_wait3A_127 = tpu.memref_slice %arg8[%dma_wait3A_126] : memref<10000xi32, #tpu.memory_space<vmem>> -> memref<1000xi32, #tpu.memory_space<vmem>>
        %dma_wait3A_128 = arith.constant 0 : i32
        %dma_wait3A_129 = arith.constant 0 : i32
        %dma_wait3A_130 = tpu.memref_slice %arg12[%dma_wait3A_128, %dma_wait3A_129] : memref<10240x16xf32, #tpu.memory_space<vmem_shared>> -> memref<10240x16xf32, #tpu.memory_space<vmem_shared>>
        tpu.wait_indirect_dma semaphore(%run_scoped3A : memref<!tpu.dma_semaphore, #tpu.memory_space<semaphore_mem>>) src(%arg9 : memref<1000x16xf32, #tpu.memory_space<vmem>>) dst(%dma_wait3A_130 : memref<10240x16xf32, #tpu.memory_space<vmem_shared>>)
        tpu.yield
      }) : () -> ()
      %dma_wait3A_111 = arith.constant 9000 : i32
      %dma_wait3A_112 = tpu.memref_slice %arg7[%dma_wait3A_111] : memref<10000xi32, #tpu.memory_space<vmem>> -> memref<1000xi32, #tpu.memory_space<vmem>>
      %dma_wait3A_113 = arith.constant 0 : i32
      %dma_wait3A_114 = arith.constant 0 : i32
      %dma_wait3A_115 = tpu.memref_slice %arg4[%dma_wait3A_113, %dma_wait3A_114] : memref<10240x16xf32, #tpu.memory_space<hbm>> -> memref<10240x16xf32, #tpu.memory_space<hbm>>
      tpu.wait_indirect_dma semaphore(%arg14 : memref<!tpu.dma_semaphore, #tpu.memory_space<semaphore_mem>>) src(%dma_wait3A_115 : memref<10240x16xf32, #tpu.memory_space<hbm>>) dst(%arg10 : memref<1000x16xf32, #tpu.memory_space<vmem>>)
      "tpu.region"() ({
        %run_scoped3A = tpu.sem_alloc : memref<!tpu.dma_semaphore, #tpu.memory_space<semaphore_mem>>
        %dma_start3A_121 = arith.constant 9000 : i32
        %dma_start3A_122 = tpu.memref_slice %arg8[%dma_start3A_121] : memref<10000xi32, #tpu.memory_space<vmem>> -> memref<1000xi32, #tpu.memory_space<vmem>>
        %dma_start3A_123 = arith.constant 0 : i32
        %dma_start3A_124 = arith.constant 0 : i32
        %dma_start3A_125 = tpu.memref_slice %arg12[%dma_start3A_123, %dma_start3A_124] : memref<10240x16xf32, #tpu.memory_space<vmem_shared>> -> memref<10240x16xf32, #tpu.memory_space<vmem_shared>>
        tpu.enqueue_indirect_dma source(%arg10 : memref<1000x16xf32, #tpu.memory_space<vmem>>) target(%dma_start3A_125 : memref<10240x16xf32, #tpu.memory_space<vmem_shared>>) offsets(%dma_start3A_122 : memref<1000xi32, #tpu.memory_space<vmem>>) semaphore(%run_scoped3A : memref<!tpu.dma_semaphore, #tpu.memory_space<semaphore_mem>>) {add = true}
        %dma_wait3A_126 = arith.constant 9000 : i32
        %dma_wait3A_127 = tpu.memref_slice %arg8[%dma_wait3A_126] : memref<10000xi32, #tpu.memory_space<vmem>> -> memref<1000xi32, #tpu.memory_space<vmem>>
        %dma_wait3A_128 = arith.constant 0 : i32
        %dma_wait3A_129 = arith.constant 0 : i32
        %dma_wait3A_130 = tpu.memref_slice %arg12[%dma_wait3A_128, %dma_wait3A_129] : memref<10240x16xf32, #tpu.memory_space<vmem_shared>> -> memref<10240x16xf32, #tpu.memory_space<vmem_shared>>
        tpu.wait_indirect_dma semaphore(%run_scoped3A : memref<!tpu.dma_semaphore, #tpu.memory_space<semaphore_mem>>) src(%arg10 : memref<1000x16xf32, #tpu.memory_space<vmem>>) dst(%dma_wait3A_130 : memref<10240x16xf32, #tpu.memory_space<vmem_shared>>)
        tpu.yield
      }) : () -> ()
      %barrier3A_116 = arith.constant 0 : index
      tpu.barrier barrier_id(%barrier3A_116)
      %mul3A_117 = arith.constant 640 : i32
      %mul3A_118 = arith.muli %arg1, %mul3A_117 : i32
      "tpu.region"() ({
        %run_scoped3A = tpu.sem_alloc : memref<!tpu.dma_semaphore, #tpu.memory_space<semaphore_mem>>
        %dma_start3A_121 = arith.constant 0 : i32
        %dma_start3A_122 = tpu.memref_slice %arg12[%mul3A_118, %dma_start3A_121] : memref<10240x16xf32, #tpu.memory_space<vmem_shared>> -> memref<640x16xf32, #tpu.memory_space<vmem_shared>>
        %dma_start3A_123 = arith.constant 0 : i32
        %dma_start3A_124 = tpu.memref_slice %arg12[%mul3A_118, %dma_start3A_123] : memref<10240x16xf32, #tpu.memory_space<vmem_shared>> -> memref<640x16xf32, #tpu.memory_space<vmem_shared>>
        tpu.enqueue_dma source(%dma_start3A_124 : memref<640x16xf32, #tpu.memory_space<vmem_shared>>) target(%arg11 : memref<640x16xf32, #tpu.memory_space<vmem>>) target_semaphore(%run_scoped3A : memref<!tpu.dma_semaphore, #tpu.memory_space<semaphore_mem>>)
        %dma_wait3A_125 = arith.constant 0 : i32
        %dma_wait3A_126 = tpu.memref_slice %arg12[%mul3A_118, %dma_wait3A_125] : memref<10240x16xf32, #tpu.memory_space<vmem_shared>> -> memref<640x16xf32, #tpu.memory_space<vmem_shared>>
        %dma_wait3A_127 = arith.constant 0 : i32
        %dma_wait3A_128 = tpu.memref_slice %arg12[%mul3A_118, %dma_wait3A_127] : memref<10240x16xf32, #tpu.memory_space<vmem_shared>> -> memref<640x16xf32, #tpu.memory_space<vmem_shared>>
        tpu.wait_dma2 semaphore(%run_scoped3A : memref<!tpu.dma_semaphore, #tpu.memory_space<semaphore_mem>>) src(%dma_wait3A_128 : memref<640x16xf32, #tpu.memory_space<vmem_shared>>) dst(%arg11 : memref<640x16xf32, #tpu.memory_space<vmem>>)
        tpu.yield
      }) : () -> ()
      %mul3A_119 = arith.constant 640 : i32
      %mul3A_120 = arith.muli %arg1, %mul3A_119 : i32
      "tpu.region"() ({
        %run_scoped3A = tpu.sem_alloc : memref<!tpu.dma_semaphore, #tpu.memory_space<semaphore_mem>>
        %dma_start3A_121 = arith.constant 0 : i32
        %dma_start3A_122 = tpu.memref_slice %arg5[%mul3A_120, %dma_start3A_121] : memref<10240x16xf32, #tpu.memory_space<hbm>> -> memref<640x16xf32, #tpu.memory_space<hbm>>
        %dma_start3A_123 = arith.constant 0 : i32
        %dma_start3A_124 = tpu.memref_slice %arg5[%mul3A_120, %dma_start3A_123] : memref<10240x16xf32, #tpu.memory_space<hbm>> -> memref<640x16xf32, #tpu.memory_space<hbm>>
        tpu.enqueue_dma source(%arg11 : memref<640x16xf32, #tpu.memory_space<vmem>>) target(%dma_start3A_124 : memref<640x16xf32, #tpu.memory_space<hbm>>) target_semaphore(%run_scoped3A : memref<!tpu.dma_semaphore, #tpu.memory_space<semaphore_mem>>)
        %dma_wait3A_125 = arith.constant 0 : i32
        %dma_wait3A_126 = tpu.memref_slice %arg5[%mul3A_120, %dma_wait3A_125] : memref<10240x16xf32, #tpu.memory_space<hbm>> -> memref<640x16xf32, #tpu.memory_space<hbm>>
        %dma_wait3A_127 = arith.constant 0 : i32
        %dma_wait3A_128 = tpu.memref_slice %arg5[%mul3A_120, %dma_wait3A_127] : memref<10240x16xf32, #tpu.memory_space<hbm>> -> memref<640x16xf32, #tpu.memory_space<hbm>>
        tpu.wait_dma2 semaphore(%run_scoped3A : memref<!tpu.dma_semaphore, #tpu.memory_space<semaphore_mem>>) src(%arg11 : memref<640x16xf32, #tpu.memory_space<vmem>>) dst(%dma_wait3A_128 : memref<640x16xf32, #tpu.memory_space<hbm>>)
        tpu.yield
      }) : () -> ()
    } else {
    }
    %eq3A_2 = arith.constant 1 : i32
    %eq3A_3 = arith.cmpi eq, %arg0, %eq3A_2 : i32
    %convert_element_type3A_4 = arith.extui %eq3A_3 : i1 to i32
    %cond3A_5 = arith.constant 0 : i32
    %cond3A_6 = arith.cmpi ne, %convert_element_type3A_4, %cond3A_5 : i32
    scf.if %cond3A_6 {
      %add3A = arith.constant 16 : i32
      %add3A_7 = arith.addi %add3A, %arg1 : i32
      %mul3A = arith.constant 10 : i32
      %mul3A_8 = arith.muli %add3A_7, %mul3A : i32
      %mul3A_9 = arith.constant 1000 : i32
      %mul3A_10 = arith.muli %mul3A_8, %mul3A_9 : i32
      %add3A_11 = arith.constant 16 : i32
      %add3A_12 = arith.addi %add3A_11, %arg1 : i32
      %mul3A_13 = arith.constant 10 : i32
      %mul3A_14 = arith.muli %add3A_12, %mul3A_13 : i32
      %mul3A_15 = arith.constant 1000 : i32
      %mul3A_16 = arith.muli %mul3A_14, %mul3A_15 : i32
      "tpu.region"() ({
        %run_scoped3A = tpu.sem_alloc : memref<!tpu.dma_semaphore, #tpu.memory_space<semaphore_mem>>
        %dma_start3A_124 = tpu.memref_slice %arg2[%mul3A_10] : memref<320000xi32, #tpu.memory_space<hbm>> -> memref<10000xi32, #tpu.memory_space<hbm>>
        %dma_start3A_125 = tpu.memref_slice %arg2[%mul3A_10] : memref<320000xi32, #tpu.memory_space<hbm>> -> memref<10000xi32, #tpu.memory_space<hbm>>
        tpu.enqueue_dma source(%dma_start3A_125 : memref<10000xi32, #tpu.memory_space<hbm>>) target(%arg7 : memref<10000xi32, #tpu.memory_space<vmem>>) target_semaphore(%run_scoped3A : memref<!tpu.dma_semaphore, #tpu.memory_space<semaphore_mem>>)
        %dma_wait3A_126 = tpu.memref_slice %arg2[%mul3A_10] : memref<320000xi32, #tpu.memory_space<hbm>> -> memref<10000xi32, #tpu.memory_space<hbm>>
        %dma_wait3A_127 = tpu.memref_slice %arg2[%mul3A_10] : memref<320000xi32, #tpu.memory_space<hbm>> -> memref<10000xi32, #tpu.memory_space<hbm>>
        tpu.wait_dma2 semaphore(%run_scoped3A : memref<!tpu.dma_semaphore, #tpu.memory_space<semaphore_mem>>) src(%dma_wait3A_127 : memref<10000xi32, #tpu.memory_space<hbm>>) dst(%arg7 : memref<10000xi32, #tpu.memory_space<vmem>>)
        tpu.yield
      }) : () -> ()
      "tpu.region"() ({
        %run_scoped3A = tpu.sem_alloc : memref<!tpu.dma_semaphore, #tpu.memory_space<semaphore_mem>>
        %dma_start3A_124 = tpu.memref_slice %arg3[%mul3A_16] : memref<320000xi32, #tpu.memory_space<hbm>> -> memref<10000xi32, #tpu.memory_space<hbm>>
        %dma_start3A_125 = tpu.memref_slice %arg3[%mul3A_16] : memref<320000xi32, #tpu.memory_space<hbm>> -> memref<10000xi32, #tpu.memory_space<hbm>>
        tpu.enqueue_dma source(%dma_start3A_125 : memref<10000xi32, #tpu.memory_space<hbm>>) target(%arg8 : memref<10000xi32, #tpu.memory_space<vmem>>) target_semaphore(%run_scoped3A : memref<!tpu.dma_semaphore, #tpu.memory_space<semaphore_mem>>)
        %dma_wait3A_126 = tpu.memref_slice %arg3[%mul3A_16] : memref<320000xi32, #tpu.memory_space<hbm>> -> memref<10000xi32, #tpu.memory_space<hbm>>
        %dma_wait3A_127 = tpu.memref_slice %arg3[%mul3A_16] : memref<320000xi32, #tpu.memory_space<hbm>> -> memref<10000xi32, #tpu.memory_space<hbm>>
        tpu.wait_dma2 semaphore(%run_scoped3A : memref<!tpu.dma_semaphore, #tpu.memory_space<semaphore_mem>>) src(%dma_wait3A_127 : memref<10000xi32, #tpu.memory_space<hbm>>) dst(%arg8 : memref<10000xi32, #tpu.memory_space<vmem>>)
        tpu.yield
      }) : () -> ()
      %mul3A_17 = arith.constant 640 : i32
      %mul3A_18 = arith.muli %arg1, %mul3A_17 : i32
      "tpu.region"() ({
        %run_scoped3A = tpu.sem_alloc : memref<!tpu.dma_semaphore, #tpu.memory_space<semaphore_mem>>
        %dma_start3A_124 = arith.constant 0 : i32
        %dma_start3A_125 = tpu.memref_slice %arg4[%mul3A_18, %dma_start3A_124] : memref<10240x16xf32, #tpu.memory_space<hbm>> -> memref<640x16xf32, #tpu.memory_space<hbm>>
        %dma_start3A_126 = arith.constant 0 : i32
        %dma_start3A_127 = tpu.memref_slice %arg4[%mul3A_18, %dma_start3A_126] : memref<10240x16xf32, #tpu.memory_space<hbm>> -> memref<640x16xf32, #tpu.memory_space<hbm>>
        tpu.enqueue_dma source(%dma_start3A_127 : memref<640x16xf32, #tpu.memory_space<hbm>>) target(%arg11 : memref<640x16xf32, #tpu.memory_space<vmem>>) target_semaphore(%run_scoped3A : memref<!tpu.dma_semaphore, #tpu.memory_space<semaphore_mem>>)
        %dma_wait3A_128 = arith.constant 0 : i32
        %dma_wait3A_129 = tpu.memref_slice %arg4[%mul3A_18, %dma_wait3A_128] : memref<10240x16xf32, #tpu.memory_space<hbm>> -> memref<640x16xf32, #tpu.memory_space<hbm>>
        %dma_wait3A_130 = arith.constant 0 : i32
        %dma_wait3A_131 = tpu.memref_slice %arg4[%mul3A_18, %dma_wait3A_130] : memref<10240x16xf32, #tpu.memory_space<hbm>> -> memref<640x16xf32, #tpu.memory_space<hbm>>
        tpu.wait_dma2 semaphore(%run_scoped3A : memref<!tpu.dma_semaphore, #tpu.memory_space<semaphore_mem>>) src(%dma_wait3A_131 : memref<640x16xf32, #tpu.memory_space<hbm>>) dst(%arg11 : memref<640x16xf32, #tpu.memory_space<vmem>>)
        tpu.yield
      }) : () -> ()
      %mul3A_19 = arith.constant 640 : i32
      %mul3A_20 = arith.muli %arg1, %mul3A_19 : i32
      "tpu.region"() ({
        %run_scoped3A = tpu.sem_alloc : memref<!tpu.dma_semaphore, #tpu.memory_space<semaphore_mem>>
        %dma_start3A_124 = arith.constant 0 : i32
        %dma_start3A_125 = tpu.memref_slice %arg12[%mul3A_20, %dma_start3A_124] : memref<10240x16xf32, #tpu.memory_space<vmem_shared>> -> memref<640x16xf32, #tpu.memory_space<vmem_shared>>
        %dma_start3A_126 = arith.constant 0 : i32
        %dma_start3A_127 = tpu.memref_slice %arg12[%mul3A_20, %dma_start3A_126] : memref<10240x16xf32, #tpu.memory_space<vmem_shared>> -> memref<640x16xf32, #tpu.memory_space<vmem_shared>>
        tpu.enqueue_dma source(%arg11 : memref<640x16xf32, #tpu.memory_space<vmem>>) target(%dma_start3A_127 : memref<640x16xf32, #tpu.memory_space<vmem_shared>>) target_semaphore(%run_scoped3A : memref<!tpu.dma_semaphore, #tpu.memory_space<semaphore_mem>>)
        %dma_wait3A_128 = arith.constant 0 : i32
        %dma_wait3A_129 = tpu.memref_slice %arg12[%mul3A_20, %dma_wait3A_128] : memref<10240x16xf32, #tpu.memory_space<vmem_shared>> -> memref<640x16xf32, #tpu.memory_space<vmem_shared>>
        %dma_wait3A_130 = arith.constant 0 : i32
        %dma_wait3A_131 = tpu.memref_slice %arg12[%mul3A_20, %dma_wait3A_130] : memref<10240x16xf32, #tpu.memory_space<vmem_shared>> -> memref<640x16xf32, #tpu.memory_space<vmem_shared>>
        tpu.wait_dma2 semaphore(%run_scoped3A : memref<!tpu.dma_semaphore, #tpu.memory_space<semaphore_mem>>) src(%arg11 : memref<640x16xf32, #tpu.memory_space<vmem>>) dst(%dma_wait3A_131 : memref<640x16xf32, #tpu.memory_space<vmem_shared>>)
        tpu.yield
      }) : () -> ()
      %barrier3A = arith.constant 0 : index
      tpu.barrier barrier_id(%barrier3A)
      %dma_start3A = arith.constant 0 : i32
      %dma_start3A_21 = tpu.memref_slice %arg7[%dma_start3A] : memref<10000xi32, #tpu.memory_space<vmem>> -> memref<1000xi32, #tpu.memory_space<vmem>>
      %dma_start3A_22 = arith.constant 0 : i32
      %dma_start3A_23 = arith.constant 0 : i32
      %dma_start3A_24 = tpu.memref_slice %arg4[%dma_start3A_22, %dma_start3A_23] : memref<10240x16xf32, #tpu.memory_space<hbm>> -> memref<10240x16xf32, #tpu.memory_space<hbm>>
      tpu.enqueue_indirect_dma source(%dma_start3A_24 : memref<10240x16xf32, #tpu.memory_space<hbm>>) target(%arg9 : memref<1000x16xf32, #tpu.memory_space<vmem>>) offsets(%dma_start3A_21 : memref<1000xi32, #tpu.memory_space<vmem>>) semaphore(%arg13 : memref<!tpu.dma_semaphore, #tpu.memory_space<semaphore_mem>>)
      %dma_start3A_25 = arith.constant 1000 : i32
      %dma_start3A_26 = tpu.memref_slice %arg7[%dma_start3A_25] : memref<10000xi32, #tpu.memory_space<vmem>> -> memref<1000xi32, #tpu.memory_space<vmem>>
      %dma_start3A_27 = arith.constant 0 : i32
      %dma_start3A_28 = arith.constant 0 : i32
      %dma_start3A_29 = tpu.memref_slice %arg4[%dma_start3A_27, %dma_start3A_28] : memref<10240x16xf32, #tpu.memory_space<hbm>> -> memref<10240x16xf32, #tpu.memory_space<hbm>>
      tpu.enqueue_indirect_dma source(%dma_start3A_29 : memref<10240x16xf32, #tpu.memory_space<hbm>>) target(%arg10 : memref<1000x16xf32, #tpu.memory_space<vmem>>) offsets(%dma_start3A_26 : memref<1000xi32, #tpu.memory_space<vmem>>) semaphore(%arg14 : memref<!tpu.dma_semaphore, #tpu.memory_space<semaphore_mem>>)
      %dma_wait3A = arith.constant 0 : i32
      %dma_wait3A_30 = tpu.memref_slice %arg7[%dma_wait3A] : memref<10000xi32, #tpu.memory_space<vmem>> -> memref<1000xi32, #tpu.memory_space<vmem>>
      %dma_wait3A_31 = arith.constant 0 : i32
      %dma_wait3A_32 = arith.constant 0 : i32
      %dma_wait3A_33 = tpu.memref_slice %arg4[%dma_wait3A_31, %dma_wait3A_32] : memref<10240x16xf32, #tpu.memory_space<hbm>> -> memref<10240x16xf32, #tpu.memory_space<hbm>>
      tpu.wait_indirect_dma semaphore(%arg13 : memref<!tpu.dma_semaphore, #tpu.memory_space<semaphore_mem>>) src(%dma_wait3A_33 : memref<10240x16xf32, #tpu.memory_space<hbm>>) dst(%arg9 : memref<1000x16xf32, #tpu.memory_space<vmem>>)
      "tpu.region"() ({
        %run_scoped3A = tpu.sem_alloc : memref<!tpu.dma_semaphore, #tpu.memory_space<semaphore_mem>>
        %dma_start3A_124 = arith.constant 0 : i32
        %dma_start3A_125 = tpu.memref_slice %arg8[%dma_start3A_124] : memref<10000xi32, #tpu.memory_space<vmem>> -> memref<1000xi32, #tpu.memory_space<vmem>>
        %dma_start3A_126 = arith.constant 0 : i32
        %dma_start3A_127 = arith.constant 0 : i32
        %dma_start3A_128 = tpu.memref_slice %arg12[%dma_start3A_126, %dma_start3A_127] : memref<10240x16xf32, #tpu.memory_space<vmem_shared>> -> memref<10240x16xf32, #tpu.memory_space<vmem_shared>>
        tpu.enqueue_indirect_dma source(%arg9 : memref<1000x16xf32, #tpu.memory_space<vmem>>) target(%dma_start3A_128 : memref<10240x16xf32, #tpu.memory_space<vmem_shared>>) offsets(%dma_start3A_125 : memref<1000xi32, #tpu.memory_space<vmem>>) semaphore(%run_scoped3A : memref<!tpu.dma_semaphore, #tpu.memory_space<semaphore_mem>>) {add = true}
        %dma_wait3A_129 = arith.constant 0 : i32
        %dma_wait3A_130 = tpu.memref_slice %arg8[%dma_wait3A_129] : memref<10000xi32, #tpu.memory_space<vmem>> -> memref<1000xi32, #tpu.memory_space<vmem>>
        %dma_wait3A_131 = arith.constant 0 : i32
        %dma_wait3A_132 = arith.constant 0 : i32
        %dma_wait3A_133 = tpu.memref_slice %arg12[%dma_wait3A_131, %dma_wait3A_132] : memref<10240x16xf32, #tpu.memory_space<vmem_shared>> -> memref<10240x16xf32, #tpu.memory_space<vmem_shared>>
        tpu.wait_indirect_dma semaphore(%run_scoped3A : memref<!tpu.dma_semaphore, #tpu.memory_space<semaphore_mem>>) src(%arg9 : memref<1000x16xf32, #tpu.memory_space<vmem>>) dst(%dma_wait3A_133 : memref<10240x16xf32, #tpu.memory_space<vmem_shared>>)
        tpu.yield
      }) : () -> ()
      %dma_start3A_34 = arith.constant 2000 : i32
      %dma_start3A_35 = tpu.memref_slice %arg7[%dma_start3A_34] : memref<10000xi32, #tpu.memory_space<vmem>> -> memref<1000xi32, #tpu.memory_space<vmem>>
      %dma_start3A_36 = arith.constant 0 : i32
      %dma_start3A_37 = arith.constant 0 : i32
      %dma_start3A_38 = tpu.memref_slice %arg4[%dma_start3A_36, %dma_start3A_37] : memref<10240x16xf32, #tpu.memory_space<hbm>> -> memref<10240x16xf32, #tpu.memory_space<hbm>>
      tpu.enqueue_indirect_dma source(%dma_start3A_38 : memref<10240x16xf32, #tpu.memory_space<hbm>>) target(%arg9 : memref<1000x16xf32, #tpu.memory_space<vmem>>) offsets(%dma_start3A_35 : memref<1000xi32, #tpu.memory_space<vmem>>) semaphore(%arg13 : memref<!tpu.dma_semaphore, #tpu.memory_space<semaphore_mem>>)
      %dma_wait3A_39 = arith.constant 1000 : i32
      %dma_wait3A_40 = tpu.memref_slice %arg7[%dma_wait3A_39] : memref<10000xi32, #tpu.memory_space<vmem>> -> memref<1000xi32, #tpu.memory_space<vmem>>
      %dma_wait3A_41 = arith.constant 0 : i32
      %dma_wait3A_42 = arith.constant 0 : i32
      %dma_wait3A_43 = tpu.memref_slice %arg4[%dma_wait3A_41, %dma_wait3A_42] : memref<10240x16xf32, #tpu.memory_space<hbm>> -> memref<10240x16xf32, #tpu.memory_space<hbm>>
      tpu.wait_indirect_dma semaphore(%arg14 : memref<!tpu.dma_semaphore, #tpu.memory_space<semaphore_mem>>) src(%dma_wait3A_43 : memref<10240x16xf32, #tpu.memory_space<hbm>>) dst(%arg10 : memref<1000x16xf32, #tpu.memory_space<vmem>>)
      "tpu.region"() ({
        %run_scoped3A = tpu.sem_alloc : memref<!tpu.dma_semaphore, #tpu.memory_space<semaphore_mem>>
        %dma_start3A_124 = arith.constant 1000 : i32
        %dma_start3A_125 = tpu.memref_slice %arg8[%dma_start3A_124] : memref<10000xi32, #tpu.memory_space<vmem>> -> memref<1000xi32, #tpu.memory_space<vmem>>
        %dma_start3A_126 = arith.constant 0 : i32
        %dma_start3A_127 = arith.constant 0 : i32
        %dma_start3A_128 = tpu.memref_slice %arg12[%dma_start3A_126, %dma_start3A_127] : memref<10240x16xf32, #tpu.memory_space<vmem_shared>> -> memref<10240x16xf32, #tpu.memory_space<vmem_shared>>
        tpu.enqueue_indirect_dma source(%arg10 : memref<1000x16xf32, #tpu.memory_space<vmem>>) target(%dma_start3A_128 : memref<10240x16xf32, #tpu.memory_space<vmem_shared>>) offsets(%dma_start3A_125 : memref<1000xi32, #tpu.memory_space<vmem>>) semaphore(%run_scoped3A : memref<!tpu.dma_semaphore, #tpu.memory_space<semaphore_mem>>) {add = true}
        %dma_wait3A_129 = arith.constant 1000 : i32
        %dma_wait3A_130 = tpu.memref_slice %arg8[%dma_wait3A_129] : memref<10000xi32, #tpu.memory_space<vmem>> -> memref<1000xi32, #tpu.memory_space<vmem>>
        %dma_wait3A_131 = arith.constant 0 : i32
        %dma_wait3A_132 = arith.constant 0 : i32
        %dma_wait3A_133 = tpu.memref_slice %arg12[%dma_wait3A_131, %dma_wait3A_132] : memref<10240x16xf32, #tpu.memory_space<vmem_shared>> -> memref<10240x16xf32, #tpu.memory_space<vmem_shared>>
        tpu.wait_indirect_dma semaphore(%run_scoped3A : memref<!tpu.dma_semaphore, #tpu.memory_space<semaphore_mem>>) src(%arg10 : memref<1000x16xf32, #tpu.memory_space<vmem>>) dst(%dma_wait3A_133 : memref<10240x16xf32, #tpu.memory_space<vmem_shared>>)
        tpu.yield
      }) : () -> ()
      %dma_start3A_44 = arith.constant 3000 : i32
      %dma_start3A_45 = tpu.memref_slice %arg7[%dma_start3A_44] : memref<10000xi32, #tpu.memory_space<vmem>> -> memref<1000xi32, #tpu.memory_space<vmem>>
      %dma_start3A_46 = arith.constant 0 : i32
      %dma_start3A_47 = arith.constant 0 : i32
      %dma_start3A_48 = tpu.memref_slice %arg4[%dma_start3A_46, %dma_start3A_47] : memref<10240x16xf32, #tpu.memory_space<hbm>> -> memref<10240x16xf32, #tpu.memory_space<hbm>>
      tpu.enqueue_indirect_dma source(%dma_start3A_48 : memref<10240x16xf32, #tpu.memory_space<hbm>>) target(%arg10 : memref<1000x16xf32, #tpu.memory_space<vmem>>) offsets(%dma_start3A_45 : memref<1000xi32, #tpu.memory_space<vmem>>) semaphore(%arg14 : memref<!tpu.dma_semaphore, #tpu.memory_space<semaphore_mem>>)
      %dma_wait3A_49 = arith.constant 2000 : i32
      %dma_wait3A_50 = tpu.memref_slice %arg7[%dma_wait3A_49] : memref<10000xi32, #tpu.memory_space<vmem>> -> memref<1000xi32, #tpu.memory_space<vmem>>
      %dma_wait3A_51 = arith.constant 0 : i32
      %dma_wait3A_52 = arith.constant 0 : i32
      %dma_wait3A_53 = tpu.memref_slice %arg4[%dma_wait3A_51, %dma_wait3A_52] : memref<10240x16xf32, #tpu.memory_space<hbm>> -> memref<10240x16xf32, #tpu.memory_space<hbm>>
      tpu.wait_indirect_dma semaphore(%arg13 : memref<!tpu.dma_semaphore, #tpu.memory_space<semaphore_mem>>) src(%dma_wait3A_53 : memref<10240x16xf32, #tpu.memory_space<hbm>>) dst(%arg9 : memref<1000x16xf32, #tpu.memory_space<vmem>>)
      "tpu.region"() ({
        %run_scoped3A = tpu.sem_alloc : memref<!tpu.dma_semaphore, #tpu.memory_space<semaphore_mem>>
        %dma_start3A_124 = arith.constant 2000 : i32
        %dma_start3A_125 = tpu.memref_slice %arg8[%dma_start3A_124] : memref<10000xi32, #tpu.memory_space<vmem>> -> memref<1000xi32, #tpu.memory_space<vmem>>
        %dma_start3A_126 = arith.constant 0 : i32
        %dma_start3A_127 = arith.constant 0 : i32
        %dma_start3A_128 = tpu.memref_slice %arg12[%dma_start3A_126, %dma_start3A_127] : memref<10240x16xf32, #tpu.memory_space<vmem_shared>> -> memref<10240x16xf32, #tpu.memory_space<vmem_shared>>
        tpu.enqueue_indirect_dma source(%arg9 : memref<1000x16xf32, #tpu.memory_space<vmem>>) target(%dma_start3A_128 : memref<10240x16xf32, #tpu.memory_space<vmem_shared>>) offsets(%dma_start3A_125 : memref<1000xi32, #tpu.memory_space<vmem>>) semaphore(%run_scoped3A : memref<!tpu.dma_semaphore, #tpu.memory_space<semaphore_mem>>) {add = true}
        %dma_wait3A_129 = arith.constant 2000 : i32
        %dma_wait3A_130 = tpu.memref_slice %arg8[%dma_wait3A_129] : memref<10000xi32, #tpu.memory_space<vmem>> -> memref<1000xi32, #tpu.memory_space<vmem>>
        %dma_wait3A_131 = arith.constant 0 : i32
        %dma_wait3A_132 = arith.constant 0 : i32
        %dma_wait3A_133 = tpu.memref_slice %arg12[%dma_wait3A_131, %dma_wait3A_132] : memref<10240x16xf32, #tpu.memory_space<vmem_shared>> -> memref<10240x16xf32, #tpu.memory_space<vmem_shared>>
        tpu.wait_indirect_dma semaphore(%run_scoped3A : memref<!tpu.dma_semaphore, #tpu.memory_space<semaphore_mem>>) src(%arg9 : memref<1000x16xf32, #tpu.memory_space<vmem>>) dst(%dma_wait3A_133 : memref<10240x16xf32, #tpu.memory_space<vmem_shared>>)
        tpu.yield
      }) : () -> ()
      %dma_start3A_54 = arith.constant 4000 : i32
      %dma_start3A_55 = tpu.memref_slice %arg7[%dma_start3A_54] : memref<10000xi32, #tpu.memory_space<vmem>> -> memref<1000xi32, #tpu.memory_space<vmem>>
      %dma_start3A_56 = arith.constant 0 : i32
      %dma_start3A_57 = arith.constant 0 : i32
      %dma_start3A_58 = tpu.memref_slice %arg4[%dma_start3A_56, %dma_start3A_57] : memref<10240x16xf32, #tpu.memory_space<hbm>> -> memref<10240x16xf32, #tpu.memory_space<hbm>>
      tpu.enqueue_indirect_dma source(%dma_start3A_58 : memref<10240x16xf32, #tpu.memory_space<hbm>>) target(%arg9 : memref<1000x16xf32, #tpu.memory_space<vmem>>) offsets(%dma_start3A_55 : memref<1000xi32, #tpu.memory_space<vmem>>) semaphore(%arg13 : memref<!tpu.dma_semaphore, #tpu.memory_space<semaphore_mem>>)
      %dma_wait3A_59 = arith.constant 3000 : i32
      %dma_wait3A_60 = tpu.memref_slice %arg7[%dma_wait3A_59] : memref<10000xi32, #tpu.memory_space<vmem>> -> memref<1000xi32, #tpu.memory_space<vmem>>
      %dma_wait3A_61 = arith.constant 0 : i32
      %dma_wait3A_62 = arith.constant 0 : i32
      %dma_wait3A_63 = tpu.memref_slice %arg4[%dma_wait3A_61, %dma_wait3A_62] : memref<10240x16xf32, #tpu.memory_space<hbm>> -> memref<10240x16xf32, #tpu.memory_space<hbm>>
      tpu.wait_indirect_dma semaphore(%arg14 : memref<!tpu.dma_semaphore, #tpu.memory_space<semaphore_mem>>) src(%dma_wait3A_63 : memref<10240x16xf32, #tpu.memory_space<hbm>>) dst(%arg10 : memref<1000x16xf32, #tpu.memory_space<vmem>>)
      "tpu.region"() ({
        %run_scoped3A = tpu.sem_alloc : memref<!tpu.dma_semaphore, #tpu.memory_space<semaphore_mem>>
        %dma_start3A_124 = arith.constant 3000 : i32
        %dma_start3A_125 = tpu.memref_slice %arg8[%dma_start3A_124] : memref<10000xi32, #tpu.memory_space<vmem>> -> memref<1000xi32, #tpu.memory_space<vmem>>
        %dma_start3A_126 = arith.constant 0 : i32
        %dma_start3A_127 = arith.constant 0 : i32
        %dma_start3A_128 = tpu.memref_slice %arg12[%dma_start3A_126, %dma_start3A_127] : memref<10240x16xf32, #tpu.memory_space<vmem_shared>> -> memref<10240x16xf32, #tpu.memory_space<vmem_shared>>
        tpu.enqueue_indirect_dma source(%arg10 : memref<1000x16xf32, #tpu.memory_space<vmem>>) target(%dma_start3A_128 : memref<10240x16xf32, #tpu.memory_space<vmem_shared>>) offsets(%dma_start3A_125 : memref<1000xi32, #tpu.memory_space<vmem>>) semaphore(%run_scoped3A : memref<!tpu.dma_semaphore, #tpu.memory_space<semaphore_mem>>) {add = true}
        %dma_wait3A_129 = arith.constant 3000 : i32
        %dma_wait3A_130 = tpu.memref_slice %arg8[%dma_wait3A_129] : memref<10000xi32, #tpu.memory_space<vmem>> -> memref<1000xi32, #tpu.memory_space<vmem>>
        %dma_wait3A_131 = arith.constant 0 : i32
        %dma_wait3A_132 = arith.constant 0 : i32
        %dma_wait3A_133 = tpu.memref_slice %arg12[%dma_wait3A_131, %dma_wait3A_132] : memref<10240x16xf32, #tpu.memory_space<vmem_shared>> -> memref<10240x16xf32, #tpu.memory_space<vmem_shared>>
        tpu.wait_indirect_dma semaphore(%run_scoped3A : memref<!tpu.dma_semaphore, #tpu.memory_space<semaphore_mem>>) src(%arg10 : memref<1000x16xf32, #tpu.memory_space<vmem>>) dst(%dma_wait3A_133 : memref<10240x16xf32, #tpu.memory_space<vmem_shared>>)
        tpu.yield
      }) : () -> ()
      %dma_start3A_64 = arith.constant 5000 : i32
      %dma_start3A_65 = tpu.memref_slice %arg7[%dma_start3A_64] : memref<10000xi32, #tpu.memory_space<vmem>> -> memref<1000xi32, #tpu.memory_space<vmem>>
      %dma_start3A_66 = arith.constant 0 : i32
      %dma_start3A_67 = arith.constant 0 : i32
      %dma_start3A_68 = tpu.memref_slice %arg4[%dma_start3A_66, %dma_start3A_67] : memref<10240x16xf32, #tpu.memory_space<hbm>> -> memref<10240x16xf32, #tpu.memory_space<hbm>>
      tpu.enqueue_indirect_dma source(%dma_start3A_68 : memref<10240x16xf32, #tpu.memory_space<hbm>>) target(%arg10 : memref<1000x16xf32, #tpu.memory_space<vmem>>) offsets(%dma_start3A_65 : memref<1000xi32, #tpu.memory_space<vmem>>) semaphore(%arg14 : memref<!tpu.dma_semaphore, #tpu.memory_space<semaphore_mem>>)
      %dma_wait3A_69 = arith.constant 4000 : i32
      %dma_wait3A_70 = tpu.memref_slice %arg7[%dma_wait3A_69] : memref<10000xi32, #tpu.memory_space<vmem>> -> memref<1000xi32, #tpu.memory_space<vmem>>
      %dma_wait3A_71 = arith.constant 0 : i32
      %dma_wait3A_72 = arith.constant 0 : i32
      %dma_wait3A_73 = tpu.memref_slice %arg4[%dma_wait3A_71, %dma_wait3A_72] : memref<10240x16xf32, #tpu.memory_space<hbm>> -> memref<10240x16xf32, #tpu.memory_space<hbm>>
      tpu.wait_indirect_dma semaphore(%arg13 : memref<!tpu.dma_semaphore, #tpu.memory_space<semaphore_mem>>) src(%dma_wait3A_73 : memref<10240x16xf32, #tpu.memory_space<hbm>>) dst(%arg9 : memref<1000x16xf32, #tpu.memory_space<vmem>>)
      "tpu.region"() ({
        %run_scoped3A = tpu.sem_alloc : memref<!tpu.dma_semaphore, #tpu.memory_space<semaphore_mem>>
        %dma_start3A_124 = arith.constant 4000 : i32
        %dma_start3A_125 = tpu.memref_slice %arg8[%dma_start3A_124] : memref<10000xi32, #tpu.memory_space<vmem>> -> memref<1000xi32, #tpu.memory_space<vmem>>
        %dma_start3A_126 = arith.constant 0 : i32
        %dma_start3A_127 = arith.constant 0 : i32
        %dma_start3A_128 = tpu.memref_slice %arg12[%dma_start3A_126, %dma_start3A_127] : memref<10240x16xf32, #tpu.memory_space<vmem_shared>> -> memref<10240x16xf32, #tpu.memory_space<vmem_shared>>
        tpu.enqueue_indirect_dma source(%arg9 : memref<1000x16xf32, #tpu.memory_space<vmem>>) target(%dma_start3A_128 : memref<10240x16xf32, #tpu.memory_space<vmem_shared>>) offsets(%dma_start3A_125 : memref<1000xi32, #tpu.memory_space<vmem>>) semaphore(%run_scoped3A : memref<!tpu.dma_semaphore, #tpu.memory_space<semaphore_mem>>) {add = true}
        %dma_wait3A_129 = arith.constant 4000 : i32
        %dma_wait3A_130 = tpu.memref_slice %arg8[%dma_wait3A_129] : memref<10000xi32, #tpu.memory_space<vmem>> -> memref<1000xi32, #tpu.memory_space<vmem>>
        %dma_wait3A_131 = arith.constant 0 : i32
        %dma_wait3A_132 = arith.constant 0 : i32
        %dma_wait3A_133 = tpu.memref_slice %arg12[%dma_wait3A_131, %dma_wait3A_132] : memref<10240x16xf32, #tpu.memory_space<vmem_shared>> -> memref<10240x16xf32, #tpu.memory_space<vmem_shared>>
        tpu.wait_indirect_dma semaphore(%run_scoped3A : memref<!tpu.dma_semaphore, #tpu.memory_space<semaphore_mem>>) src(%arg9 : memref<1000x16xf32, #tpu.memory_space<vmem>>) dst(%dma_wait3A_133 : memref<10240x16xf32, #tpu.memory_space<vmem_shared>>)
        tpu.yield
      }) : () -> ()
      %dma_start3A_74 = arith.constant 6000 : i32
      %dma_start3A_75 = tpu.memref_slice %arg7[%dma_start3A_74] : memref<10000xi32, #tpu.memory_space<vmem>> -> memref<1000xi32, #tpu.memory_space<vmem>>
      %dma_start3A_76 = arith.constant 0 : i32
      %dma_start3A_77 = arith.constant 0 : i32
      %dma_start3A_78 = tpu.memref_slice %arg4[%dma_start3A_76, %dma_start3A_77] : memref<10240x16xf32, #tpu.memory_space<hbm>> -> memref<10240x16xf32, #tpu.memory_space<hbm>>
      tpu.enqueue_indirect_dma source(%dma_start3A_78 : memref<10240x16xf32, #tpu.memory_space<hbm>>) target(%arg9 : memref<1000x16xf32, #tpu.memory_space<vmem>>) offsets(%dma_start3A_75 : memref<1000xi32, #tpu.memory_space<vmem>>) semaphore(%arg13 : memref<!tpu.dma_semaphore, #tpu.memory_space<semaphore_mem>>)
      %dma_wait3A_79 = arith.constant 5000 : i32
      %dma_wait3A_80 = tpu.memref_slice %arg7[%dma_wait3A_79] : memref<10000xi32, #tpu.memory_space<vmem>> -> memref<1000xi32, #tpu.memory_space<vmem>>
      %dma_wait3A_81 = arith.constant 0 : i32
      %dma_wait3A_82 = arith.constant 0 : i32
      %dma_wait3A_83 = tpu.memref_slice %arg4[%dma_wait3A_81, %dma_wait3A_82] : memref<10240x16xf32, #tpu.memory_space<hbm>> -> memref<10240x16xf32, #tpu.memory_space<hbm>>
      tpu.wait_indirect_dma semaphore(%arg14 : memref<!tpu.dma_semaphore, #tpu.memory_space<semaphore_mem>>) src(%dma_wait3A_83 : memref<10240x16xf32, #tpu.memory_space<hbm>>) dst(%arg10 : memref<1000x16xf32, #tpu.memory_space<vmem>>)
      "tpu.region"() ({
        %run_scoped3A = tpu.sem_alloc : memref<!tpu.dma_semaphore, #tpu.memory_space<semaphore_mem>>
        %dma_start3A_124 = arith.constant 5000 : i32
        %dma_start3A_125 = tpu.memref_slice %arg8[%dma_start3A_124] : memref<10000xi32, #tpu.memory_space<vmem>> -> memref<1000xi32, #tpu.memory_space<vmem>>
        %dma_start3A_126 = arith.constant 0 : i32
        %dma_start3A_127 = arith.constant 0 : i32
        %dma_start3A_128 = tpu.memref_slice %arg12[%dma_start3A_126, %dma_start3A_127] : memref<10240x16xf32, #tpu.memory_space<vmem_shared>> -> memref<10240x16xf32, #tpu.memory_space<vmem_shared>>
        tpu.enqueue_indirect_dma source(%arg10 : memref<1000x16xf32, #tpu.memory_space<vmem>>) target(%dma_start3A_128 : memref<10240x16xf32, #tpu.memory_space<vmem_shared>>) offsets(%dma_start3A_125 : memref<1000xi32, #tpu.memory_space<vmem>>) semaphore(%run_scoped3A : memref<!tpu.dma_semaphore, #tpu.memory_space<semaphore_mem>>) {add = true}
        %dma_wait3A_129 = arith.constant 5000 : i32
        %dma_wait3A_130 = tpu.memref_slice %arg8[%dma_wait3A_129] : memref<10000xi32, #tpu.memory_space<vmem>> -> memref<1000xi32, #tpu.memory_space<vmem>>
        %dma_wait3A_131 = arith.constant 0 : i32
        %dma_wait3A_132 = arith.constant 0 : i32
        %dma_wait3A_133 = tpu.memref_slice %arg12[%dma_wait3A_131, %dma_wait3A_132] : memref<10240x16xf32, #tpu.memory_space<vmem_shared>> -> memref<10240x16xf32, #tpu.memory_space<vmem_shared>>
        tpu.wait_indirect_dma semaphore(%run_scoped3A : memref<!tpu.dma_semaphore, #tpu.memory_space<semaphore_mem>>) src(%arg10 : memref<1000x16xf32, #tpu.memory_space<vmem>>) dst(%dma_wait3A_133 : memref<10240x16xf32, #tpu.memory_space<vmem_shared>>)
        tpu.yield
      }) : () -> ()
      %dma_start3A_84 = arith.constant 7000 : i32
      %dma_start3A_85 = tpu.memref_slice %arg7[%dma_start3A_84] : memref<10000xi32, #tpu.memory_space<vmem>> -> memref<1000xi32, #tpu.memory_space<vmem>>
      %dma_start3A_86 = arith.constant 0 : i32
      %dma_start3A_87 = arith.constant 0 : i32
      %dma_start3A_88 = tpu.memref_slice %arg4[%dma_start3A_86, %dma_start3A_87] : memref<10240x16xf32, #tpu.memory_space<hbm>> -> memref<10240x16xf32, #tpu.memory_space<hbm>>
      tpu.enqueue_indirect_dma source(%dma_start3A_88 : memref<10240x16xf32, #tpu.memory_space<hbm>>) target(%arg10 : memref<1000x16xf32, #tpu.memory_space<vmem>>) offsets(%dma_start3A_85 : memref<1000xi32, #tpu.memory_space<vmem>>) semaphore(%arg14 : memref<!tpu.dma_semaphore, #tpu.memory_space<semaphore_mem>>)
      %dma_wait3A_89 = arith.constant 6000 : i32
      %dma_wait3A_90 = tpu.memref_slice %arg7[%dma_wait3A_89] : memref<10000xi32, #tpu.memory_space<vmem>> -> memref<1000xi32, #tpu.memory_space<vmem>>
      %dma_wait3A_91 = arith.constant 0 : i32
      %dma_wait3A_92 = arith.constant 0 : i32
      %dma_wait3A_93 = tpu.memref_slice %arg4[%dma_wait3A_91, %dma_wait3A_92] : memref<10240x16xf32, #tpu.memory_space<hbm>> -> memref<10240x16xf32, #tpu.memory_space<hbm>>
      tpu.wait_indirect_dma semaphore(%arg13 : memref<!tpu.dma_semaphore, #tpu.memory_space<semaphore_mem>>) src(%dma_wait3A_93 : memref<10240x16xf32, #tpu.memory_space<hbm>>) dst(%arg9 : memref<1000x16xf32, #tpu.memory_space<vmem>>)
      "tpu.region"() ({
        %run_scoped3A = tpu.sem_alloc : memref<!tpu.dma_semaphore, #tpu.memory_space<semaphore_mem>>
        %dma_start3A_124 = arith.constant 6000 : i32
        %dma_start3A_125 = tpu.memref_slice %arg8[%dma_start3A_124] : memref<10000xi32, #tpu.memory_space<vmem>> -> memref<1000xi32, #tpu.memory_space<vmem>>
        %dma_start3A_126 = arith.constant 0 : i32
        %dma_start3A_127 = arith.constant 0 : i32
        %dma_start3A_128 = tpu.memref_slice %arg12[%dma_start3A_126, %dma_start3A_127] : memref<10240x16xf32, #tpu.memory_space<vmem_shared>> -> memref<10240x16xf32, #tpu.memory_space<vmem_shared>>
        tpu.enqueue_indirect_dma source(%arg9 : memref<1000x16xf32, #tpu.memory_space<vmem>>) target(%dma_start3A_128 : memref<10240x16xf32, #tpu.memory_space<vmem_shared>>) offsets(%dma_start3A_125 : memref<1000xi32, #tpu.memory_space<vmem>>) semaphore(%run_scoped3A : memref<!tpu.dma_semaphore, #tpu.memory_space<semaphore_mem>>) {add = true}
        %dma_wait3A_129 = arith.constant 6000 : i32
        %dma_wait3A_130 = tpu.memref_slice %arg8[%dma_wait3A_129] : memref<10000xi32, #tpu.memory_space<vmem>> -> memref<1000xi32, #tpu.memory_space<vmem>>
        %dma_wait3A_131 = arith.constant 0 : i32
        %dma_wait3A_132 = arith.constant 0 : i32
        %dma_wait3A_133 = tpu.memref_slice %arg12[%dma_wait3A_131, %dma_wait3A_132] : memref<10240x16xf32, #tpu.memory_space<vmem_shared>> -> memref<10240x16xf32, #tpu.memory_space<vmem_shared>>
        tpu.wait_indirect_dma semaphore(%run_scoped3A : memref<!tpu.dma_semaphore, #tpu.memory_space<semaphore_mem>>) src(%arg9 : memref<1000x16xf32, #tpu.memory_space<vmem>>) dst(%dma_wait3A_133 : memref<10240x16xf32, #tpu.memory_space<vmem_shared>>)
        tpu.yield
      }) : () -> ()
      %dma_start3A_94 = arith.constant 8000 : i32
      %dma_start3A_95 = tpu.memref_slice %arg7[%dma_start3A_94] : memref<10000xi32, #tpu.memory_space<vmem>> -> memref<1000xi32, #tpu.memory_space<vmem>>
      %dma_start3A_96 = arith.constant 0 : i32
      %dma_start3A_97 = arith.constant 0 : i32
      %dma_start3A_98 = tpu.memref_slice %arg4[%dma_start3A_96, %dma_start3A_97] : memref<10240x16xf32, #tpu.memory_space<hbm>> -> memref<10240x16xf32, #tpu.memory_space<hbm>>
      tpu.enqueue_indirect_dma source(%dma_start3A_98 : memref<10240x16xf32, #tpu.memory_space<hbm>>) target(%arg9 : memref<1000x16xf32, #tpu.memory_space<vmem>>) offsets(%dma_start3A_95 : memref<1000xi32, #tpu.memory_space<vmem>>) semaphore(%arg13 : memref<!tpu.dma_semaphore, #tpu.memory_space<semaphore_mem>>)
      %dma_wait3A_99 = arith.constant 7000 : i32
      %dma_wait3A_100 = tpu.memref_slice %arg7[%dma_wait3A_99] : memref<10000xi32, #tpu.memory_space<vmem>> -> memref<1000xi32, #tpu.memory_space<vmem>>
      %dma_wait3A_101 = arith.constant 0 : i32
      %dma_wait3A_102 = arith.constant 0 : i32
      %dma_wait3A_103 = tpu.memref_slice %arg4[%dma_wait3A_101, %dma_wait3A_102] : memref<10240x16xf32, #tpu.memory_space<hbm>> -> memref<10240x16xf32, #tpu.memory_space<hbm>>
      tpu.wait_indirect_dma semaphore(%arg14 : memref<!tpu.dma_semaphore, #tpu.memory_space<semaphore_mem>>) src(%dma_wait3A_103 : memref<10240x16xf32, #tpu.memory_space<hbm>>) dst(%arg10 : memref<1000x16xf32, #tpu.memory_space<vmem>>)
      "tpu.region"() ({
        %run_scoped3A = tpu.sem_alloc : memref<!tpu.dma_semaphore, #tpu.memory_space<semaphore_mem>>
        %dma_start3A_124 = arith.constant 7000 : i32
        %dma_start3A_125 = tpu.memref_slice %arg8[%dma_start3A_124] : memref<10000xi32, #tpu.memory_space<vmem>> -> memref<1000xi32, #tpu.memory_space<vmem>>
        %dma_start3A_126 = arith.constant 0 : i32
        %dma_start3A_127 = arith.constant 0 : i32
        %dma_start3A_128 = tpu.memref_slice %arg12[%dma_start3A_126, %dma_start3A_127] : memref<10240x16xf32, #tpu.memory_space<vmem_shared>> -> memref<10240x16xf32, #tpu.memory_space<vmem_shared>>
        tpu.enqueue_indirect_dma source(%arg10 : memref<1000x16xf32, #tpu.memory_space<vmem>>) target(%dma_start3A_128 : memref<10240x16xf32, #tpu.memory_space<vmem_shared>>) offsets(%dma_start3A_125 : memref<1000xi32, #tpu.memory_space<vmem>>) semaphore(%run_scoped3A : memref<!tpu.dma_semaphore, #tpu.memory_space<semaphore_mem>>) {add = true}
        %dma_wait3A_129 = arith.constant 7000 : i32
        %dma_wait3A_130 = tpu.memref_slice %arg8[%dma_wait3A_129] : memref<10000xi32, #tpu.memory_space<vmem>> -> memref<1000xi32, #tpu.memory_space<vmem>>
        %dma_wait3A_131 = arith.constant 0 : i32
        %dma_wait3A_132 = arith.constant 0 : i32
        %dma_wait3A_133 = tpu.memref_slice %arg12[%dma_wait3A_131, %dma_wait3A_132] : memref<10240x16xf32, #tpu.memory_space<vmem_shared>> -> memref<10240x16xf32, #tpu.memory_space<vmem_shared>>
        tpu.wait_indirect_dma semaphore(%run_scoped3A : memref<!tpu.dma_semaphore, #tpu.memory_space<semaphore_mem>>) src(%arg10 : memref<1000x16xf32, #tpu.memory_space<vmem>>) dst(%dma_wait3A_133 : memref<10240x16xf32, #tpu.memory_space<vmem_shared>>)
        tpu.yield
      }) : () -> ()
      %dma_start3A_104 = arith.constant 9000 : i32
      %dma_start3A_105 = tpu.memref_slice %arg7[%dma_start3A_104] : memref<10000xi32, #tpu.memory_space<vmem>> -> memref<1000xi32, #tpu.memory_space<vmem>>
      %dma_start3A_106 = arith.constant 0 : i32
      %dma_start3A_107 = arith.constant 0 : i32
      %dma_start3A_108 = tpu.memref_slice %arg4[%dma_start3A_106, %dma_start3A_107] : memref<10240x16xf32, #tpu.memory_space<hbm>> -> memref<10240x16xf32, #tpu.memory_space<hbm>>
      tpu.enqueue_indirect_dma source(%dma_start3A_108 : memref<10240x16xf32, #tpu.memory_space<hbm>>) target(%arg10 : memref<1000x16xf32, #tpu.memory_space<vmem>>) offsets(%dma_start3A_105 : memref<1000xi32, #tpu.memory_space<vmem>>) semaphore(%arg14 : memref<!tpu.dma_semaphore, #tpu.memory_space<semaphore_mem>>)
      %dma_wait3A_109 = arith.constant 8000 : i32
      %dma_wait3A_110 = tpu.memref_slice %arg7[%dma_wait3A_109] : memref<10000xi32, #tpu.memory_space<vmem>> -> memref<1000xi32, #tpu.memory_space<vmem>>
      %dma_wait3A_111 = arith.constant 0 : i32
      %dma_wait3A_112 = arith.constant 0 : i32
      %dma_wait3A_113 = tpu.memref_slice %arg4[%dma_wait3A_111, %dma_wait3A_112] : memref<10240x16xf32, #tpu.memory_space<hbm>> -> memref<10240x16xf32, #tpu.memory_space<hbm>>
      tpu.wait_indirect_dma semaphore(%arg13 : memref<!tpu.dma_semaphore, #tpu.memory_space<semaphore_mem>>) src(%dma_wait3A_113 : memref<10240x16xf32, #tpu.memory_space<hbm>>) dst(%arg9 : memref<1000x16xf32, #tpu.memory_space<vmem>>)
      "tpu.region"() ({
        %run_scoped3A = tpu.sem_alloc : memref<!tpu.dma_semaphore, #tpu.memory_space<semaphore_mem>>
        %dma_start3A_124 = arith.constant 8000 : i32
        %dma_start3A_125 = tpu.memref_slice %arg8[%dma_start3A_124] : memref<10000xi32, #tpu.memory_space<vmem>> -> memref<1000xi32, #tpu.memory_space<vmem>>
        %dma_start3A_126 = arith.constant 0 : i32
        %dma_start3A_127 = arith.constant 0 : i32
        %dma_start3A_128 = tpu.memref_slice %arg12[%dma_start3A_126, %dma_start3A_127] : memref<10240x16xf32, #tpu.memory_space<vmem_shared>> -> memref<10240x16xf32, #tpu.memory_space<vmem_shared>>
        tpu.enqueue_indirect_dma source(%arg9 : memref<1000x16xf32, #tpu.memory_space<vmem>>) target(%dma_start3A_128 : memref<10240x16xf32, #tpu.memory_space<vmem_shared>>) offsets(%dma_start3A_125 : memref<1000xi32, #tpu.memory_space<vmem>>) semaphore(%run_scoped3A : memref<!tpu.dma_semaphore, #tpu.memory_space<semaphore_mem>>) {add = true}
        %dma_wait3A_129 = arith.constant 8000 : i32
        %dma_wait3A_130 = tpu.memref_slice %arg8[%dma_wait3A_129] : memref<10000xi32, #tpu.memory_space<vmem>> -> memref<1000xi32, #tpu.memory_space<vmem>>
        %dma_wait3A_131 = arith.constant 0 : i32
        %dma_wait3A_132 = arith.constant 0 : i32
        %dma_wait3A_133 = tpu.memref_slice %arg12[%dma_wait3A_131, %dma_wait3A_132] : memref<10240x16xf32, #tpu.memory_space<vmem_shared>> -> memref<10240x16xf32, #tpu.memory_space<vmem_shared>>
        tpu.wait_indirect_dma semaphore(%run_scoped3A : memref<!tpu.dma_semaphore, #tpu.memory_space<semaphore_mem>>) src(%arg9 : memref<1000x16xf32, #tpu.memory_space<vmem>>) dst(%dma_wait3A_133 : memref<10240x16xf32, #tpu.memory_space<vmem_shared>>)
        tpu.yield
      }) : () -> ()
      %dma_wait3A_114 = arith.constant 9000 : i32
      %dma_wait3A_115 = tpu.memref_slice %arg7[%dma_wait3A_114] : memref<10000xi32, #tpu.memory_space<vmem>> -> memref<1000xi32, #tpu.memory_space<vmem>>
      %dma_wait3A_116 = arith.constant 0 : i32
      %dma_wait3A_117 = arith.constant 0 : i32
      %dma_wait3A_118 = tpu.memref_slice %arg4[%dma_wait3A_116, %dma_wait3A_117] : memref<10240x16xf32, #tpu.memory_space<hbm>> -> memref<10240x16xf32, #tpu.memory_space<hbm>>
      tpu.wait_indirect_dma semaphore(%arg14 : memref<!tpu.dma_semaphore, #tpu.memory_space<semaphore_mem>>) src(%dma_wait3A_118 : memref<10240x16xf32, #tpu.memory_space<hbm>>) dst(%arg10 : memref<1000x16xf32, #tpu.memory_space<vmem>>)
      "tpu.region"() ({
        %run_scoped3A = tpu.sem_alloc : memref<!tpu.dma_semaphore, #tpu.memory_space<semaphore_mem>>
        %dma_start3A_124 = arith.constant 9000 : i32
        %dma_start3A_125 = tpu.memref_slice %arg8[%dma_start3A_124] : memref<10000xi32, #tpu.memory_space<vmem>> -> memref<1000xi32, #tpu.memory_space<vmem>>
        %dma_start3A_126 = arith.constant 0 : i32
        %dma_start3A_127 = arith.constant 0 : i32
        %dma_start3A_128 = tpu.memref_slice %arg12[%dma_start3A_126, %dma_start3A_127] : memref<10240x16xf32, #tpu.memory_space<vmem_shared>> -> memref<10240x16xf32, #tpu.memory_space<vmem_shared>>
        tpu.enqueue_indirect_dma source(%arg10 : memref<1000x16xf32, #tpu.memory_space<vmem>>) target(%dma_start3A_128 : memref<10240x16xf32, #tpu.memory_space<vmem_shared>>) offsets(%dma_start3A_125 : memref<1000xi32, #tpu.memory_space<vmem>>) semaphore(%run_scoped3A : memref<!tpu.dma_semaphore, #tpu.memory_space<semaphore_mem>>) {add = true}
        %dma_wait3A_129 = arith.constant 9000 : i32
        %dma_wait3A_130 = tpu.memref_slice %arg8[%dma_wait3A_129] : memref<10000xi32, #tpu.memory_space<vmem>> -> memref<1000xi32, #tpu.memory_space<vmem>>
        %dma_wait3A_131 = arith.constant 0 : i32
        %dma_wait3A_132 = arith.constant 0 : i32
        %dma_wait3A_133 = tpu.memref_slice %arg12[%dma_wait3A_131, %dma_wait3A_132] : memref<10240x16xf32, #tpu.memory_space<vmem_shared>> -> memref<10240x16xf32, #tpu.memory_space<vmem_shared>>
        tpu.wait_indirect_dma semaphore(%run_scoped3A : memref<!tpu.dma_semaphore, #tpu.memory_space<semaphore_mem>>) src(%arg10 : memref<1000x16xf32, #tpu.memory_space<vmem>>) dst(%dma_wait3A_133 : memref<10240x16xf32, #tpu.memory_space<vmem_shared>>)
        tpu.yield
      }) : () -> ()
      %barrier3A_119 = arith.constant 0 : index
      tpu.barrier barrier_id(%barrier3A_119)
      %mul3A_120 = arith.constant 640 : i32
      %mul3A_121 = arith.muli %arg1, %mul3A_120 : i32
      "tpu.region"() ({
        %run_scoped3A = tpu.sem_alloc : memref<!tpu.dma_semaphore, #tpu.memory_space<semaphore_mem>>
        %dma_start3A_124 = arith.constant 0 : i32
        %dma_start3A_125 = tpu.memref_slice %arg12[%mul3A_121, %dma_start3A_124] : memref<10240x16xf32, #tpu.memory_space<vmem_shared>> -> memref<640x16xf32, #tpu.memory_space<vmem_shared>>
        %dma_start3A_126 = arith.constant 0 : i32
        %dma_start3A_127 = tpu.memref_slice %arg12[%mul3A_121, %dma_start3A_126] : memref<10240x16xf32, #tpu.memory_space<vmem_shared>> -> memref<640x16xf32, #tpu.memory_space<vmem_shared>>
        tpu.enqueue_dma source(%dma_start3A_127 : memref<640x16xf32, #tpu.memory_space<vmem_shared>>) target(%arg11 : memref<640x16xf32, #tpu.memory_space<vmem>>) target_semaphore(%run_scoped3A : memref<!tpu.dma_semaphore, #tpu.memory_space<semaphore_mem>>)
        %dma_wait3A_128 = arith.constant 0 : i32
        %dma_wait3A_129 = tpu.memref_slice %arg12[%mul3A_121, %dma_wait3A_128] : memref<10240x16xf32, #tpu.memory_space<vmem_shared>> -> memref<640x16xf32, #tpu.memory_space<vmem_shared>>
        %dma_wait3A_130 = arith.constant 0 : i32
        %dma_wait3A_131 = tpu.memref_slice %arg12[%mul3A_121, %dma_wait3A_130] : memref<10240x16xf32, #tpu.memory_space<vmem_shared>> -> memref<640x16xf32, #tpu.memory_space<vmem_shared>>
        tpu.wait_dma2 semaphore(%run_scoped3A : memref<!tpu.dma_semaphore, #tpu.memory_space<semaphore_mem>>) src(%dma_wait3A_131 : memref<640x16xf32, #tpu.memory_space<vmem_shared>>) dst(%arg11 : memref<640x16xf32, #tpu.memory_space<vmem>>)
        tpu.yield
      }) : () -> ()
      %mul3A_122 = arith.constant 640 : i32
      %mul3A_123 = arith.muli %arg1, %mul3A_122 : i32
      "tpu.region"() ({
        %run_scoped3A = tpu.sem_alloc : memref<!tpu.dma_semaphore, #tpu.memory_space<semaphore_mem>>
        %dma_start3A_124 = arith.constant 0 : i32
        %dma_start3A_125 = tpu.memref_slice %arg6[%mul3A_123, %dma_start3A_124] : memref<10240x16xf32, #tpu.memory_space<hbm>> -> memref<640x16xf32, #tpu.memory_space<hbm>>
        %dma_start3A_126 = arith.constant 0 : i32
        %dma_start3A_127 = tpu.memref_slice %arg6[%mul3A_123, %dma_start3A_126] : memref<10240x16xf32, #tpu.memory_space<hbm>> -> memref<640x16xf32, #tpu.memory_space<hbm>>
        tpu.enqueue_dma source(%arg11 : memref<640x16xf32, #tpu.memory_space<vmem>>) target(%dma_start3A_127 : memref<640x16xf32, #tpu.memory_space<hbm>>) target_semaphore(%run_scoped3A : memref<!tpu.dma_semaphore, #tpu.memory_space<semaphore_mem>>)
        %dma_wait3A_128 = arith.constant 0 : i32
        %dma_wait3A_129 = tpu.memref_slice %arg6[%mul3A_123, %dma_wait3A_128] : memref<10240x16xf32, #tpu.memory_space<hbm>> -> memref<640x16xf32, #tpu.memory_space<hbm>>
        %dma_wait3A_130 = arith.constant 0 : i32
        %dma_wait3A_131 = tpu.memref_slice %arg6[%mul3A_123, %dma_wait3A_130] : memref<10240x16xf32, #tpu.memory_space<hbm>> -> memref<640x16xf32, #tpu.memory_space<hbm>>
        tpu.wait_dma2 semaphore(%run_scoped3A : memref<!tpu.dma_semaphore, #tpu.memory_space<semaphore_mem>>) src(%arg11 : memref<640x16xf32, #tpu.memory_space<vmem>>) dst(%dma_wait3A_131 : memref<640x16xf32, #tpu.memory_space<hbm>>)
        tpu.yield
      }) : () -> ()
    } else {
    }
    return
  }
}

module attributes {stable_mosaic.version = 14 : i64} {
  func.func @f(%arg0: i32, %arg1: memref<128x1024xf32, #tpu.memory_space<vmem>>, %arg2: memref<1024x128xf32, #tpu.memory_space<vmem>>, %arg3: memref<1024x128xf32, #tpu.memory_space<vmem>>, %arg4: memref<128x128xf32, #tpu.memory_space<vmem>>, %arg5: memref<128x128xf32, #tpu.memory_space<vmem>>) attributes {dimension_semantics = [#tpu.dimension_semantics<arbitrary>], iteration_bounds = array<i64: 10>, scalar_prefetch = 0 : i64, scratch_operands = 0 : i64, tpu.core_type = #tpu.core_type<tc>, window_params = [{transform_indices = @transform_0, window_bounds = array<i64: 128, 1024>}, {pipeline_mode = #tpu.pipeline_mode<synchronous>, transform_indices = @transform_1, window_bounds = array<i64: 1024, 128>}, {pipeline_mode = #tpu.pipeline_mode<synchronous>, transform_indices = @transform_2, window_bounds = array<i64: 1024, 128>}, {transform_indices = @transform_3, window_bounds = array<i64: 128, 128>}, {transform_indices = @transform_4, window_bounds = array<i64: 128, 128>}]} {
    %get3A = arith.constant 0 : index
    %get3A_0 = arith.constant 0 : index
    %get3A_1 = vector.load %arg1[%get3A, %get3A_0] : memref<128x1024xf32, #tpu.memory_space<vmem>>, vector<128x1024xf32>
    %get3A_2 = arith.constant 0 : index
    %get3A_3 = arith.constant 0 : index
    %get3A_4 = vector.load %arg2[%get3A_2, %get3A_3] : memref<1024x128xf32, #tpu.memory_space<vmem>>, vector<1024x128xf32>
    %dot_general3A = arith.constant dense<0.000000e+00> : vector<128x128xf32>
    %dot_general3A_5 = tpu.matmul %get3A_1, %get3A_4, %dot_general3A {dimension_numbers = #tpu.dot_dimension_numbers<[1], [0], [0], [1], [0, 0, 1, 1], [], []>, transpose_lhs_hint = false} : vector<128x1024xf32>, vector<1024x128xf32>, vector<128x128xf32> -> vector<128x128xf32>
    %swap3A = arith.constant 0 : index
    %swap3A_6 = arith.constant 0 : index
    %swap3A_7 = vector.load %arg4[%swap3A, %swap3A_6] : memref<128x128xf32, #tpu.memory_space<vmem>>, vector<128x128xf32>
    tpu.vector_store %arg4[%swap3A, %swap3A_6], %dot_general3A_5 {strides = array<i32>} : memref<128x128xf32, #tpu.memory_space<vmem>>, vector<128x128xf32>,
    %get3A_8 = arith.constant 0 : index
    %get3A_9 = arith.constant 0 : index
    %get3A_10 = vector.load %arg3[%get3A_8, %get3A_9] : memref<1024x128xf32, #tpu.memory_space<vmem>>, vector<1024x128xf32>
    %dot_general3A_11 = arith.constant dense<0.000000e+00> : vector<128x128xf32>
    %dot_general3A_12 = tpu.matmul %get3A_1, %get3A_10, %dot_general3A_11 {dimension_numbers = #tpu.dot_dimension_numbers<[1], [0], [0], [1], [0, 0, 1, 1], [], []>, transpose_lhs_hint = false} : vector<128x1024xf32>, vector<1024x128xf32>, vector<128x128xf32> -> vector<128x128xf32>
    %swap3A_13 = arith.constant 0 : index
    %swap3A_14 = arith.constant 0 : index
    %swap3A_15 = vector.load %arg5[%swap3A_13, %swap3A_14] : memref<128x128xf32, #tpu.memory_space<vmem>>, vector<128x128xf32>
    tpu.vector_store %arg5[%swap3A_13, %swap3A_14], %dot_general3A_12 {strides = array<i32>} : memref<128x128xf32, #tpu.memory_space<vmem>>, vector<128x128xf32>,
    return
  }
  func.func @transform_0(%arg0: i32) -> (i32, i32) {
    %c0_i32 = arith.constant 0 : i32
    %c0_i32_0 = arith.constant 0 : i32
    return %arg0, %c0_i32 : i32, i32
  }
  func.func @transform_1(%arg0: i32) -> (i32, i32) {
    %c0_i32 = arith.constant 0 : i32
    %c0_i32_0 = arith.constant 0 : i32
    %c0_i32_1 = arith.constant 0 : i32
    return %c0_i32, %c0_i32_0 : i32, i32
  }
  func.func @transform_2(%arg0: i32) -> (i32, i32) {
    %c0_i32 = arith.constant 0 : i32
    %c0_i32_0 = arith.constant 0 : i32
    %c0_i32_1 = arith.constant 0 : i32
    return %c0_i32, %c0_i32_0 : i32, i32
  }
  func.func @transform_3(%arg0: i32) -> (i32, i32) {
    %c0_i32 = arith.constant 0 : i32
    %c0_i32_0 = arith.constant 0 : i32
    return %arg0, %c0_i32 : i32, i32
  }
  func.func @transform_4(%arg0: i32) -> (i32, i32) {
    %c0_i32 = arith.constant 0 : i32
    %c0_i32_0 = arith.constant 0 : i32
    return %arg0, %c0_i32 : i32, i32
  }
}

module attributes {stable_mosaic.version = 14 : i64} {
  func.func @f(%arg0: i32, %arg1: memref<128x128xf32, #tpu.memory_space<vmem>>, %arg2: memref<128x128xf32, #tpu.memory_space<vmem>>, %arg3: memref<128x128xf32, #tpu.memory_space<vmem>>, %arg4: memref<128x128xf32, #tpu.memory_space<vmem>>, %arg5: memref<128xf32, #tpu.memory_space<vmem>>, %arg6: memref<128x128xf32, #tpu.memory_space<vmem>>, %arg7: memref<128x128xf32, #tpu.memory_space<vmem>>) attributes {dimension_semantics = [#tpu.dimension_semantics<arbitrary>], iteration_bounds = array<i64: 10>, scalar_prefetch = 0 : i64, scratch_operands = 0 : i64, tpu.core_type = #tpu.core_type<tc>, window_params = [{transform_indices = @transform_0, window_bounds = array<i64: 128, 128>}, {transform_indices = @transform_1, window_bounds = array<i64: 128, 128>}, {transform_indices = @transform_2, window_bounds = array<i64: 128, 128>}, {transform_indices = @transform_3, window_bounds = array<i64: 128, 128>}, {pipeline_mode = #tpu.pipeline_mode<synchronous>, transform_indices = @transform_4, window_bounds = array<i64: 128>}, {pipeline_mode = #tpu.pipeline_mode<synchronous>, transform_indices = @transform_5, window_bounds = array<i64: 128, 128>}, {transform_indices = @transform_6, window_bounds = array<i64: 128, 128>}]} {
    %get3A = arith.constant 0 : index
    %get3A_0 = arith.constant 0 : index
    %get3A_1 = vector.load %arg4[%get3A, %get3A_0] : memref<128x128xf32, #tpu.memory_space<vmem>>, vector<128x128xf32>
    %get3A_2 = arith.constant 0 : index
    %get3A_3 = arith.constant 0 : index
    %get3A_4 = vector.load %arg1[%get3A_2, %get3A_3] : memref<128x128xf32, #tpu.memory_space<vmem>>, vector<128x128xf32>
    %get3A_5 = arith.constant 0 : index
    %get3A_6 = arith.constant 0 : index
    %get3A_7 = vector.load %arg2[%get3A_5, %get3A_6] : memref<128x128xf32, #tpu.memory_space<vmem>>, vector<128x128xf32>
    %add3A = arith.addf %get3A_4, %get3A_7 : vector<128x128xf32>
    %get3A_8 = arith.constant 0 : index
    %get3A_9 = arith.constant 0 : index
    %get3A_10 = vector.load %arg3[%get3A_8, %get3A_9] : memref<128x128xf32, #tpu.memory_space<vmem>>, vector<128x128xf32>
    %sub3A = arith.subf %add3A, %get3A_10 : vector<128x128xf32>
    %mul3A = arith.mulf %get3A_1, %sub3A : vector<128x128xf32>
    %get3A_11 = arith.constant 0 : index
    %get3A_12 = vector.load %arg5[%get3A_11] : memref<128xf32, #tpu.memory_space<vmem>>, vector<128xf32>
    %broadcast_in_dim3A = vector.shape_cast %get3A_12 : vector<128xf32> to vector<1x128xf32>
    %add3A_13 = vector.broadcast %broadcast_in_dim3A : vector<1x128xf32> to vector<128x128xf32>
    %add3A_14 = arith.addf %mul3A, %add3A_13 : vector<128x128xf32>
    %reduce_max3A = vector.shape_cast %add3A_14 : vector<128x128xf32> to vector<1x128x128xf32>
    %reduce_max3A_15 = arith.constant dense<0xFF800000> : vector<1xf32>
    %reduce_max3A_16 = vector.multi_reduction <maximumf>, %reduce_max3A, %reduce_max3A_15 [1, 2] : vector<1x128x128xf32> to vector<1xf32>
    %reduce_max3A_17 = vector.shape_cast %reduce_max3A_16 : vector<1xf32> to vector<1x1x1xf32>
    %reduce_max3A_18 = vector.extract %reduce_max3A_17[0, 0, 0] : f32 from vector<1x1x1xf32>
    %sub3A_19 = vector.broadcast %reduce_max3A_18 : f32 to vector<128x128xf32>
    %sub3A_20 = arith.subf %add3A_14, %sub3A_19 : vector<128x128xf32>
    %exp3A = math.exp %sub3A_20 : vector<128x128xf32>
    %get3A_21 = arith.constant 0 : index
    %get3A_22 = arith.constant 0 : index
    %get3A_23 = vector.load %arg6[%get3A_21, %get3A_22] : memref<128x128xf32, #tpu.memory_space<vmem>>, vector<128x128xf32>
    %dot_general3A = arith.constant dense<0.000000e+00> : vector<128x128xf32>
    %dot_general3A_24 = tpu.matmul %exp3A, %get3A_23, %dot_general3A {dimension_numbers = #tpu.dot_dimension_numbers<[1], [0], [0], [1], [0, 0, 1, 1], [], []>, transpose_lhs_hint = false} : vector<128x128xf32>, vector<128x128xf32>, vector<128x128xf32> -> vector<128x128xf32>
    %log3A = math.log %dot_general3A_24 : vector<128x128xf32>
    %add3A_25 = vector.broadcast %reduce_max3A_18 : f32 to vector<128x128xf32>
    %add3A_26 = arith.addf %log3A, %add3A_25 : vector<128x128xf32>
    %sub3A_27 = arith.subf %add3A_14, %add3A_26 : vector<128x128xf32>
    %swap3A = arith.constant 0 : index
    %swap3A_28 = arith.constant 0 : index
    %swap3A_29 = vector.load %arg7[%swap3A, %swap3A_28] : memref<128x128xf32, #tpu.memory_space<vmem>>, vector<128x128xf32>
    tpu.vector_store %arg7[%swap3A, %swap3A_28], %sub3A_27 {strides = array<i32>} : memref<128x128xf32, #tpu.memory_space<vmem>>, vector<128x128xf32>,
    return
  }
  func.func @transform_0(%arg0: i32) -> (i32, i32) {
    %c0_i32 = arith.constant 0 : i32
    %c0_i32_0 = arith.constant 0 : i32
    return %arg0, %c0_i32 : i32, i32
  }
  func.func @transform_1(%arg0: i32) -> (i32, i32) {
    %c0_i32 = arith.constant 0 : i32
    %c0_i32_0 = arith.constant 0 : i32
    return %arg0, %c0_i32 : i32, i32
  }
  func.func @transform_2(%arg0: i32) -> (i32, i32) {
    %c0_i32 = arith.constant 0 : i32
    %c0_i32_0 = arith.constant 0 : i32
    return %arg0, %c0_i32 : i32, i32
  }
  func.func @transform_3(%arg0: i32) -> (i32, i32) {
    %c0_i32 = arith.constant 0 : i32
    %c0_i32_0 = arith.constant 0 : i32
    return %arg0, %c0_i32 : i32, i32
  }
  func.func @transform_4(%arg0: i32) -> i32 {
    %c0_i32 = arith.constant 0 : i32
    %c0_i32_0 = arith.constant 0 : i32
    return %c0_i32 : i32
  }
  func.func @transform_5(%arg0: i32) -> (i32, i32) {
    %c0_i32 = arith.constant 0 : i32
    %c0_i32_0 = arith.constant 0 : i32
    %c0_i32_1 = arith.constant 0 : i32
    return %c0_i32, %c0_i32_0 : i32, i32
  }
  func.func @transform_6(%arg0: i32) -> (i32, i32) {
    %c0_i32 = arith.constant 0 : i32
    %c0_i32_0 = arith.constant 0 : i32
    return %arg0, %c0_i32 : i32, i32
  }
}

module attributes {stable_mosaic.version = 14 : i64} {
  func.func @f(%arg0: i32, %arg1: memref<128x128xf32, #tpu.memory_space<vmem>>, %arg2: memref<128x128xf32, #tpu.memory_space<vmem>>, %arg3: memref<128x128xf32, #tpu.memory_space<vmem>>, %arg4: memref<128x128xf32, #tpu.memory_space<vmem>>, %arg5: memref<128xf32, #tpu.memory_space<vmem>>, %arg6: memref<128xf32, #tpu.memory_space<vmem>>, %arg7: memref<128x128xf32, #tpu.memory_space<vmem>>, %arg8: memref<128x128xf32, #tpu.memory_space<vmem>>, %arg9: memref<128x128xf32, #tpu.memory_space<vmem>>) attributes {dimension_semantics = [#tpu.dimension_semantics<arbitrary>], iteration_bounds = array<i64: 10>, scalar_prefetch = 0 : i64, scratch_operands = 0 : i64, tpu.core_type = #tpu.core_type<tc>, window_params = [{transform_indices = @transform_0, window_bounds = array<i64: 128, 128>}, {transform_indices = @transform_1, window_bounds = array<i64: 128, 128>}, {transform_indices = @transform_2, window_bounds = array<i64: 128, 128>}, {transform_indices = @transform_3, window_bounds = array<i64: 128, 128>}, {pipeline_mode = #tpu.pipeline_mode<synchronous>, transform_indices = @transform_4, window_bounds = array<i64: 128>}, {pipeline_mode = #tpu.pipeline_mode<synchronous>, transform_indices = @transform_5, window_bounds = array<i64: 128>}, {pipeline_mode = #tpu.pipeline_mode<synchronous>, transform_indices = @transform_6, window_bounds = array<i64: 128, 128>}, {pipeline_mode = #tpu.pipeline_mode<synchronous>, transform_indices = @transform_7, window_bounds = array<i64: 128, 128>}, {transform_indices = @transform_8, window_bounds = array<i64: 128, 128>}]} {
    %get3A = arith.constant 0 : index
    %get3A_0 = arith.constant 0 : index
    %get3A_1 = vector.load %arg3[%get3A, %get3A_0] : memref<128x128xf32, #tpu.memory_space<vmem>>, vector<128x128xf32>
    %get3A_2 = arith.constant 0 : index
    %get3A_3 = arith.constant 0 : index
    %get3A_4 = vector.load %arg1[%get3A_2, %get3A_3] : memref<128x128xf32, #tpu.memory_space<vmem>>, vector<128x128xf32>
    %mul3A = arith.mulf %get3A_1, %get3A_4 : vector<128x128xf32>
    %get3A_5 = arith.constant 0 : index
    %get3A_6 = vector.load %arg5[%get3A_5] : memref<128xf32, #tpu.memory_space<vmem>>, vector<128xf32>
    %broadcast_in_dim3A = vector.shape_cast %get3A_6 : vector<128xf32> to vector<1x128xf32>
    %add3A = vector.broadcast %broadcast_in_dim3A : vector<1x128xf32> to vector<128x128xf32>
    %add3A_7 = arith.addf %mul3A, %add3A : vector<128x128xf32>
    %max3A = arith.constant 0.000000e+00 : f32
    %max3A_8 = vector.broadcast %max3A : f32 to vector<128x128xf32>
    %max3A_9 = arith.maximumf %add3A_7, %max3A_8 : vector<128x128xf32>
    %get3A_10 = arith.constant 0 : index
    %get3A_11 = arith.constant 0 : index
    %get3A_12 = vector.load %arg4[%get3A_10, %get3A_11] : memref<128x128xf32, #tpu.memory_space<vmem>>, vector<128x128xf32>
    %get3A_13 = arith.constant 0 : index
    %get3A_14 = arith.constant 0 : index
    %get3A_15 = vector.load %arg2[%get3A_13, %get3A_14] : memref<128x128xf32, #tpu.memory_space<vmem>>, vector<128x128xf32>
    %mul3A_16 = arith.mulf %get3A_12, %get3A_15 : vector<128x128xf32>
    %get3A_17 = arith.constant 0 : index
    %get3A_18 = vector.load %arg6[%get3A_17] : memref<128xf32, #tpu.memory_space<vmem>>, vector<128xf32>
    %broadcast_in_dim3A_19 = vector.shape_cast %get3A_18 : vector<128xf32> to vector<1x128xf32>
    %add3A_20 = vector.broadcast %broadcast_in_dim3A_19 : vector<1x128xf32> to vector<128x128xf32>
    %add3A_21 = arith.addf %mul3A_16, %add3A_20 : vector<128x128xf32>
    %max3A_22 = arith.constant 0.000000e+00 : f32
    %max3A_23 = vector.broadcast %max3A_22 : f32 to vector<128x128xf32>
    %max3A_24 = arith.maximumf %add3A_21, %max3A_23 : vector<128x128xf32>
    %get3A_25 = arith.constant 0 : index
    %get3A_26 = arith.constant 0 : index
    %get3A_27 = vector.load %arg7[%get3A_25, %get3A_26] : memref<128x128xf32, #tpu.memory_space<vmem>>, vector<128x128xf32>
    %dot_general3A = arith.constant dense<0.000000e+00> : vector<128x128xf32>
    %dot_general3A_28 = tpu.matmul %max3A_9, %get3A_27, %dot_general3A {dimension_numbers = #tpu.dot_dimension_numbers<[1], [0], [0], [1], [0, 0, 1, 1], [], []>, transpose_lhs_hint = false} : vector<128x128xf32>, vector<128x128xf32>, vector<128x128xf32> -> vector<128x128xf32>
    %get3A_29 = arith.constant 0 : index
    %get3A_30 = arith.constant 0 : index
    %get3A_31 = vector.load %arg8[%get3A_29, %get3A_30] : memref<128x128xf32, #tpu.memory_space<vmem>>, vector<128x128xf32>
    %dot_general3A_32 = arith.constant dense<0.000000e+00> : vector<128x128xf32>
    %dot_general3A_33 = tpu.matmul %max3A_24, %get3A_31, %dot_general3A_32 {dimension_numbers = #tpu.dot_dimension_numbers<[1], [0], [0], [1], [0, 0, 1, 1], [], []>, transpose_lhs_hint = false} : vector<128x128xf32>, vector<128x128xf32>, vector<128x128xf32> -> vector<128x128xf32>
    %add3A_34 = arith.addf %dot_general3A_28, %dot_general3A_33 : vector<128x128xf32>
    %get3A_35 = arith.constant 0 : index
    %get3A_36 = arith.constant 0 : index
    %get3A_37 = vector.load %arg3[%get3A_35, %get3A_36] : memref<128x128xf32, #tpu.memory_space<vmem>>, vector<128x128xf32>
    %mul3A_38 = arith.mulf %get3A_37, %add3A_34 : vector<128x128xf32>
    %swap3A = arith.constant 0 : index
    %swap3A_39 = arith.constant 0 : index
    %swap3A_40 = vector.load %arg9[%swap3A, %swap3A_39] : memref<128x128xf32, #tpu.memory_space<vmem>>, vector<128x128xf32>
    tpu.vector_store %arg9[%swap3A, %swap3A_39], %mul3A_38 {strides = array<i32>} : memref<128x128xf32, #tpu.memory_space<vmem>>, vector<128x128xf32>,
    return
  }
  func.func @transform_0(%arg0: i32) -> (i32, i32) {
    %c0_i32 = arith.constant 0 : i32
    %c0_i32_0 = arith.constant 0 : i32
    return %arg0, %c0_i32 : i32, i32
  }
  func.func @transform_1(%arg0: i32) -> (i32, i32) {
    %c0_i32 = arith.constant 0 : i32
    %c0_i32_0 = arith.constant 0 : i32
    return %arg0, %c0_i32 : i32, i32
  }
  func.func @transform_2(%arg0: i32) -> (i32, i32) {
    %c0_i32 = arith.constant 0 : i32
    %c0_i32_0 = arith.constant 0 : i32
    return %arg0, %c0_i32 : i32, i32
  }
  func.func @transform_3(%arg0: i32) -> (i32, i32) {
    %c0_i32 = arith.constant 0 : i32
    %c0_i32_0 = arith.constant 0 : i32
    return %arg0, %c0_i32 : i32, i32
  }
  func.func @transform_4(%arg0: i32) -> i32 {
    %c0_i32 = arith.constant 0 : i32
    %c0_i32_0 = arith.constant 0 : i32
    return %c0_i32 : i32
  }
  func.func @transform_5(%arg0: i32) -> i32 {
    %c0_i32 = arith.constant 0 : i32
    %c0_i32_0 = arith.constant 0 : i32
    return %c0_i32 : i32
  }
  func.func @transform_6(%arg0: i32) -> (i32, i32) {
    %c0_i32 = arith.constant 0 : i32
    %c0_i32_0 = arith.constant 0 : i32
    %c0_i32_1 = arith.constant 0 : i32
    return %c0_i32, %c0_i32_0 : i32, i32
  }
  func.func @transform_7(%arg0: i32) -> (i32, i32) {
    %c0_i32 = arith.constant 0 : i32
    %c0_i32_0 = arith.constant 0 : i32
    %c0_i32_1 = arith.constant 0 : i32
    return %c0_i32, %c0_i32_0 : i32, i32
  }
  func.func @transform_8(%arg0: i32) -> (i32, i32) {
    %c0_i32 = arith.constant 0 : i32
    %c0_i32_0 = arith.constant 0 : i32
    return %arg0, %c0_i32 : i32, i32
  }
}

</mosaic_0001>

<sc_bundles>
// kernel: kernel.10.cloned.1.call-start
scs
__scs_entry_jumppad:
0x0: {  	(pc) =	sbr.rel $0x88, $3  }
0x1: {  	(tag) =	ssettag $0x0;
	lr =	simm.s32 $0x1  }
0x2: {  	[smem:$0x3F98] =	sst lr;
	_ =	strace $0xD0000000  }
0x3: {  	_ = 	snop  }
0x4: {  	_ = 	snop  }
0x5: {  	_ = 	snop  }
0x6: {  	_ = 	snop  }
0x7: {  	_ = 	snop  }
__scs_overlays_trampoline_lowered:
0x8: {  	[smem:$0x3FA7] =	sst s0  }
0x9: {  	[smem:$0x3FA8] =	sst s1  }
0xa: {  	[smem:$0x3FA9] =	sst s2  }
0xb: {  	[smem:$0x3FAA] =	sst s3  }
0xc: {  	[smem:$0x3FAB] =	sst s4  }
0xd: {  	[smem:$0x3FAC] =	sst s5  }
0xe: {  	[smem:$0x3FAD] =	sst s6  }
0xf: {  	[smem:$0x3FAE] =	sst s7  }
0x10: {  	[smem:$0x3FAF] =	sst s8  }
0x11: {  	[smem:$0x3FB0] =	sst s9;
	s0 =	simm.s32 @!p0 $0x0  }
0x12: {  	s1 =	sld [smem:$0x3F96];
	s0 =	simm.s32 @p0 $0x1  }
0x13: {  	[smem:$0x3FB1] =	sst s0;
	s0 =	simm.s32 @!p1 $0x0  }
0x14: {  	s2 =	sld [smem:$0x3F95];
	s0 =	simm.s32 @p1 $0x1  }
0x15: {  	[smem:$0x3FB2] =	sst s0;
	s0 =	simm.s32 @!p2 $0x0  }
0x16: {  	s3 =	sld [smem:$0x3FDB];
	s0 =	simm.s32 @p2 $0x1  }
0x17: {  	s4 =	simm.s32 $0x1BF5;
	[smem:$0x3FB4] =	sst s0  }
0x18: {  	s0 =	sld [smem:$0x3F97];
	_ =	swait.ge [sflag:s4], $0x0  }
0x19: {  	s7 =	sld [smem:$0x3F98]  }
0x1a: {  	s8 =	sadd.s32 $0xFFFFE003, lr  }
0x1b: {  	s9 =	sadd.s32 $0xFFFFFEF7, lr;
	s5 =	simm.s32 $0xFFFFFFFF;
	p2 =	slt.u32 s8, $0xFFFFF086  }
0x1c: {  	p1 =	slt.u32 s9, $0xF7A;
	s5 =	simm.s32 @!p2 $0x0  }
0x1d: {  	s5 =	simm.s32 @p1 $0x1;
	p0 =	seq.s32 s7, s2  }
0x1e: {  	s7 =	smul.u32 @!p0 $0xF7A, s2;
	p2 =	seq.s32 @!p0 s5, $0x0  }
0x1f: {  	s9 =	smul.u32 $0xF7A, s1;
	s8 =	simm.s32 @!p0 $0x1BF5;
	p2 =	por !p2, p0  }
0x20: {  	[sflag:s8] =	ssyncset.s32 @!p0 $0xFFFFF086;
	s6 =	sadd.s32 @!p0 s3, s7;
	s7 =	simm.s32 @!p0 $0x108  }
0x21: {  	s3 =	sadd.s32 s3, s9;
	s6 =	sadd.s32 @!p0 $0x88, s6;
	s7 =	simm.s32 @p2 $0x1082  }
0x22: {  	[simem:s7], [sflag:s8] =	dma.local @!p0 [hbm:s6], $0xF7A  }
0x23: {  	s9 =	sor.u32 $0xD0000000, s2;
	s6 =	simm.s32 $0x108;
	_ =	swait.ge @!p0 [sflag:s8], $0x0  }
0x24: {  	s3 =	sadd.s32 $0x88, s3;
	s6 =	simm.s32 @!p1 $0x1082;
	[sflag:s4] =	ssyncset.s32 $0xFFFFF086  }
0x25: {  	[simem:s6], [sflag:s4] =	dma.local [hbm:s3], $0xF7A  }
0x26: {  	[smem:$0x3F98] =	sst s1;
	(tag) =	ssettag s2;
	_ =	strace s9  }
0x27: {  	s1 =	sld [smem:$0x3FA8]  }
0x28: {  	s2 =	sld [smem:$0x3FA9]  }
0x29: {  	s4 =	sld [smem:$0x3FAB]  }
0x2a: {  	p0 =	seq.s32 s5, $0x0;
	s5 =	sld [smem:$0x3FAC]  }
0x2b: {  	s6 =	sld [smem:$0x3FAD]  }
0x2c: {  	s7 =	sld [smem:$0x3FAE]  }
0x2d: {  	s3 =	simm.s32 $0x108;
	s8 =	sld [smem:$0x3FAF]  }
0x2e: {  	s3 =	simm.s32 @!p0 $0x1082;
	s9 =	sld [smem:$0x3FB0]  }
0x2f: {  	lr =	sadd.s32 s0, s3;
	s0 =	sld [smem:$0x3FA7]  }
0x30: {  	s3 =	sld [smem:$0x3FAA]  }
0x31: {  	[smem:$0x3FB3] =	sst s10  }
0x32: {  	s10 =	sld [smem:$0x3FB1];
	_ =	sdelay $0x3  }
0x33: {  	p0 =	seq.s32 s10, $0x1;
	s10 =	sld [smem:$0x3FB3];
	_ =	sdelay $0x3  }
0x34: {  	[smem:$0x3FB3] =	sst s10  }
0x35: {  	s10 =	sld [smem:$0x3FB2];
	_ =	sdelay $0x3  }
0x36: {  	p1 =	seq.s32 s10, $0x1;
	s10 =	sld [smem:$0x3FB3];
	_ =	sdelay $0x3  }
0x37: {  	[smem:$0x3FB3] =	sst s10  }
0x38: {  	s10 =	sld [smem:$0x3FB4]  }
0x39: {  	_ = 	snop;
	(pc) =	sbr.ind lr, $3  }
0x3a: {  	_ = 	snop  }
0x3b: {  	_ = 	snop  }
0x3c: {  	p2 =	seq.s32 s10, $0x1;
	s10 =	sld [smem:$0x3FB3]  }
0x3d: {  	_ =	shalt  }
0x3e: {  	_ =	shalt  }
0x3f: {  	_ =	shalt  }
0x40: {  	_ =	shalt  }
0x41: {  	_ =	shalt  }
0x42: {  	_ =	shalt  }
0x43: {  	_ =	shalt  }
0x44: {  	_ =	shalt  }
0x45: {  	_ =	shalt  }
0x46: {  	_ =	shalt  }
0x47: {  	_ =	shalt  }
0x48: {  	_ =	shalt  }
0x49: {  	_ =	shalt  }
0x4a: {  	_ =	shalt  }
0x4b: {  	_ =	shalt  }
0x4c: {  	_ =	shalt  }
0x4d: {  	_ =	shalt  }
0x4e: {  	_ =	shalt  }
0x4f: {  	_ =	shalt  }
0x50: {  	_ =	shalt  }
0x51: {  	_ =	shalt  }
0x52: {  	_ =	shalt  }
0x53: {  	_ =	shalt  }
0x54: {  	_ =	shalt  }
0x55: {  	_ =	shalt  }
0x56: {  	_ =	shalt  }
0x57: {  	_ =	shalt  }
0x58: {  	_ =	shalt  }
0x59: {  	_ =	shalt  }
0x5a: {  	_ =	shalt  }
0x5b: {  	_ =	shalt  }
0x5c: {  	_ =	shalt  }
0x5d: {  	_ =	shalt  }
0x5e: {  	_ =	shalt  }
0x5f: {  	_ =	shalt  }
0x60: {  	_ =	shalt  }
0x61: {  	_ =	shalt  }
0x62: {  	_ =	shalt  }
0x63: {  	_ =	shalt  }
0x64: {  	_ =	shalt  }
0x65: {  	_ =	shalt  }
0x66: {  	_ =	shalt  }
0x67: {  	_ =	shalt  }
0x68: {  	_ =	shalt  }
0x69: {  	_ =	shalt  }
0x6a: {  	_ =	shalt  }
0x6b: {  	_ =	shalt  }
0x6c: {  	_ =	shalt  }
0x6d: {  	_ =	shalt  }
0x6e: {  	_ =	shalt  }
0x6f: {  	_ =	shalt  }
0x70: {  	_ =	shalt  }
0x71: {  	_ =	shalt  }
0x72: {  	_ =	shalt  }
0x73: {  	_ =	shalt  }
0x74: {  	_ =	shalt  }
0x75: {  	_ =	shalt  }
0x76: {  	_ =	shalt  }
0x77: {  	_ =	shalt  }
0x78: {  	_ =	shalt  }
0x79: {  	_ =	shalt  }
0x7a: {  	_ =	shalt  }
0x7b: {  	_ =	shalt  }
0x7c: {  	_ =	shalt  }
0x7d: {  	_ =	shalt  }
0x7e: {  	_ =	shalt  }
0x7f: {  	_ =	shalt  }
0x80: {  	_ =	shalt  }
0x81: {  	_ =	shalt  }
0x82: {  	_ =	shalt  }
0x83: {  	_ =	shalt  }
0x84: {  	_ =	shalt  }
0x85: {  	_ =	shalt  }
0x86: {  	_ =	shalt  }
0x87: {  	_ =	shalt  }
.Lfunc_end0:
.L_simem_size_0:
called_computation.1_lowered:
.L_overlay_start_0:
0x88: {  	s2 =	sld [smem:$0x3FD9]  }
0x89: {  	s3 =	sld [smem:$0x3FFE];
	_ =	sdelay $0x1  }
0x8a: {  	s1 =	srdreg.scid  }
0x8b: {  	s0 =	sand.u32 $0x1, s1  }
0x8c: {  	s16 =	sshll.u32 s0, $0xA;
	s2 =	sadd.s32 s3, s2  }
0x8d: {  	s2 =	sadd.s32 s2, s16  }
0x8e: {  	[smem:$0x3FBF] =	sst s2  }
0x8f: {  	_ = 	snop  }
0x90: {  	(tm) =	ssettm $0x1  }
0x91: {  	s17 =	sld [smem:$0x3FFB];
	_ =	sdelay $0x3  }
0x92: {  	_ =	strace s17  }
0x93: {  	s2 =	sld [smem:$0x3FFC];
	_ =	sdelay $0x3  }
0x94: {  	_ =	strace s2  }
0x95: {  	s2 =	sld [smem:$0x3FFD];
	_ =	sdelay $0x3  }
0x96: {  	_ =	strace s2  }
0x97: {  	_ =	strace $0x8FFFFFFF  }
0x98: {  	s18 =	sld [smem:$0x3FDB];
	_ =	sdelay $0x1  }
0x99: {  	s19 =	simm.s32 $_scs_section_size  }
0x9a: {  	s4 =	simm.s32 $_size__tile_overlayer_lowered;
	s5 =	simm.s32 $_tile_overlayer_lowered  }
0x9b: {  	s22 =	simm.s32 $0x1BFF;
	s21 =	sshll.u32 s5, $0x1;
	s2 =	sadd.s32 s19, s18  }
0x9c: {  	s6 =	simm.s32 $0x0;
	s20 =	sshll.u32 s4, $0x1;
	s4 =	sadd.s32 s21, s2  }
0x9d: {  	[timem:s6], [sflag:s22] =	dma.local [hbm:s4], s20  }
0x9e: {  	_ =	swait.ge [sflag:s22], s20  }
0x9f: {  	s3 =	ssub.s32 $0x0, s20;
	[sflag:s22] =	ssyncset.done $0x0  }
0xa0: {  	[sflag:s22] =	ssyncadd.s32 s3;
	_ =	sdelay $0x1  }
0xa1: {  	s23 =	simm.s32 $0x1B8B  }
0xa2: {  	_ =	swait.ge [sflag:s23], $0x1  }
0xa3: {  	[sflag:s23] =	ssyncset.done $0x0  }
0xa4: {  	s25 =	simm.s32 $0x1B8E;
	s24 =	sld [smem:$0x3FFE];
	[sflag:s23] =	ssyncadd.s32 $0xFFFFFFFF  }
0xa5: {  	s26 =	simm.s32 $execute0_lowered;
	[smem:$0x3FD2] =	sst s25  }
0xa6: {  	s4 =	sshll.u32 s26, $0x1;
	_ =	strace $0x80000049;
	[dreg:$0x1] =	wrdreg $0xFFFFFFFF  }
0xa7: {  	s28 =	simm.s32 $_size_execute0_lowered;
	s2 =	sadd.s32 s2, s4;
	[dreg:$0x0] =	wrdreg $0x0  }
0xa8: {  	s4 =	sshll.u32 s28, $0x1;
	[dreg:$0x2] =	wrdreg s2  }
0xa9: {  	[dreg:$0x3] =	wrdreg s4  }
0xaa: {  	[dreg:$0x4] =	wrdreg $0xC0  }
0xab: {  	_ =	task [dreg:s6], $0x5FFFF  }
0xac: {  	[dreg:$0x1] =	wrdreg $0xFFFFFFFF  }
0xad: {  	[dreg:$0x0] =	wrdreg $0x60  }
0xae: {  	[dreg:$0x2] =	wrdreg s24  }
0xaf: {  	[dreg:$0x3] =	wrdreg $0xF3200  }
0xb0: {  	[dreg:$0x4] =	wrdreg $0x9  }
0xb1: {  	_ =	task.clear_ibuf [dreg:s6], $0x5FFFF;
	_ =	strace $0x90000049  }
0xb2: {  	s29 =	simm.s32 $0x9;
	_ =	strace $0x8000004B  }
0xb3: {  	_ =	swait.ge [sflag:s29], $0x1  }
0xb4: {  	[sflag:s29] =	ssyncadd.s32 $0xFFFFFFFF  }
0xb5: {  	_ =	strace $0x9000004B  }
0xb6: {  	_ =	sfence  }
0xb7: {  	s30 =	sld [smem:$0x0];
	_ =	sdelay $0x2  }
0xb8: {  	s31 =	sshll.u32 s1, $0xD;
	s1 =	sshrl.u32 s1, $0x2  }
0xb9: {  	s3 =	sand.u32 $0x4000, s31;
	s1 =	sadd.s32 s1, s30  }
0xba: {  	s0 =	sor.u32 s3, s0;
	s1 =	sshll.u32 s1, $0x11  }
0xbb: {  	s0 =	sor.u32 s1, s0  }
0xbc: {  	s0 =	sadd.s32 $0x8F2B, s0  }
0xbd: {  	[sflag:s0] =	ssyncadd.remote.s32 $0x1  }
0xbe: {  	_ =	sfence.sel $0xFFFF  }
0xbf: {  	[dreg:$0x0] =	wrdreg $0xFFFFFFFF;
	(pc) =	sbr.abs _section_cstart, $3  }
0xc0: {  	[dreg:$0x1] =	wrdreg $0xFFFFFFFF  }
0xc1: {  	_ =	task.clear_ibuf [dreg:s6], $0x2FFFF;
	_ =	strace $0x9FFFFFFF  }
0xc2: {  	(tm) =	ssettm $0x7FFFFFFF  }
0xc3: {  	_ =	shalt  }
tec
execute0_lowered:
.L_overlay_start_1:
0x0: {  	(tag) =	ssettag $0x1  }
0x1: {  	s5 =	rddreg [dreg:$0x0];
	s1 =	stileid.u32  }
0x2: {  	s2 =	rddreg [dreg:$0x1];
	s4 =	smul.u32 $0x2710, s1  }
0x3: {  	s3 =	simm.s32 $0x0;
	s0 =	srdreg.scid;
	s6 =	smul.u32 $0x4E2, s1  }
0x4: {  	s0 =	sand.u32 $0x1, s0;
	s8 =	smul.u32 $0x2800, s1;
	s4 =	sshrl.u32 s4, $0x3  }
0x5: {  	[smem:$0x7FF] =	sst s3;
	p0 =	seq.s32 s0, $0x1;
	s4 =	sadd.s32 $0x4E20, s4  }
0x6: {  	s7 =	sshrl.u32 s8, $0x3;
	s6 =	smov.u32 @p0 s4;
	s4 =	sadd.s32 $0x16600, s5  }
0x7: {  	s10 =	sadd.s32 $0x1B600, s5;
	s6 =	sadd.s32 s6, s5;
	s9 =	sadd.s32 s4, s7  }
0x8: {  	_ =	strace $0x8000004A;
	[dreg:$0x3] =	wrdreg s9;
	s24 =	sadd.s32 $0xC800, s6  }
0x9: {  	s5 =	sadd.s32 $0x20600, s5;
	s6 =	sadd.s32 $0x2A00, s6;
	[dreg:$0x6] =	wrdreg s24  }
0xa: {  	s10 =	smov.u32 @p0 s5;
	[dreg:$0x4] =	wrdreg s6  }
0xb: {  	s5 =	sadd.s32 s10, s7;
	s9 =	rddreg [dreg:$0x6]  }
0xc: {  	[dreg:$0x5] =	wrdreg s5;
	s5 =	simm.s32 $0x3  }
0xd: {  	[tilespmem:s3], [sflag:$0x3] =	stream.linear.gather [hbm4b:s9+s3], $0x2710, $0x38;
	[tilespmem:$0x11B20] =	vst v63  }
0xe: {  	_ =	swait.ge [sflag:s5], $0x2710  }
0xf: {  	[sflag:s5] =	ssyncset.done $0x0  }
0x10: {  	s6 =	simm.s32 $0x2710;
	s25 =	rddreg [dreg:$0x4];
	[sflag:s5] =	ssyncadd.s32 $0xFFFFD8F0  }
0x11: {  	[tilespmem:s6], [sflag:$0x3] =	stream.linear.gather [hbm4b:s25+s3], $0x2710, $0x38;
	[tilespmem:$0x11B20] =	vst v63  }
0x12: {  	_ =	swait.ge [sflag:s5], $0x2710  }
0x13: {  	[sflag:s5] =	ssyncset.done $0x0  }
0x14: {  	s7 =	simm.s32 $0xCB20;
	s26 =	rddreg [dreg:$0x3];
	[sflag:s5] =	ssyncadd.s32 $0xFFFFD8F0  }
0x15: {  	[tilespmem:s7], [sflag:$0x3] =	stream.linear.gather [hbm4b:s26+s3], $0x2800, $0x38;
	[tilespmem:$0x11B20] =	vst v63  }
0x16: {  	_ =	swait.ge [sflag:s5], $0x2800  }
0x17: {  	[sflag:s5] =	ssyncset.done $0x0  }
0x18: {  	s8 =	sadd.s32 s8, s2;
	[sflag:s5] =	ssyncadd.s32 $0xFFFFD800  }
0x19: {  	[spmem:s8] =	stream.linear.scatter [tilespmem:s7], [sflag:$0x3], $0x2800, $0x38;
	[tilespmem:$0x11B20] =	vst v63  }
0x1a: {  	_ =	swait.ge [sflag:s5], $0x2800  }
0x1b: {  	[sflag:s5] =	ssyncset.done $0x0  }
0x1c: {  	[sflag:s5] =	ssyncadd.s32 $0xFFFFD800  }
0x1d: {  	s10 =	simm.s32 $0x4E20;
	s9 =	simm.s32 $0x3E8;
	[bflag:$0x0] =	sbarrier.arrive $0xFFFF  }
0x1e: {  	[tilespmem:s10], [sflag:$0x1] =	stream.indirect.gather [hbm4b:s4+s9], $0x10, s3, s9, $0xb8;
	[tilespmem:$0x11B20] =	vst v63  }
0x1f: {  	s11 =	simm.s32 $0x8CA0;
	s12 =	simm.s32 $0x1  }
0x20: {  	[tilespmem:s11], [sflag:$0x2] =	stream.indirect.gather [hbm4b:s4+s9], $0x10, s9, s9, $0xb8;
	[tilespmem:$0x11B20] =	vst v63  }
0x21: {  	_ =	swait.ge [sflag:s12], $0x3E80  }
0x22: {  	[sflag:s12] =	ssyncset.done $0x0  }
0x23: {  	[sflag:s12] =	ssyncadd.s32 $0xFFFFC180  }
0x24: {  	[spmem:s2] =	stream.indirect.scatter.add.f32 [tilespmem:s10], [sflag:$0x3], $0x10, s6, s9, $0xb8;
	[tilespmem:$0x11B20] =	vst v63  }
0x25: {  	_ =	swait.ge [sflag:s5], $0x3E80  }
0x26: {  	[sflag:s5] =	ssyncset.done $0x0  }
0x27: {  	s13 =	simm.s32 $0x7D0;
	s14 =	simm.s32 $0x2;
	[sflag:s5] =	ssyncadd.s32 $0xFFFFC180  }
0x28: {  	[tilespmem:s10], [sflag:$0x1] =	stream.indirect.gather [hbm4b:s4+s9], $0x10, s13, s9, $0xb8;
	[tilespmem:$0x11B20] =	vst v63  }
0x29: {  	_ =	swait.ge [sflag:s14], $0x3E80  }
0x2a: {  	[sflag:s14] =	ssyncset.done $0x0  }
0x2b: {  	s15 =	simm.s32 $0x2AF8;
	[sflag:s14] =	ssyncadd.s32 $0xFFFFC180  }
0x2c: {  	[spmem:s2] =	stream.indirect.scatter.add.f32 [tilespmem:s11], [sflag:$0x3], $0x10, s15, s9, $0xb8;
	[tilespmem:$0x11B20] =	vst v63  }
0x2d: {  	_ =	swait.ge [sflag:s5], $0x3E80  }
0x2e: {  	[sflag:s5] =	ssyncset.done $0x0  }
0x2f: {  	s16 =	simm.s32 $0xBB8;
	[sflag:s5] =	ssyncadd.s32 $0xFFFFC180  }
0x30: {  	[tilespmem:s11], [sflag:$0x2] =	stream.indirect.gather [hbm4b:s4+s9], $0x10, s16, s9, $0xb8;
	[tilespmem:$0x11B20] =	vst v63  }
0x31: {  	_ =	swait.ge [sflag:s12], $0x3E80  }
0x32: {  	[sflag:s12] =	ssyncset.done $0x0  }
0x33: {  	s17 =	simm.s32 $0x2EE0;
	[sflag:s12] =	ssyncadd.s32 $0xFFFFC180  }
0x34: {  	[spmem:s2] =	stream.indirect.scatter.add.f32 [tilespmem:s10], [sflag:$0x3], $0x10, s17, s9, $0xb8;
	[tilespmem:$0x11B20] =	vst v63  }
0x35: {  	_ =	swait.ge [sflag:s5], $0x3E80  }
0x36: {  	[sflag:s5] =	ssyncset.done $0x0  }
0x37: {  	s18 =	simm.s32 $0xFA0;
	[sflag:s5] =	ssyncadd.s32 $0xFFFFC180  }
0x38: {  	[tilespmem:s10], [sflag:$0x1] =	stream.indirect.gather [hbm4b:s4+s9], $0x10, s18, s9, $0xb8;
	[tilespmem:$0x11B20] =	vst v63  }
0x39: {  	_ =	swait.ge [sflag:s14], $0x3E80  }
0x3a: {  	[sflag:s14] =	ssyncset.done $0x0  }
0x3b: {  	s19 =	simm.s32 $0x32C8;
	[sflag:s14] =	ssyncadd.s32 $0xFFFFC180  }
0x3c: {  	[spmem:s2] =	stream.indirect.scatter.add.f32 [tilespmem:s11], [sflag:$0x3], $0x10, s19, s9, $0xb8;
	[tilespmem:$0x11B20] =	vst v63  }
0x3d: {  	_ =	swait.ge [sflag:s5], $0x3E80  }
0x3e: {  	[sflag:s5] =	ssyncset.done $0x0  }
0x3f: {  	s20 =	simm.s32 $0x1388;
	[sflag:s5] =	ssyncadd.s32 $0xFFFFC180  }
0x40: {  	[tilespmem:s11], [sflag:$0x2] =	stream.indirect.gather [hbm4b:s4+s9], $0x10, s20, s9, $0xb8;
	[tilespmem:$0x11B20] =	vst v63  }
0x41: {  	_ =	swait.ge [sflag:s12], $0x3E80  }
0x42: {  	[sflag:s12] =	ssyncset.done $0x0  }
0x43: {  	s21 =	simm.s32 $0x36B0;
	[sflag:s12] =	ssyncadd.s32 $0xFFFFC180  }
0x44: {  	[spmem:s2] =	stream.indirect.scatter.add.f32 [tilespmem:s10], [sflag:$0x3], $0x10, s21, s9, $0xb8;
	[tilespmem:$0x11B20] =	vst v63  }
0x45: {  	_ =	swait.ge [sflag:s5], $0x3E80  }
0x46: {  	[sflag:s5] =	ssyncset.done $0x0  }
0x47: {  	s22 =	simm.s32 $0x1770;
	[sflag:s5] =	ssyncadd.s32 $0xFFFFC180  }
0x48: {  	[tilespmem:s10], [sflag:$0x1] =	stream.indirect.gather [hbm4b:s4+s9], $0x10, s22, s9, $0xb8;
	[tilespmem:$0x11B20] =	vst v63  }
0x49: {  	_ =	swait.ge [sflag:s14], $0x3E80  }
0x4a: {  	[sflag:s14] =	ssyncset.done $0x0  }
0x4b: {  	s23 =	simm.s32 $0x3A98;
	[sflag:s14] =	ssyncadd.s32 $0xFFFFC180  }
0x4c: {  	[spmem:s2] =	stream.indirect.scatter.add.f32 [tilespmem:s11], [sflag:$0x3], $0x10, s23, s9, $0xb8;
	[tilespmem:$0x11B20] =	vst v63  }
0x4d: {  	_ =	swait.ge [sflag:s5], $0x3E80  }
0x4e: {  	[sflag:s5] =	ssyncset.done $0x0  }
0x4f: {  	s24 =	simm.s32 $0x1B58;
	[sflag:s5] =	ssyncadd.s32 $0xFFFFC180  }
0x50: {  	[tilespmem:s11], [sflag:$0x2] =	stream.indirect.gather [hbm4b:s4+s9], $0x10, s24, s9, $0xb8;
	[tilespmem:$0x11B20] =	vst v63  }
0x51: {  	_ =	swait.ge [sflag:s12], $0x3E80  }
0x52: {  	[sflag:s12] =	ssyncset.done $0x0  }
0x53: {  	s25 =	simm.s32 $0x3E80;
	[sflag:s12] =	ssyncadd.s32 $0xFFFFC180  }
0x54: {  	[spmem:s2] =	stream.indirect.scatter.add.f32 [tilespmem:s10], [sflag:$0x3], $0x10, s25, s9, $0xb8;
	[tilespmem:$0x11B20] =	vst v63  }
0x55: {  	_ =	swait.ge [sflag:s5], $0x3E80  }
0x56: {  	[sflag:s5] =	ssyncset.done $0x0  }
0x57: {  	s26 =	simm.s32 $0x1F40;
	[sflag:s5] =	ssyncadd.s32 $0xFFFFC180  }
0x58: {  	[tilespmem:s10], [sflag:$0x1] =	stream.indirect.gather [hbm4b:s4+s9], $0x10, s26, s9, $0xb8;
	[tilespmem:$0x11B20] =	vst v63  }
0x59: {  	_ =	swait.ge [sflag:s14], $0x3E80  }
0x5a: {  	[sflag:s14] =	ssyncset.done $0x0  }
0x5b: {  	s28 =	simm.s32 $0x4268;
	[sflag:s14] =	ssyncadd.s32 $0xFFFFC180  }
0x5c: {  	[spmem:s2] =	stream.indirect.scatter.add.f32 [tilespmem:s11], [sflag:$0x3], $0x10, s28, s9, $0xb8;
	[tilespmem:$0x11B20] =	vst v63  }
0x5d: {  	_ =	swait.ge [sflag:s5], $0x3E80  }
0x5e: {  	[sflag:s5] =	ssyncset.done $0x0  }
0x5f: {  	s29 =	simm.s32 $0x2328;
	[sflag:s5] =	ssyncadd.s32 $0xFFFFC180  }
0x60: {  	[tilespmem:s11], [sflag:$0x2] =	stream.indirect.gather [hbm4b:s4+s9], $0x10, s29, s9, $0xb8;
	[tilespmem:$0x11B20] =	vst v63  }
0x61: {  	_ =	swait.ge [sflag:s12], $0x3E80  }
0x62: {  	[sflag:s12] =	ssyncset.done $0x0  }
0x63: {  	s30 =	simm.s32 $0x4650;
	[sflag:s12] =	ssyncadd.s32 $0xFFFFC180  }
0x64: {  	[spmem:s2] =	stream.indirect.scatter.add.f32 [tilespmem:s10], [sflag:$0x3], $0x10, s30, s9, $0xb8;
	[tilespmem:$0x11B20] =	vst v63  }
0x65: {  	_ =	swait.ge [sflag:s5], $0x3E80  }
0x66: {  	[sflag:s5] =	ssyncset.done $0x0  }
0x67: {  	[sflag:s5] =	ssyncadd.s32 $0xFFFFC180  }
0x68: {  	_ =	swait.ge [sflag:s14], $0x3E80  }
0x69: {  	[sflag:s14] =	ssyncset.done $0x0  }
0x6a: {  	s31 =	simm.s32 $0x4A38;
	[sflag:s14] =	ssyncadd.s32 $0xFFFFC180  }
0x6b: {  	[spmem:s2] =	stream.indirect.scatter.add.f32 [tilespmem:s11], [sflag:$0x3], $0x10, s31, s9, $0xb8;
	[tilespmem:$0x11B20] =	vst v63  }
0x6c: {  	_ =	swait.ge [sflag:s5], $0x3E80  }
0x6d: {  	[sflag:s5] =	ssyncset.done $0x0  }
0x6e: {  	[sflag:s5] =	ssyncadd.s32 $0xFFFFC180  }
0x6f: {  	[bflag:$0x0] =	sbarrier.arrive $0xFFFF  }
0x70: {  	[tilespmem:s7], [sflag:$0x3] =	stream.linear.gather [spmem:s8], $0x2800, $0x38;
	[tilespmem:$0x11B20] =	vst v63  }
0x71: {  	_ =	swait.ge [sflag:s5], $0x2800  }
0x72: {  	s0 =	ssub.s32 $0x2, s0;
	s1 =	rddreg [dreg:$0x5]  }
0x73: {  	[dreg:$0x7] =	wrdreg s1;
	s1 =	sshrl.u32 s0, $0x1  }
0x74: {  	s0 =	ssub.s32 s0, s1  }
0x75: {  	s0 =	smax.u32 s0, $0x1  }
0x76: {  	p0 =	sne.s32 s0, $0x1  }
.Ltmp0:
0x77: {  	_ = 	snop;
	(pc) =	sbr.rel @!p0 .LBB2_2-.Ltmp0, $4  }
0x78: {  	[sflag:s5] =	ssyncset.done $0x0  }
0x79: {  	[sflag:s5] =	ssyncadd.s32 $0xFFFFD800;
	s1 =	rddreg [dreg:$0x7]  }
0x7a: {  	[hbm4b:s1+s3] =	stream.linear.scatter [tilespmem:s7], [sflag:$0x3], $0x2800, $0x38;
	[tilespmem:$0x11B20] =	vst v63  }
0x7b: {  	s0 =	sadd.s32 $0xFFFFFFFF, s0;
	_ =	swait.ge [sflag:s5], $0x2800  }
.LBB2_1:
0x7c: {  	[sflag:s5] =	ssyncset.done $0x0  }
0x7d: {  	s1 =	rddreg [dreg:$0x6];
	[sflag:s5] =	ssyncadd.s32 $0xFFFFD800  }
0x7e: {  	[tilespmem:s3], [sflag:$0x3] =	stream.linear.gather [hbm4b:s1+s3], $0x2710, $0x38;
	[tilespmem:$0x11B20] =	vst v63  }
0x7f: {  	_ =	swait.ge [sflag:s5], $0x2710  }
0x80: {  	[sflag:s5] =	ssyncset.done $0x0  }
0x81: {  	s1 =	rddreg [dreg:$0x4];
	[sflag:s5] =	ssyncadd.s32 $0xFFFFD8F0  }
0x82: {  	[tilespmem:s6], [sflag:$0x3] =	stream.linear.gather [hbm4b:s1+s3], $0x2710, $0x38;
	[tilespmem:$0x11B20] =	vst v63  }
0x83: {  	_ =	swait.ge [sflag:s5], $0x2710  }
0x84: {  	[sflag:s5] =	ssyncset.done $0x0  }
0x85: {  	s1 =	rddreg [dreg:$0x3];
	[sflag:s5] =	ssyncadd.s32 $0xFFFFD8F0  }
0x86: {  	[tilespmem:s7], [sflag:$0x3] =	stream.linear.gather [hbm4b:s1+s3], $0x2800, $0x38;
	[tilespmem:$0x11B20] =	vst v63  }
0x87: {  	_ =	swait.ge [sflag:s5], $0x2800  }
0x88: {  	[sflag:s5] =	ssyncset.done $0x0  }
0x89: {  	[sflag:s5] =	ssyncadd.s32 $0xFFFFD800  }
0x8a: {  	[spmem:s8] =	stream.linear.scatter [tilespmem:s7], [sflag:$0x3], $0x2800, $0x38;
	[tilespmem:$0x11B20] =	vst v63  }
0x8b: {  	_ =	swait.ge [sflag:s5], $0x2800  }
0x8c: {  	[sflag:s5] =	ssyncset.done $0x0  }
0x8d: {  	[sflag:s5] =	ssyncadd.s32 $0xFFFFD800  }
0x8e: {  	[bflag:$0x0] =	sbarrier.arrive $0xFFFF  }
0x8f: {  	[tilespmem:s10], [sflag:$0x1] =	stream.indirect.gather [hbm4b:s4+s9], $0x10, s3, s9, $0xb8;
	[tilespmem:$0x11B20] =	vst v63  }
0x90: {  	_ = 	snop  }
0x91: {  	[tilespmem:s11], [sflag:$0x2] =	stream.indirect.gather [hbm4b:s4+s9], $0x10, s9, s9, $0xb8;
	[tilespmem:$0x11B20] =	vst v63  }
0x92: {  	_ =	swait.ge [sflag:s12], $0x3E80  }
0x93: {  	[sflag:s12] =	ssyncset.done $0x0  }
0x94: {  	[sflag:s12] =	ssyncadd.s32 $0xFFFFC180  }
0x95: {  	[spmem:s2] =	stream.indirect.scatter.add.f32 [tilespmem:s10], [sflag:$0x3], $0x10, s6, s9, $0xb8;
	[tilespmem:$0x11B20] =	vst v63  }
0x96: {  	_ =	swait.ge [sflag:s5], $0x3E80  }
0x97: {  	[sflag:s5] =	ssyncset.done $0x0  }
0x98: {  	[sflag:s5] =	ssyncadd.s32 $0xFFFFC180  }
0x99: {  	[tilespmem:s10], [sflag:$0x1] =	stream.indirect.gather [hbm4b:s4+s9], $0x10, s13, s9, $0xb8;
	[tilespmem:$0x11B20] =	vst v63  }
0x9a: {  	_ =	swait.ge [sflag:s14], $0x3E80  }
0x9b: {  	[sflag:s14] =	ssyncset.done $0x0  }
0x9c: {  	[sflag:s14] =	ssyncadd.s32 $0xFFFFC180  }
0x9d: {  	[spmem:s2] =	stream.indirect.scatter.add.f32 [tilespmem:s11], [sflag:$0x3], $0x10, s15, s9, $0xb8;
	[tilespmem:$0x11B20] =	vst v63  }
0x9e: {  	_ =	swait.ge [sflag:s5], $0x3E80  }
0x9f: {  	[sflag:s5] =	ssyncset.done $0x0  }
0xa0: {  	[sflag:s5] =	ssyncadd.s32 $0xFFFFC180  }
0xa1: {  	[tilespmem:s11], [sflag:$0x2] =	stream.indirect.gather [hbm4b:s4+s9], $0x10, s16, s9, $0xb8;
	[tilespmem:$0x11B20] =	vst v63  }
0xa2: {  	_ =	swait.ge [sflag:s12], $0x3E80  }
0xa3: {  	[sflag:s12] =	ssyncset.done $0x0  }
0xa4: {  	[sflag:s12] =	ssyncadd.s32 $0xFFFFC180  }
0xa5: {  	[spmem:s2] =	stream.indirect.scatter.add.f32 [tilespmem:s10], [sflag:$0x3], $0x10, s17, s9, $0xb8;
	[tilespmem:$0x11B20] =	vst v63  }
0xa6: {  	_ =	swait.ge [sflag:s5], $0x3E80  }
0xa7: {  	[sflag:s5] =	ssyncset.done $0x0  }
0xa8: {  	[sflag:s5] =	ssyncadd.s32 $0xFFFFC180  }
0xa9: {  	[tilespmem:s10], [sflag:$0x1] =	stream.indirect.gather [hbm4b:s4+s9], $0x10, s18, s9, $0xb8;
	[tilespmem:$0x11B20] =	vst v63  }
0xaa: {  	_ =	swait.ge [sflag:s14], $0x3E80  }
0xab: {  	[sflag:s14] =	ssyncset.done $0x0  }
0xac: {  	[sflag:s14] =	ssyncadd.s32 $0xFFFFC180  }
0xad: {  	[spmem:s2] =	stream.indirect.scatter.add.f32 [tilespmem:s11], [sflag:$0x3], $0x10, s19, s9, $0xb8;
	[tilespmem:$0x11B20] =	vst v63  }
0xae: {  	_ =	swait.ge [sflag:s5], $0x3E80  }
0xaf: {  	[sflag:s5] =	ssyncset.done $0x0  }
0xb0: {  	[sflag:s5] =	ssyncadd.s32 $0xFFFFC180  }
0xb1: {  	[tilespmem:s11], [sflag:$0x2] =	stream.indirect.gather [hbm4b:s4+s9], $0x10, s20, s9, $0xb8;
	[tilespmem:$0x11B20] =	vst v63  }
0xb2: {  	_ =	swait.ge [sflag:s12], $0x3E80  }
0xb3: {  	[sflag:s12] =	ssyncset.done $0x0  }
0xb4: {  	[sflag:s12] =	ssyncadd.s32 $0xFFFFC180  }
0xb5: {  	[spmem:s2] =	stream.indirect.scatter.add.f32 [tilespmem:s10], [sflag:$0x3], $0x10, s21, s9, $0xb8;
	[tilespmem:$0x11B20] =	vst v63  }
0xb6: {  	_ =	swait.ge [sflag:s5], $0x3E80  }
0xb7: {  	[sflag:s5] =	ssyncset.done $0x0  }
0xb8: {  	[sflag:s5] =	ssyncadd.s32 $0xFFFFC180  }
0xb9: {  	[tilespmem:s10], [sflag:$0x1] =	stream.indirect.gather [hbm4b:s4+s9], $0x10, s22, s9, $0xb8;
	[tilespmem:$0x11B20] =	vst v63  }
0xba: {  	_ =	swait.ge [sflag:s14], $0x3E80  }
0xbb: {  	[sflag:s14] =	ssyncset.done $0x0  }
0xbc: {  	[sflag:s14] =	ssyncadd.s32 $0xFFFFC180  }
0xbd: {  	[spmem:s2] =	stream.indirect.scatter.add.f32 [tilespmem:s11], [sflag:$0x3], $0x10, s23, s9, $0xb8;
	[tilespmem:$0x11B20] =	vst v63  }
0xbe: {  	_ =	swait.ge [sflag:s5], $0x3E80  }
0xbf: {  	[sflag:s5] =	ssyncset.done $0x0  }
0xc0: {  	[sflag:s5] =	ssyncadd.s32 $0xFFFFC180  }
0xc1: {  	[tilespmem:s11], [sflag:$0x2] =	stream.indirect.gather [hbm4b:s4+s9], $0x10, s24, s9, $0xb8;
	[tilespmem:$0x11B20] =	vst v63  }
0xc2: {  	_ =	swait.ge [sflag:s12], $0x3E80  }
0xc3: {  	[sflag:s12] =	ssyncset.done $0x0  }
0xc4: {  	[sflag:s12] =	ssyncadd.s32 $0xFFFFC180  }
0xc5: {  	[spmem:s2] =	stream.indirect.scatter.add.f32 [tilespmem:s10], [sflag:$0x3], $0x10, s25, s9, $0xb8;
	[tilespmem:$0x11B20] =	vst v63  }
0xc6: {  	_ =	swait.ge [sflag:s5], $0x3E80  }
0xc7: {  	[sflag:s5] =	ssyncset.done $0x0  }
0xc8: {  	[sflag:s5] =	ssyncadd.s32 $0xFFFFC180  }
0xc9: {  	[tilespmem:s10], [sflag:$0x1] =	stream.indirect.gather [hbm4b:s4+s9], $0x10, s26, s9, $0xb8;
	[tilespmem:$0x11B20] =	vst v63  }
0xca: {  	_ =	swait.ge [sflag:s14], $0x3E80  }
0xcb: {  	[sflag:s14] =	ssyncset.done $0x0  }
0xcc: {  	[sflag:s14] =	ssyncadd.s32 $0xFFFFC180  }
0xcd: {  	[spmem:s2] =	stream.indirect.scatter.add.f32 [tilespmem:s11], [sflag:$0x3], $0x10, s28, s9, $0xb8;
	[tilespmem:$0x11B20] =	vst v63  }
0xce: {  	_ =	swait.ge [sflag:s5], $0x3E80  }
0xcf: {  	[sflag:s5] =	ssyncset.done $0x0  }
0xd0: {  	[sflag:s5] =	ssyncadd.s32 $0xFFFFC180  }
0xd1: {  	[tilespmem:s11], [sflag:$0x2] =	stream.indirect.gather [hbm4b:s4+s9], $0x10, s29, s9, $0xb8;
	[tilespmem:$0x11B20] =	vst v63  }
0xd2: {  	_ =	swait.ge [sflag:s12], $0x3E80  }
0xd3: {  	[sflag:s12] =	ssyncset.done $0x0  }
0xd4: {  	[sflag:s12] =	ssyncadd.s32 $0xFFFFC180  }
0xd5: {  	[spmem:s2] =	stream.indirect.scatter.add.f32 [tilespmem:s10], [sflag:$0x3], $0x10, s30, s9, $0xb8;
	[tilespmem:$0x11B20] =	vst v63  }
0xd6: {  	_ =	swait.ge [sflag:s5], $0x3E80  }
0xd7: {  	[sflag:s5] =	ssyncset.done $0x0  }
0xd8: {  	[sflag:s5] =	ssyncadd.s32 $0xFFFFC180  }
0xd9: {  	_ =	swait.ge [sflag:s14], $0x3E80  }
0xda: {  	[sflag:s14] =	ssyncset.done $0x0  }
0xdb: {  	[sflag:s14] =	ssyncadd.s32 $0xFFFFC180  }
0xdc: {  	[spmem:s2] =	stream.indirect.scatter.add.f32 [tilespmem:s11], [sflag:$0x3], $0x10, s31, s9, $0xb8;
	[tilespmem:$0x11B20] =	vst v63  }
0xdd: {  	_ =	swait.ge [sflag:s5], $0x3E80  }
0xde: {  	[sflag:s5] =	ssyncset.done $0x0  }
0xdf: {  	[sflag:s5] =	ssyncadd.s32 $0xFFFFC180  }
0xe0: {  	p0 =	sne.s32 s0, $0x1;
	[bflag:$0x0] =	sbarrier.arrive $0xFFFF  }
0xe1: {  	[tilespmem:s7], [sflag:$0x3] =	stream.linear.gather [spmem:s8], $0x2800, $0x38;
	[tilespmem:$0x11B20] =	vst v63  }
.Ltmp1:
0xe2: {  	_ =	swait.ge [sflag:s5], $0x2800;
	(pc) =	sbr.rel @p0 .LBB2_1-.Ltmp1, $4  }
0xe3: {  	[sflag:s5] =	ssyncset.done $0x0  }
0xe4: {  	s1 =	rddreg [dreg:$0x5];
	[sflag:s5] =	ssyncadd.s32 $0xFFFFD800  }
0xe5: {  	[hbm4b:s1+s3] =	stream.linear.scatter [tilespmem:s7], [sflag:$0x3], $0x2800, $0x38;
	[tilespmem:$0x11B20] =	vst v63  }
0xe6: {  	s0 =	sadd.s32 $0xFFFFFFFF, s0;
	_ =	swait.ge [sflag:s5], $0x2800  }
.LBB2_2:
0xe7: {  	[sflag:s5] =	ssyncset.done $0x0  }
0xe8: {  	[sflag:s5] =	ssyncadd.s32 $0xFFFFD800  }
0xe9: {  	_ =	sfence.sel $0x180000  }
0xea: {  	[bflag:$0x0] =	sbarrier.arrive $0xFFFF  }
0xeb: {  	_ =	strace $0x9000004A  }
0xec: {  	s0 =	stileid.u32;
	[bflag:$0x2] =	sbarrier.arrive $0xFFFF  }
0xed: {  	p0 =	sne.s32 s0, $0x0;
	s0 =	rddreg [dreg:$0x2]  }
0xee: {  	s0 =	sadd.s32 @!p0 $0x100000, s0  }
0xef: {  	[sflag:s0] =	ssyncadd.tile.s32 @!p0 $0x1;
	_ =	shalt  }
.Lfunc_end2:
_tile_overlayer_lowered:
.L_overlay_start_2:
0xf0: {  	(tag) =	ssettag $0x2  }
0xf1: {  	s0 =	rddreg [dreg:$0x0];
	s2 =	stileid.u32  }
0xf2: {  	s1 =	rddreg [dreg:$0x1];
	p0 =	sne.s32 s2, $0x0  }
0xf3: {  	s3 =	rddreg [dreg:$0x2];
	[bflag:$0x3] =	sbarrier.arrive $0xFFFF;
	s2 =	simm.s32 @!p0 $0x1C03  }
0xf4: {  	[timem:s3], [sflag:s2] =	dma.local @!p0 [hbm:s0], s1  }
0xf5: {  	s0 =	simm.s32 @!p0 $0x3  }
0xf6: {  	_ =	swait.ge @!p0 [sflag:s0], s1  }
0xf7: {  	s1 =	ssub.s32 @!p0 $0x0, s1;
	[sflag:s0] =	ssyncset.done @!p0 $0x0  }
0xf8: {  	[sflag:s0] =	ssyncadd.s32 @!p0 s1  }
0xf9: {  	[bflag:$0x3] =	sbarrier.arrive $0xFFFF  }
0xfa: {  	_ =	shalt  }

// kernel: kernel.7.cloned.1.call-start
scs
__scs_entry_jumppad:
0x0: {  	(pc) =	sbr.rel $0x88, $3  }
0x1: {  	(tag) =	ssettag $0x0;
	lr =	simm.s32 $0x1  }
0x2: {  	[smem:$0x3F98] =	sst lr;
	_ =	strace $0xD0000000  }
0x3: {  	_ = 	snop  }
0x4: {  	_ = 	snop  }
0x5: {  	_ = 	snop  }
0x6: {  	_ = 	snop  }
0x7: {  	_ = 	snop  }
__scs_overlays_trampoline_lowered:
0x8: {  	[smem:$0x3FA7] =	sst s0  }
0x9: {  	[smem:$0x3FA8] =	sst s1  }
0xa: {  	[smem:$0x3FA9] =	sst s2  }
0xb: {  	[smem:$0x3FAA] =	sst s3  }
0xc: {  	[smem:$0x3FAB] =	sst s4  }
0xd: {  	[smem:$0x3FAC] =	sst s5  }
0xe: {  	[smem:$0x3FAD] =	sst s6  }
0xf: {  	[smem:$0x3FAE] =	sst s7  }
0x10: {  	[smem:$0x3FAF] =	sst s8  }
0x11: {  	[smem:$0x3FB0] =	sst s9;
	s0 =	simm.s32 @!p0 $0x0  }
0x12: {  	s1 =	sld [smem:$0x3F96];
	s0 =	simm.s32 @p0 $0x1  }
0x13: {  	[smem:$0x3FB1] =	sst s0;
	s0 =	simm.s32 @!p1 $0x0  }
0x14: {  	s2 =	sld [smem:$0x3F95];
	s0 =	simm.s32 @p1 $0x1  }
0x15: {  	[smem:$0x3FB2] =	sst s0;
	s0 =	simm.s32 @!p2 $0x0  }
0x16: {  	s3 =	sld [smem:$0x3FDB];
	s0 =	simm.s32 @p2 $0x1  }
0x17: {  	s4 =	simm.s32 $0x1BF5;
	[smem:$0x3FB4] =	sst s0  }
0x18: {  	s0 =	sld [smem:$0x3F97];
	_ =	swait.ge [sflag:s4], $0x0  }
0x19: {  	s7 =	sld [smem:$0x3F98]  }
0x1a: {  	s8 =	sadd.s32 $0xFFFFE003, lr  }
0x1b: {  	s9 =	sadd.s32 $0xFFFFFEF7, lr;
	s5 =	simm.s32 $0xFFFFFFFF;
	p2 =	slt.u32 s8, $0xFFFFF086  }
0x1c: {  	p1 =	slt.u32 s9, $0xF7A;
	s5 =	simm.s32 @!p2 $0x0  }
0x1d: {  	s5 =	simm.s32 @p1 $0x1;
	p0 =	seq.s32 s7, s2  }
0x1e: {  	s7 =	smul.u32 @!p0 $0xF7A, s2;
	p2 =	seq.s32 @!p0 s5, $0x0  }
0x1f: {  	s9 =	smul.u32 $0xF7A, s1;
	s8 =	simm.s32 @!p0 $0x1BF5;
	p2 =	por !p2, p0  }
0x20: {  	[sflag:s8] =	ssyncset.s32 @!p0 $0xFFFFF086;
	s6 =	sadd.s32 @!p0 s3, s7;
	s7 =	simm.s32 @!p0 $0x108  }
0x21: {  	s3 =	sadd.s32 s3, s9;
	s6 =	sadd.s32 @!p0 $0x88, s6;
	s7 =	simm.s32 @p2 $0x1082  }
0x22: {  	[simem:s7], [sflag:s8] =	dma.local @!p0 [hbm:s6], $0xF7A  }
0x23: {  	s9 =	sor.u32 $0xD0000000, s2;
	s6 =	simm.s32 $0x108;
	_ =	swait.ge @!p0 [sflag:s8], $0x0  }
0x24: {  	s3 =	sadd.s32 $0x88, s3;
	s6 =	simm.s32 @!p1 $0x1082;
	[sflag:s4] =	ssyncset.s32 $0xFFFFF086  }
0x25: {  	[simem:s6], [sflag:s4] =	dma.local [hbm:s3], $0xF7A  }
0x26: {  	[smem:$0x3F98] =	sst s1;
	(tag) =	ssettag s2;
	_ =	strace s9  }
0x27: {  	s1 =	sld [smem:$0x3FA8]  }
0x28: {  	s2 =	sld [smem:$0x3FA9]  }
0x29: {  	s4 =	sld [smem:$0x3FAB]  }
0x2a: {  	p0 =	seq.s32 s5, $0x0;
	s5 =	sld [smem:$0x3FAC]  }
0x2b: {  	s6 =	sld [smem:$0x3FAD]  }
0x2c: {  	s7 =	sld [smem:$0x3FAE]  }
0x2d: {  	s3 =	simm.s32 $0x108;
	s8 =	sld [smem:$0x3FAF]  }
0x2e: {  	s3 =	simm.s32 @!p0 $0x1082;
	s9 =	sld [smem:$0x3FB0]  }
0x2f: {  	lr =	sadd.s32 s0, s3;
	s0 =	sld [smem:$0x3FA7]  }
0x30: {  	s3 =	sld [smem:$0x3FAA]  }
0x31: {  	[smem:$0x3FB3] =	sst s10  }
0x32: {  	s10 =	sld [smem:$0x3FB1];
	_ =	sdelay $0x3  }
0x33: {  	p0 =	seq.s32 s10, $0x1;
	s10 =	sld [smem:$0x3FB3];
	_ =	sdelay $0x3  }
0x34: {  	[smem:$0x3FB3] =	sst s10  }
0x35: {  	s10 =	sld [smem:$0x3FB2];
	_ =	sdelay $0x3  }
0x36: {  	p1 =	seq.s32 s10, $0x1;
	s10 =	sld [smem:$0x3FB3];
	_ =	sdelay $0x3  }
0x37: {  	[smem:$0x3FB3] =	sst s10  }
0x38: {  	s10 =	sld [smem:$0x3FB4]  }
0x39: {  	_ = 	snop;
	(pc) =	sbr.ind lr, $3  }
0x3a: {  	_ = 	snop  }
0x3b: {  	_ = 	snop  }
0x3c: {  	p2 =	seq.s32 s10, $0x1;
	s10 =	sld [smem:$0x3FB3]  }
0x3d: {  	_ =	shalt  }
0x3e: {  	_ =	shalt  }
0x3f: {  	_ =	shalt  }
0x40: {  	_ =	shalt  }
0x41: {  	_ =	shalt  }
0x42: {  	_ =	shalt  }
0x43: {  	_ =	shalt  }
0x44: {  	_ =	shalt  }
0x45: {  	_ =	shalt  }
0x46: {  	_ =	shalt  }
0x47: {  	_ =	shalt  }
0x48: {  	_ =	shalt  }
0x49: {  	_ =	shalt  }
0x4a: {  	_ =	shalt  }
0x4b: {  	_ =	shalt  }
0x4c: {  	_ =	shalt  }
0x4d: {  	_ =	shalt  }
0x4e: {  	_ =	shalt  }
0x4f: {  	_ =	shalt  }
0x50: {  	_ =	shalt  }
0x51: {  	_ =	shalt  }
0x52: {  	_ =	shalt  }
0x53: {  	_ =	shalt  }
0x54: {  	_ =	shalt  }
0x55: {  	_ =	shalt  }
0x56: {  	_ =	shalt  }
0x57: {  	_ =	shalt  }
0x58: {  	_ =	shalt  }
0x59: {  	_ =	shalt  }
0x5a: {  	_ =	shalt  }
0x5b: {  	_ =	shalt  }
0x5c: {  	_ =	shalt  }
0x5d: {  	_ =	shalt  }
0x5e: {  	_ =	shalt  }
0x5f: {  	_ =	shalt  }
0x60: {  	_ =	shalt  }
0x61: {  	_ =	shalt  }
0x62: {  	_ =	shalt  }
0x63: {  	_ =	shalt  }
0x64: {  	_ =	shalt  }
0x65: {  	_ =	shalt  }
0x66: {  	_ =	shalt  }
0x67: {  	_ =	shalt  }
0x68: {  	_ =	shalt  }
0x69: {  	_ =	shalt  }
0x6a: {  	_ =	shalt  }
0x6b: {  	_ =	shalt  }
0x6c: {  	_ =	shalt  }
0x6d: {  	_ =	shalt  }
0x6e: {  	_ =	shalt  }
0x6f: {  	_ =	shalt  }
0x70: {  	_ =	shalt  }
0x71: {  	_ =	shalt  }
0x72: {  	_ =	shalt  }
0x73: {  	_ =	shalt  }
0x74: {  	_ =	shalt  }
0x75: {  	_ =	shalt  }
0x76: {  	_ =	shalt  }
0x77: {  	_ =	shalt  }
0x78: {  	_ =	shalt  }
0x79: {  	_ =	shalt  }
0x7a: {  	_ =	shalt  }
0x7b: {  	_ =	shalt  }
0x7c: {  	_ =	shalt  }
0x7d: {  	_ =	shalt  }
0x7e: {  	_ =	shalt  }
0x7f: {  	_ =	shalt  }
0x80: {  	_ =	shalt  }
0x81: {  	_ =	shalt  }
0x82: {  	_ =	shalt  }
0x83: {  	_ =	shalt  }
0x84: {  	_ =	shalt  }
0x85: {  	_ =	shalt  }
0x86: {  	_ =	shalt  }
0x87: {  	_ =	shalt  }
.Lfunc_end0:
.L_simem_size_0:
called_computation_lowered:
.L_overlay_start_0:
0x88: {  	s2 =	sld [smem:$0x3FD9]  }
0x89: {  	s3 =	sld [smem:$0x3FFE];
	_ =	sdelay $0x1  }
0x8a: {  	s1 =	srdreg.scid  }
0x8b: {  	s0 =	sand.u32 $0x1, s1  }
0x8c: {  	s16 =	sshll.u32 s0, $0xA;
	s2 =	sadd.s32 s3, s2  }
0x8d: {  	s2 =	sadd.s32 s2, s16  }
0x8e: {  	[smem:$0x3FBF] =	sst s2  }
0x8f: {  	_ = 	snop  }
0x90: {  	(tm) =	ssettm $0x1  }
0x91: {  	s17 =	sld [smem:$0x3FFB];
	_ =	sdelay $0x3  }
0x92: {  	_ =	strace s17  }
0x93: {  	s2 =	sld [smem:$0x3FFC];
	_ =	sdelay $0x3  }
0x94: {  	_ =	strace s2  }
0x95: {  	s2 =	sld [smem:$0x3FFD];
	_ =	sdelay $0x3  }
0x96: {  	_ =	strace s2  }
0x97: {  	_ =	strace $0x8FFFFFFF  }
0x98: {  	s18 =	sld [smem:$0x3FDB];
	_ =	sdelay $0x1  }
0x99: {  	s19 =	simm.s32 $_scs_section_size  }
0x9a: {  	s4 =	simm.s32 $_size__tile_overlayer_lowered;
	s5 =	simm.s32 $_tile_overlayer_lowered  }
0x9b: {  	s22 =	simm.s32 $0x1BFF;
	s21 =	sshll.u32 s5, $0x1;
	s2 =	sadd.s32 s19, s18  }
0x9c: {  	s6 =	simm.s32 $0x0;
	s20 =	sshll.u32 s4, $0x1;
	s4 =	sadd.s32 s21, s2  }
0x9d: {  	[timem:s6], [sflag:s22] =	dma.local [hbm:s4], s20  }
0x9e: {  	_ =	swait.ge [sflag:s22], s20  }
0x9f: {  	s3 =	ssub.s32 $0x0, s20;
	[sflag:s22] =	ssyncset.done $0x0  }
0xa0: {  	[sflag:s22] =	ssyncadd.s32 s3;
	_ =	sdelay $0x1  }
0xa1: {  	s23 =	simm.s32 $0x1B8B  }
0xa2: {  	_ =	swait.ge [sflag:s23], $0x1  }
0xa3: {  	[sflag:s23] =	ssyncset.done $0x0  }
0xa4: {  	s25 =	simm.s32 $0x1B8E;
	s24 =	sld [smem:$0x3FFE];
	[sflag:s23] =	ssyncadd.s32 $0xFFFFFFFF  }
0xa5: {  	s26 =	simm.s32 $execute0_lowered;
	[smem:$0x3FD2] =	sst s25  }
0xa6: {  	s4 =	sshll.u32 s26, $0x1;
	_ =	strace $0x80000046;
	[dreg:$0x1] =	wrdreg $0xFFFFFFFF  }
0xa7: {  	s28 =	simm.s32 $_size_execute0_lowered;
	s2 =	sadd.s32 s2, s4;
	[dreg:$0x0] =	wrdreg $0x0  }
0xa8: {  	s4 =	sshll.u32 s28, $0x1;
	[dreg:$0x2] =	wrdreg s2  }
0xa9: {  	[dreg:$0x3] =	wrdreg s4  }
0xaa: {  	[dreg:$0x4] =	wrdreg $0xC0  }
0xab: {  	_ =	task [dreg:s6], $0x5FFFF  }
0xac: {  	[dreg:$0x1] =	wrdreg $0xFFFFFFFF  }
0xad: {  	[dreg:$0x0] =	wrdreg $0x60  }
0xae: {  	[dreg:$0x2] =	wrdreg s24  }
0xaf: {  	[dreg:$0x3] =	wrdreg $0x1A3600  }
0xb0: {  	[dreg:$0x4] =	wrdreg $0x17B600  }
0xb1: {  	[dreg:$0x5] =	wrdreg $0x9  }
0xb2: {  	_ =	task.clear_ibuf [dreg:s6], $0x6FFFF;
	_ =	strace $0x90000046  }
0xb3: {  	s29 =	simm.s32 $0x9;
	_ =	strace $0x80000048  }
0xb4: {  	_ =	swait.ge [sflag:s29], $0x1  }
0xb5: {  	[sflag:s29] =	ssyncadd.s32 $0xFFFFFFFF  }
0xb6: {  	_ =	strace $0x90000048  }
0xb7: {  	_ =	sfence  }
0xb8: {  	s30 =	sld [smem:$0x0];
	_ =	sdelay $0x2  }
0xb9: {  	s31 =	sshll.u32 s1, $0xD;
	s1 =	sshrl.u32 s1, $0x2  }
0xba: {  	s3 =	sand.u32 $0x4000, s31;
	s1 =	sadd.s32 s1, s30  }
0xbb: {  	s0 =	sor.u32 s3, s0;
	s1 =	sshll.u32 s1, $0x11  }
0xbc: {  	s0 =	sor.u32 s1, s0  }
0xbd: {  	s0 =	sadd.s32 $0x8F2B, s0  }
0xbe: {  	[sflag:s0] =	ssyncadd.remote.s32 $0x1  }
0xbf: {  	_ =	sfence.sel $0xFFFF  }
0xc0: {  	[dreg:$0x0] =	wrdreg $0xFFFFFFFF;
	(pc) =	sbr.abs _section_cstart, $3  }
0xc1: {  	[dreg:$0x1] =	wrdreg $0xFFFFFFFF  }
0xc2: {  	_ =	task.clear_ibuf [dreg:s6], $0x2FFFF;
	_ =	strace $0x9FFFFFFF  }
0xc3: {  	(tm) =	ssettm $0x7FFFFFFF  }
tec
execute0_lowered:
.L_overlay_start_1:
0x0: {  	(tag) =	ssettag $0x1  }
0x1: {  	s0 =	rddreg [dreg:$0x0]  }
0x2: {  	s2 =	rddreg [dreg:$0x1]  }
0x3: {  	s3 =	rddreg [dreg:$0x2];
	s11 =	stileid.u32  }
0x4: {  	s4 =	simm.s32 $0x0;
	s7 =	srdreg.scid;
	s28 =	simm.s32 $0x6D60  }
0x5: {  	s29 =	simm.s32 $0x7D00;
	s30 =	simm.s32 $0x8CA0;
	s1 =	smul.u32 $0x9C4, s11  }
0x6: {  	s31 =	simm.s32 $0x11940;
	[smem:$0x7FF] =	sst s4;
	s6 =	smul.u32 $0x2800, s11  }
0x7: {  	s9 =	sadd.s32 $0x3E200, s0;
	s7 =	sand.u32 $0x1, s7;
	s15 =	sadd.s32 $0x43200, s0  }
0x8: {  	s16 =	sadd.s32 $0x4D200, s0;
	_ =	strace $0x80000047;
	[dreg:$0x4] =	wrdreg s9  }
0x9: {  	s10 =	sadd.s32 $0x48200, s0;
	s12 =	smul.u32 $0xA00, s11;
	[dreg:$0x5] =	wrdreg s15  }
0xa: {  	s19 =	sadd.s32 $0x34200, s0;
	s11 =	sadd.s32 $0x39200, s0;
	[dreg:$0x6] =	wrdreg s16  }
0xb: {  	s17 =	ssub.s32 $0x2, s7;
	[dreg:$0x7] =	wrdreg s10;
	p0 =	seq.s32 s7, $0x1  }
0xc: {  	s7 =	simm.s32 $0x2;
	s9 =	simm.s32 $0x9858;
	s1 =	sadd.s32 s1, s0  }
0xd: {  	s5 =	sshrl.u32 s6, $0x3;
	s18 =	sshrl.u32 s17, $0x1;
	s22 =	sshrl.u32 s12, $0x2  }
0xe: {  	s16 =	sadd.s32 s6, s3;
	s6 =	simm.s32 $0xDAC0;
	s12 =	simm.s32 $0x1  }
0xf: {  	s8 =	sadd.s32 s5, s0;
	s20 =	ssub.s32 s17, s18;
	s21 =	sadd.s32 $0xC800, s1  }
0x10: {  	s23 =	sadd.s32 $0x2A00, s1;
	s14 =	sadd.s32 s22, s2;
	s25 =	sadd.s32 $0x20400, s1  }
0x11: {  	s1 =	sadd.s32 $0x16600, s1;
	s22 =	simm.s32 $0x4E20;
	[dreg:$0x8] =	wrdreg s21  }
0x12: {  	s0 =	simm.s32 $0x9C40;
	s18 =	simm.s32 $0x0;
	[dreg:$0x9] =	wrdreg s23  }
.Ltmp0:
0x13: {  	s17 =	simm.s32 $0x14140;
	[dreg:$0xb] =	wrdreg s25;
	(pc) =	sbr.rel .LBB2_1-.Ltmp0, $4  }
0x14: {  	s24 =	sadd.s32 $0x2A200, s8;
	[dreg:$0xc] =	wrdreg s1;
	s26 =	sadd.s32 $0x2F200, s8  }
0x15: {  	s20 =	smax.u32 s20, $0x1;
	s21 =	simm.s32 $0x3;
	s23 =	simm.s32 $0x16940  }
0x16: {  	s25 =	simm.s32 $0x16BC0;
	s1 =	simm.s32 $0x3E8;
	[dreg:$0xa] =	wrdreg s24  }
0x17: {  	v0 =	vimm.f32 $1.000000000e+00;
	[dreg:$0xd] =	wrdreg s26;
	s24 =	simm.s32 $0xFA0;
	s26 =	simm.s32 $0x5DC0  }
.LBB2_15:
0x18: {  	v7 =	vbroadcast v1, $0x0  }
0x19: {  	v10 =	vbroadcast v1, $0x1  }
0x1a: {  	v12 =	vbroadcast v1, $0x2;
	[tilespmem:s15+$0x14140] =	vst v7  }
0x1b: {  	v54 =	vbroadcast v1, $0x3;
	[tilespmem:s15+$0x14150] =	vst v10  }
0x1c: {  	v13 =	vbroadcast v1, $0x4;
	[tilespmem:s15+$0x14160] =	vst v12  }
0x1d: {  	v14 =	vbroadcast v1, $0x5;
	[tilespmem:s15+$0x14170] =	vst v54  }
0x1e: {  	v15 =	vbroadcast v1, $0x6;
	[tilespmem:s15+$0x14180] =	vst v13  }
0x1f: {  	v16 =	vbroadcast v1, $0x7;
	[tilespmem:s15+$0x14190] =	vst v14  }
0x20: {  	v57 =	vbroadcast v1, $0x8;
	[tilespmem:s15+$0x141A0] =	vst v15  }
0x21: {  	v18 =	vbroadcast v1, $0x9;
	[tilespmem:s15+$0x141B0] =	vst v16  }
0x22: {  	v4 =	vld [tilespmem:s15+$0x11940];
	v58 =	vbroadcast v1, $0xA;
	[tilespmem:s15+$0x141C0] =	vst v57  }
0x23: {  	v3 =	vld [tilespmem:s15+$0x11950];
	v20 =	vbroadcast v1, $0xB;
	[tilespmem:s15+$0x141D0] =	vst v18  }
0x24: {  	v5 =	vld [tilespmem:s15+$0x11960];
	v60 =	vbroadcast v1, $0xD;
	[tilespmem:s15+$0x141E0] =	vst v58  }
0x25: {  	v9 =	vld [tilespmem:s15+$0x11980];
	v61 =	vbroadcast v1, $0xE;
	[tilespmem:s15+$0x141F0] =	vst v20  }
0x26: {  	v8 =	vld [tilespmem:s15+$0x11990];
	v2 =	vmul.f32 v2, v54;
	[tilespmem:s15+$0x14210] =	vst v60  }
0x27: {  	v11 =	vld [tilespmem:s15+$0x119A0];
	[tilespmem:s15+$0x14220] =	vst v61;
	v4 =	vmul.f32 v4, v7  }
0x28: {  	v6 =	vld [tilespmem:s15+$0x119B0];
	[tilespmem:s15+$0x11970] =	vst v2;
	v3 =	vmul.f32 v3, v10  }
0x29: {  	v52 =	vld [tilespmem:s15+$0x119F0];
	v5 =	vmul.f32 v5, v12;
	[tilespmem:s15+$0x11940] =	vst v4  }
0x2a: {  	v19 =	vld [tilespmem:s15+$0x11A20];
	v9 =	vmul.f32 v9, v13;
	[tilespmem:s15+$0x11950] =	vst v3  }
0x2b: {  	v53 =	vld [tilespmem:s15+$0x119D0];
	v8 =	vmul.f32 v8, v14;
	[tilespmem:s15+$0x11960] =	vst v5  }
0x2c: {  	v55 =	vld [tilespmem:s15+$0x119E0];
	v11 =	vmul.f32 v11, v15;
	[tilespmem:s15+$0x11980] =	vst v9  }
0x2d: {  	v6 =	vmul.f32 v6, v16;
	v3 =	vld [tilespmem:s15+$0x119C0];
	[tilespmem:s15+$0x11990] =	vst v8  }
0x2e: {  	v56 =	vld [tilespmem:s15+$0x11A10];
	v59 =	vmul.f32 v52, v20;
	[tilespmem:s15+$0x119A0] =	vst v11  }
0x2f: {  	v63 =	vmul.f32 v19, v61;
	[tilespmem:s15+$0x119B0] =	vst v6  }
0x30: {  	v4 =	vmul.f32 v53, v18;
	[tilespmem:s15+$0x119F0] =	vst v59  }
0x31: {  	v17 =	vld [tilespmem:s15+$0x11A00];
	v5 =	vmul.f32 v55, v58;
	[tilespmem:s15+$0x11A20] =	vst v63  }
0x32: {  	v2 =	vld [tilespmem:s15+$0x11A30];
	[tilespmem:s15+$0x119D0] =	vst v4;
	v3 =	vmul.f32 v3, v57  }
0x33: {  	v9 =	vmul.f32 v56, v60;
	[tilespmem:s15+$0x119E0] =	vst v5  }
0x34: {  	[tilespmem:s15+$0x119C0] =	vst v3;
	v3 =	vbroadcast v1, $0xC  }
0x35: {  	[tilespmem:s15+$0x11A10] =	vst v9;
	v1 =	vbroadcast v1, $0xF  }
0x36: {  	v62 =	vmul.f32 v17, v3;
	[tilespmem:s15+$0x14200] =	vst v3  }
0x37: {  	v2 =	vmul.f32 v2, v1;
	[tilespmem:s15+$0x14230] =	vst v1  }
0x38: {  	s13 =	rddreg [dreg:$0x7];
	[tilespmem:s15+$0x11A00] =	vst v62  }
0x39: {  	s8 =	smov.u32 s11;
	s10 =	smov.u32 s11;
	[tilespmem:s15+$0x11A30] =	vst v2;
	s15 =	rddreg [dreg:$0x5]  }
.LBB2_16:
0x3a: {  	s13 =	sadd.s32 s13, s5  }
0x3b: {  	[hbm4b:s13+s4] =	stream.linear.scatter [tilespmem:s17], [sflag:$0x3], $0x2800, $0x38;
	[tilespmem:$0x1A5E0] =	vst v63  }
0x3c: {  	_ =	swait.ge [sflag:s21], $0x2800  }
0x3d: {  	[sflag:s21] =	ssyncset.done $0x0  }
0x3e: {  	s8 =	sadd.s32 s8, s5;
	[sflag:s21] =	ssyncadd.s32 $0xFFFFD800  }
0x3f: {  	[hbm4b:s8+s4] =	stream.linear.scatter [tilespmem:s31], [sflag:$0x3], $0x2800, $0x38;
	[tilespmem:$0x1A5E0] =	vst v63  }
0x40: {  	_ =	swait.ge [sflag:s21], $0x2800  }
0x41: {  	[sflag:s21] =	ssyncset.done $0x0  }
0x42: {  	[sflag:s21] =	ssyncadd.s32 $0xFFFFD800  }
0x43: {  	[spmem:s16] =	stream.linear.scatter [tilespmem:s31], [sflag:$0x3], $0x2800, $0x38;
	[tilespmem:$0x1A5E0] =	vst v63  }
0x44: {  	_ =	swait.ge [sflag:s21], $0x2800  }
0x45: {  	[sflag:s21] =	ssyncset.done $0x0  }
0x46: {  	[sflag:s21] =	ssyncadd.s32 $0xFFFFD800  }
0x47: {  	[bflag:$0x0] =	sbarrier.arrive $0xFFFF  }
0x48: {  	[tilespmem:s0], [sflag:$0x1] =	stream.indirect.gather [hbm4b:s10+s1], $0x10, s4, s1, $0xb8;
	[tilespmem:$0x1A5E0] =	vst v63  }
0x49: {  	_ = 	snop  }
0x4a: {  	[tilespmem:s6], [sflag:$0x2] =	stream.indirect.gather [hbm4b:s10+s1], $0x10, s1, s1, $0xb8;
	[tilespmem:$0x1A5E0] =	vst v63  }
0x4b: {  	_ =	swait.ge [sflag:s12], $0x3E80  }
0x4c: {  	[sflag:s12] =	ssyncset.done $0x0  }
0x4d: {  	[sflag:s12] =	ssyncadd.s32 $0xFFFFC180  }
0x4e: {  	[spmem:s3] =	stream.indirect.scatter.add.f32 [tilespmem:s0], [sflag:$0x3], $0x10, s22, s1, $0xb8;
	[tilespmem:$0x1A5E0] =	vst v63  }
0x4f: {  	_ =	swait.ge [sflag:s21], $0x3E80  }
0x50: {  	[sflag:s21] =	ssyncset.done $0x0  }
0x51: {  	s13 =	simm.s32 $0x7D0;
	[sflag:s21] =	ssyncadd.s32 $0xFFFFC180  }
0x52: {  	[tilespmem:s0], [sflag:$0x1] =	stream.indirect.gather [hbm4b:s10+s1], $0x10, s13, s1, $0xb8;
	[tilespmem:$0x1A5E0] =	vst v63  }
0x53: {  	_ =	swait.ge [sflag:s7], $0x3E80  }
0x54: {  	[sflag:s7] =	ssyncset.done $0x0  }
0x55: {  	s13 =	simm.s32 $0x5208;
	[sflag:s7] =	ssyncadd.s32 $0xFFFFC180  }
0x56: {  	[spmem:s3] =	stream.indirect.scatter.add.f32 [tilespmem:s6], [sflag:$0x3], $0x10, s13, s1, $0xb8;
	[tilespmem:$0x1A5E0] =	vst v63  }
0x57: {  	_ =	swait.ge [sflag:s21], $0x3E80  }
0x58: {  	[sflag:s21] =	ssyncset.done $0x0  }
0x59: {  	s13 =	simm.s32 $0xBB8;
	[sflag:s21] =	ssyncadd.s32 $0xFFFFC180  }
0x5a: {  	[tilespmem:s6], [sflag:$0x2] =	stream.indirect.gather [hbm4b:s10+s1], $0x10, s13, s1, $0xb8;
	[tilespmem:$0x1A5E0] =	vst v63  }
0x5b: {  	_ =	swait.ge [sflag:s12], $0x3E80  }
0x5c: {  	[sflag:s12] =	ssyncset.done $0x0  }
0x5d: {  	s13 =	simm.s32 $0x55F0;
	[sflag:s12] =	ssyncadd.s32 $0xFFFFC180  }
0x5e: {  	[spmem:s3] =	stream.indirect.scatter.add.f32 [tilespmem:s0], [sflag:$0x3], $0x10, s13, s1, $0xb8;
	[tilespmem:$0x1A5E0] =	vst v63  }
0x5f: {  	_ =	swait.ge [sflag:s21], $0x3E80  }
0x60: {  	[sflag:s21] =	ssyncset.done $0x0  }
0x61: {  	[sflag:s21] =	ssyncadd.s32 $0xFFFFC180  }
0x62: {  	[tilespmem:s0], [sflag:$0x1] =	stream.indirect.gather [hbm4b:s10+s1], $0x10, s24, s1, $0xb8;
	[tilespmem:$0x1A5E0] =	vst v63  }
0x63: {  	_ =	swait.ge [sflag:s7], $0x3E80  }
0x64: {  	[sflag:s7] =	ssyncset.done $0x0  }
0x65: {  	s13 =	simm.s32 $0x59D8;
	[sflag:s7] =	ssyncadd.s32 $0xFFFFC180  }
0x66: {  	[spmem:s3] =	stream.indirect.scatter.add.f32 [tilespmem:s6], [sflag:$0x3], $0x10, s13, s1, $0xb8;
	[tilespmem:$0x1A5E0] =	vst v63  }
0x67: {  	_ =	swait.ge [sflag:s21], $0x3E80  }
0x68: {  	[sflag:s21] =	ssyncset.done $0x0  }
0x69: {  	s13 =	simm.s32 $0x1388;
	[sflag:s21] =	ssyncadd.s32 $0xFFFFC180  }
0x6a: {  	[tilespmem:s6], [sflag:$0x2] =	stream.indirect.gather [hbm4b:s10+s1], $0x10, s13, s1, $0xb8;
	[tilespmem:$0x1A5E0] =	vst v63  }
0x6b: {  	_ =	swait.ge [sflag:s12], $0x3E80  }
0x6c: {  	[sflag:s12] =	ssyncset.done $0x0  }
0x6d: {  	[sflag:s12] =	ssyncadd.s32 $0xFFFFC180  }
0x6e: {  	[spmem:s3] =	stream.indirect.scatter.add.f32 [tilespmem:s0], [sflag:$0x3], $0x10, s26, s1, $0xb8;
	[tilespmem:$0x1A5E0] =	vst v63  }
0x6f: {  	_ =	swait.ge [sflag:s21], $0x3E80  }
0x70: {  	[sflag:s21] =	ssyncset.done $0x0  }
0x71: {  	s13 =	simm.s32 $0x1770;
	[sflag:s21] =	ssyncadd.s32 $0xFFFFC180  }
0x72: {  	[tilespmem:s0], [sflag:$0x1] =	stream.indirect.gather [hbm4b:s10+s1], $0x10, s13, s1, $0xb8;
	[tilespmem:$0x1A5E0] =	vst v63  }
0x73: {  	_ =	swait.ge [sflag:s7], $0x3E80  }
0x74: {  	[sflag:s7] =	ssyncset.done $0x0  }
0x75: {  	s13 =	simm.s32 $0x61A8;
	[sflag:s7] =	ssyncadd.s32 $0xFFFFC180  }
0x76: {  	[spmem:s3] =	stream.indirect.scatter.add.f32 [tilespmem:s6], [sflag:$0x3], $0x10, s13, s1, $0xb8;
	[tilespmem:$0x1A5E0] =	vst v63  }
0x77: {  	_ =	swait.ge [sflag:s21], $0x3E80  }
0x78: {  	[sflag:s21] =	ssyncset.done $0x0  }
0x79: {  	s13 =	simm.s32 $0x1B58;
	[sflag:s21] =	ssyncadd.s32 $0xFFFFC180  }
0x7a: {  	[tilespmem:s6], [sflag:$0x2] =	stream.indirect.gather [hbm4b:s10+s1], $0x10, s13, s1, $0xb8;
	[tilespmem:$0x1A5E0] =	vst v63  }
0x7b: {  	_ =	swait.ge [sflag:s12], $0x3E80  }
0x7c: {  	[sflag:s12] =	ssyncset.done $0x0  }
0x7d: {  	s13 =	simm.s32 $0x6590;
	[sflag:s12] =	ssyncadd.s32 $0xFFFFC180  }
0x7e: {  	[spmem:s3] =	stream.indirect.scatter.add.f32 [tilespmem:s0], [sflag:$0x3], $0x10, s13, s1, $0xb8;
	[tilespmem:$0x1A5E0] =	vst v63  }
0x7f: {  	_ =	swait.ge [sflag:s21], $0x3E80  }
0x80: {  	[sflag:s21] =	ssyncset.done $0x0  }
0x81: {  	s13 =	simm.s32 $0x1F40;
	[sflag:s21] =	ssyncadd.s32 $0xFFFFC180  }
0x82: {  	[tilespmem:s0], [sflag:$0x1] =	stream.indirect.gather [hbm4b:s10+s1], $0x10, s13, s1, $0xb8;
	[tilespmem:$0x1A5E0] =	vst v63  }
0x83: {  	_ =	swait.ge [sflag:s7], $0x3E80  }
0x84: {  	[sflag:s7] =	ssyncset.done $0x0  }
0x85: {  	s13 =	simm.s32 $0x6978;
	[sflag:s7] =	ssyncadd.s32 $0xFFFFC180  }
0x86: {  	[spmem:s3] =	stream.indirect.scatter.add.f32 [tilespmem:s6], [sflag:$0x3], $0x10, s13, s1, $0xb8;
	[tilespmem:$0x1A5E0] =	vst v63  }
0x87: {  	_ =	swait.ge [sflag:s21], $0x3E80  }
0x88: {  	[sflag:s21] =	ssyncset.done $0x0  }
0x89: {  	s13 =	simm.s32 $0x2328;
	[sflag:s21] =	ssyncadd.s32 $0xFFFFC180  }
0x8a: {  	[tilespmem:s6], [sflag:$0x2] =	stream.indirect.gather [hbm4b:s10+s1], $0x10, s13, s1, $0xb8;
	[tilespmem:$0x1A5E0] =	vst v63  }
0x8b: {  	_ =	swait.ge [sflag:s12], $0x3E80  }
0x8c: {  	[sflag:s12] =	ssyncset.done $0x0  }
0x8d: {  	[sflag:s12] =	ssyncadd.s32 $0xFFFFC180  }
0x8e: {  	[spmem:s3] =	stream.indirect.scatter.add.f32 [tilespmem:s0], [sflag:$0x3], $0x10, s28, s1, $0xb8;
	[tilespmem:$0x1A5E0] =	vst v63  }
0x8f: {  	_ =	swait.ge [sflag:s21], $0x3E80  }
0x90: {  	[sflag:s21] =	ssyncset.done $0x0  }
0x91: {  	s13 =	simm.s32 $0x2710;
	[sflag:s21] =	ssyncadd.s32 $0xFFFFC180  }
0x92: {  	[tilespmem:s0], [sflag:$0x1] =	stream.indirect.gather [hbm4b:s10+s1], $0x10, s13, s1, $0xb8;
	[tilespmem:$0x1A5E0] =	vst v63  }
0x93: {  	_ =	swait.ge [sflag:s7], $0x3E80  }
0x94: {  	[sflag:s7] =	ssyncset.done $0x0  }
0x95: {  	s13 =	simm.s32 $0x7148;
	[sflag:s7] =	ssyncadd.s32 $0xFFFFC180  }
0x96: {  	[spmem:s3] =	stream.indirect.scatter.add.f32 [tilespmem:s6], [sflag:$0x3], $0x10, s13, s1, $0xb8;
	[tilespmem:$0x1A5E0] =	vst v63  }
0x97: {  	_ =	swait.ge [sflag:s21], $0x3E80  }
0x98: {  	[sflag:s21] =	ssyncset.done $0x0  }
0x99: {  	s13 =	simm.s32 $0x2AF8;
	[sflag:s21] =	ssyncadd.s32 $0xFFFFC180  }
0x9a: {  	[tilespmem:s6], [sflag:$0x2] =	stream.indirect.gather [hbm4b:s10+s1], $0x10, s13, s1, $0xb8;
	[tilespmem:$0x1A5E0] =	vst v63  }
0x9b: {  	_ =	swait.ge [sflag:s12], $0x3E80  }
0x9c: {  	[sflag:s12] =	ssyncset.done $0x0  }
0x9d: {  	s13 =	simm.s32 $0x7530;
	[sflag:s12] =	ssyncadd.s32 $0xFFFFC180  }
0x9e: {  	[spmem:s3] =	stream.indirect.scatter.add.f32 [tilespmem:s0], [sflag:$0x3], $0x10, s13, s1, $0xb8;
	[tilespmem:$0x1A5E0] =	vst v63  }
0x9f: {  	_ =	swait.ge [sflag:s21], $0x3E80  }
0xa0: {  	[sflag:s21] =	ssyncset.done $0x0  }
0xa1: {  	s13 =	simm.s32 $0x2EE0;
	[sflag:s21] =	ssyncadd.s32 $0xFFFFC180  }
0xa2: {  	[tilespmem:s0], [sflag:$0x1] =	stream.indirect.gather [hbm4b:s10+s1], $0x10, s13, s1, $0xb8;
	[tilespmem:$0x1A5E0] =	vst v63  }
0xa3: {  	_ =	swait.ge [sflag:s7], $0x3E80  }
0xa4: {  	[sflag:s7] =	ssyncset.done $0x0  }
0xa5: {  	s13 =	simm.s32 $0x7918;
	[sflag:s7] =	ssyncadd.s32 $0xFFFFC180  }
0xa6: {  	[spmem:s3] =	stream.indirect.scatter.add.f32 [tilespmem:s6], [sflag:$0x3], $0x10, s13, s1, $0xb8;
	[tilespmem:$0x1A5E0] =	vst v63  }
0xa7: {  	_ =	swait.ge [sflag:s21], $0x3E80  }
0xa8: {  	[sflag:s21] =	ssyncset.done $0x0  }
0xa9: {  	s13 =	simm.s32 $0x32C8;
	[sflag:s21] =	ssyncadd.s32 $0xFFFFC180  }
0xaa: {  	[tilespmem:s6], [sflag:$0x2] =	stream.indirect.gather [hbm4b:s10+s1], $0x10, s13, s1, $0xb8;
	[tilespmem:$0x1A5E0] =	vst v63  }
0xab: {  	_ =	swait.ge [sflag:s12], $0x3E80  }
0xac: {  	[sflag:s12] =	ssyncset.done $0x0  }
0xad: {  	[sflag:s12] =	ssyncadd.s32 $0xFFFFC180  }
0xae: {  	[spmem:s3] =	stream.indirect.scatter.add.f32 [tilespmem:s0], [sflag:$0x3], $0x10, s29, s1, $0xb8;
	[tilespmem:$0x1A5E0] =	vst v63  }
0xaf: {  	_ =	swait.ge [sflag:s21], $0x3E80  }
0xb0: {  	[sflag:s21] =	ssyncset.done $0x0  }
0xb1: {  	s13 =	simm.s32 $0x36B0;
	[sflag:s21] =	ssyncadd.s32 $0xFFFFC180  }
0xb2: {  	[tilespmem:s0], [sflag:$0x1] =	stream.indirect.gather [hbm4b:s10+s1], $0x10, s13, s1, $0xb8;
	[tilespmem:$0x1A5E0] =	vst v63  }
0xb3: {  	_ =	swait.ge [sflag:s7], $0x3E80  }
0xb4: {  	[sflag:s7] =	ssyncset.done $0x0  }
0xb5: {  	s13 =	simm.s32 $0x80E8;
	[sflag:s7] =	ssyncadd.s32 $0xFFFFC180  }
0xb6: {  	[spmem:s3] =	stream.indirect.scatter.add.f32 [tilespmem:s6], [sflag:$0x3], $0x10, s13, s1, $0xb8;
	[tilespmem:$0x1A5E0] =	vst v63  }
0xb7: {  	_ =	swait.ge [sflag:s21], $0x3E80  }
0xb8: {  	[sflag:s21] =	ssyncset.done $0x0  }
0xb9: {  	s13 =	simm.s32 $0x3A98;
	[sflag:s21] =	ssyncadd.s32 $0xFFFFC180  }
0xba: {  	[tilespmem:s6], [sflag:$0x2] =	stream.indirect.gather [hbm4b:s10+s1], $0x10, s13, s1, $0xb8;
	[tilespmem:$0x1A5E0] =	vst v63  }
0xbb: {  	_ =	swait.ge [sflag:s12], $0x3E80  }
0xbc: {  	[sflag:s12] =	ssyncset.done $0x0  }
0xbd: {  	s13 =	simm.s32 $0x84D0;
	[sflag:s12] =	ssyncadd.s32 $0xFFFFC180  }
0xbe: {  	[spmem:s3] =	stream.indirect.scatter.add.f32 [tilespmem:s0], [sflag:$0x3], $0x10, s13, s1, $0xb8;
	[tilespmem:$0x1A5E0] =	vst v63  }
0xbf: {  	_ =	swait.ge [sflag:s21], $0x3E80  }
0xc0: {  	[sflag:s21] =	ssyncset.done $0x0  }
0xc1: {  	s13 =	simm.s32 $0x3E80;
	[sflag:s21] =	ssyncadd.s32 $0xFFFFC180  }
0xc2: {  	[tilespmem:s0], [sflag:$0x1] =	stream.indirect.gather [hbm4b:s10+s1], $0x10, s13, s1, $0xb8;
	[tilespmem:$0x1A5E0] =	vst v63  }
0xc3: {  	_ =	swait.ge [sflag:s7], $0x3E80  }
0xc4: {  	[sflag:s7] =	ssyncset.done $0x0  }
0xc5: {  	s13 =	simm.s32 $0x88B8;
	[sflag:s7] =	ssyncadd.s32 $0xFFFFC180  }
0xc6: {  	[spmem:s3] =	stream.indirect.scatter.add.f32 [tilespmem:s6], [sflag:$0x3], $0x10, s13, s1, $0xb8;
	[tilespmem:$0x1A5E0] =	vst v63  }
0xc7: {  	_ =	swait.ge [sflag:s21], $0x3E80  }
0xc8: {  	[sflag:s21] =	ssyncset.done $0x0  }
0xc9: {  	s13 =	simm.s32 $0x4268;
	[sflag:s21] =	ssyncadd.s32 $0xFFFFC180  }
0xca: {  	[tilespmem:s6], [sflag:$0x2] =	stream.indirect.gather [hbm4b:s10+s1], $0x10, s13, s1, $0xb8;
	[tilespmem:$0x1A5E0] =	vst v63  }
0xcb: {  	_ =	swait.ge [sflag:s12], $0x3E80  }
0xcc: {  	[sflag:s12] =	ssyncset.done $0x0  }
0xcd: {  	[sflag:s12] =	ssyncadd.s32 $0xFFFFC180  }
0xce: {  	[spmem:s3] =	stream.indirect.scatter.add.f32 [tilespmem:s0], [sflag:$0x3], $0x10, s30, s1, $0xb8;
	[tilespmem:$0x1A5E0] =	vst v63  }
0xcf: {  	_ =	swait.ge [sflag:s21], $0x3E80  }
0xd0: {  	[sflag:s21] =	ssyncset.done $0x0  }
0xd1: {  	s13 =	simm.s32 $0x4650;
	[sflag:s21] =	ssyncadd.s32 $0xFFFFC180  }
0xd2: {  	[tilespmem:s0], [sflag:$0x1] =	stream.indirect.gather [hbm4b:s10+s1], $0x10, s13, s1, $0xb8;
	[tilespmem:$0x1A5E0] =	vst v63  }
0xd3: {  	_ =	swait.ge [sflag:s7], $0x3E80  }
0xd4: {  	[sflag:s7] =	ssyncset.done $0x0  }
0xd5: {  	s13 =	simm.s32 $0x9088;
	[sflag:s7] =	ssyncadd.s32 $0xFFFFC180  }
0xd6: {  	[spmem:s3] =	stream.indirect.scatter.add.f32 [tilespmem:s6], [sflag:$0x3], $0x10, s13, s1, $0xb8;
	[tilespmem:$0x1A5E0] =	vst v63  }
0xd7: {  	_ =	swait.ge [sflag:s21], $0x3E80  }
0xd8: {  	[sflag:s21] =	ssyncset.done $0x0  }
0xd9: {  	s13 =	simm.s32 $0x4A38;
	[sflag:s21] =	ssyncadd.s32 $0xFFFFC180  }
0xda: {  	[tilespmem:s6], [sflag:$0x2] =	stream.indirect.gather [hbm4b:s10+s1], $0x10, s13, s1, $0xb8;
	[tilespmem:$0x1A5E0] =	vst v63  }
0xdb: {  	_ =	swait.ge [sflag:s12], $0x3E80  }
0xdc: {  	[sflag:s12] =	ssyncset.done $0x0  }
0xdd: {  	s13 =	simm.s32 $0x9470;
	[sflag:s12] =	ssyncadd.s32 $0xFFFFC180  }
0xde: {  	[spmem:s3] =	stream.indirect.scatter.add.f32 [tilespmem:s0], [sflag:$0x3], $0x10, s13, s1, $0xb8;
	[tilespmem:$0x1A5E0] =	vst v63  }
0xdf: {  	_ =	swait.ge [sflag:s21], $0x3E80  }
0xe0: {  	[sflag:s21] =	ssyncset.done $0x0  }
0xe1: {  	[sflag:s21] =	ssyncadd.s32 $0xFFFFC180  }
0xe2: {  	_ =	swait.ge [sflag:s7], $0x3E80  }
0xe3: {  	[sflag:s7] =	ssyncset.done $0x0  }
0xe4: {  	[sflag:s7] =	ssyncadd.s32 $0xFFFFC180  }
0xe5: {  	[spmem:s3] =	stream.indirect.scatter.add.f32 [tilespmem:s6], [sflag:$0x3], $0x10, s9, s1, $0xb8;
	[tilespmem:$0x1A5E0] =	vst v63  }
0xe6: {  	_ =	swait.ge [sflag:s21], $0x3E80  }
0xe7: {  	[sflag:s21] =	ssyncset.done $0x0  }
0xe8: {  	[sflag:s21] =	ssyncadd.s32 $0xFFFFC180  }
0xe9: {  	[bflag:$0x0] =	sbarrier.arrive $0xFFFF  }
0xea: {  	[tilespmem:s31], [sflag:$0x3] =	stream.linear.gather [spmem:s16], $0x2800, $0x38;
	[tilespmem:$0x1A5E0] =	vst v63  }
0xeb: {  	s18 =	sadd.s32 $0x1, s18;
	_ =	swait.ge [sflag:s21], $0x2800  }
0xec: {  	p1 =	sne.s32 s18, s20;
	[sflag:s21] =	ssyncset.done $0x0  }
.Ltmp1:
0xed: {  	s15 =	sadd.s32 s15, s5;
	[sflag:s21] =	ssyncadd.s32 $0xFFFFD800;
	(pc) =	sbr.rel @!p1 .LBB2_17-.Ltmp1, $4  }
0xee: {  	[hbm4b:s15+s4] =	stream.linear.scatter [tilespmem:s31], [sflag:$0x3], $0x2800, $0x38;
	[tilespmem:$0x1A5E0] =	vst v63  }
0xef: {  	_ =	swait.ge [sflag:s21], $0x2800  }
0xf0: {  	[sflag:s21] =	ssyncset.done $0x0  }
0xf1: {  	[sflag:s21] =	ssyncadd.s32 $0xFFFFD800  }
.LBB2_1:
.Ltmp2:
0xf2: {  	(pc) =	sbr.rel @!p0 .LBB2_2-.Ltmp2, $2  }
0xf3: {  	_ =	sdelay $0x2  }
0xf4: {  	s8 =	simm.s32 $0x0  }
0xf5: {  	s10 =	rddreg [dreg:$0xb]  }
0xf6: {  	[tilespmem:s8], [sflag:$0x3] =	stream.linear.gather [hbm4b:s10+s8], $0x4E20, $0x38;
	[tilespmem:$0x1A5E0] =	vst v63  }
0xf7: {  	_ =	swait.ge [sflag:s21], $0x4E20  }
0xf8: {  	[sflag:s21] =	ssyncset.done $0x0  }
0xf9: {  	s15 =	rddreg [dreg:$0xc];
	[sflag:s21] =	ssyncadd.s32 $0xFFFFB1E0  }
0xfa: {  	[tilespmem:s22], [sflag:$0x3] =	stream.linear.gather [hbm4b:s15+s8], $0x4E20, $0x38;
	[tilespmem:$0x1A5E0] =	vst v63  }
0xfb: {  	_ =	swait.ge [sflag:s21], $0x4E20  }
0xfc: {  	[sflag:s21] =	ssyncset.done $0x0  }
0xfd: {  	s10 =	simm.s32 $0x0;
	s8 =	simm.s32 $0x40;
	[sflag:s21] =	ssyncadd.s32 $0xFFFFB1E0  }
.LBB2_10:
0xfe: {  	p1 =	sne.s32 s8, $0x3E40;
	[tilespmem:s10+$0x16BC0] =	vst v0;
	s10 =	smov.u32 s8;
	s8 =	sadd.s32 $0x40, s8  }
.Ltmp3:
0xff: {  	(pc) =	sbr.rel @p1 .LBB2_10-.Ltmp3, $2  }
0x100: {  	_ =	sdelay $0x2  }
0x101: {  	s10 =	sshra.s32 s10, $0x2  }
0x102: {  	[tilespmem:s10+$0x16BC0] =	vst v0  }
0x103: {  	[tilespmem:$0x16940] =	vst v0  }
0x104: {  	[tilespmem:$0x16950] =	vst v0  }
0x105: {  	[tilespmem:$0x16960] =	vst v0  }
0x106: {  	[tilespmem:$0x16970] =	vst v0  }
0x107: {  	[tilespmem:$0x16980] =	vst v0  }
0x108: {  	[tilespmem:$0x16990] =	vst v0  }
0x109: {  	[tilespmem:$0x169A0] =	vst v0  }
0x10a: {  	[tilespmem:$0x169B0] =	vst v0  }
0x10b: {  	[tilespmem:$0x169C0] =	vst v0  }
0x10c: {  	[tilespmem:$0x169D0] =	vst v0  }
0x10d: {  	[tilespmem:$0x169E0] =	vst v0  }
0x10e: {  	[tilespmem:$0x169F0] =	vst v0  }
0x10f: {  	[tilespmem:$0x16A00] =	vst v0  }
0x110: {  	[tilespmem:$0x16A10] =	vst v0  }
0x111: {  	[tilespmem:$0x16A20] =	vst v0  }
0x112: {  	[tilespmem:$0x16A30] =	vst v0  }
0x113: {  	[tilespmem:$0x16A40] =	vst v0  }
0x114: {  	[tilespmem:$0x16A50] =	vst v0  }
0x115: {  	[tilespmem:$0x16A60] =	vst v0  }
0x116: {  	[tilespmem:$0x16A70] =	vst v0  }
0x117: {  	[tilespmem:$0x16A80] =	vst v0  }
0x118: {  	[tilespmem:$0x16A90] =	vst v0  }
0x119: {  	[tilespmem:$0x16AA0] =	vst v0  }
0x11a: {  	[tilespmem:$0x16AB0] =	vst v0  }
0x11b: {  	[tilespmem:$0x16AC0] =	vst v0  }
0x11c: {  	[tilespmem:$0x16AD0] =	vst v0  }
0x11d: {  	[tilespmem:$0x16AE0] =	vst v0  }
0x11e: {  	[tilespmem:$0x16AF0] =	vst v0  }
0x11f: {  	[tilespmem:$0x16B00] =	vst v0  }
0x120: {  	[tilespmem:$0x16B10] =	vst v0  }
0x121: {  	[tilespmem:$0x16B20] =	vst v0  }
0x122: {  	[tilespmem:$0x16B30] =	vst v0  }
0x123: {  	[tilespmem:$0x16B40] =	vst v0  }
0x124: {  	[tilespmem:$0x16B50] =	vst v0  }
0x125: {  	[tilespmem:$0x16B60] =	vst v0  }
0x126: {  	[tilespmem:$0x16B70] =	vst v0  }
0x127: {  	[tilespmem:$0x16B80] =	vst v0  }
0x128: {  	[tilespmem:$0x16B90] =	vst v0  }
0x129: {  	[tilespmem:$0x16BA0] =	vst v0  }
0x12a: {  	[tilespmem:$0x16BB0] =	vst v0  }
0x12b: {  	[spmem:s14] =	stream.linear.scatter [tilespmem:s23], [sflag:$0x3], $0x280, $0x38;
	[tilespmem:$0x1A5E0] =	vst v63  }
0x12c: {  	_ =	swait.ge [sflag:s21], $0x280  }
0x12d: {  	[sflag:s21] =	ssyncset.done $0x0  }
0x12e: {  	[sflag:s21] =	ssyncadd.s32 $0xFFFFFD80  }
0x12f: {  	[bflag:$0x0] =	sbarrier.arrive $0xFFFF  }
0x130: {  	[spmem:s2] =	stream.indirect.scatter.add.f32 [tilespmem:s25], [sflag:$0x3], $0x1, s22, s24, $0xb8;
	[tilespmem:$0x1A5E0] =	vst v63  }
0x131: {  	_ =	swait.ge [sflag:s21], $0xFA0  }
0x132: {  	[sflag:s21] =	ssyncset.done $0x0  }
0x133: {  	[sflag:s21] =	ssyncadd.s32 $0xFFFFF060  }
0x134: {  	[spmem:s2] =	stream.indirect.scatter.add.f32 [tilespmem:s25], [sflag:$0x3], $0x1, s26, s24, $0xb8;
	[tilespmem:$0x1A5E0] =	vst v63  }
0x135: {  	_ =	swait.ge [sflag:s21], $0xFA0  }
0x136: {  	[sflag:s21] =	ssyncset.done $0x0  }
0x137: {  	[sflag:s21] =	ssyncadd.s32 $0xFFFFF060  }
0x138: {  	[spmem:s2] =	stream.indirect.scatter.add.f32 [tilespmem:s25], [sflag:$0x3], $0x1, s28, s24, $0xb8;
	[tilespmem:$0x1A5E0] =	vst v63  }
0x139: {  	_ =	swait.ge [sflag:s21], $0xFA0  }
0x13a: {  	[sflag:s21] =	ssyncset.done $0x0  }
0x13b: {  	[sflag:s21] =	ssyncadd.s32 $0xFFFFF060  }
0x13c: {  	[spmem:s2] =	stream.indirect.scatter.add.f32 [tilespmem:s25], [sflag:$0x3], $0x1, s29, s24, $0xb8;
	[tilespmem:$0x1A5E0] =	vst v63  }
0x13d: {  	_ =	swait.ge [sflag:s21], $0xFA0  }
0x13e: {  	[sflag:s21] =	ssyncset.done $0x0  }
0x13f: {  	[sflag:s21] =	ssyncadd.s32 $0xFFFFF060  }
0x140: {  	[spmem:s2] =	stream.indirect.scatter.add.f32 [tilespmem:s25], [sflag:$0x3], $0x1, s30, s24, $0xb8;
	[tilespmem:$0x1A5E0] =	vst v63  }
0x141: {  	_ =	swait.ge [sflag:s21], $0xFA0  }
0x142: {  	[sflag:s21] =	ssyncset.done $0x0  }
0x143: {  	[sflag:s21] =	ssyncadd.s32 $0xFFFFF060  }
0x144: {  	[bflag:$0x0] =	sbarrier.arrive $0xFFFF  }
0x145: {  	[tilespmem:s23], [sflag:$0x3] =	stream.linear.gather [spmem:s14], $0x280, $0x38;
	[tilespmem:$0x1A5E0] =	vst v63  }
0x146: {  	_ =	swait.ge [sflag:s21], $0x280  }
0x147: {  	[sflag:s21] =	ssyncset.done $0x0  }
0x148: {  	s8 =	simm.s32 $0x0;
	s10 =	simm.s32 $0x40;
	[sflag:s21] =	ssyncadd.s32 $0xFFFFFD80  }
.LBB2_12:
0x149: {  	p1 =	sne.s32 s10, $0x9C0;
	v1 =	vld [tilespmem:s8+$0x16940];
	_ =	sdelay $0x4  }
0x14a: {  	v2 =	vshra.s32 v1, $0x1;
	v1 =	vmul.f32 $5.000000000e-01, v1  }
0x14b: {  	v2 =	vsub.s32 $0x5F3759DF, v2  }
0x14c: {  	v3 =	vmul.f32 v2, v1;
	_ =	sdelay $0x1  }
0x14d: {  	v3 =	vmul.f32 v2, v3;
	_ =	sdelay $0x1  }
0x14e: {  	v3 =	vsub.f32 $1.500000000e+00, v3;
	_ =	sdelay $0x1  }
0x14f: {  	v2 =	vmul.f32 v2, v3;
	_ =	sdelay $0x1  }
0x150: {  	v3 =	vmul.f32 v2, v1;
	_ =	sdelay $0x1  }
0x151: {  	v3 =	vmul.f32 v3, v2;
	_ =	sdelay $0x1  }
0x152: {  	v3 =	vsub.f32 $1.500000000e+00, v3;
	_ =	sdelay $0x1  }
0x153: {  	v2 =	vmul.f32 v3, v2;
	_ =	sdelay $0x1  }
0x154: {  	v1 =	vmul.f32 v2, v1;
	_ =	sdelay $0x1  }
0x155: {  	v1 =	vmul.f32 v1, v2;
	_ =	sdelay $0x1  }
.Ltmp4:
0x156: {  	v1 =	vsub.f32 $1.500000000e+00, v1;
	(pc) =	sbr.rel @p1 .LBB2_12-.Ltmp4, $3  }
0x157: {  	_ = 	snop  }
0x158: {  	v1 =	vmul.f32 v1, v2;
	_ =	sdelay $0x1  }
0x159: {  	[tilespmem:s8+$0x16940] =	vst v1;
	s8 =	sshra.s32 s10, $0x2;
	s10 =	sadd.s32 $0x40, s10  }
0x15a: {  	v1 =	vld [tilespmem:s8+$0x16940];
	_ =	sdelay $0x4  }
0x15b: {  	v2 =	vshra.s32 v1, $0x1;
	v1 =	vmul.f32 $5.000000000e-01, v1  }
0x15c: {  	v2 =	vsub.s32 $0x5F3759DF, v2  }
0x15d: {  	v3 =	vmul.f32 v2, v1;
	_ =	sdelay $0x1  }
0x15e: {  	v3 =	vmul.f32 v2, v3;
	_ =	sdelay $0x1  }
0x15f: {  	v3 =	vsub.f32 $1.500000000e+00, v3;
	_ =	sdelay $0x1  }
0x160: {  	v2 =	vmul.f32 v2, v3;
	_ =	sdelay $0x1  }
0x161: {  	v3 =	vmul.f32 v2, v1;
	_ =	sdelay $0x1  }
0x162: {  	v3 =	vmul.f32 v3, v2;
	_ =	sdelay $0x1  }
0x163: {  	v3 =	vsub.f32 $1.500000000e+00, v3;
	_ =	sdelay $0x1  }
0x164: {  	v2 =	vmul.f32 v3, v2;
	_ =	sdelay $0x1  }
0x165: {  	v1 =	vmul.f32 v2, v1;
	_ =	sdelay $0x1  }
0x166: {  	v1 =	vmul.f32 v1, v2;
	_ =	sdelay $0x1  }
0x167: {  	v1 =	vsub.f32 $1.500000000e+00, v1;
	_ =	sdelay $0x1  }
0x168: {  	v1 =	vmul.f32 v1, v2;
	_ =	sdelay $0x1  }
0x169: {  	s15 =	simm.s32 $0x0;
	s10 =	rddreg [dreg:$0xd];
	[tilespmem:s8+$0x16940] =	vst v1  }
0x16a: {  	[tilespmem:s31], [sflag:$0x3] =	stream.linear.gather [hbm4b:s10+s15], $0x2800, $0x38;
	[tilespmem:$0x1A5E0] =	vst v63  }
0x16b: {  	_ =	swait.ge [sflag:s21], $0x2800  }
0x16c: {  	[sflag:s21] =	ssyncset.done $0x0  }
0x16d: {  	s15 =	simm.s32 $0x0;
	[sflag:s21] =	ssyncadd.s32 $0xFFFFD800  }
0x16e: {  	s10 =	simm.s32 $0x16940;
	v2 =	vld [tilespmem:s15+$0x11970]  }
0x16f: {  	s8 =	simm.s32 $0x400;
	v1 =	vld [tilespmem:s10+$0x0]  }
.LBB2_14:
0x170: {  	p1 =	sne.s32 s8, $0x9C00;
	v3 =	vld [tilespmem:s15+$0x11950]  }
0x171: {  	v4 =	vld [tilespmem:s15+$0x11940]  }
0x172: {  	v5 =	vld [tilespmem:s15+$0x11960]  }
0x173: {  	v6 =	vld [tilespmem:s15+$0x119B0]  }
0x174: {  	v7 =	vbroadcast v1, $0x0;
	v8 =	vbroadcast v1, $0x1;
	v9 =	vld [tilespmem:s15+$0x11990]  }
0x175: {  	v10 =	vbroadcast v1, $0x2;
	v11 =	vbroadcast v1, $0x3;
	v12 =	vld [tilespmem:s15+$0x11980]  }
0x176: {  	v3 =	vmul.f32 v3, v8;
	[tilespmem:s15+$0x14140] =	vst v7;
	v4 =	vmul.f32 v4, v7;
	v7 =	vld [tilespmem:s15+$0x119A0]  }
0x177: {  	v2 =	vmul.f32 v2, v11;
	[tilespmem:s15+$0x14150] =	vst v8;
	v5 =	vmul.f32 v5, v10;
	v8 =	vld [tilespmem:s15+$0x119F0]  }
0x178: {  	v13 =	vbroadcast v1, $0x5;
	[tilespmem:s15+$0x11940] =	vst v4;
	v4 =	vbroadcast v1, $0x4;
	v14 =	vld [tilespmem:s15+$0x119D0]  }
0x179: {  	v15 =	vbroadcast v1, $0x7;
	[tilespmem:s15+$0x11950] =	vst v3;
	v3 =	vbroadcast v1, $0x6;
	v16 =	vld [tilespmem:s15+$0x119C0]  }
0x17a: {  	v9 =	vmul.f32 v9, v13;
	[tilespmem:s15+$0x11960] =	vst v5;
	v5 =	vmul.f32 v12, v4;
	v12 =	vld [tilespmem:s15+$0x119E0]  }
0x17b: {  	v6 =	vmul.f32 v6, v15;
	[tilespmem:s15+$0x11970] =	vst v2;
	v2 =	vmul.f32 v7, v3;
	v7 =	vld [tilespmem:s15+$0x11A30]  }
0x17c: {  	v17 =	vbroadcast v1, $0x9;
	[tilespmem:s15+$0x11980] =	vst v5;
	v5 =	vbroadcast v1, $0x8;
	v18 =	vld [tilespmem:s15+$0x11A10]  }
0x17d: {  	v19 =	vbroadcast v1, $0xB;
	[tilespmem:s15+$0x11990] =	vst v9;
	v9 =	vbroadcast v1, $0xA;
	v20 =	vld [tilespmem:s15+$0x11A00]  }
0x17e: {  	v14 =	vmul.f32 v14, v17;
	[tilespmem:s15+$0x119A0] =	vst v2;
	v2 =	vmul.f32 v16, v5;
	v16 =	vld [tilespmem:s15+$0x11A20]  }
0x17f: {  	v8 =	vmul.f32 v8, v19;
	[tilespmem:s15+$0x119B0] =	vst v6;
	v6 =	vmul.f32 v12, v9  }
0x180: {  	v12 =	vbroadcast v1, $0xD;
	[tilespmem:s15+$0x119C0] =	vst v2;
	v2 =	vbroadcast v1, $0xC  }
0x181: {  	[tilespmem:s15+$0x119D0] =	vst v14;
	v14 =	vbroadcast v1, $0xE;
	v1 =	vbroadcast v1, $0xF  }
0x182: {  	v18 =	vmul.f32 v18, v12;
	[tilespmem:s15+$0x119E0] =	vst v6;
	v6 =	vmul.f32 v20, v2  }
0x183: {  	[tilespmem:s15+$0x119F0] =	vst v8;
	v8 =	vmul.f32 v16, v14;
	v7 =	vmul.f32 v7, v1  }
0x184: {  	[tilespmem:s15+$0x11A00] =	vst v6  }
0x185: {  	[tilespmem:s15+$0x11A10] =	vst v18  }
0x186: {  	[tilespmem:s15+$0x11A20] =	vst v8  }
0x187: {  	[tilespmem:s15+$0x11A30] =	vst v7  }
0x188: {  	[tilespmem:s15+$0x14160] =	vst v10  }
0x189: {  	[tilespmem:s15+$0x14170] =	vst v11  }
0x18a: {  	[tilespmem:s15+$0x14180] =	vst v4  }
0x18b: {  	[tilespmem:s15+$0x14190] =	vst v13  }
0x18c: {  	[tilespmem:s15+$0x141A0] =	vst v3  }
0x18d: {  	[tilespmem:s15+$0x141B0] =	vst v15  }
0x18e: {  	[tilespmem:s15+$0x141C0] =	vst v5  }
0x18f: {  	[tilespmem:s15+$0x141D0] =	vst v17  }
0x190: {  	[tilespmem:s15+$0x141E0] =	vst v9  }
0x191: {  	[tilespmem:s15+$0x141F0] =	vst v19  }
.Ltmp5:
0x192: {  	[tilespmem:s15+$0x14200] =	vst v2;
	(pc) =	sbr.rel @p1 .LBB2_14-.Ltmp5, $4  }
0x193: {  	[tilespmem:s15+$0x14210] =	vst v12  }
0x194: {  	s13 =	sshra.s32 s8, $0x2;
	[tilespmem:s15+$0x14220] =	vst v14  }
0x195: {  	s10 =	sadd.s32 $0x10, s10;
	v2 =	vld [tilespmem:s13+$0x11970];
	[tilespmem:s15+$0x14230] =	vst v1;
	s15 =	smov.u32 s13  }
0x196: {  	s8 =	sadd.s32 $0x400, s8;
	v1 =	vld [tilespmem:s10+$0x0]  }
.Ltmp6:
0x197: {  	_ = 	snop;
	(pc) =	sbr.rel .LBB2_15-.Ltmp6, $1  }
0x198: {  	_ =	sdelay $0x3  }
.LBB2_2:
0x199: {  	s10 =	rddreg [dreg:$0x8]  }
0x19a: {  	[tilespmem:s8], [sflag:$0x3] =	stream.linear.gather [hbm4b:s10+s8], $0x4E20, $0x38;
	[tilespmem:$0x1A5E0] =	vst v63  }
0x19b: {  	_ =	swait.ge [sflag:s21], $0x4E20  }
0x19c: {  	[sflag:s21] =	ssyncset.done $0x0  }
0x19d: {  	s15 =	rddreg [dreg:$0x9];
	[sflag:s21] =	ssyncadd.s32 $0xFFFFB1E0  }
0x19e: {  	[tilespmem:s22], [sflag:$0x3] =	stream.linear.gather [hbm4b:s15+s8], $0x4E20, $0x38;
	[tilespmem:$0x1A5E0] =	vst v63  }
0x19f: {  	_ =	swait.ge [sflag:s21], $0x4E20  }
0x1a0: {  	[sflag:s21] =	ssyncset.done $0x0  }
0x1a1: {  	s10 =	simm.s32 $0x0;
	s8 =	simm.s32 $0x40;
	[sflag:s21] =	ssyncadd.s32 $0xFFFFB1E0  }
.LBB2_3:
0x1a2: {  	p1 =	sne.s32 s8, $0x3E40;
	[tilespmem:s10+$0x16BC0] =	vst v0;
	s10 =	smov.u32 s8;
	s8 =	sadd.s32 $0x40, s8  }
.Ltmp7:
0x1a3: {  	(pc) =	sbr.rel @p1 .LBB2_3-.Ltmp7, $2  }
0x1a4: {  	_ =	sdelay $0x2  }
0x1a5: {  	s10 =	sshra.s32 s10, $0x2  }
0x1a6: {  	[tilespmem:s10+$0x16BC0] =	vst v0  }
0x1a7: {  	[tilespmem:$0x16940] =	vst v0  }
0x1a8: {  	[tilespmem:$0x16950] =	vst v0  }
0x1a9: {  	[tilespmem:$0x16960] =	vst v0  }
0x1aa: {  	[tilespmem:$0x16970] =	vst v0  }
0x1ab: {  	[tilespmem:$0x16980] =	vst v0  }
0x1ac: {  	[tilespmem:$0x16990] =	vst v0  }
0x1ad: {  	[tilespmem:$0x169A0] =	vst v0  }
0x1ae: {  	[tilespmem:$0x169B0] =	vst v0  }
0x1af: {  	[tilespmem:$0x169C0] =	vst v0  }
0x1b0: {  	[tilespmem:$0x169D0] =	vst v0  }
0x1b1: {  	[tilespmem:$0x169E0] =	vst v0  }
0x1b2: {  	[tilespmem:$0x169F0] =	vst v0  }
0x1b3: {  	[tilespmem:$0x16A00] =	vst v0  }
0x1b4: {  	[tilespmem:$0x16A10] =	vst v0  }
0x1b5: {  	[tilespmem:$0x16A20] =	vst v0  }
0x1b6: {  	[tilespmem:$0x16A30] =	vst v0  }
0x1b7: {  	[tilespmem:$0x16A40] =	vst v0  }
0x1b8: {  	[tilespmem:$0x16A50] =	vst v0  }
0x1b9: {  	[tilespmem:$0x16A60] =	vst v0  }
0x1ba: {  	[tilespmem:$0x16A70] =	vst v0  }
0x1bb: {  	[tilespmem:$0x16A80] =	vst v0  }
0x1bc: {  	[tilespmem:$0x16A90] =	vst v0  }
0x1bd: {  	[tilespmem:$0x16AA0] =	vst v0  }
0x1be: {  	[tilespmem:$0x16AB0] =	vst v0  }
0x1bf: {  	[tilespmem:$0x16AC0] =	vst v0  }
0x1c0: {  	[tilespmem:$0x16AD0] =	vst v0  }
0x1c1: {  	[tilespmem:$0x16AE0] =	vst v0  }
0x1c2: {  	[tilespmem:$0x16AF0] =	vst v0  }
0x1c3: {  	[tilespmem:$0x16B00] =	vst v0  }
0x1c4: {  	[tilespmem:$0x16B10] =	vst v0  }
0x1c5: {  	[tilespmem:$0x16B20] =	vst v0  }
0x1c6: {  	[tilespmem:$0x16B30] =	vst v0  }
0x1c7: {  	[tilespmem:$0x16B40] =	vst v0  }
0x1c8: {  	[tilespmem:$0x16B50] =	vst v0  }
0x1c9: {  	[tilespmem:$0x16B60] =	vst v0  }
0x1ca: {  	[tilespmem:$0x16B70] =	vst v0  }
0x1cb: {  	[tilespmem:$0x16B80] =	vst v0  }
0x1cc: {  	[tilespmem:$0x16B90] =	vst v0  }
0x1cd: {  	[tilespmem:$0x16BA0] =	vst v0  }
0x1ce: {  	[tilespmem:$0x16BB0] =	vst v0  }
0x1cf: {  	[spmem:s14] =	stream.linear.scatter [tilespmem:s23], [sflag:$0x3], $0x280, $0x38;
	[tilespmem:$0x1A5E0] =	vst v63  }
0x1d0: {  	_ =	swait.ge [sflag:s21], $0x280  }
0x1d1: {  	[sflag:s21] =	ssyncset.done $0x0  }
0x1d2: {  	[sflag:s21] =	ssyncadd.s32 $0xFFFFFD80  }
0x1d3: {  	[bflag:$0x0] =	sbarrier.arrive $0xFFFF  }
0x1d4: {  	[spmem:s2] =	stream.indirect.scatter.add.f32 [tilespmem:s25], [sflag:$0x3], $0x1, s22, s24, $0xb8;
	[tilespmem:$0x1A5E0] =	vst v63  }
0x1d5: {  	_ =	swait.ge [sflag:s21], $0xFA0  }
0x1d6: {  	[sflag:s21] =	ssyncset.done $0x0  }
0x1d7: {  	[sflag:s21] =	ssyncadd.s32 $0xFFFFF060  }
0x1d8: {  	[spmem:s2] =	stream.indirect.scatter.add.f32 [tilespmem:s25], [sflag:$0x3], $0x1, s26, s24, $0xb8;
	[tilespmem:$0x1A5E0] =	vst v63  }
0x1d9: {  	_ =	swait.ge [sflag:s21], $0xFA0  }
0x1da: {  	[sflag:s21] =	ssyncset.done $0x0  }
0x1db: {  	[sflag:s21] =	ssyncadd.s32 $0xFFFFF060  }
0x1dc: {  	[spmem:s2] =	stream.indirect.scatter.add.f32 [tilespmem:s25], [sflag:$0x3], $0x1, s28, s24, $0xb8;
	[tilespmem:$0x1A5E0] =	vst v63  }
0x1dd: {  	_ =	swait.ge [sflag:s21], $0xFA0  }
0x1de: {  	[sflag:s21] =	ssyncset.done $0x0  }
0x1df: {  	[sflag:s21] =	ssyncadd.s32 $0xFFFFF060  }
0x1e0: {  	[spmem:s2] =	stream.indirect.scatter.add.f32 [tilespmem:s25], [sflag:$0x3], $0x1, s29, s24, $0xb8;
	[tilespmem:$0x1A5E0] =	vst v63  }
0x1e1: {  	_ =	swait.ge [sflag:s21], $0xFA0  }
0x1e2: {  	[sflag:s21] =	ssyncset.done $0x0  }
0x1e3: {  	[sflag:s21] =	ssyncadd.s32 $0xFFFFF060  }
0x1e4: {  	[spmem:s2] =	stream.indirect.scatter.add.f32 [tilespmem:s25], [sflag:$0x3], $0x1, s30, s24, $0xb8;
	[tilespmem:$0x1A5E0] =	vst v63  }
0x1e5: {  	_ =	swait.ge [sflag:s21], $0xFA0  }
0x1e6: {  	[sflag:s21] =	ssyncset.done $0x0  }
0x1e7: {  	[sflag:s21] =	ssyncadd.s32 $0xFFFFF060  }
0x1e8: {  	[bflag:$0x0] =	sbarrier.arrive $0xFFFF  }
0x1e9: {  	[tilespmem:s23], [sflag:$0x3] =	stream.linear.gather [spmem:s14], $0x280, $0x38;
	[tilespmem:$0x1A5E0] =	vst v63  }
0x1ea: {  	_ =	swait.ge [sflag:s21], $0x280  }
0x1eb: {  	[sflag:s21] =	ssyncset.done $0x0  }
0x1ec: {  	s8 =	simm.s32 $0x0;
	s10 =	simm.s32 $0x40;
	[sflag:s21] =	ssyncadd.s32 $0xFFFFFD80  }
.LBB2_5:
0x1ed: {  	p1 =	sne.s32 s10, $0x9C0;
	v1 =	vld [tilespmem:s8+$0x16940];
	_ =	sdelay $0x4  }
0x1ee: {  	v2 =	vshra.s32 v1, $0x1;
	v1 =	vmul.f32 $5.000000000e-01, v1  }
0x1ef: {  	v2 =	vsub.s32 $0x5F3759DF, v2  }
0x1f0: {  	v3 =	vmul.f32 v2, v1;
	_ =	sdelay $0x1  }
0x1f1: {  	v3 =	vmul.f32 v2, v3;
	_ =	sdelay $0x1  }
0x1f2: {  	v3 =	vsub.f32 $1.500000000e+00, v3;
	_ =	sdelay $0x1  }
0x1f3: {  	v2 =	vmul.f32 v2, v3;
	_ =	sdelay $0x1  }
0x1f4: {  	v3 =	vmul.f32 v2, v1;
	_ =	sdelay $0x1  }
0x1f5: {  	v3 =	vmul.f32 v3, v2;
	_ =	sdelay $0x1  }
0x1f6: {  	v3 =	vsub.f32 $1.500000000e+00, v3;
	_ =	sdelay $0x1  }
0x1f7: {  	v2 =	vmul.f32 v3, v2;
	_ =	sdelay $0x1  }
0x1f8: {  	v1 =	vmul.f32 v2, v1;
	_ =	sdelay $0x1  }
0x1f9: {  	v1 =	vmul.f32 v1, v2;
	_ =	sdelay $0x1  }
.Ltmp8:
0x1fa: {  	v1 =	vsub.f32 $1.500000000e+00, v1;
	(pc) =	sbr.rel @p1 .LBB2_5-.Ltmp8, $3  }
0x1fb: {  	_ = 	snop  }
0x1fc: {  	v1 =	vmul.f32 v1, v2;
	_ =	sdelay $0x1  }
0x1fd: {  	[tilespmem:s8+$0x16940] =	vst v1;
	s8 =	sshra.s32 s10, $0x2;
	s10 =	sadd.s32 $0x40, s10  }
0x1fe: {  	v1 =	vld [tilespmem:s8+$0x16940];
	_ =	sdelay $0x4  }
0x1ff: {  	v2 =	vshra.s32 v1, $0x1;
	v1 =	vmul.f32 $5.000000000e-01, v1  }
0x200: {  	v2 =	vsub.s32 $0x5F3759DF, v2  }
0x201: {  	v3 =	vmul.f32 v2, v1;
	_ =	sdelay $0x1  }
0x202: {  	v3 =	vmul.f32 v2, v3;
	_ =	sdelay $0x1  }
0x203: {  	v3 =	vsub.f32 $1.500000000e+00, v3;
	_ =	sdelay $0x1  }
0x204: {  	v2 =	vmul.f32 v2, v3;
	_ =	sdelay $0x1  }
0x205: {  	v3 =	vmul.f32 v2, v1;
	_ =	sdelay $0x1  }
0x206: {  	v3 =	vmul.f32 v3, v2;
	_ =	sdelay $0x1  }
0x207: {  	v3 =	vsub.f32 $1.500000000e+00, v3;
	_ =	sdelay $0x1  }
0x208: {  	v2 =	vmul.f32 v3, v2;
	_ =	sdelay $0x1  }
0x209: {  	v1 =	vmul.f32 v2, v1;
	_ =	sdelay $0x1  }
0x20a: {  	v1 =	vmul.f32 v1, v2;
	_ =	sdelay $0x1  }
0x20b: {  	v1 =	vsub.f32 $1.500000000e+00, v1;
	_ =	sdelay $0x1  }
0x20c: {  	v1 =	vmul.f32 v1, v2;
	_ =	sdelay $0x1  }
0x20d: {  	s15 =	simm.s32 $0x0;
	s10 =	rddreg [dreg:$0xa];
	[tilespmem:s8+$0x16940] =	vst v1  }
0x20e: {  	[tilespmem:s31], [sflag:$0x3] =	stream.linear.gather [hbm4b:s10+s15], $0x2800, $0x38;
	[tilespmem:$0x1A5E0] =	vst v63  }
0x20f: {  	_ =	swait.ge [sflag:s21], $0x2800  }
0x210: {  	[sflag:s21] =	ssyncset.done $0x0  }
0x211: {  	s15 =	simm.s32 $0x0;
	[sflag:s21] =	ssyncadd.s32 $0xFFFFD800  }
0x212: {  	s10 =	simm.s32 $0x16940;
	v2 =	vld [tilespmem:s15+$0x11970]  }
0x213: {  	s8 =	simm.s32 $0x400;
	v1 =	vld [tilespmem:s10+$0x0]  }
.LBB2_7:
0x214: {  	p1 =	seq.s32 s8, $0x9C00;
	v3 =	vld [tilespmem:s15+$0x11950]  }
0x215: {  	v4 =	vld [tilespmem:s15+$0x11940]  }
0x216: {  	v5 =	vld [tilespmem:s15+$0x11960]  }
0x217: {  	v6 =	vld [tilespmem:s15+$0x119B0]  }
0x218: {  	v7 =	vbroadcast v1, $0x0;
	v8 =	vbroadcast v1, $0x1;
	v9 =	vld [tilespmem:s15+$0x11990]  }
0x219: {  	v10 =	vbroadcast v1, $0x2;
	v11 =	vbroadcast v1, $0x3;
	v12 =	vld [tilespmem:s15+$0x11980]  }
0x21a: {  	[tilespmem:s15+$0x14140] =	vst v7;
	v4 =	vmul.f32 v4, v7;
	v3 =	vmul.f32 v3, v8;
	v7 =	vld [tilespmem:s15+$0x119A0]  }
0x21b: {  	v2 =	vmul.f32 v2, v11;
	[tilespmem:s15+$0x14150] =	vst v8;
	v5 =	vmul.f32 v5, v10;
	v8 =	vld [tilespmem:s15+$0x119F0]  }
0x21c: {  	v13 =	vbroadcast v1, $0x5;
	[tilespmem:s15+$0x11940] =	vst v4;
	v4 =	vbroadcast v1, $0x4;
	v14 =	vld [tilespmem:s15+$0x119D0]  }
0x21d: {  	v15 =	vbroadcast v1, $0x7;
	[tilespmem:s15+$0x11950] =	vst v3;
	v3 =	vbroadcast v1, $0x6;
	v16 =	vld [tilespmem:s15+$0x119C0]  }
0x21e: {  	v9 =	vmul.f32 v9, v13;
	[tilespmem:s15+$0x11960] =	vst v5;
	v5 =	vmul.f32 v12, v4;
	v12 =	vld [tilespmem:s15+$0x119E0]  }
0x21f: {  	v6 =	vmul.f32 v6, v15;
	[tilespmem:s15+$0x11970] =	vst v2;
	v2 =	vmul.f32 v7, v3;
	v7 =	vld [tilespmem:s15+$0x11A30]  }
0x220: {  	v17 =	vbroadcast v1, $0x9;
	[tilespmem:s15+$0x11980] =	vst v5;
	v5 =	vbroadcast v1, $0x8;
	v18 =	vld [tilespmem:s15+$0x11A10]  }
0x221: {  	v19 =	vbroadcast v1, $0xB;
	[tilespmem:s15+$0x11990] =	vst v9;
	v9 =	vbroadcast v1, $0xA;
	v20 =	vld [tilespmem:s15+$0x11A00]  }
0x222: {  	v14 =	vmul.f32 v14, v17;
	[tilespmem:s15+$0x119A0] =	vst v2;
	v2 =	vmul.f32 v16, v5;
	v16 =	vld [tilespmem:s15+$0x11A20]  }
0x223: {  	v8 =	vmul.f32 v8, v19;
	[tilespmem:s15+$0x119B0] =	vst v6;
	v6 =	vmul.f32 v12, v9  }
0x224: {  	v12 =	vbroadcast v1, $0xD;
	[tilespmem:s15+$0x119C0] =	vst v2;
	v2 =	vbroadcast v1, $0xC  }
0x225: {  	[tilespmem:s15+$0x119D0] =	vst v14;
	v14 =	vbroadcast v1, $0xE;
	v1 =	vbroadcast v1, $0xF  }
0x226: {  	v18 =	vmul.f32 v18, v12;
	[tilespmem:s15+$0x119E0] =	vst v6;
	v6 =	vmul.f32 v20, v2  }
0x227: {  	[tilespmem:s15+$0x119F0] =	vst v8;
	v8 =	vmul.f32 v16, v14;
	v7 =	vmul.f32 v7, v1  }
0x228: {  	[tilespmem:s15+$0x11A00] =	vst v6  }
0x229: {  	[tilespmem:s15+$0x11A10] =	vst v18  }
0x22a: {  	[tilespmem:s15+$0x11A20] =	vst v8  }
0x22b: {  	[tilespmem:s15+$0x11A30] =	vst v7  }
0x22c: {  	[tilespmem:s15+$0x14160] =	vst v10  }
0x22d: {  	[tilespmem:s15+$0x14170] =	vst v11  }
0x22e: {  	[tilespmem:s15+$0x14180] =	vst v4  }
0x22f: {  	[tilespmem:s15+$0x14190] =	vst v13  }
0x230: {  	[tilespmem:s15+$0x141A0] =	vst v3  }
0x231: {  	[tilespmem:s15+$0x141B0] =	vst v15  }
0x232: {  	[tilespmem:s15+$0x141C0] =	vst v5  }
0x233: {  	[tilespmem:s15+$0x141D0] =	vst v17  }
0x234: {  	[tilespmem:s15+$0x141E0] =	vst v9  }
0x235: {  	[tilespmem:s15+$0x141F0] =	vst v19  }
.Ltmp9:
0x236: {  	[tilespmem:s15+$0x14200] =	vst v2;
	(pc) =	sbr.rel @!p1 .LBB2_7-.Ltmp9, $4  }
0x237: {  	[tilespmem:s15+$0x14210] =	vst v12  }
0x238: {  	s13 =	sshra.s32 s8, $0x2;
	[tilespmem:s15+$0x14220] =	vst v14  }
0x239: {  	s10 =	sadd.s32 $0x10, s10;
	v2 =	vld [tilespmem:s13+$0x11970];
	[tilespmem:s15+$0x14230] =	vst v1;
	s15 =	smov.u32 s13  }
0x23a: {  	s8 =	sadd.s32 $0x400, s8;
	v1 =	vld [tilespmem:s10+$0x0]  }
0x23b: {  	_ =	sdelay $0x3  }
0x23c: {  	v7 =	vbroadcast v1, $0x0  }
0x23d: {  	v10 =	vbroadcast v1, $0x1  }
0x23e: {  	v12 =	vbroadcast v1, $0x2;
	[tilespmem:s15+$0x14140] =	vst v7  }
0x23f: {  	v54 =	vbroadcast v1, $0x3;
	[tilespmem:s15+$0x14150] =	vst v10  }
0x240: {  	v13 =	vbroadcast v1, $0x4;
	[tilespmem:s15+$0x14160] =	vst v12  }
0x241: {  	v14 =	vbroadcast v1, $0x5;
	[tilespmem:s15+$0x14170] =	vst v54  }
0x242: {  	v15 =	vbroadcast v1, $0x6;
	[tilespmem:s15+$0x14180] =	vst v13  }
0x243: {  	v16 =	vbroadcast v1, $0x7;
	[tilespmem:s15+$0x14190] =	vst v14  }
0x244: {  	v57 =	vbroadcast v1, $0x8;
	[tilespmem:s15+$0x141A0] =	vst v15  }
0x245: {  	v4 =	vld [tilespmem:s15+$0x11940];
	v18 =	vbroadcast v1, $0x9;
	[tilespmem:s15+$0x141B0] =	vst v16  }
0x246: {  	v3 =	vld [tilespmem:s15+$0x11950];
	v58 =	vbroadcast v1, $0xA;
	[tilespmem:s15+$0x141C0] =	vst v57  }
0x247: {  	v5 =	vld [tilespmem:s15+$0x11960];
	v20 =	vbroadcast v1, $0xB;
	[tilespmem:s15+$0x141D0] =	vst v18  }
0x248: {  	v60 =	vbroadcast v1, $0xD;
	[tilespmem:s15+$0x141E0] =	vst v58  }
0x249: {  	v9 =	vld [tilespmem:s15+$0x11980];
	v61 =	vbroadcast v1, $0xE;
	[tilespmem:s15+$0x141F0] =	vst v20  }
0x24a: {  	v8 =	vld [tilespmem:s15+$0x11990];
	v4 =	vmul.f32 v4, v7;
	[tilespmem:s15+$0x14210] =	vst v60  }
0x24b: {  	v11 =	vld [tilespmem:s15+$0x119A0];
	v3 =	vmul.f32 v3, v10;
	[tilespmem:s15+$0x14220] =	vst v61  }
0x24c: {  	v6 =	vld [tilespmem:s15+$0x119B0];
	v5 =	vmul.f32 v5, v12;
	[tilespmem:s15+$0x11940] =	vst v4  }
0x24d: {  	v52 =	vld [tilespmem:s15+$0x119F0];
	v2 =	vmul.f32 v2, v54;
	[tilespmem:s15+$0x11950] =	vst v3  }
0x24e: {  	v19 =	vld [tilespmem:s15+$0x11A20];
	v9 =	vmul.f32 v9, v13;
	[tilespmem:s15+$0x11960] =	vst v5  }
0x24f: {  	v53 =	vld [tilespmem:s15+$0x119D0];
	v8 =	vmul.f32 v8, v14;
	[tilespmem:s15+$0x11970] =	vst v2  }
0x250: {  	v55 =	vld [tilespmem:s15+$0x119E0];
	v11 =	vmul.f32 v11, v15;
	[tilespmem:s15+$0x11980] =	vst v9  }
0x251: {  	v6 =	vmul.f32 v6, v16;
	v3 =	vld [tilespmem:s15+$0x119C0];
	[tilespmem:s15+$0x11990] =	vst v8  }
0x252: {  	v56 =	vld [tilespmem:s15+$0x11A10];
	v59 =	vmul.f32 v52, v20;
	[tilespmem:s15+$0x119A0] =	vst v11  }
0x253: {  	v63 =	vmul.f32 v19, v61;
	[tilespmem:s15+$0x119B0] =	vst v6  }
0x254: {  	v4 =	vmul.f32 v53, v18;
	[tilespmem:s15+$0x119F0] =	vst v59  }
0x255: {  	v17 =	vld [tilespmem:s15+$0x11A00];
	v5 =	vmul.f32 v55, v58;
	[tilespmem:s15+$0x11A20] =	vst v63  }
0x256: {  	v2 =	vld [tilespmem:s15+$0x11A30];
	[tilespmem:s15+$0x119D0] =	vst v4;
	v3 =	vmul.f32 v3, v57  }
0x257: {  	v9 =	vmul.f32 v56, v60;
	[tilespmem:s15+$0x119E0] =	vst v5  }
0x258: {  	[tilespmem:s15+$0x119C0] =	vst v3;
	v3 =	vbroadcast v1, $0xC  }
.Ltmp10:
0x259: {  	[tilespmem:s15+$0x11A10] =	vst v9;
	v1 =	vbroadcast v1, $0xF;
	(pc) =	sbr.rel .LBB2_16-.Ltmp10, $4  }
0x25a: {  	v62 =	vmul.f32 v17, v3;
	[tilespmem:s15+$0x14200] =	vst v3  }
0x25b: {  	v2 =	vmul.f32 v2, v1;
	[tilespmem:s15+$0x14230] =	vst v1  }
0x25c: {  	s13 =	rddreg [dreg:$0x6];
	[tilespmem:s15+$0x11A00] =	vst v62  }
0x25d: {  	s8 =	smov.u32 s19;
	s10 =	smov.u32 s19;
	[tilespmem:s15+$0x11A30] =	vst v2;
	s15 =	rddreg [dreg:$0x4]  }
.LBB2_17:
0x25e: {  	_ =	sfence.sel $0x180000  }
0x25f: {  	[bflag:$0x0] =	sbarrier.arrive $0xFFFF  }
0x260: {  	_ =	strace $0x90000047  }
0x261: {  	s0 =	stileid.u32;
	[bflag:$0x2] =	sbarrier.arrive $0xFFFF  }
0x262: {  	p0 =	sne.s32 s0, $0x0;
	s0 =	rddreg [dreg:$0x3]  }
0x263: {  	s0 =	sadd.s32 @!p0 $0x100000, s0  }
0x264: {  	[sflag:s0] =	ssyncadd.tile.s32 @!p0 $0x1;
	_ =	shalt  }
.Lfunc_end2:
_tile_overlayer_lowered:
.L_overlay_start_2:
0x265: {  	(tag) =	ssettag $0x2  }
0x266: {  	s0 =	rddreg [dreg:$0x0];
	s2 =	stileid.u32  }
0x267: {  	s1 =	rddreg [dreg:$0x1];
	p0 =	sne.s32 s2, $0x0  }
0x268: {  	s3 =	rddreg [dreg:$0x2];
	[bflag:$0x3] =	sbarrier.arrive $0xFFFF;
	s2 =	simm.s32 @!p0 $0x1C03  }
0x269: {  	[timem:s3], [sflag:s2] =	dma.local @!p0 [hbm:s0], s1  }
0x26a: {  	s0 =	simm.s32 @!p0 $0x3  }
0x26b: {  	_ =	swait.ge @!p0 [sflag:s0], s1  }
0x26c: {  	s1 =	ssub.s32 @!p0 $0x0, s1;
	[sflag:s0] =	ssyncset.done @!p0 $0x0  }
0x26d: {  	[sflag:s0] =	ssyncadd.s32 @!p0 s1  }
0x26e: {  	[bflag:$0x3] =	sbarrier.arrive $0xFFFF  }
0x26f: {  	_ =	shalt  }

</sc_bundles>
